<compile_context>
chip_gen: v7x
topology: tpu7x:2x2x1
jax: 0.10.2.dev20260603
libtpu: 0.0.44.dev20260713+nightly
codegen_flags: <defaults>
</compile_context>

<pallas_src>
import jax
import jax.numpy as jnp
from jax import lax
from jax.experimental import pallas as pl
from jax.experimental.pallas import tpu as pltpu
from jax.experimental.pallas import tpu_sc as plsc

_B = 128
_F0 = 10000
_H = 4
_E0 = 80000
_N1 = 2000
_IN1 = _N1 * _H
_E1 = 32000
_N2 = 512
_C = 128

_NC = 2
_NS = 16
_NW = _NC * _NS
_BPW = _B // _NW
_L = 16

_CHUNK = 800
_CCHUNK = 1000


def _sc_body(data_hbm, src0_hbm, dst0_hbm, src1_hbm, dst1_hbm,
             p0t_hbm, p1t_hbm, min0_hbm, max0_hbm, min1_hbm, max1_hbm,
             out_hbm, cnt0, acc1, cnt1, srcb0, srcb1, dstb0, dstb1,
             sem0, sem1, sem2, sem3, rta, rtb, tsc, shared):
    sbufs = (srcb0, srcb1)
    dbufs = (dstb0, dstb1)
    sems = (sem0, sem1, sem2, sem3)
    cid = lax.axis_index("c")
    sid = lax.axis_index("s")
    wid = sid * _NC + cid

    iota = lax.iota(jnp.int32, _L)
    hconst = lax.shift_right_logical(iota, 2)
    bconst = lax.bitwise_and(iota, 3)
    hconst4 = hconst + 4
    iota17 = iota * 17
    zeros = jnp.zeros((_L,), jnp.float32)
    ones = jnp.ones((_L,), jnp.float32)
    lane0 = iota == 0

    def zero_f32(ref, n):
        def body(i, _):
            ref[pl.ds(i * _L, _L)] = zeros
            return 0
        lax.fori_loop(0, n // _L, body, 0)

    zero_f32(cnt0, 2048)
    zero_f32(acc1, _N2 * _L)
    zero_f32(cnt1, _N2)

    def edge_pass(src_hbm, dst_hbm, n_edges, in_dim, table, params, acc):
        nchunk = n_edges // _CHUNK

        def start(c, k):
            pltpu.async_copy(src_hbm.at[pl.ds(c * _CHUNK, _CHUNK)],
                             sbufs[k], sems[2 * k])
            pltpu.async_copy(dst_hbm.at[pl.ds(c * _CHUNK, _CHUNK)],
                             dbufs[k], sems[2 * k + 1])

        def wait(k):
            pltpu.make_async_copy(src_hbm.at[pl.ds(0, _CHUNK)], sbufs[k],
                                  sems[2 * k]).wait()
            pltpu.make_async_copy(dst_hbm.at[pl.ds(0, _CHUNK)], dbufs[k],
                                  sems[2 * k + 1]).wait()

        start(0, 0)

        def chunk_body(c, _):
            k = lax.rem(c, 2)

            @pl.when(jnp.logical_and(c + 1 < nchunk, k == 0))
            def _():
                start(c + 1, 1)

            @pl.when(jnp.logical_and(c + 1 < nchunk, k == 1))
            def _():
                start(c + 1, 0)

            def work(sb, db):
                def group_body(g, _):
                    sv = sb[pl.ds(g * _L, _L)]
                    dv16 = db[pl.ds(g * _L, _L)] * _L
                    avs = [plsc.load_gather(table, [sv + b * in_dim])
                           for b in range(4)]
                    pvs = [plsc.load_gather(params, [sv + h * in_dim])
                           for h in range(4)]
                    for h in range(4):
                        for b in range(4):
                            plsc.store_scatter(
                                tsc, [iota17 + (h * 4 + b)],
                                avs[b] * pvs[h])
                    for half in range(2):
                        rows = [plsc.load_gather(tsc,
                                                 [iota + 17 * (half * 8 + j)])
                                for j in range(8)]
                        for j in range(8):
                            l = half * 8 + j
                            addr = jnp.full((_L,), dv16[l], jnp.int32) + iota
                            plsc.addupdate_scatter(acc, [addr], rows[j])
                    return 0
                lax.fori_loop(0, _CHUNK // _L, group_body, 0)

            @pl.when(k == 0)
            def _():
                wait(0)
                work(sbufs[0], dbufs[0])

            @pl.when(k == 1)
            def _():
                wait(1)
                work(sbufs[1], dbufs[1])
            return 0

        lax.fori_loop(0, nchunk, chunk_body, 0)

    def count_pass(dst_hbm, n_edges, cnt, n_pad):
        per = n_edges // _NS
        blk = n_pad // _NS

        def chunk_body(c, _):
            pltpu.sync_copy(
                dst_hbm.at[pl.ds(sid * per + c * _CCHUNK, _CCHUNK)],
                dstb0.at[pl.ds(0, _CCHUNK)])

            def group_body(g, _):
                dv = dstb0[pl.ds(g * _L, _L)]
                plsc.addupdate_scatter(cnt, [dv], ones)
                return 0

            lax.fori_loop(0, _CCHUNK // _L, group_body, 0)
            return 0

        lax.fori_loop(0, per // _CCHUNK, chunk_body, 0)

        pltpu.sync_copy(cnt, shared.at[pl.ds(sid * 2048, n_pad)])
        plsc.subcore_barrier()
        base = pl.multiple_of(sid * blk, 8)
        zero_f32(rta, _L * (blk // _L))
        for t in range(_NS):
            pltpu.sync_copy(shared.at[pl.ds(t * 2048 + base, blk)],
                            rtb.at[pl.ds(0, blk)])
            def add_body(j, _):
                rta[pl.ds(j * _L, _L)] = (rta[pl.ds(j * _L, _L)]
                                          + rtb[pl.ds(j * _L, _L)])
                return 0
            lax.fori_loop(0, blk // _L, add_body, 0)
        pltpu.sync_copy(rta.at[pl.ds(0, blk)],
                        shared.at[pl.ds(_NS * 2048 + base, blk)])
        plsc.subcore_barrier()
        pltpu.sync_copy(shared.at[pl.ds(_NS * 2048, n_pad)],
                        cnt.at[pl.ds(0, n_pad)])
        plsc.subcore_barrier()

    def postprocess(acc, cnt, n_out, mnv, mxv):
        def rc_body(j, _):
            c = cnt[pl.ds(j * _L, _L)]
            cnt[pl.ds(j * _L, _L)] = 1.0 / jnp.maximum(c, 1.0)
            return 0
        lax.fori_loop(0, n_out // _L, rc_body, 0)

        def sc_body(i, _):
            fb = jnp.full((_L,), i * _L, jnp.int32) + iota
            rc = plsc.load_gather(cnt, [lax.shift_right_logical(fb, 2)])
            mn = mnv[pl.ds(i * _L, _L)]
            mx = mxv[pl.ds(i * _L, _L)]
            inv = 1.0 / (mx - mn + 1e-8)
            mxv[pl.ds(i * _L, _L)] = rc * inv
            mnv[pl.ds(i * _L, _L)] = mn * inv
            return 0
        lax.fori_loop(0, n_out * _H // _L, sc_body, 0)

        def row_body(n2, _):
            row0 = acc[pl.ds(n2 * 32, _L)]
            row1 = acc[pl.ds(n2 * 32 + _L, _L)]
            slx = mxv.at[pl.ds(n2 * 8, _L)]
            sln = mnv.at[pl.ds(n2 * 8, _L)]
            s0 = plsc.load_gather(slx, [hconst])
            s1 = plsc.load_gather(slx, [hconst4])
            o0 = plsc.load_gather(sln, [hconst])
            o1 = plsc.load_gather(sln, [hconst4])
            acc[pl.ds(n2 * 32, _L)] = jnp.maximum(row0 * s0 - o0, 0.0)
            acc[pl.ds(n2 * 32 + _L, _L)] = jnp.maximum(row1 * s1 - o1, 0.0)
            return 0
        lax.fori_loop(0, n_out // 2, row_body, 0)

    def main(acc0):
        zero_f32(acc0, _N1 * _L)

        def layer0(dataT, p0v):
            cpa = pltpu.async_copy(
                data_hbm.at[pl.ds(wid * (_BPW * _F0), _BPW * _F0)], dataT,
                sem0)
            cpb = pltpu.async_copy(p0t_hbm, p0v, sem1)
            count_pass(dst0_hbm, _E0, cnt0, 2048)
            cpa.wait()
            cpb.wait()
            edge_pass(src0_hbm, dst0_hbm, _E0, _F0, dataT, p0v, acc0)

        pl.run_scoped(layer0,
                      pltpu.VMEM((_BPW * _F0,), jnp.float32),
                      pltpu.VMEM((_H * _F0,), jnp.float32))

        def post0(min0v, max0v):
            pltpu.sync_copy(min0_hbm, min0v.at[pl.ds(0, _IN1)])
            pltpu.sync_copy(max0_hbm, max0v.at[pl.ds(0, _IN1)])
            postprocess(acc0, cnt0, _N1, min0v, max0v)

        pl.run_scoped(post0,
                      pltpu.VMEM((_IN1 + _L,), jnp.float32),
                      pltpu.VMEM((_IN1 + _L,), jnp.float32))

        def layer1(t1b, p1v):
            cpa = pltpu.async_copy(p1t_hbm, p1v, sem0)

            def t1_build(j, _):
                w = jnp.full((_L,), j * _L, jnp.int32) + iota
                v = acc0[pl.ds(j * _L, _L)]
                aw = lax.bitwise_and(w, 3) * _IN1 + lax.shift_right_logical(w, 2)
                plsc.store_scatter(t1b, [aw], v)
                return 0
            lax.fori_loop(0, _IN1 * 4 // _L, t1_build, 0)

            count_pass(dst1_hbm, _E1, cnt1, _N2)
            cpa.wait()
            edge_pass(src1_hbm, dst1_hbm, _E1, _IN1, t1b, p1v, acc1)

        pl.run_scoped(layer1,
                      pltpu.VMEM((_BPW * _IN1,), jnp.float32),
                      pltpu.VMEM((_H * _IN1,), jnp.float32))

    pl.run_scoped(main, pltpu.VMEM((_N1 * _L,), jnp.float32))

    def post1(min1v, max1v):
        pltpu.sync_copy(min1_hbm, min1v.at[pl.ds(0, _N2 * _H)])
        pltpu.sync_copy(max1_hbm, max1v.at[pl.ds(0, _N2 * _H)])
        postprocess(acc1, cnt1, _N2, min1v, max1v)

    pl.run_scoped(post1,
                  pltpu.VMEM((_N2 * _H + _L,), jnp.float32),
                  pltpu.VMEM((_N2 * _H + _L,), jnp.float32))

    def emit(outbuf):
        def body(j, _):
            b = lax.shift_right_logical(j, 7)
            fb = lax.bitwise_and(j, 127) * _L
            idx = (jnp.full((_L,), fb, jnp.int32) + iota) * 4 + b
            outbuf[pl.ds(j * _L, _L)] = plsc.load_gather(acc1, [idx])
            return 0
        lax.fori_loop(0, _BPW * (_N2 * _H // _L), body, 0)
        pltpu.sync_copy(
            outbuf, out_hbm.at[pl.ds(wid * (_BPW * _N2 * _H),
                                     _BPW * _N2 * _H)])

    pl.run_scoped(emit, pltpu.VMEM((_BPW * _N2 * _H,), jnp.float32))


@jax.jit
def _gnn_sc(data_f, src0, dst0, src1, dst1, p0t, p1t, min0, max0, min1,
            max1):
    mesh = plsc.VectorSubcoreMesh(core_axis_name="c", subcore_axis_name="s",
                                  num_cores=_NC, num_subcores=_NS)
    f = pl.kernel(
        _sc_body,
        out_type=jax.ShapeDtypeStruct((_B * _N2 * _H,), jnp.float32),
        mesh=mesh,
        compiler_params=pltpu.CompilerParams(needs_layout_passes=False),
        scratch_types=[
            pltpu.VMEM((2048,), jnp.float32),
            pltpu.VMEM((_N2 * _L,), jnp.float32),
            pltpu.VMEM((_N2,), jnp.float32),
            pltpu.VMEM((_CHUNK,), jnp.int32),
            pltpu.VMEM((_CHUNK,), jnp.int32),
            pltpu.VMEM((_CHUNK,), jnp.int32),
            pltpu.VMEM((_CHUNK,), jnp.int32),
            pltpu.SemaphoreType.DMA,
            pltpu.SemaphoreType.DMA,
            pltpu.SemaphoreType.DMA,
            pltpu.SemaphoreType.DMA,
            pltpu.VMEM((128,), jnp.float32),
            pltpu.VMEM((128,), jnp.float32),
            pltpu.VMEM((_L * 17,), jnp.float32),
            pltpu.VMEM_SHARED(((_NS + 1) * 2048,), jnp.float32),
        ],
    )
    return f(data_f, src0, dst0, src1, dst1, p0t, p1t, min0, max0, min1,
             max1)


def _mm_body(h_ref, w_ref, b_ref, o_ref):
    o_ref[...] = lax.dot_general(
        h_ref[...], w_ref[...], (((1,), (1,)), ((), ())),
        preferred_element_type=jnp.float32) + b_ref[...]


@jax.jit
def _out_proj(h1, w_out, b_out2d):
    return pl.pallas_call(
        _mm_body,
        out_shape=jax.ShapeDtypeStruct((_B, _C), jnp.float32),
    )(h1, w_out, b_out2d)


def kernel(data, edge_index0, edge_index1, params0, params1,
           min0, max0, min1, max1, W_out, b_out):
    src0 = edge_index0[0].astype(jnp.int32)
    dst0 = edge_index0[1].astype(jnp.int32)
    src1 = edge_index1[0].astype(jnp.int32)
    dst1 = edge_index1[1].astype(jnp.int32)
    h1_flat = _gnn_sc(data.reshape(-1), src0, dst0, src1, dst1,
                      params0.T.reshape(-1), params1.T.reshape(-1),
                      min0, max0, min1, max1)
    h1 = h1_flat.reshape(_B, _N2 * _H)
    return _out_proj(h1, W_out, b_out.reshape(1, _C))

# --- scband reference (transcript-rebuilt; emitter-appended) ---
"""Pipeline reference for scband-gnn-37838661878036 (READ-ONLY COPY).

The authoritative reference and input builder live on the scoring server;
editing this copy changes nothing except your own understanding.
"""

import jax, jax.numpy as jnp
import numpy as np

B = 128
F0 = 10000
H = 4
E0 = 80000
N1 = 2000
IN1 = N1 * H  # 8000
E1 = 32000
N2 = 512
C = 128


def setup_inputs(seed: int = 0) -> dict:
    key = jax.random.key(seed)
    ks = jax.random.split(key, 16)
    data = jax.random.normal(ks[0], (B, F0), dtype=jnp.float32)
    # edge_index for layer 0: row 0 indexes input features (<F0), row 1 indexes output terms (<N1)
    ei0_src = jax.random.randint(ks[1], (E0,), 0, F0, dtype=jnp.int64)
    ei0_dst = jax.random.randint(ks[2], (E0,), 0, N1, dtype=jnp.int64)
    edge_index0 = jnp.stack([ei0_src, ei0_dst], axis=0)
    # edge_index for layer 1: row 0 indexes lifted features (<N1*H), row 1 indexes output terms (<N2)
    ei1_src = jax.random.randint(ks[3], (E1,), 0, IN1, dtype=jnp.int64)
    ei1_dst = jax.random.randint(ks[4], (E1,), 0, N2, dtype=jnp.int64)
    edge_index1 = jnp.stack([ei1_src, ei1_dst], axis=0)
    # pre-scatter parameters (xavier_normal on unsqueeze(0) ~ small normal)
    params0 = jax.random.normal(ks[5], (F0, H), dtype=jnp.float32) * 0.02
    params1 = jax.random.normal(ks[6], (IN1, H), dtype=jnp.float32) * 0.02
    # RunningMinMaxScaler buffers (per-feature running min / max)
    min0 = -jax.random.uniform(ks[7], (N1 * H,), dtype=jnp.float32) - 0.1
    max0 = jax.random.uniform(ks[8], (N1 * H,), dtype=jnp.float32) + 1.0
    min1 = -jax.random.uniform(ks[9], (N2 * H,), dtype=jnp.float32) - 0.1
    max1 = jax.random.uniform(ks[10], (N2 * H,), dtype=jnp.float32) + 1.0
    # output linear (xavier_normal weight, zero bias)
    W_out = jax.random.normal(ks[11], (C, N2 * H), dtype=jnp.float32) * np.sqrt(2.0 / (C + N2 * H))
    b_out = jnp.zeros((C,), dtype=jnp.float32)
    return {
        "data": data,
        "edge_index0": edge_index0,
        "edge_index1": edge_index1,
        "params0": params0,
        "params1": params1,
        "min0": min0,
        "max0": max0,
        "min1": min1,
        "max1": max1,
        "W_out": W_out,
        "b_out": b_out,
    }


def _scatter_mean(features, src_idx, dst_idx, num_out):
    # features: [B, in_dim, H]; index_select on dim 1, then scatter-mean on dim 1
    lifted = jnp.take(features, src_idx, axis=1)  # [B, E, H]
    sums = jnp.zeros((features.shape[0], num_out, features.shape[2]), dtype=features.dtype)
    sums = sums.at[:, dst_idx, :].add(lifted)
    counts = jnp.zeros((num_out,), dtype=features.dtype).at[dst_idx].add(1.0)
    return sums / jnp.maximum(counts, 1.0)[None, :, None]


def _layer(x, params, src_idx, dst_idx, num_out, rmin, rmax):
    transformed = x[:, :, None] * params[None, :, :]            # [B, in_dim, H]
    aggreg = _scatter_mean(transformed, src_idx, dst_idx, num_out)  # [B, num_out, H]
    flat = aggreg.reshape(aggreg.shape[0], -1)                  # [B, num_out*H]
    scaled = (flat - rmin[None, :]) / (rmax[None, :] - rmin[None, :] + 1e-8)
    return jax.nn.relu(scaled)  # dropout p=0.0 -> identity


def reference(data, edge_index0, edge_index1, params0, params1, min0, max0, min1, max1, W_out, b_out):
    h = _layer(data, params0, edge_index0[0], edge_index0[1], N1, min0, max0)
    h = _layer(h, params1, edge_index1[0], edge_index1[1], N2, min1, max1)
    out = h @ W_out.T + b_out[None, :]
    return jnp.squeeze(out, axis=-1) if out.shape[-1] == 1 else out

if __name__ == "__main__":
    import jax
    _d = setup_inputs()
    print(jax.jit(kernel)(*tuple(_d.values())))

</pallas_src>

<mosaic_0001>
#map = affine_map<(d0, d1) -> (0)>
module attributes {stable_mosaic.version = 14 : i64} {
  func.func @_sc_body(%arg0: i32, %arg1: i32, %arg2: memref<1280000xf32, #tpu.memory_space<hbm>>, %arg3: memref<80000xi32, #tpu.memory_space<hbm>>, %arg4: memref<80000xi32, #tpu.memory_space<hbm>>, %arg5: memref<32000xi32, #tpu.memory_space<hbm>>, %arg6: memref<32000xi32, #tpu.memory_space<hbm>>, %arg7: memref<40000xf32, #tpu.memory_space<hbm>>, %arg8: memref<32000xf32, #tpu.memory_space<hbm>>, %arg9: memref<8000xf32, #tpu.memory_space<hbm>>, %arg10: memref<8000xf32, #tpu.memory_space<hbm>>, %arg11: memref<2048xf32, #tpu.memory_space<hbm>>, %arg12: memref<2048xf32, #tpu.memory_space<hbm>>, %arg13: memref<262144xf32, #tpu.memory_space<hbm>>, %arg14: memref<2048xf32, #tpu.memory_space<vmem>>, %arg15: memref<8192xf32, #tpu.memory_space<vmem>>, %arg16: memref<512xf32, #tpu.memory_space<vmem>>, %arg17: memref<800xi32, #tpu.memory_space<vmem>>, %arg18: memref<800xi32, #tpu.memory_space<vmem>>, %arg19: memref<800xi32, #tpu.memory_space<vmem>>, %arg20: memref<800xi32, #tpu.memory_space<vmem>>, %arg21: memref<!tpu.dma_semaphore, #tpu.memory_space<semaphore_mem>>, %arg22: memref<!tpu.dma_semaphore, #tpu.memory_space<semaphore_mem>>, %arg23: memref<!tpu.dma_semaphore, #tpu.memory_space<semaphore_mem>>, %arg24: memref<!tpu.dma_semaphore, #tpu.memory_space<semaphore_mem>>, %arg25: memref<128xf32, #tpu.memory_space<vmem>>, %arg26: memref<128xf32, #tpu.memory_space<vmem>>, %arg27: memref<272xf32, #tpu.memory_space<vmem>>, %arg28: memref<34816xf32, #tpu.memory_space<vmem_shared>>) attributes {dimension_semantics = [#tpu.dimension_semantics<core_parallel>, #tpu.dimension_semantics<subcore_parallel>], iteration_bounds = array<i64: 2, 16>, scalar_prefetch = 0 : i64, scratch_operands = 15 : i64, tpu.core_type = #tpu.core_type<sc_vector_subcore>, window_params = [{transform_indices = #map}, {transform_indices = #map}, {transform_indices = #map}, {transform_indices = #map}, {transform_indices = #map}, {transform_indices = #map}, {transform_indices = #map}, {transform_indices = #map}, {transform_indices = #map}, {transform_indices = #map}, {transform_indices = #map}, {transform_indices = #map}]} {
    %mul3A = arith.constant 2 : i32
    %mul3A_0 = arith.muli %arg1, %mul3A : i32
    %add3A = arith.addi %mul3A_0, %arg0 : i32
    %iota3A = tpu.iota {dimensions = array<i32: 0>} : vector<16xi32>
    %shift_right_logical3A = arith.constant 2 : i32
    %shift_right_logical3A_1 = vector.broadcast %shift_right_logical3A : i32 to vector<16xi32>
    %shift_right_logical3A_2 = arith.shrui %iota3A, %shift_right_logical3A_1 : vector<16xi32>
    %and3A = arith.constant 3 : i32
    %and3A_3 = vector.broadcast %and3A : i32 to vector<16xi32>
    %and3A_4 = arith.andi %iota3A, %and3A_3 : vector<16xi32>
    %add3A_5 = arith.constant 4 : i32
    %add3A_6 = vector.broadcast %add3A_5 : i32 to vector<16xi32>
    %add3A_7 = arith.addi %shift_right_logical3A_2, %add3A_6 : vector<16xi32>
    %mul3A_8 = arith.constant 17 : i32
    %mul3A_9 = vector.broadcast %mul3A_8 : i32 to vector<16xi32>
    %mul3A_10 = arith.muli %iota3A, %mul3A_9 : vector<16xi32>
    %broadcast_in_dim3A = arith.constant 0.000000e+00 : f32
    %broadcast_in_dim3A_11 = vector.broadcast %broadcast_in_dim3A : f32 to vector<16xf32>
    %broadcast_in_dim3A_12 = arith.constant 1.000000e+00 : f32
    %broadcast_in_dim3A_13 = vector.broadcast %broadcast_in_dim3A_12 : f32 to vector<16xf32>
    %eq3A = arith.constant 0 : i32
    %eq3A_14 = vector.broadcast %eq3A : i32 to vector<16xi32>
    %eq3A_15 = arith.cmpi eq, %iota3A, %eq3A_14 : vector<16xi32>
    %scan3A = arith.constant 0 : i32
    %scan3A_16 = arith.constant 0 : i32
    %scan3A_17 = arith.constant 128 : i32
    %scan3A_18 = arith.addi %scan3A_16, %scan3A_17 : i32
    %scan3A_19 = arith.constant 1 : i32
    %scan3A_20 = scf.for %scan3A_36 = %scan3A_16 to %scan3A_18 step %scan3A_19 iter_args(%scan3A_37 = %scan3A) -> (i32)  : i32 {
      %mul3A_38 = arith.constant 16 : i32
      %mul3A_39 = arith.muli %scan3A_36, %mul3A_38 : i32
      %swap3A = arith.index_cast %mul3A_39 : i32 to index
      %swap3A_40 = tpu.vector_load %arg14[%swap3A] {strides = array<i32>} : memref<2048xf32, #tpu.memory_space<vmem>>, vector<16xf32>,
      tpu.vector_store %arg14[%swap3A], %broadcast_in_dim3A_11 {strides = array<i32>} : memref<2048xf32, #tpu.memory_space<vmem>>, vector<16xf32>,
      %scan3A_41 = arith.constant 0 : i32
      scf.yield %scan3A_41 : i32
    }
    %scan3A_21 = arith.constant 128 : i32
    %scan3A_22 = arith.constant 0 : i32
    %scan3A_23 = arith.constant 0 : i32
    %scan3A_24 = arith.constant 512 : i32
    %scan3A_25 = arith.addi %scan3A_23, %scan3A_24 : i32
    %scan3A_26 = arith.constant 1 : i32
    %scan3A_27 = scf.for %scan3A_36 = %scan3A_23 to %scan3A_25 step %scan3A_26 iter_args(%scan3A_37 = %scan3A_22) -> (i32)  : i32 {
      %mul3A_38 = arith.constant 16 : i32
      %mul3A_39 = arith.muli %scan3A_36, %mul3A_38 : i32
      %swap3A = arith.index_cast %mul3A_39 : i32 to index
      %swap3A_40 = tpu.vector_load %arg15[%swap3A] {strides = array<i32>} : memref<8192xf32, #tpu.memory_space<vmem>>, vector<16xf32>,
      tpu.vector_store %arg15[%swap3A], %broadcast_in_dim3A_11 {strides = array<i32>} : memref<8192xf32, #tpu.memory_space<vmem>>, vector<16xf32>,
      %scan3A_41 = arith.constant 0 : i32
      scf.yield %scan3A_41 : i32
    }
    %scan3A_28 = arith.constant 512 : i32
    %scan3A_29 = arith.constant 0 : i32
    %scan3A_30 = arith.constant 0 : i32
    %scan3A_31 = arith.constant 32 : i32
    %scan3A_32 = arith.addi %scan3A_30, %scan3A_31 : i32
    %scan3A_33 = arith.constant 1 : i32
    %scan3A_34 = scf.for %scan3A_36 = %scan3A_30 to %scan3A_32 step %scan3A_33 iter_args(%scan3A_37 = %scan3A_29) -> (i32)  : i32 {
      %mul3A_38 = arith.constant 16 : i32
      %mul3A_39 = arith.muli %scan3A_36, %mul3A_38 : i32
      %swap3A = arith.index_cast %mul3A_39 : i32 to index
      %swap3A_40 = tpu.vector_load %arg16[%swap3A] {strides = array<i32>} : memref<512xf32, #tpu.memory_space<vmem>>, vector<16xf32>,
      tpu.vector_store %arg16[%swap3A], %broadcast_in_dim3A_11 {strides = array<i32>} : memref<512xf32, #tpu.memory_space<vmem>>, vector<16xf32>,
      %scan3A_41 = arith.constant 0 : i32
      scf.yield %scan3A_41 : i32
    }
    %scan3A_35 = arith.constant 32 : i32
    "tpu.region"() ({
      %run_scoped3A = memref.alloca() : memref<32000xf32, #tpu.memory_space<vmem>>
      %scan3A_36 = arith.constant 0 : i32
      %scan3A_37 = arith.constant 0 : i32
      %scan3A_38 = arith.constant 2000 : i32
      %scan3A_39 = arith.addi %scan3A_37, %scan3A_38 : i32
      %scan3A_40 = arith.constant 1 : i32
      %scan3A_41 = scf.for %scan3A_43 = %scan3A_37 to %scan3A_39 step %scan3A_40 iter_args(%scan3A_44 = %scan3A_36) -> (i32)  : i32 {
        %mul3A_45 = arith.constant 16 : i32
        %mul3A_46 = arith.muli %scan3A_43, %mul3A_45 : i32
        %swap3A = arith.index_cast %mul3A_46 : i32 to index
        %swap3A_47 = tpu.vector_load %run_scoped3A[%swap3A] {strides = array<i32>} : memref<32000xf32, #tpu.memory_space<vmem>>, vector<16xf32>,
        tpu.vector_store %run_scoped3A[%swap3A], %broadcast_in_dim3A_11 {strides = array<i32>} : memref<32000xf32, #tpu.memory_space<vmem>>, vector<16xf32>,
        %scan3A_48 = arith.constant 0 : i32
        scf.yield %scan3A_48 : i32
      }
      %scan3A_42 = arith.constant 2000 : i32
      "tpu.region"() ({
        %run_scoped3A_43 = memref.alloca() : memref<40000xf32, #tpu.memory_space<vmem>>
        %run_scoped3A_44 = memref.alloca() : memref<40000xf32, #tpu.memory_space<vmem>>
        %mul3A_45 = arith.constant 40000 : i32
        %mul3A_46 = arith.muli %add3A, %mul3A_45 : i32
        %dma_start3A = tpu.memref_slice %arg2[%mul3A_46] : memref<1280000xf32, #tpu.memory_space<hbm>> -> memref<40000xf32, #tpu.memory_space<hbm>>
        %dma_start3A_47 = tpu.memref_slice %arg2[%mul3A_46] : memref<1280000xf32, #tpu.memory_space<hbm>> -> memref<40000xf32, #tpu.memory_space<hbm>>
        tpu.enqueue_dma source(%dma_start3A_47 : memref<40000xf32, #tpu.memory_space<hbm>>) target(%run_scoped3A_43 : memref<40000xf32, #tpu.memory_space<vmem>>) target_semaphore(%arg21 : memref<!tpu.dma_semaphore, #tpu.memory_space<semaphore_mem>>)
        tpu.enqueue_dma source(%arg7 : memref<40000xf32, #tpu.memory_space<hbm>>) target(%run_scoped3A_44 : memref<40000xf32, #tpu.memory_space<vmem>>) target_semaphore(%arg22 : memref<!tpu.dma_semaphore, #tpu.memory_space<semaphore_mem>>)
        %scan3A_48 = arith.constant 0 : i32
        %scan3A_49 = arith.constant 0 : i32
        %scan3A_50 = arith.constant 5 : i32
        %scan3A_51 = arith.addi %scan3A_49, %scan3A_50 : i32
        %scan3A_52 = arith.constant 1 : i32
        %scan3A_53 = scf.for %scan3A_230 = %scan3A_49 to %scan3A_51 step %scan3A_52 iter_args(%scan3A_231 = %scan3A_48) -> (i32)  : i32 {
          %mul3A_232 = arith.constant 5000 : i32
          %mul3A_233 = arith.muli %arg1, %mul3A_232 : i32
          %mul3A_234 = arith.constant 1000 : i32
          %mul3A_235 = arith.muli %scan3A_230, %mul3A_234 : i32
          %add3A_236 = arith.addi %mul3A_233, %mul3A_235 : i32
          "tpu.region"() ({
            %run_scoped3A_245 = tpu.sem_alloc : memref<!tpu.dma_semaphore, #tpu.memory_space<semaphore_mem>>
            %dma_start3A_246 = arith.constant 0 : i32
            %dma_start3A_247 = tpu.memref_slice %arg19[%dma_start3A_246] : memref<800xi32, #tpu.memory_space<vmem>> -> memref<1000xi32, #tpu.memory_space<vmem>>
            %dma_start3A_248 = tpu.memref_slice %arg4[%add3A_236] : memref<80000xi32, #tpu.memory_space<hbm>> -> memref<1000xi32, #tpu.memory_space<hbm>>
            %dma_start3A_249 = arith.constant 0 : i32
            %dma_start3A_250 = tpu.memref_slice %arg19[%dma_start3A_249] : memref<800xi32, #tpu.memory_space<vmem>> -> memref<1000xi32, #tpu.memory_space<vmem>>
            %dma_start3A_251 = tpu.memref_slice %arg4[%add3A_236] : memref<80000xi32, #tpu.memory_space<hbm>> -> memref<1000xi32, #tpu.memory_space<hbm>>
            tpu.enqueue_dma source(%dma_start3A_251 : memref<1000xi32, #tpu.memory_space<hbm>>) target(%dma_start3A_250 : memref<1000xi32, #tpu.memory_space<vmem>>) target_semaphore(%run_scoped3A_245 : memref<!tpu.dma_semaphore, #tpu.memory_space<semaphore_mem>>)
            %dma_wait3A_252 = arith.constant 0 : i32
            %dma_wait3A_253 = tpu.memref_slice %arg19[%dma_wait3A_252] : memref<800xi32, #tpu.memory_space<vmem>> -> memref<1000xi32, #tpu.memory_space<vmem>>
            %dma_wait3A_254 = tpu.memref_slice %arg4[%add3A_236] : memref<80000xi32, #tpu.memory_space<hbm>> -> memref<1000xi32, #tpu.memory_space<hbm>>
            %dma_wait3A_255 = arith.constant 0 : i32
            %dma_wait3A_256 = tpu.memref_slice %arg19[%dma_wait3A_255] : memref<800xi32, #tpu.memory_space<vmem>> -> memref<1000xi32, #tpu.memory_space<vmem>>
            %dma_wait3A_257 = tpu.memref_slice %arg4[%add3A_236] : memref<80000xi32, #tpu.memory_space<hbm>> -> memref<1000xi32, #tpu.memory_space<hbm>>
            tpu.wait_dma2 semaphore(%run_scoped3A_245 : memref<!tpu.dma_semaphore, #tpu.memory_space<semaphore_mem>>) src(%dma_wait3A_257 : memref<1000xi32, #tpu.memory_space<hbm>>) dst(%dma_wait3A_256 : memref<1000xi32, #tpu.memory_space<vmem>>)
            tpu.yield
          }) : () -> ()
          %scan3A_237 = arith.constant 0 : i32
          %scan3A_238 = arith.constant 0 : i32
          %scan3A_239 = arith.constant 62 : i32
          %scan3A_240 = arith.addi %scan3A_238, %scan3A_239 : i32
          %scan3A_241 = arith.constant 1 : i32
          %scan3A_242 = scf.for %scan3A_245 = %scan3A_238 to %scan3A_240 step %scan3A_241 iter_args(%scan3A_246 = %scan3A_237) -> (i32)  : i32 {
            %mul3A_247 = arith.constant 16 : i32
            %mul3A_248 = arith.muli %scan3A_245, %mul3A_247 : i32
            %get3A = arith.index_cast %mul3A_248 : i32 to index
            %get3A_249 = tpu.vector_load %arg19[%get3A] {strides = array<i32>} : memref<800xi32, #tpu.memory_space<vmem>>, vector<16xi32>,
            tpu.vector_store_idx %arg14[%get3A_249], %broadcast_in_dim3A_13 {add = true} : memref<2048xf32, #tpu.memory_space<vmem>>[vector<16xi32>], vector<16xf32>,
            %scan3A_250 = arith.constant 0 : i32
            scf.yield %scan3A_250 : i32
          }
          %scan3A_243 = arith.constant 62 : i32
          %scan3A_244 = arith.constant 0 : i32
          scf.yield %scan3A_244 : i32
        }
        %scan3A_54 = arith.constant 5 : i32
        %mul3A_55 = arith.constant 2048 : i32
        %mul3A_56 = arith.muli %arg1, %mul3A_55 : i32
        "tpu.region"() ({
          %run_scoped3A_230 = tpu.sem_alloc : memref<!tpu.dma_semaphore, #tpu.memory_space<semaphore_mem>>
          %dma_start3A_231 = tpu.memref_slice %arg28[%mul3A_56] : memref<34816xf32, #tpu.memory_space<vmem_shared>> -> memref<2048xf32, #tpu.memory_space<vmem_shared>>
          %dma_start3A_232 = tpu.memref_slice %arg28[%mul3A_56] : memref<34816xf32, #tpu.memory_space<vmem_shared>> -> memref<2048xf32, #tpu.memory_space<vmem_shared>>
          tpu.enqueue_dma source(%arg14 : memref<2048xf32, #tpu.memory_space<vmem>>) target(%dma_start3A_232 : memref<2048xf32, #tpu.memory_space<vmem_shared>>) target_semaphore(%run_scoped3A_230 : memref<!tpu.dma_semaphore, #tpu.memory_space<semaphore_mem>>)
          %dma_wait3A_233 = tpu.memref_slice %arg28[%mul3A_56] : memref<34816xf32, #tpu.memory_space<vmem_shared>> -> memref<2048xf32, #tpu.memory_space<vmem_shared>>
          %dma_wait3A_234 = tpu.memref_slice %arg28[%mul3A_56] : memref<34816xf32, #tpu.memory_space<vmem_shared>> -> memref<2048xf32, #tpu.memory_space<vmem_shared>>
          tpu.wait_dma2 semaphore(%run_scoped3A_230 : memref<!tpu.dma_semaphore, #tpu.memory_space<semaphore_mem>>) src(%arg14 : memref<2048xf32, #tpu.memory_space<vmem>>) dst(%dma_wait3A_234 : memref<2048xf32, #tpu.memory_space<vmem_shared>>)
          tpu.yield
        }) : () -> ()
        %barrier3A = arith.constant 0 : index
        tpu.barrier barrier_id(%barrier3A)
        %mul3A_57 = arith.constant 128 : i32
        %mul3A_58 = arith.muli %arg1, %mul3A_57 : i32
        %multiple_of3A = tpu.assume_multiple %mul3A_58, 8 : i32
        %scan3A_59 = arith.constant 0 : i32
        %scan3A_60 = arith.constant 0 : i32
        %scan3A_61 = arith.constant 8 : i32
        %scan3A_62 = arith.addi %scan3A_60, %scan3A_61 : i32
        %scan3A_63 = arith.constant 1 : i32
        %scan3A_64 = scf.for %scan3A_230 = %scan3A_60 to %scan3A_62 step %scan3A_63 iter_args(%scan3A_231 = %scan3A_59) -> (i32)  : i32 {
          %mul3A_232 = arith.constant 16 : i32
          %mul3A_233 = arith.muli %scan3A_230, %mul3A_232 : i32
          %swap3A = arith.index_cast %mul3A_233 : i32 to index
          %swap3A_234 = tpu.vector_load %arg25[%swap3A] {strides = array<i32>} : memref<128xf32, #tpu.memory_space<vmem>>, vector<16xf32>,
          tpu.vector_store %arg25[%swap3A], %broadcast_in_dim3A_11 {strides = array<i32>} : memref<128xf32, #tpu.memory_space<vmem>>, vector<16xf32>,
          %scan3A_235 = arith.constant 0 : i32
          scf.yield %scan3A_235 : i32
        }
        %scan3A_65 = arith.constant 8 : i32
        %add3A_66 = arith.constant 0 : i32
        %add3A_67 = arith.addi %add3A_66, %multiple_of3A : i32
        "tpu.region"() ({
          %run_scoped3A_230 = tpu.sem_alloc : memref<!tpu.dma_semaphore, #tpu.memory_space<semaphore_mem>>
          %dma_start3A_231 = arith.constant 0 : i32
          %dma_start3A_232 = tpu.memref_slice %arg26[%dma_start3A_231] : memref<128xf32, #tpu.memory_space<vmem>> -> memref<128xf32, #tpu.memory_space<vmem>>
          %dma_start3A_233 = tpu.memref_slice %arg28[%add3A_67] : memref<34816xf32, #tpu.memory_space<vmem_shared>> -> memref<128xf32, #tpu.memory_space<vmem_shared>>
          %dma_start3A_234 = arith.constant 0 : i32
          %dma_start3A_235 = tpu.memref_slice %arg26[%dma_start3A_234] : memref<128xf32, #tpu.memory_space<vmem>> -> memref<128xf32, #tpu.memory_space<vmem>>
          %dma_start3A_236 = tpu.memref_slice %arg28[%add3A_67] : memref<34816xf32, #tpu.memory_space<vmem_shared>> -> memref<128xf32, #tpu.memory_space<vmem_shared>>
          tpu.enqueue_dma source(%dma_start3A_236 : memref<128xf32, #tpu.memory_space<vmem_shared>>) target(%dma_start3A_235 : memref<128xf32, #tpu.memory_space<vmem>>) target_semaphore(%run_scoped3A_230 : memref<!tpu.dma_semaphore, #tpu.memory_space<semaphore_mem>>)
          %dma_wait3A_237 = arith.constant 0 : i32
          %dma_wait3A_238 = tpu.memref_slice %arg26[%dma_wait3A_237] : memref<128xf32, #tpu.memory_space<vmem>> -> memref<128xf32, #tpu.memory_space<vmem>>
          %dma_wait3A_239 = tpu.memref_slice %arg28[%add3A_67] : memref<34816xf32, #tpu.memory_space<vmem_shared>> -> memref<128xf32, #tpu.memory_space<vmem_shared>>
          %dma_wait3A_240 = arith.constant 0 : i32
          %dma_wait3A_241 = tpu.memref_slice %arg26[%dma_wait3A_240] : memref<128xf32, #tpu.memory_space<vmem>> -> memref<128xf32, #tpu.memory_space<vmem>>
          %dma_wait3A_242 = tpu.memref_slice %arg28[%add3A_67] : memref<34816xf32, #tpu.memory_space<vmem_shared>> -> memref<128xf32, #tpu.memory_space<vmem_shared>>
          tpu.wait_dma2 semaphore(%run_scoped3A_230 : memref<!tpu.dma_semaphore, #tpu.memory_space<semaphore_mem>>) src(%dma_wait3A_242 : memref<128xf32, #tpu.memory_space<vmem_shared>>) dst(%dma_wait3A_241 : memref<128xf32, #tpu.memory_space<vmem>>)
          tpu.yield
        }) : () -> ()
        %scan3A_68 = arith.constant 0 : i32
        %scan3A_69 = arith.constant 0 : i32
        %scan3A_70 = arith.constant 8 : i32
        %scan3A_71 = arith.addi %scan3A_69, %scan3A_70 : i32
        %scan3A_72 = arith.constant 1 : i32
        %scan3A_73 = scf.for %scan3A_230 = %scan3A_69 to %scan3A_71 step %scan3A_72 iter_args(%scan3A_231 = %scan3A_68) -> (i32)  : i32 {
          %mul3A_232 = arith.constant 16 : i32
          %mul3A_233 = arith.muli %scan3A_230, %mul3A_232 : i32
          %get3A = arith.index_cast %mul3A_233 : i32 to index
          %get3A_234 = tpu.vector_load %arg25[%get3A] {strides = array<i32>} : memref<128xf32, #tpu.memory_space<vmem>>, vector<16xf32>,
          %mul3A_235 = arith.constant 16 : i32
          %mul3A_236 = arith.muli %scan3A_230, %mul3A_235 : i32
          %get3A_237 = arith.index_cast %mul3A_236 : i32 to index
          %get3A_238 = tpu.vector_load %arg26[%get3A_237] {strides = array<i32>} : memref<128xf32, #tpu.memory_space<vmem>>, vector<16xf32>,
          %add3A_239 = arith.addf %get3A_234, %get3A_238 : vector<16xf32>
          %mul3A_240 = arith.constant 16 : i32
          %mul3A_241 = arith.muli %scan3A_230, %mul3A_240 : i32
          %swap3A = arith.index_cast %mul3A_241 : i32 to index
          %swap3A_242 = tpu.vector_load %arg25[%swap3A] {strides = array<i32>} : memref<128xf32, #tpu.memory_space<vmem>>, vector<16xf32>,
          tpu.vector_store %arg25[%swap3A], %add3A_239 {strides = array<i32>} : memref<128xf32, #tpu.memory_space<vmem>>, vector<16xf32>,
          %scan3A_243 = arith.constant 0 : i32
          scf.yield %scan3A_243 : i32
        }
        %scan3A_74 = arith.constant 8 : i32
        %add3A_75 = arith.constant 2048 : i32
        %add3A_76 = arith.addi %add3A_75, %multiple_of3A : i32
        "tpu.region"() ({
          %run_scoped3A_230 = tpu.sem_alloc : memref<!tpu.dma_semaphore, #tpu.memory_space<semaphore_mem>>
          %dma_start3A_231 = arith.constant 0 : i32
          %dma_start3A_232 = tpu.memref_slice %arg26[%dma_start3A_231] : memref<128xf32, #tpu.memory_space<vmem>> -> memref<128xf32, #tpu.memory_space<vmem>>
          %dma_start3A_233 = tpu.memref_slice %arg28[%add3A_76] : memref<34816xf32, #tpu.memory_space<vmem_shared>> -> memref<128xf32, #tpu.memory_space<vmem_shared>>
          %dma_start3A_234 = arith.constant 0 : i32
          %dma_start3A_235 = tpu.memref_slice %arg26[%dma_start3A_234] : memref<128xf32, #tpu.memory_space<vmem>> -> memref<128xf32, #tpu.memory_space<vmem>>
          %dma_start3A_236 = tpu.memref_slice %arg28[%add3A_76] : memref<34816xf32, #tpu.memory_space<vmem_shared>> -> memref<128xf32, #tpu.memory_space<vmem_shared>>
          tpu.enqueue_dma source(%dma_start3A_236 : memref<128xf32, #tpu.memory_space<vmem_shared>>) target(%dma_start3A_235 : memref<128xf32, #tpu.memory_space<vmem>>) target_semaphore(%run_scoped3A_230 : memref<!tpu.dma_semaphore, #tpu.memory_space<semaphore_mem>>)
          %dma_wait3A_237 = arith.constant 0 : i32
          %dma_wait3A_238 = tpu.memref_slice %arg26[%dma_wait3A_237] : memref<128xf32, #tpu.memory_space<vmem>> -> memref<128xf32, #tpu.memory_space<vmem>>
          %dma_wait3A_239 = tpu.memref_slice %arg28[%add3A_76] : memref<34816xf32, #tpu.memory_space<vmem_shared>> -> memref<128xf32, #tpu.memory_space<vmem_shared>>
          %dma_wait3A_240 = arith.constant 0 : i32
          %dma_wait3A_241 = tpu.memref_slice %arg26[%dma_wait3A_240] : memref<128xf32, #tpu.memory_space<vmem>> -> memref<128xf32, #tpu.memory_space<vmem>>
          %dma_wait3A_242 = tpu.memref_slice %arg28[%add3A_76] : memref<34816xf32, #tpu.memory_space<vmem_shared>> -> memref<128xf32, #tpu.memory_space<vmem_shared>>
          tpu.wait_dma2 semaphore(%run_scoped3A_230 : memref<!tpu.dma_semaphore, #tpu.memory_space<semaphore_mem>>) src(%dma_wait3A_242 : memref<128xf32, #tpu.memory_space<vmem_shared>>) dst(%dma_wait3A_241 : memref<128xf32, #tpu.memory_space<vmem>>)
          tpu.yield
        }) : () -> ()
        %scan3A_77 = arith.constant 0 : i32
        %scan3A_78 = arith.constant 0 : i32
        %scan3A_79 = arith.constant 8 : i32
        %scan3A_80 = arith.addi %scan3A_78, %scan3A_79 : i32
        %scan3A_81 = arith.constant 1 : i32
        %scan3A_82 = scf.for %scan3A_230 = %scan3A_78 to %scan3A_80 step %scan3A_81 iter_args(%scan3A_231 = %scan3A_77) -> (i32)  : i32 {
          %mul3A_232 = arith.constant 16 : i32
          %mul3A_233 = arith.muli %scan3A_230, %mul3A_232 : i32
          %get3A = arith.index_cast %mul3A_233 : i32 to index
          %get3A_234 = tpu.vector_load %arg25[%get3A] {strides = array<i32>} : memref<128xf32, #tpu.memory_space<vmem>>, vector<16xf32>,
          %mul3A_235 = arith.constant 16 : i32
          %mul3A_236 = arith.muli %scan3A_230, %mul3A_235 : i32
          %get3A_237 = arith.index_cast %mul3A_236 : i32 to index
          %get3A_238 = tpu.vector_load %arg26[%get3A_237] {strides = array<i32>} : memref<128xf32, #tpu.memory_space<vmem>>, vector<16xf32>,
          %add3A_239 = arith.addf %get3A_234, %get3A_238 : vector<16xf32>
          %mul3A_240 = arith.constant 16 : i32
          %mul3A_241 = arith.muli %scan3A_230, %mul3A_240 : i32
          %swap3A = arith.index_cast %mul3A_241 : i32 to index
          %swap3A_242 = tpu.vector_load %arg25[%swap3A] {strides = array<i32>} : memref<128xf32, #tpu.memory_space<vmem>>, vector<16xf32>,
          tpu.vector_store %arg25[%swap3A], %add3A_239 {strides = array<i32>} : memref<128xf32, #tpu.memory_space<vmem>>, vector<16xf32>,
          %scan3A_243 = arith.constant 0 : i32
          scf.yield %scan3A_243 : i32
        }
        %scan3A_83 = arith.constant 8 : i32
        %add3A_84 = arith.constant 4096 : i32
        %add3A_85 = arith.addi %add3A_84, %multiple_of3A : i32
        "tpu.region"() ({
          %run_scoped3A_230 = tpu.sem_alloc : memref<!tpu.dma_semaphore, #tpu.memory_space<semaphore_mem>>
          %dma_start3A_231 = arith.constant 0 : i32
          %dma_start3A_232 = tpu.memref_slice %arg26[%dma_start3A_231] : memref<128xf32, #tpu.memory_space<vmem>> -> memref<128xf32, #tpu.memory_space<vmem>>
          %dma_start3A_233 = tpu.memref_slice %arg28[%add3A_85] : memref<34816xf32, #tpu.memory_space<vmem_shared>> -> memref<128xf32, #tpu.memory_space<vmem_shared>>
          %dma_start3A_234 = arith.constant 0 : i32
          %dma_start3A_235 = tpu.memref_slice %arg26[%dma_start3A_234] : memref<128xf32, #tpu.memory_space<vmem>> -> memref<128xf32, #tpu.memory_space<vmem>>
          %dma_start3A_236 = tpu.memref_slice %arg28[%add3A_85] : memref<34816xf32, #tpu.memory_space<vmem_shared>> -> memref<128xf32, #tpu.memory_space<vmem_shared>>
          tpu.enqueue_dma source(%dma_start3A_236 : memref<128xf32, #tpu.memory_space<vmem_shared>>) target(%dma_start3A_235 : memref<128xf32, #tpu.memory_space<vmem>>) target_semaphore(%run_scoped3A_230 : memref<!tpu.dma_semaphore, #tpu.memory_space<semaphore_mem>>)
          %dma_wait3A_237 = arith.constant 0 : i32
          %dma_wait3A_238 = tpu.memref_slice %arg26[%dma_wait3A_237] : memref<128xf32, #tpu.memory_space<vmem>> -> memref<128xf32, #tpu.memory_space<vmem>>
          %dma_wait3A_239 = tpu.memref_slice %arg28[%add3A_85] : memref<34816xf32, #tpu.memory_space<vmem_shared>> -> memref<128xf32, #tpu.memory_space<vmem_shared>>
          %dma_wait3A_240 = arith.constant 0 : i32
          %dma_wait3A_241 = tpu.memref_slice %arg26[%dma_wait3A_240] : memref<128xf32, #tpu.memory_space<vmem>> -> memref<128xf32, #tpu.memory_space<vmem>>
          %dma_wait3A_242 = tpu.memref_slice %arg28[%add3A_85] : memref<34816xf32, #tpu.memory_space<vmem_shared>> -> memref<128xf32, #tpu.memory_space<vmem_shared>>
          tpu.wait_dma2 semaphore(%run_scoped3A_230 : memref<!tpu.dma_semaphore, #tpu.memory_space<semaphore_mem>>) src(%dma_wait3A_242 : memref<128xf32, #tpu.memory_space<vmem_shared>>) dst(%dma_wait3A_241 : memref<128xf32, #tpu.memory_space<vmem>>)
          tpu.yield
        }) : () -> ()
        %scan3A_86 = arith.constant 0 : i32
        %scan3A_87 = arith.constant 0 : i32
        %scan3A_88 = arith.constant 8 : i32
        %scan3A_89 = arith.addi %scan3A_87, %scan3A_88 : i32
        %scan3A_90 = arith.constant 1 : i32
        %scan3A_91 = scf.for %scan3A_230 = %scan3A_87 to %scan3A_89 step %scan3A_90 iter_args(%scan3A_231 = %scan3A_86) -> (i32)  : i32 {
          %mul3A_232 = arith.constant 16 : i32
          %mul3A_233 = arith.muli %scan3A_230, %mul3A_232 : i32
          %get3A = arith.index_cast %mul3A_233 : i32 to index
          %get3A_234 = tpu.vector_load %arg25[%get3A] {strides = array<i32>} : memref<128xf32, #tpu.memory_space<vmem>>, vector<16xf32>,
          %mul3A_235 = arith.constant 16 : i32
          %mul3A_236 = arith.muli %scan3A_230, %mul3A_235 : i32
          %get3A_237 = arith.index_cast %mul3A_236 : i32 to index
          %get3A_238 = tpu.vector_load %arg26[%get3A_237] {strides = array<i32>} : memref<128xf32, #tpu.memory_space<vmem>>, vector<16xf32>,
          %add3A_239 = arith.addf %get3A_234, %get3A_238 : vector<16xf32>
          %mul3A_240 = arith.constant 16 : i32
          %mul3A_241 = arith.muli %scan3A_230, %mul3A_240 : i32
          %swap3A = arith.index_cast %mul3A_241 : i32 to index
          %swap3A_242 = tpu.vector_load %arg25[%swap3A] {strides = array<i32>} : memref<128xf32, #tpu.memory_space<vmem>>, vector<16xf32>,
          tpu.vector_store %arg25[%swap3A], %add3A_239 {strides = array<i32>} : memref<128xf32, #tpu.memory_space<vmem>>, vector<16xf32>,
          %scan3A_243 = arith.constant 0 : i32
          scf.yield %scan3A_243 : i32
        }
        %scan3A_92 = arith.constant 8 : i32
        %add3A_93 = arith.constant 6144 : i32
        %add3A_94 = arith.addi %add3A_93, %multiple_of3A : i32
        "tpu.region"() ({
          %run_scoped3A_230 = tpu.sem_alloc : memref<!tpu.dma_semaphore, #tpu.memory_space<semaphore_mem>>
          %dma_start3A_231 = arith.constant 0 : i32
          %dma_start3A_232 = tpu.memref_slice %arg26[%dma_start3A_231] : memref<128xf32, #tpu.memory_space<vmem>> -> memref<128xf32, #tpu.memory_space<vmem>>
          %dma_start3A_233 = tpu.memref_slice %arg28[%add3A_94] : memref<34816xf32, #tpu.memory_space<vmem_shared>> -> memref<128xf32, #tpu.memory_space<vmem_shared>>
          %dma_start3A_234 = arith.constant 0 : i32
          %dma_start3A_235 = tpu.memref_slice %arg26[%dma_start3A_234] : memref<128xf32, #tpu.memory_space<vmem>> -> memref<128xf32, #tpu.memory_space<vmem>>
          %dma_start3A_236 = tpu.memref_slice %arg28[%add3A_94] : memref<34816xf32, #tpu.memory_space<vmem_shared>> -> memref<128xf32, #tpu.memory_space<vmem_shared>>
          tpu.enqueue_dma source(%dma_start3A_236 : memref<128xf32, #tpu.memory_space<vmem_shared>>) target(%dma_start3A_235 : memref<128xf32, #tpu.memory_space<vmem>>) target_semaphore(%run_scoped3A_230 : memref<!tpu.dma_semaphore, #tpu.memory_space<semaphore_mem>>)
          %dma_wait3A_237 = arith.constant 0 : i32
          %dma_wait3A_238 = tpu.memref_slice %arg26[%dma_wait3A_237] : memref<128xf32, #tpu.memory_space<vmem>> -> memref<128xf32, #tpu.memory_space<vmem>>
          %dma_wait3A_239 = tpu.memref_slice %arg28[%add3A_94] : memref<34816xf32, #tpu.memory_space<vmem_shared>> -> memref<128xf32, #tpu.memory_space<vmem_shared>>
          %dma_wait3A_240 = arith.constant 0 : i32
          %dma_wait3A_241 = tpu.memref_slice %arg26[%dma_wait3A_240] : memref<128xf32, #tpu.memory_space<vmem>> -> memref<128xf32, #tpu.memory_space<vmem>>
          %dma_wait3A_242 = tpu.memref_slice %arg28[%add3A_94] : memref<34816xf32, #tpu.memory_space<vmem_shared>> -> memref<128xf32, #tpu.memory_space<vmem_shared>>
          tpu.wait_dma2 semaphore(%run_scoped3A_230 : memref<!tpu.dma_semaphore, #tpu.memory_space<semaphore_mem>>) src(%dma_wait3A_242 : memref<128xf32, #tpu.memory_space<vmem_shared>>) dst(%dma_wait3A_241 : memref<128xf32, #tpu.memory_space<vmem>>)
          tpu.yield
        }) : () -> ()
        %scan3A_95 = arith.constant 0 : i32
        %scan3A_96 = arith.constant 0 : i32
        %scan3A_97 = arith.constant 8 : i32
        %scan3A_98 = arith.addi %scan3A_96, %scan3A_97 : i32
        %scan3A_99 = arith.constant 1 : i32
        %scan3A_100 = scf.for %scan3A_230 = %scan3A_96 to %scan3A_98 step %scan3A_99 iter_args(%scan3A_231 = %scan3A_95) -> (i32)  : i32 {
          %mul3A_232 = arith.constant 16 : i32
          %mul3A_233 = arith.muli %scan3A_230, %mul3A_232 : i32
          %get3A = arith.index_cast %mul3A_233 : i32 to index
          %get3A_234 = tpu.vector_load %arg25[%get3A] {strides = array<i32>} : memref<128xf32, #tpu.memory_space<vmem>>, vector<16xf32>,
          %mul3A_235 = arith.constant 16 : i32
          %mul3A_236 = arith.muli %scan3A_230, %mul3A_235 : i32
          %get3A_237 = arith.index_cast %mul3A_236 : i32 to index
          %get3A_238 = tpu.vector_load %arg26[%get3A_237] {strides = array<i32>} : memref<128xf32, #tpu.memory_space<vmem>>, vector<16xf32>,
          %add3A_239 = arith.addf %get3A_234, %get3A_238 : vector<16xf32>
          %mul3A_240 = arith.constant 16 : i32
          %mul3A_241 = arith.muli %scan3A_230, %mul3A_240 : i32
          %swap3A = arith.index_cast %mul3A_241 : i32 to index
          %swap3A_242 = tpu.vector_load %arg25[%swap3A] {strides = array<i32>} : memref<128xf32, #tpu.memory_space<vmem>>, vector<16xf32>,
          tpu.vector_store %arg25[%swap3A], %add3A_239 {strides = array<i32>} : memref<128xf32, #tpu.memory_space<vmem>>, vector<16xf32>,
          %scan3A_243 = arith.constant 0 : i32
          scf.yield %scan3A_243 : i32
        }
        %scan3A_101 = arith.constant 8 : i32
        %add3A_102 = arith.constant 8192 : i32
        %add3A_103 = arith.addi %add3A_102, %multiple_of3A : i32
        "tpu.region"() ({
          %run_scoped3A_230 = tpu.sem_alloc : memref<!tpu.dma_semaphore, #tpu.memory_space<semaphore_mem>>
          %dma_start3A_231 = arith.constant 0 : i32
          %dma_start3A_232 = tpu.memref_slice %arg26[%dma_start3A_231] : memref<128xf32, #tpu.memory_space<vmem>> -> memref<128xf32, #tpu.memory_space<vmem>>
          %dma_start3A_233 = tpu.memref_slice %arg28[%add3A_103] : memref<34816xf32, #tpu.memory_space<vmem_shared>> -> memref<128xf32, #tpu.memory_space<vmem_shared>>
          %dma_start3A_234 = arith.constant 0 : i32
          %dma_start3A_235 = tpu.memref_slice %arg26[%dma_start3A_234] : memref<128xf32, #tpu.memory_space<vmem>> -> memref<128xf32, #tpu.memory_space<vmem>>
          %dma_start3A_236 = tpu.memref_slice %arg28[%add3A_103] : memref<34816xf32, #tpu.memory_space<vmem_shared>> -> memref<128xf32, #tpu.memory_space<vmem_shared>>
          tpu.enqueue_dma source(%dma_start3A_236 : memref<128xf32, #tpu.memory_space<vmem_shared>>) target(%dma_start3A_235 : memref<128xf32, #tpu.memory_space<vmem>>) target_semaphore(%run_scoped3A_230 : memref<!tpu.dma_semaphore, #tpu.memory_space<semaphore_mem>>)
          %dma_wait3A_237 = arith.constant 0 : i32
          %dma_wait3A_238 = tpu.memref_slice %arg26[%dma_wait3A_237] : memref<128xf32, #tpu.memory_space<vmem>> -> memref<128xf32, #tpu.memory_space<vmem>>
          %dma_wait3A_239 = tpu.memref_slice %arg28[%add3A_103] : memref<34816xf32, #tpu.memory_space<vmem_shared>> -> memref<128xf32, #tpu.memory_space<vmem_shared>>
          %dma_wait3A_240 = arith.constant 0 : i32
          %dma_wait3A_241 = tpu.memref_slice %arg26[%dma_wait3A_240] : memref<128xf32, #tpu.memory_space<vmem>> -> memref<128xf32, #tpu.memory_space<vmem>>
          %dma_wait3A_242 = tpu.memref_slice %arg28[%add3A_103] : memref<34816xf32, #tpu.memory_space<vmem_shared>> -> memref<128xf32, #tpu.memory_space<vmem_shared>>
          tpu.wait_dma2 semaphore(%run_scoped3A_230 : memref<!tpu.dma_semaphore, #tpu.memory_space<semaphore_mem>>) src(%dma_wait3A_242 : memref<128xf32, #tpu.memory_space<vmem_shared>>) dst(%dma_wait3A_241 : memref<128xf32, #tpu.memory_space<vmem>>)
          tpu.yield
        }) : () -> ()
        %scan3A_104 = arith.constant 0 : i32
        %scan3A_105 = arith.constant 0 : i32
        %scan3A_106 = arith.constant 8 : i32
        %scan3A_107 = arith.addi %scan3A_105, %scan3A_106 : i32
        %scan3A_108 = arith.constant 1 : i32
        %scan3A_109 = scf.for %scan3A_230 = %scan3A_105 to %scan3A_107 step %scan3A_108 iter_args(%scan3A_231 = %scan3A_104) -> (i32)  : i32 {
          %mul3A_232 = arith.constant 16 : i32
          %mul3A_233 = arith.muli %scan3A_230, %mul3A_232 : i32
          %get3A = arith.index_cast %mul3A_233 : i32 to index
          %get3A_234 = tpu.vector_load %arg25[%get3A] {strides = array<i32>} : memref<128xf32, #tpu.memory_space<vmem>>, vector<16xf32>,
          %mul3A_235 = arith.constant 16 : i32
          %mul3A_236 = arith.muli %scan3A_230, %mul3A_235 : i32
          %get3A_237 = arith.index_cast %mul3A_236 : i32 to index
          %get3A_238 = tpu.vector_load %arg26[%get3A_237] {strides = array<i32>} : memref<128xf32, #tpu.memory_space<vmem>>, vector<16xf32>,
          %add3A_239 = arith.addf %get3A_234, %get3A_238 : vector<16xf32>
          %mul3A_240 = arith.constant 16 : i32
          %mul3A_241 = arith.muli %scan3A_230, %mul3A_240 : i32
          %swap3A = arith.index_cast %mul3A_241 : i32 to index
          %swap3A_242 = tpu.vector_load %arg25[%swap3A] {strides = array<i32>} : memref<128xf32, #tpu.memory_space<vmem>>, vector<16xf32>,
          tpu.vector_store %arg25[%swap3A], %add3A_239 {strides = array<i32>} : memref<128xf32, #tpu.memory_space<vmem>>, vector<16xf32>,
          %scan3A_243 = arith.constant 0 : i32
          scf.yield %scan3A_243 : i32
        }
        %scan3A_110 = arith.constant 8 : i32
        %add3A_111 = arith.constant 10240 : i32
        %add3A_112 = arith.addi %add3A_111, %multiple_of3A : i32
        "tpu.region"() ({
          %run_scoped3A_230 = tpu.sem_alloc : memref<!tpu.dma_semaphore, #tpu.memory_space<semaphore_mem>>
          %dma_start3A_231 = arith.constant 0 : i32
          %dma_start3A_232 = tpu.memref_slice %arg26[%dma_start3A_231] : memref<128xf32, #tpu.memory_space<vmem>> -> memref<128xf32, #tpu.memory_space<vmem>>
          %dma_start3A_233 = tpu.memref_slice %arg28[%add3A_112] : memref<34816xf32, #tpu.memory_space<vmem_shared>> -> memref<128xf32, #tpu.memory_space<vmem_shared>>
          %dma_start3A_234 = arith.constant 0 : i32
          %dma_start3A_235 = tpu.memref_slice %arg26[%dma_start3A_234] : memref<128xf32, #tpu.memory_space<vmem>> -> memref<128xf32, #tpu.memory_space<vmem>>
          %dma_start3A_236 = tpu.memref_slice %arg28[%add3A_112] : memref<34816xf32, #tpu.memory_space<vmem_shared>> -> memref<128xf32, #tpu.memory_space<vmem_shared>>
          tpu.enqueue_dma source(%dma_start3A_236 : memref<128xf32, #tpu.memory_space<vmem_shared>>) target(%dma_start3A_235 : memref<128xf32, #tpu.memory_space<vmem>>) target_semaphore(%run_scoped3A_230 : memref<!tpu.dma_semaphore, #tpu.memory_space<semaphore_mem>>)
          %dma_wait3A_237 = arith.constant 0 : i32
          %dma_wait3A_238 = tpu.memref_slice %arg26[%dma_wait3A_237] : memref<128xf32, #tpu.memory_space<vmem>> -> memref<128xf32, #tpu.memory_space<vmem>>
          %dma_wait3A_239 = tpu.memref_slice %arg28[%add3A_112] : memref<34816xf32, #tpu.memory_space<vmem_shared>> -> memref<128xf32, #tpu.memory_space<vmem_shared>>
          %dma_wait3A_240 = arith.constant 0 : i32
          %dma_wait3A_241 = tpu.memref_slice %arg26[%dma_wait3A_240] : memref<128xf32, #tpu.memory_space<vmem>> -> memref<128xf32, #tpu.memory_space<vmem>>
          %dma_wait3A_242 = tpu.memref_slice %arg28[%add3A_112] : memref<34816xf32, #tpu.memory_space<vmem_shared>> -> memref<128xf32, #tpu.memory_space<vmem_shared>>
          tpu.wait_dma2 semaphore(%run_scoped3A_230 : memref<!tpu.dma_semaphore, #tpu.memory_space<semaphore_mem>>) src(%dma_wait3A_242 : memref<128xf32, #tpu.memory_space<vmem_shared>>) dst(%dma_wait3A_241 : memref<128xf32, #tpu.memory_space<vmem>>)
          tpu.yield
        }) : () -> ()
        %scan3A_113 = arith.constant 0 : i32
        %scan3A_114 = arith.constant 0 : i32
        %scan3A_115 = arith.constant 8 : i32
        %scan3A_116 = arith.addi %scan3A_114, %scan3A_115 : i32
        %scan3A_117 = arith.constant 1 : i32
        %scan3A_118 = scf.for %scan3A_230 = %scan3A_114 to %scan3A_116 step %scan3A_117 iter_args(%scan3A_231 = %scan3A_113) -> (i32)  : i32 {
          %mul3A_232 = arith.constant 16 : i32
          %mul3A_233 = arith.muli %scan3A_230, %mul3A_232 : i32
          %get3A = arith.index_cast %mul3A_233 : i32 to index
          %get3A_234 = tpu.vector_load %arg25[%get3A] {strides = array<i32>} : memref<128xf32, #tpu.memory_space<vmem>>, vector<16xf32>,
          %mul3A_235 = arith.constant 16 : i32
          %mul3A_236 = arith.muli %scan3A_230, %mul3A_235 : i32
          %get3A_237 = arith.index_cast %mul3A_236 : i32 to index
          %get3A_238 = tpu.vector_load %arg26[%get3A_237] {strides = array<i32>} : memref<128xf32, #tpu.memory_space<vmem>>, vector<16xf32>,
          %add3A_239 = arith.addf %get3A_234, %get3A_238 : vector<16xf32>
          %mul3A_240 = arith.constant 16 : i32
          %mul3A_241 = arith.muli %scan3A_230, %mul3A_240 : i32
          %swap3A = arith.index_cast %mul3A_241 : i32 to index
          %swap3A_242 = tpu.vector_load %arg25[%swap3A] {strides = array<i32>} : memref<128xf32, #tpu.memory_space<vmem>>, vector<16xf32>,
          tpu.vector_store %arg25[%swap3A], %add3A_239 {strides = array<i32>} : memref<128xf32, #tpu.memory_space<vmem>>, vector<16xf32>,
          %scan3A_243 = arith.constant 0 : i32
          scf.yield %scan3A_243 : i32
        }
        %scan3A_119 = arith.constant 8 : i32
        %add3A_120 = arith.constant 12288 : i32
        %add3A_121 = arith.addi %add3A_120, %multiple_of3A : i32
        "tpu.region"() ({
          %run_scoped3A_230 = tpu.sem_alloc : memref<!tpu.dma_semaphore, #tpu.memory_space<semaphore_mem>>
          %dma_start3A_231 = arith.constant 0 : i32
          %dma_start3A_232 = tpu.memref_slice %arg26[%dma_start3A_231] : memref<128xf32, #tpu.memory_space<vmem>> -> memref<128xf32, #tpu.memory_space<vmem>>
          %dma_start3A_233 = tpu.memref_slice %arg28[%add3A_121] : memref<34816xf32, #tpu.memory_space<vmem_shared>> -> memref<128xf32, #tpu.memory_space<vmem_shared>>
          %dma_start3A_234 = arith.constant 0 : i32
          %dma_start3A_235 = tpu.memref_slice %arg26[%dma_start3A_234] : memref<128xf32, #tpu.memory_space<vmem>> -> memref<128xf32, #tpu.memory_space<vmem>>
          %dma_start3A_236 = tpu.memref_slice %arg28[%add3A_121] : memref<34816xf32, #tpu.memory_space<vmem_shared>> -> memref<128xf32, #tpu.memory_space<vmem_shared>>
          tpu.enqueue_dma source(%dma_start3A_236 : memref<128xf32, #tpu.memory_space<vmem_shared>>) target(%dma_start3A_235 : memref<128xf32, #tpu.memory_space<vmem>>) target_semaphore(%run_scoped3A_230 : memref<!tpu.dma_semaphore, #tpu.memory_space<semaphore_mem>>)
          %dma_wait3A_237 = arith.constant 0 : i32
          %dma_wait3A_238 = tpu.memref_slice %arg26[%dma_wait3A_237] : memref<128xf32, #tpu.memory_space<vmem>> -> memref<128xf32, #tpu.memory_space<vmem>>
          %dma_wait3A_239 = tpu.memref_slice %arg28[%add3A_121] : memref<34816xf32, #tpu.memory_space<vmem_shared>> -> memref<128xf32, #tpu.memory_space<vmem_shared>>
          %dma_wait3A_240 = arith.constant 0 : i32
          %dma_wait3A_241 = tpu.memref_slice %arg26[%dma_wait3A_240] : memref<128xf32, #tpu.memory_space<vmem>> -> memref<128xf32, #tpu.memory_space<vmem>>
          %dma_wait3A_242 = tpu.memref_slice %arg28[%add3A_121] : memref<34816xf32, #tpu.memory_space<vmem_shared>> -> memref<128xf32, #tpu.memory_space<vmem_shared>>
          tpu.wait_dma2 semaphore(%run_scoped3A_230 : memref<!tpu.dma_semaphore, #tpu.memory_space<semaphore_mem>>) src(%dma_wait3A_242 : memref<128xf32, #tpu.memory_space<vmem_shared>>) dst(%dma_wait3A_241 : memref<128xf32, #tpu.memory_space<vmem>>)
          tpu.yield
        }) : () -> ()
        %scan3A_122 = arith.constant 0 : i32
        %scan3A_123 = arith.constant 0 : i32
        %scan3A_124 = arith.constant 8 : i32
        %scan3A_125 = arith.addi %scan3A_123, %scan3A_124 : i32
        %scan3A_126 = arith.constant 1 : i32
        %scan3A_127 = scf.for %scan3A_230 = %scan3A_123 to %scan3A_125 step %scan3A_126 iter_args(%scan3A_231 = %scan3A_122) -> (i32)  : i32 {
          %mul3A_232 = arith.constant 16 : i32
          %mul3A_233 = arith.muli %scan3A_230, %mul3A_232 : i32
          %get3A = arith.index_cast %mul3A_233 : i32 to index
          %get3A_234 = tpu.vector_load %arg25[%get3A] {strides = array<i32>} : memref<128xf32, #tpu.memory_space<vmem>>, vector<16xf32>,
          %mul3A_235 = arith.constant 16 : i32
          %mul3A_236 = arith.muli %scan3A_230, %mul3A_235 : i32
          %get3A_237 = arith.index_cast %mul3A_236 : i32 to index
          %get3A_238 = tpu.vector_load %arg26[%get3A_237] {strides = array<i32>} : memref<128xf32, #tpu.memory_space<vmem>>, vector<16xf32>,
          %add3A_239 = arith.addf %get3A_234, %get3A_238 : vector<16xf32>
          %mul3A_240 = arith.constant 16 : i32
          %mul3A_241 = arith.muli %scan3A_230, %mul3A_240 : i32
          %swap3A = arith.index_cast %mul3A_241 : i32 to index
          %swap3A_242 = tpu.vector_load %arg25[%swap3A] {strides = array<i32>} : memref<128xf32, #tpu.memory_space<vmem>>, vector<16xf32>,
          tpu.vector_store %arg25[%swap3A], %add3A_239 {strides = array<i32>} : memref<128xf32, #tpu.memory_space<vmem>>, vector<16xf32>,
          %scan3A_243 = arith.constant 0 : i32
          scf.yield %scan3A_243 : i32
        }
        %scan3A_128 = arith.constant 8 : i32
        %add3A_129 = arith.constant 14336 : i32
        %add3A_130 = arith.addi %add3A_129, %multiple_of3A : i32
        "tpu.region"() ({
          %run_scoped3A_230 = tpu.sem_alloc : memref<!tpu.dma_semaphore, #tpu.memory_space<semaphore_mem>>
          %dma_start3A_231 = arith.constant 0 : i32
          %dma_start3A_232 = tpu.memref_slice %arg26[%dma_start3A_231] : memref<128xf32, #tpu.memory_space<vmem>> -> memref<128xf32, #tpu.memory_space<vmem>>
          %dma_start3A_233 = tpu.memref_slice %arg28[%add3A_130] : memref<34816xf32, #tpu.memory_space<vmem_shared>> -> memref<128xf32, #tpu.memory_space<vmem_shared>>
          %dma_start3A_234 = arith.constant 0 : i32
          %dma_start3A_235 = tpu.memref_slice %arg26[%dma_start3A_234] : memref<128xf32, #tpu.memory_space<vmem>> -> memref<128xf32, #tpu.memory_space<vmem>>
          %dma_start3A_236 = tpu.memref_slice %arg28[%add3A_130] : memref<34816xf32, #tpu.memory_space<vmem_shared>> -> memref<128xf32, #tpu.memory_space<vmem_shared>>
          tpu.enqueue_dma source(%dma_start3A_236 : memref<128xf32, #tpu.memory_space<vmem_shared>>) target(%dma_start3A_235 : memref<128xf32, #tpu.memory_space<vmem>>) target_semaphore(%run_scoped3A_230 : memref<!tpu.dma_semaphore, #tpu.memory_space<semaphore_mem>>)
          %dma_wait3A_237 = arith.constant 0 : i32
          %dma_wait3A_238 = tpu.memref_slice %arg26[%dma_wait3A_237] : memref<128xf32, #tpu.memory_space<vmem>> -> memref<128xf32, #tpu.memory_space<vmem>>
          %dma_wait3A_239 = tpu.memref_slice %arg28[%add3A_130] : memref<34816xf32, #tpu.memory_space<vmem_shared>> -> memref<128xf32, #tpu.memory_space<vmem_shared>>
          %dma_wait3A_240 = arith.constant 0 : i32
          %dma_wait3A_241 = tpu.memref_slice %arg26[%dma_wait3A_240] : memref<128xf32, #tpu.memory_space<vmem>> -> memref<128xf32, #tpu.memory_space<vmem>>
          %dma_wait3A_242 = tpu.memref_slice %arg28[%add3A_130] : memref<34816xf32, #tpu.memory_space<vmem_shared>> -> memref<128xf32, #tpu.memory_space<vmem_shared>>
          tpu.wait_dma2 semaphore(%run_scoped3A_230 : memref<!tpu.dma_semaphore, #tpu.memory_space<semaphore_mem>>) src(%dma_wait3A_242 : memref<128xf32, #tpu.memory_space<vmem_shared>>) dst(%dma_wait3A_241 : memref<128xf32, #tpu.memory_space<vmem>>)
          tpu.yield
        }) : () -> ()
        %scan3A_131 = arith.constant 0 : i32
        %scan3A_132 = arith.constant 0 : i32
        %scan3A_133 = arith.constant 8 : i32
        %scan3A_134 = arith.addi %scan3A_132, %scan3A_133 : i32
        %scan3A_135 = arith.constant 1 : i32
        %scan3A_136 = scf.for %scan3A_230 = %scan3A_132 to %scan3A_134 step %scan3A_135 iter_args(%scan3A_231 = %scan3A_131) -> (i32)  : i32 {
          %mul3A_232 = arith.constant 16 : i32
          %mul3A_233 = arith.muli %scan3A_230, %mul3A_232 : i32
          %get3A = arith.index_cast %mul3A_233 : i32 to index
          %get3A_234 = tpu.vector_load %arg25[%get3A] {strides = array<i32>} : memref<128xf32, #tpu.memory_space<vmem>>, vector<16xf32>,
          %mul3A_235 = arith.constant 16 : i32
          %mul3A_236 = arith.muli %scan3A_230, %mul3A_235 : i32
          %get3A_237 = arith.index_cast %mul3A_236 : i32 to index
          %get3A_238 = tpu.vector_load %arg26[%get3A_237] {strides = array<i32>} : memref<128xf32, #tpu.memory_space<vmem>>, vector<16xf32>,
          %add3A_239 = arith.addf %get3A_234, %get3A_238 : vector<16xf32>
          %mul3A_240 = arith.constant 16 : i32
          %mul3A_241 = arith.muli %scan3A_230, %mul3A_240 : i32
          %swap3A = arith.index_cast %mul3A_241 : i32 to index
          %swap3A_242 = tpu.vector_load %arg25[%swap3A] {strides = array<i32>} : memref<128xf32, #tpu.memory_space<vmem>>, vector<16xf32>,
          tpu.vector_store %arg25[%swap3A], %add3A_239 {strides = array<i32>} : memref<128xf32, #tpu.memory_space<vmem>>, vector<16xf32>,
          %scan3A_243 = arith.constant 0 : i32
          scf.yield %scan3A_243 : i32
        }
        %scan3A_137 = arith.constant 8 : i32
        %add3A_138 = arith.constant 16384 : i32
        %add3A_139 = arith.addi %add3A_138, %multiple_of3A : i32
        "tpu.region"() ({
          %run_scoped3A_230 = tpu.sem_alloc : memref<!tpu.dma_semaphore, #tpu.memory_space<semaphore_mem>>
          %dma_start3A_231 = arith.constant 0 : i32
          %dma_start3A_232 = tpu.memref_slice %arg26[%dma_start3A_231] : memref<128xf32, #tpu.memory_space<vmem>> -> memref<128xf32, #tpu.memory_space<vmem>>
          %dma_start3A_233 = tpu.memref_slice %arg28[%add3A_139] : memref<34816xf32, #tpu.memory_space<vmem_shared>> -> memref<128xf32, #tpu.memory_space<vmem_shared>>
          %dma_start3A_234 = arith.constant 0 : i32
          %dma_start3A_235 = tpu.memref_slice %arg26[%dma_start3A_234] : memref<128xf32, #tpu.memory_space<vmem>> -> memref<128xf32, #tpu.memory_space<vmem>>
          %dma_start3A_236 = tpu.memref_slice %arg28[%add3A_139] : memref<34816xf32, #tpu.memory_space<vmem_shared>> -> memref<128xf32, #tpu.memory_space<vmem_shared>>
          tpu.enqueue_dma source(%dma_start3A_236 : memref<128xf32, #tpu.memory_space<vmem_shared>>) target(%dma_start3A_235 : memref<128xf32, #tpu.memory_space<vmem>>) target_semaphore(%run_scoped3A_230 : memref<!tpu.dma_semaphore, #tpu.memory_space<semaphore_mem>>)
          %dma_wait3A_237 = arith.constant 0 : i32
          %dma_wait3A_238 = tpu.memref_slice %arg26[%dma_wait3A_237] : memref<128xf32, #tpu.memory_space<vmem>> -> memref<128xf32, #tpu.memory_space<vmem>>
          %dma_wait3A_239 = tpu.memref_slice %arg28[%add3A_139] : memref<34816xf32, #tpu.memory_space<vmem_shared>> -> memref<128xf32, #tpu.memory_space<vmem_shared>>
          %dma_wait3A_240 = arith.constant 0 : i32
          %dma_wait3A_241 = tpu.memref_slice %arg26[%dma_wait3A_240] : memref<128xf32, #tpu.memory_space<vmem>> -> memref<128xf32, #tpu.memory_space<vmem>>
          %dma_wait3A_242 = tpu.memref_slice %arg28[%add3A_139] : memref<34816xf32, #tpu.memory_space<vmem_shared>> -> memref<128xf32, #tpu.memory_space<vmem_shared>>
          tpu.wait_dma2 semaphore(%run_scoped3A_230 : memref<!tpu.dma_semaphore, #tpu.memory_space<semaphore_mem>>) src(%dma_wait3A_242 : memref<128xf32, #tpu.memory_space<vmem_shared>>) dst(%dma_wait3A_241 : memref<128xf32, #tpu.memory_space<vmem>>)
          tpu.yield
        }) : () -> ()
        %scan3A_140 = arith.constant 0 : i32
        %scan3A_141 = arith.constant 0 : i32
        %scan3A_142 = arith.constant 8 : i32
        %scan3A_143 = arith.addi %scan3A_141, %scan3A_142 : i32
        %scan3A_144 = arith.constant 1 : i32
        %scan3A_145 = scf.for %scan3A_230 = %scan3A_141 to %scan3A_143 step %scan3A_144 iter_args(%scan3A_231 = %scan3A_140) -> (i32)  : i32 {
          %mul3A_232 = arith.constant 16 : i32
          %mul3A_233 = arith.muli %scan3A_230, %mul3A_232 : i32
          %get3A = arith.index_cast %mul3A_233 : i32 to index
          %get3A_234 = tpu.vector_load %arg25[%get3A] {strides = array<i32>} : memref<128xf32, #tpu.memory_space<vmem>>, vector<16xf32>,
          %mul3A_235 = arith.constant 16 : i32
          %mul3A_236 = arith.muli %scan3A_230, %mul3A_235 : i32
          %get3A_237 = arith.index_cast %mul3A_236 : i32 to index
          %get3A_238 = tpu.vector_load %arg26[%get3A_237] {strides = array<i32>} : memref<128xf32, #tpu.memory_space<vmem>>, vector<16xf32>,
          %add3A_239 = arith.addf %get3A_234, %get3A_238 : vector<16xf32>
          %mul3A_240 = arith.constant 16 : i32
          %mul3A_241 = arith.muli %scan3A_230, %mul3A_240 : i32
          %swap3A = arith.index_cast %mul3A_241 : i32 to index
          %swap3A_242 = tpu.vector_load %arg25[%swap3A] {strides = array<i32>} : memref<128xf32, #tpu.memory_space<vmem>>, vector<16xf32>,
          tpu.vector_store %arg25[%swap3A], %add3A_239 {strides = array<i32>} : memref<128xf32, #tpu.memory_space<vmem>>, vector<16xf32>,
          %scan3A_243 = arith.constant 0 : i32
          scf.yield %scan3A_243 : i32
        }
        %scan3A_146 = arith.constant 8 : i32
        %add3A_147 = arith.constant 18432 : i32
        %add3A_148 = arith.addi %add3A_147, %multiple_of3A : i32
        "tpu.region"() ({
          %run_scoped3A_230 = tpu.sem_alloc : memref<!tpu.dma_semaphore, #tpu.memory_space<semaphore_mem>>
          %dma_start3A_231 = arith.constant 0 : i32
          %dma_start3A_232 = tpu.memref_slice %arg26[%dma_start3A_231] : memref<128xf32, #tpu.memory_space<vmem>> -> memref<128xf32, #tpu.memory_space<vmem>>
          %dma_start3A_233 = tpu.memref_slice %arg28[%add3A_148] : memref<34816xf32, #tpu.memory_space<vmem_shared>> -> memref<128xf32, #tpu.memory_space<vmem_shared>>
          %dma_start3A_234 = arith.constant 0 : i32
          %dma_start3A_235 = tpu.memref_slice %arg26[%dma_start3A_234] : memref<128xf32, #tpu.memory_space<vmem>> -> memref<128xf32, #tpu.memory_space<vmem>>
          %dma_start3A_236 = tpu.memref_slice %arg28[%add3A_148] : memref<34816xf32, #tpu.memory_space<vmem_shared>> -> memref<128xf32, #tpu.memory_space<vmem_shared>>
          tpu.enqueue_dma source(%dma_start3A_236 : memref<128xf32, #tpu.memory_space<vmem_shared>>) target(%dma_start3A_235 : memref<128xf32, #tpu.memory_space<vmem>>) target_semaphore(%run_scoped3A_230 : memref<!tpu.dma_semaphore, #tpu.memory_space<semaphore_mem>>)
          %dma_wait3A_237 = arith.constant 0 : i32
          %dma_wait3A_238 = tpu.memref_slice %arg26[%dma_wait3A_237] : memref<128xf32, #tpu.memory_space<vmem>> -> memref<128xf32, #tpu.memory_space<vmem>>
          %dma_wait3A_239 = tpu.memref_slice %arg28[%add3A_148] : memref<34816xf32, #tpu.memory_space<vmem_shared>> -> memref<128xf32, #tpu.memory_space<vmem_shared>>
          %dma_wait3A_240 = arith.constant 0 : i32
          %dma_wait3A_241 = tpu.memref_slice %arg26[%dma_wait3A_240] : memref<128xf32, #tpu.memory_space<vmem>> -> memref<128xf32, #tpu.memory_space<vmem>>
          %dma_wait3A_242 = tpu.memref_slice %arg28[%add3A_148] : memref<34816xf32, #tpu.memory_space<vmem_shared>> -> memref<128xf32, #tpu.memory_space<vmem_shared>>
          tpu.wait_dma2 semaphore(%run_scoped3A_230 : memref<!tpu.dma_semaphore, #tpu.memory_space<semaphore_mem>>) src(%dma_wait3A_242 : memref<128xf32, #tpu.memory_space<vmem_shared>>) dst(%dma_wait3A_241 : memref<128xf32, #tpu.memory_space<vmem>>)
          tpu.yield
        }) : () -> ()
        %scan3A_149 = arith.constant 0 : i32
        %scan3A_150 = arith.constant 0 : i32
        %scan3A_151 = arith.constant 8 : i32
        %scan3A_152 = arith.addi %scan3A_150, %scan3A_151 : i32
        %scan3A_153 = arith.constant 1 : i32
        %scan3A_154 = scf.for %scan3A_230 = %scan3A_150 to %scan3A_152 step %scan3A_153 iter_args(%scan3A_231 = %scan3A_149) -> (i32)  : i32 {
          %mul3A_232 = arith.constant 16 : i32
          %mul3A_233 = arith.muli %scan3A_230, %mul3A_232 : i32
          %get3A = arith.index_cast %mul3A_233 : i32 to index
          %get3A_234 = tpu.vector_load %arg25[%get3A] {strides = array<i32>} : memref<128xf32, #tpu.memory_space<vmem>>, vector<16xf32>,
          %mul3A_235 = arith.constant 16 : i32
          %mul3A_236 = arith.muli %scan3A_230, %mul3A_235 : i32
          %get3A_237 = arith.index_cast %mul3A_236 : i32 to index
          %get3A_238 = tpu.vector_load %arg26[%get3A_237] {strides = array<i32>} : memref<128xf32, #tpu.memory_space<vmem>>, vector<16xf32>,
          %add3A_239 = arith.addf %get3A_234, %get3A_238 : vector<16xf32>
          %mul3A_240 = arith.constant 16 : i32
          %mul3A_241 = arith.muli %scan3A_230, %mul3A_240 : i32
          %swap3A = arith.index_cast %mul3A_241 : i32 to index
          %swap3A_242 = tpu.vector_load %arg25[%swap3A] {strides = array<i32>} : memref<128xf32, #tpu.memory_space<vmem>>, vector<16xf32>,
          tpu.vector_store %arg25[%swap3A], %add3A_239 {strides = array<i32>} : memref<128xf32, #tpu.memory_space<vmem>>, vector<16xf32>,
          %scan3A_243 = arith.constant 0 : i32
          scf.yield %scan3A_243 : i32
        }
        %scan3A_155 = arith.constant 8 : i32
        %add3A_156 = arith.constant 20480 : i32
        %add3A_157 = arith.addi %add3A_156, %multiple_of3A : i32
        "tpu.region"() ({
          %run_scoped3A_230 = tpu.sem_alloc : memref<!tpu.dma_semaphore, #tpu.memory_space<semaphore_mem>>
          %dma_start3A_231 = arith.constant 0 : i32
          %dma_start3A_232 = tpu.memref_slice %arg26[%dma_start3A_231] : memref<128xf32, #tpu.memory_space<vmem>> -> memref<128xf32, #tpu.memory_space<vmem>>
          %dma_start3A_233 = tpu.memref_slice %arg28[%add3A_157] : memref<34816xf32, #tpu.memory_space<vmem_shared>> -> memref<128xf32, #tpu.memory_space<vmem_shared>>
          %dma_start3A_234 = arith.constant 0 : i32
          %dma_start3A_235 = tpu.memref_slice %arg26[%dma_start3A_234] : memref<128xf32, #tpu.memory_space<vmem>> -> memref<128xf32, #tpu.memory_space<vmem>>
          %dma_start3A_236 = tpu.memref_slice %arg28[%add3A_157] : memref<34816xf32, #tpu.memory_space<vmem_shared>> -> memref<128xf32, #tpu.memory_space<vmem_shared>>
          tpu.enqueue_dma source(%dma_start3A_236 : memref<128xf32, #tpu.memory_space<vmem_shared>>) target(%dma_start3A_235 : memref<128xf32, #tpu.memory_space<vmem>>) target_semaphore(%run_scoped3A_230 : memref<!tpu.dma_semaphore, #tpu.memory_space<semaphore_mem>>)
          %dma_wait3A_237 = arith.constant 0 : i32
          %dma_wait3A_238 = tpu.memref_slice %arg26[%dma_wait3A_237] : memref<128xf32, #tpu.memory_space<vmem>> -> memref<128xf32, #tpu.memory_space<vmem>>
          %dma_wait3A_239 = tpu.memref_slice %arg28[%add3A_157] : memref<34816xf32, #tpu.memory_space<vmem_shared>> -> memref<128xf32, #tpu.memory_space<vmem_shared>>
          %dma_wait3A_240 = arith.constant 0 : i32
          %dma_wait3A_241 = tpu.memref_slice %arg26[%dma_wait3A_240] : memref<128xf32, #tpu.memory_space<vmem>> -> memref<128xf32, #tpu.memory_space<vmem>>
          %dma_wait3A_242 = tpu.memref_slice %arg28[%add3A_157] : memref<34816xf32, #tpu.memory_space<vmem_shared>> -> memref<128xf32, #tpu.memory_space<vmem_shared>>
          tpu.wait_dma2 semaphore(%run_scoped3A_230 : memref<!tpu.dma_semaphore, #tpu.memory_space<semaphore_mem>>) src(%dma_wait3A_242 : memref<128xf32, #tpu.memory_space<vmem_shared>>) dst(%dma_wait3A_241 : memref<128xf32, #tpu.memory_space<vmem>>)
          tpu.yield
        }) : () -> ()
        %scan3A_158 = arith.constant 0 : i32
        %scan3A_159 = arith.constant 0 : i32
        %scan3A_160 = arith.constant 8 : i32
        %scan3A_161 = arith.addi %scan3A_159, %scan3A_160 : i32
        %scan3A_162 = arith.constant 1 : i32
        %scan3A_163 = scf.for %scan3A_230 = %scan3A_159 to %scan3A_161 step %scan3A_162 iter_args(%scan3A_231 = %scan3A_158) -> (i32)  : i32 {
          %mul3A_232 = arith.constant 16 : i32
          %mul3A_233 = arith.muli %scan3A_230, %mul3A_232 : i32
          %get3A = arith.index_cast %mul3A_233 : i32 to index
          %get3A_234 = tpu.vector_load %arg25[%get3A] {strides = array<i32>} : memref<128xf32, #tpu.memory_space<vmem>>, vector<16xf32>,
          %mul3A_235 = arith.constant 16 : i32
          %mul3A_236 = arith.muli %scan3A_230, %mul3A_235 : i32
          %get3A_237 = arith.index_cast %mul3A_236 : i32 to index
          %get3A_238 = tpu.vector_load %arg26[%get3A_237] {strides = array<i32>} : memref<128xf32, #tpu.memory_space<vmem>>, vector<16xf32>,
          %add3A_239 = arith.addf %get3A_234, %get3A_238 : vector<16xf32>
          %mul3A_240 = arith.constant 16 : i32
          %mul3A_241 = arith.muli %scan3A_230, %mul3A_240 : i32
          %swap3A = arith.index_cast %mul3A_241 : i32 to index
          %swap3A_242 = tpu.vector_load %arg25[%swap3A] {strides = array<i32>} : memref<128xf32, #tpu.memory_space<vmem>>, vector<16xf32>,
          tpu.vector_store %arg25[%swap3A], %add3A_239 {strides = array<i32>} : memref<128xf32, #tpu.memory_space<vmem>>, vector<16xf32>,
          %scan3A_243 = arith.constant 0 : i32
          scf.yield %scan3A_243 : i32
        }
        %scan3A_164 = arith.constant 8 : i32
        %add3A_165 = arith.constant 22528 : i32
        %add3A_166 = arith.addi %add3A_165, %multiple_of3A : i32
        "tpu.region"() ({
          %run_scoped3A_230 = tpu.sem_alloc : memref<!tpu.dma_semaphore, #tpu.memory_space<semaphore_mem>>
          %dma_start3A_231 = arith.constant 0 : i32
          %dma_start3A_232 = tpu.memref_slice %arg26[%dma_start3A_231] : memref<128xf32, #tpu.memory_space<vmem>> -> memref<128xf32, #tpu.memory_space<vmem>>
          %dma_start3A_233 = tpu.memref_slice %arg28[%add3A_166] : memref<34816xf32, #tpu.memory_space<vmem_shared>> -> memref<128xf32, #tpu.memory_space<vmem_shared>>
          %dma_start3A_234 = arith.constant 0 : i32
          %dma_start3A_235 = tpu.memref_slice %arg26[%dma_start3A_234] : memref<128xf32, #tpu.memory_space<vmem>> -> memref<128xf32, #tpu.memory_space<vmem>>
          %dma_start3A_236 = tpu.memref_slice %arg28[%add3A_166] : memref<34816xf32, #tpu.memory_space<vmem_shared>> -> memref<128xf32, #tpu.memory_space<vmem_shared>>
          tpu.enqueue_dma source(%dma_start3A_236 : memref<128xf32, #tpu.memory_space<vmem_shared>>) target(%dma_start3A_235 : memref<128xf32, #tpu.memory_space<vmem>>) target_semaphore(%run_scoped3A_230 : memref<!tpu.dma_semaphore, #tpu.memory_space<semaphore_mem>>)
          %dma_wait3A_237 = arith.constant 0 : i32
          %dma_wait3A_238 = tpu.memref_slice %arg26[%dma_wait3A_237] : memref<128xf32, #tpu.memory_space<vmem>> -> memref<128xf32, #tpu.memory_space<vmem>>
          %dma_wait3A_239 = tpu.memref_slice %arg28[%add3A_166] : memref<34816xf32, #tpu.memory_space<vmem_shared>> -> memref<128xf32, #tpu.memory_space<vmem_shared>>
          %dma_wait3A_240 = arith.constant 0 : i32
          %dma_wait3A_241 = tpu.memref_slice %arg26[%dma_wait3A_240] : memref<128xf32, #tpu.memory_space<vmem>> -> memref<128xf32, #tpu.memory_space<vmem>>
          %dma_wait3A_242 = tpu.memref_slice %arg28[%add3A_166] : memref<34816xf32, #tpu.memory_space<vmem_shared>> -> memref<128xf32, #tpu.memory_space<vmem_shared>>
          tpu.wait_dma2 semaphore(%run_scoped3A_230 : memref<!tpu.dma_semaphore, #tpu.memory_space<semaphore_mem>>) src(%dma_wait3A_242 : memref<128xf32, #tpu.memory_space<vmem_shared>>) dst(%dma_wait3A_241 : memref<128xf32, #tpu.memory_space<vmem>>)
          tpu.yield
        }) : () -> ()
        %scan3A_167 = arith.constant 0 : i32
        %scan3A_168 = arith.constant 0 : i32
        %scan3A_169 = arith.constant 8 : i32
        %scan3A_170 = arith.addi %scan3A_168, %scan3A_169 : i32
        %scan3A_171 = arith.constant 1 : i32
        %scan3A_172 = scf.for %scan3A_230 = %scan3A_168 to %scan3A_170 step %scan3A_171 iter_args(%scan3A_231 = %scan3A_167) -> (i32)  : i32 {
          %mul3A_232 = arith.constant 16 : i32
          %mul3A_233 = arith.muli %scan3A_230, %mul3A_232 : i32
          %get3A = arith.index_cast %mul3A_233 : i32 to index
          %get3A_234 = tpu.vector_load %arg25[%get3A] {strides = array<i32>} : memref<128xf32, #tpu.memory_space<vmem>>, vector<16xf32>,
          %mul3A_235 = arith.constant 16 : i32
          %mul3A_236 = arith.muli %scan3A_230, %mul3A_235 : i32
          %get3A_237 = arith.index_cast %mul3A_236 : i32 to index
          %get3A_238 = tpu.vector_load %arg26[%get3A_237] {strides = array<i32>} : memref<128xf32, #tpu.memory_space<vmem>>, vector<16xf32>,
          %add3A_239 = arith.addf %get3A_234, %get3A_238 : vector<16xf32>
          %mul3A_240 = arith.constant 16 : i32
          %mul3A_241 = arith.muli %scan3A_230, %mul3A_240 : i32
          %swap3A = arith.index_cast %mul3A_241 : i32 to index
          %swap3A_242 = tpu.vector_load %arg25[%swap3A] {strides = array<i32>} : memref<128xf32, #tpu.memory_space<vmem>>, vector<16xf32>,
          tpu.vector_store %arg25[%swap3A], %add3A_239 {strides = array<i32>} : memref<128xf32, #tpu.memory_space<vmem>>, vector<16xf32>,
          %scan3A_243 = arith.constant 0 : i32
          scf.yield %scan3A_243 : i32
        }
        %scan3A_173 = arith.constant 8 : i32
        %add3A_174 = arith.constant 24576 : i32
        %add3A_175 = arith.addi %add3A_174, %multiple_of3A : i32
        "tpu.region"() ({
          %run_scoped3A_230 = tpu.sem_alloc : memref<!tpu.dma_semaphore, #tpu.memory_space<semaphore_mem>>
          %dma_start3A_231 = arith.constant 0 : i32
          %dma_start3A_232 = tpu.memref_slice %arg26[%dma_start3A_231] : memref<128xf32, #tpu.memory_space<vmem>> -> memref<128xf32, #tpu.memory_space<vmem>>
          %dma_start3A_233 = tpu.memref_slice %arg28[%add3A_175] : memref<34816xf32, #tpu.memory_space<vmem_shared>> -> memref<128xf32, #tpu.memory_space<vmem_shared>>
          %dma_start3A_234 = arith.constant 0 : i32
          %dma_start3A_235 = tpu.memref_slice %arg26[%dma_start3A_234] : memref<128xf32, #tpu.memory_space<vmem>> -> memref<128xf32, #tpu.memory_space<vmem>>
          %dma_start3A_236 = tpu.memref_slice %arg28[%add3A_175] : memref<34816xf32, #tpu.memory_space<vmem_shared>> -> memref<128xf32, #tpu.memory_space<vmem_shared>>
          tpu.enqueue_dma source(%dma_start3A_236 : memref<128xf32, #tpu.memory_space<vmem_shared>>) target(%dma_start3A_235 : memref<128xf32, #tpu.memory_space<vmem>>) target_semaphore(%run_scoped3A_230 : memref<!tpu.dma_semaphore, #tpu.memory_space<semaphore_mem>>)
          %dma_wait3A_237 = arith.constant 0 : i32
          %dma_wait3A_238 = tpu.memref_slice %arg26[%dma_wait3A_237] : memref<128xf32, #tpu.memory_space<vmem>> -> memref<128xf32, #tpu.memory_space<vmem>>
          %dma_wait3A_239 = tpu.memref_slice %arg28[%add3A_175] : memref<34816xf32, #tpu.memory_space<vmem_shared>> -> memref<128xf32, #tpu.memory_space<vmem_shared>>
          %dma_wait3A_240 = arith.constant 0 : i32
          %dma_wait3A_241 = tpu.memref_slice %arg26[%dma_wait3A_240] : memref<128xf32, #tpu.memory_space<vmem>> -> memref<128xf32, #tpu.memory_space<vmem>>
          %dma_wait3A_242 = tpu.memref_slice %arg28[%add3A_175] : memref<34816xf32, #tpu.memory_space<vmem_shared>> -> memref<128xf32, #tpu.memory_space<vmem_shared>>
          tpu.wait_dma2 semaphore(%run_scoped3A_230 : memref<!tpu.dma_semaphore, #tpu.memory_space<semaphore_mem>>) src(%dma_wait3A_242 : memref<128xf32, #tpu.memory_space<vmem_shared>>) dst(%dma_wait3A_241 : memref<128xf32, #tpu.memory_space<vmem>>)
          tpu.yield
        }) : () -> ()
        %scan3A_176 = arith.constant 0 : i32
        %scan3A_177 = arith.constant 0 : i32
        %scan3A_178 = arith.constant 8 : i32
        %scan3A_179 = arith.addi %scan3A_177, %scan3A_178 : i32
        %scan3A_180 = arith.constant 1 : i32
        %scan3A_181 = scf.for %scan3A_230 = %scan3A_177 to %scan3A_179 step %scan3A_180 iter_args(%scan3A_231 = %scan3A_176) -> (i32)  : i32 {
          %mul3A_232 = arith.constant 16 : i32
          %mul3A_233 = arith.muli %scan3A_230, %mul3A_232 : i32
          %get3A = arith.index_cast %mul3A_233 : i32 to index
          %get3A_234 = tpu.vector_load %arg25[%get3A] {strides = array<i32>} : memref<128xf32, #tpu.memory_space<vmem>>, vector<16xf32>,
          %mul3A_235 = arith.constant 16 : i32
          %mul3A_236 = arith.muli %scan3A_230, %mul3A_235 : i32
          %get3A_237 = arith.index_cast %mul3A_236 : i32 to index
          %get3A_238 = tpu.vector_load %arg26[%get3A_237] {strides = array<i32>} : memref<128xf32, #tpu.memory_space<vmem>>, vector<16xf32>,
          %add3A_239 = arith.addf %get3A_234, %get3A_238 : vector<16xf32>
          %mul3A_240 = arith.constant 16 : i32
          %mul3A_241 = arith.muli %scan3A_230, %mul3A_240 : i32
          %swap3A = arith.index_cast %mul3A_241 : i32 to index
          %swap3A_242 = tpu.vector_load %arg25[%swap3A] {strides = array<i32>} : memref<128xf32, #tpu.memory_space<vmem>>, vector<16xf32>,
          tpu.vector_store %arg25[%swap3A], %add3A_239 {strides = array<i32>} : memref<128xf32, #tpu.memory_space<vmem>>, vector<16xf32>,
          %scan3A_243 = arith.constant 0 : i32
          scf.yield %scan3A_243 : i32
        }
        %scan3A_182 = arith.constant 8 : i32
        %add3A_183 = arith.constant 26624 : i32
        %add3A_184 = arith.addi %add3A_183, %multiple_of3A : i32
        "tpu.region"() ({
          %run_scoped3A_230 = tpu.sem_alloc : memref<!tpu.dma_semaphore, #tpu.memory_space<semaphore_mem>>
          %dma_start3A_231 = arith.constant 0 : i32
          %dma_start3A_232 = tpu.memref_slice %arg26[%dma_start3A_231] : memref<128xf32, #tpu.memory_space<vmem>> -> memref<128xf32, #tpu.memory_space<vmem>>
          %dma_start3A_233 = tpu.memref_slice %arg28[%add3A_184] : memref<34816xf32, #tpu.memory_space<vmem_shared>> -> memref<128xf32, #tpu.memory_space<vmem_shared>>
          %dma_start3A_234 = arith.constant 0 : i32
          %dma_start3A_235 = tpu.memref_slice %arg26[%dma_start3A_234] : memref<128xf32, #tpu.memory_space<vmem>> -> memref<128xf32, #tpu.memory_space<vmem>>
          %dma_start3A_236 = tpu.memref_slice %arg28[%add3A_184] : memref<34816xf32, #tpu.memory_space<vmem_shared>> -> memref<128xf32, #tpu.memory_space<vmem_shared>>
          tpu.enqueue_dma source(%dma_start3A_236 : memref<128xf32, #tpu.memory_space<vmem_shared>>) target(%dma_start3A_235 : memref<128xf32, #tpu.memory_space<vmem>>) target_semaphore(%run_scoped3A_230 : memref<!tpu.dma_semaphore, #tpu.memory_space<semaphore_mem>>)
          %dma_wait3A_237 = arith.constant 0 : i32
          %dma_wait3A_238 = tpu.memref_slice %arg26[%dma_wait3A_237] : memref<128xf32, #tpu.memory_space<vmem>> -> memref<128xf32, #tpu.memory_space<vmem>>
          %dma_wait3A_239 = tpu.memref_slice %arg28[%add3A_184] : memref<34816xf32, #tpu.memory_space<vmem_shared>> -> memref<128xf32, #tpu.memory_space<vmem_shared>>
          %dma_wait3A_240 = arith.constant 0 : i32
          %dma_wait3A_241 = tpu.memref_slice %arg26[%dma_wait3A_240] : memref<128xf32, #tpu.memory_space<vmem>> -> memref<128xf32, #tpu.memory_space<vmem>>
          %dma_wait3A_242 = tpu.memref_slice %arg28[%add3A_184] : memref<34816xf32, #tpu.memory_space<vmem_shared>> -> memref<128xf32, #tpu.memory_space<vmem_shared>>
          tpu.wait_dma2 semaphore(%run_scoped3A_230 : memref<!tpu.dma_semaphore, #tpu.memory_space<semaphore_mem>>) src(%dma_wait3A_242 : memref<128xf32, #tpu.memory_space<vmem_shared>>) dst(%dma_wait3A_241 : memref<128xf32, #tpu.memory_space<vmem>>)
          tpu.yield
        }) : () -> ()
        %scan3A_185 = arith.constant 0 : i32
        %scan3A_186 = arith.constant 0 : i32
        %scan3A_187 = arith.constant 8 : i32
        %scan3A_188 = arith.addi %scan3A_186, %scan3A_187 : i32
        %scan3A_189 = arith.constant 1 : i32
        %scan3A_190 = scf.for %scan3A_230 = %scan3A_186 to %scan3A_188 step %scan3A_189 iter_args(%scan3A_231 = %scan3A_185) -> (i32)  : i32 {
          %mul3A_232 = arith.constant 16 : i32
          %mul3A_233 = arith.muli %scan3A_230, %mul3A_232 : i32
          %get3A = arith.index_cast %mul3A_233 : i32 to index
          %get3A_234 = tpu.vector_load %arg25[%get3A] {strides = array<i32>} : memref<128xf32, #tpu.memory_space<vmem>>, vector<16xf32>,
          %mul3A_235 = arith.constant 16 : i32
          %mul3A_236 = arith.muli %scan3A_230, %mul3A_235 : i32
          %get3A_237 = arith.index_cast %mul3A_236 : i32 to index
          %get3A_238 = tpu.vector_load %arg26[%get3A_237] {strides = array<i32>} : memref<128xf32, #tpu.memory_space<vmem>>, vector<16xf32>,
          %add3A_239 = arith.addf %get3A_234, %get3A_238 : vector<16xf32>
          %mul3A_240 = arith.constant 16 : i32
          %mul3A_241 = arith.muli %scan3A_230, %mul3A_240 : i32
          %swap3A = arith.index_cast %mul3A_241 : i32 to index
          %swap3A_242 = tpu.vector_load %arg25[%swap3A] {strides = array<i32>} : memref<128xf32, #tpu.memory_space<vmem>>, vector<16xf32>,
          tpu.vector_store %arg25[%swap3A], %add3A_239 {strides = array<i32>} : memref<128xf32, #tpu.memory_space<vmem>>, vector<16xf32>,
          %scan3A_243 = arith.constant 0 : i32
          scf.yield %scan3A_243 : i32
        }
        %scan3A_191 = arith.constant 8 : i32
        %add3A_192 = arith.constant 28672 : i32
        %add3A_193 = arith.addi %add3A_192, %multiple_of3A : i32
        "tpu.region"() ({
          %run_scoped3A_230 = tpu.sem_alloc : memref<!tpu.dma_semaphore, #tpu.memory_space<semaphore_mem>>
          %dma_start3A_231 = arith.constant 0 : i32
          %dma_start3A_232 = tpu.memref_slice %arg26[%dma_start3A_231] : memref<128xf32, #tpu.memory_space<vmem>> -> memref<128xf32, #tpu.memory_space<vmem>>
          %dma_start3A_233 = tpu.memref_slice %arg28[%add3A_193] : memref<34816xf32, #tpu.memory_space<vmem_shared>> -> memref<128xf32, #tpu.memory_space<vmem_shared>>
          %dma_start3A_234 = arith.constant 0 : i32
          %dma_start3A_235 = tpu.memref_slice %arg26[%dma_start3A_234] : memref<128xf32, #tpu.memory_space<vmem>> -> memref<128xf32, #tpu.memory_space<vmem>>
          %dma_start3A_236 = tpu.memref_slice %arg28[%add3A_193] : memref<34816xf32, #tpu.memory_space<vmem_shared>> -> memref<128xf32, #tpu.memory_space<vmem_shared>>
          tpu.enqueue_dma source(%dma_start3A_236 : memref<128xf32, #tpu.memory_space<vmem_shared>>) target(%dma_start3A_235 : memref<128xf32, #tpu.memory_space<vmem>>) target_semaphore(%run_scoped3A_230 : memref<!tpu.dma_semaphore, #tpu.memory_space<semaphore_mem>>)
          %dma_wait3A_237 = arith.constant 0 : i32
          %dma_wait3A_238 = tpu.memref_slice %arg26[%dma_wait3A_237] : memref<128xf32, #tpu.memory_space<vmem>> -> memref<128xf32, #tpu.memory_space<vmem>>
          %dma_wait3A_239 = tpu.memref_slice %arg28[%add3A_193] : memref<34816xf32, #tpu.memory_space<vmem_shared>> -> memref<128xf32, #tpu.memory_space<vmem_shared>>
          %dma_wait3A_240 = arith.constant 0 : i32
          %dma_wait3A_241 = tpu.memref_slice %arg26[%dma_wait3A_240] : memref<128xf32, #tpu.memory_space<vmem>> -> memref<128xf32, #tpu.memory_space<vmem>>
          %dma_wait3A_242 = tpu.memref_slice %arg28[%add3A_193] : memref<34816xf32, #tpu.memory_space<vmem_shared>> -> memref<128xf32, #tpu.memory_space<vmem_shared>>
          tpu.wait_dma2 semaphore(%run_scoped3A_230 : memref<!tpu.dma_semaphore, #tpu.memory_space<semaphore_mem>>) src(%dma_wait3A_242 : memref<128xf32, #tpu.memory_space<vmem_shared>>) dst(%dma_wait3A_241 : memref<128xf32, #tpu.memory_space<vmem>>)
          tpu.yield
        }) : () -> ()
        %scan3A_194 = arith.constant 0 : i32
        %scan3A_195 = arith.constant 0 : i32
        %scan3A_196 = arith.constant 8 : i32
        %scan3A_197 = arith.addi %scan3A_195, %scan3A_196 : i32
        %scan3A_198 = arith.constant 1 : i32
        %scan3A_199 = scf.for %scan3A_230 = %scan3A_195 to %scan3A_197 step %scan3A_198 iter_args(%scan3A_231 = %scan3A_194) -> (i32)  : i32 {
          %mul3A_232 = arith.constant 16 : i32
          %mul3A_233 = arith.muli %scan3A_230, %mul3A_232 : i32
          %get3A = arith.index_cast %mul3A_233 : i32 to index
          %get3A_234 = tpu.vector_load %arg25[%get3A] {strides = array<i32>} : memref<128xf32, #tpu.memory_space<vmem>>, vector<16xf32>,
          %mul3A_235 = arith.constant 16 : i32
          %mul3A_236 = arith.muli %scan3A_230, %mul3A_235 : i32
          %get3A_237 = arith.index_cast %mul3A_236 : i32 to index
          %get3A_238 = tpu.vector_load %arg26[%get3A_237] {strides = array<i32>} : memref<128xf32, #tpu.memory_space<vmem>>, vector<16xf32>,
          %add3A_239 = arith.addf %get3A_234, %get3A_238 : vector<16xf32>
          %mul3A_240 = arith.constant 16 : i32
          %mul3A_241 = arith.muli %scan3A_230, %mul3A_240 : i32
          %swap3A = arith.index_cast %mul3A_241 : i32 to index
          %swap3A_242 = tpu.vector_load %arg25[%swap3A] {strides = array<i32>} : memref<128xf32, #tpu.memory_space<vmem>>, vector<16xf32>,
          tpu.vector_store %arg25[%swap3A], %add3A_239 {strides = array<i32>} : memref<128xf32, #tpu.memory_space<vmem>>, vector<16xf32>,
          %scan3A_243 = arith.constant 0 : i32
          scf.yield %scan3A_243 : i32
        }
        %scan3A_200 = arith.constant 8 : i32
        %add3A_201 = arith.constant 30720 : i32
        %add3A_202 = arith.addi %add3A_201, %multiple_of3A : i32
        "tpu.region"() ({
          %run_scoped3A_230 = tpu.sem_alloc : memref<!tpu.dma_semaphore, #tpu.memory_space<semaphore_mem>>
          %dma_start3A_231 = arith.constant 0 : i32
          %dma_start3A_232 = tpu.memref_slice %arg26[%dma_start3A_231] : memref<128xf32, #tpu.memory_space<vmem>> -> memref<128xf32, #tpu.memory_space<vmem>>
          %dma_start3A_233 = tpu.memref_slice %arg28[%add3A_202] : memref<34816xf32, #tpu.memory_space<vmem_shared>> -> memref<128xf32, #tpu.memory_space<vmem_shared>>
          %dma_start3A_234 = arith.constant 0 : i32
          %dma_start3A_235 = tpu.memref_slice %arg26[%dma_start3A_234] : memref<128xf32, #tpu.memory_space<vmem>> -> memref<128xf32, #tpu.memory_space<vmem>>
          %dma_start3A_236 = tpu.memref_slice %arg28[%add3A_202] : memref<34816xf32, #tpu.memory_space<vmem_shared>> -> memref<128xf32, #tpu.memory_space<vmem_shared>>
          tpu.enqueue_dma source(%dma_start3A_236 : memref<128xf32, #tpu.memory_space<vmem_shared>>) target(%dma_start3A_235 : memref<128xf32, #tpu.memory_space<vmem>>) target_semaphore(%run_scoped3A_230 : memref<!tpu.dma_semaphore, #tpu.memory_space<semaphore_mem>>)
          %dma_wait3A_237 = arith.constant 0 : i32
          %dma_wait3A_238 = tpu.memref_slice %arg26[%dma_wait3A_237] : memref<128xf32, #tpu.memory_space<vmem>> -> memref<128xf32, #tpu.memory_space<vmem>>
          %dma_wait3A_239 = tpu.memref_slice %arg28[%add3A_202] : memref<34816xf32, #tpu.memory_space<vmem_shared>> -> memref<128xf32, #tpu.memory_space<vmem_shared>>
          %dma_wait3A_240 = arith.constant 0 : i32
          %dma_wait3A_241 = tpu.memref_slice %arg26[%dma_wait3A_240] : memref<128xf32, #tpu.memory_space<vmem>> -> memref<128xf32, #tpu.memory_space<vmem>>
          %dma_wait3A_242 = tpu.memref_slice %arg28[%add3A_202] : memref<34816xf32, #tpu.memory_space<vmem_shared>> -> memref<128xf32, #tpu.memory_space<vmem_shared>>
          tpu.wait_dma2 semaphore(%run_scoped3A_230 : memref<!tpu.dma_semaphore, #tpu.memory_space<semaphore_mem>>) src(%dma_wait3A_242 : memref<128xf32, #tpu.memory_space<vmem_shared>>) dst(%dma_wait3A_241 : memref<128xf32, #tpu.memory_space<vmem>>)
          tpu.yield
        }) : () -> ()
        %scan3A_203 = arith.constant 0 : i32
        %scan3A_204 = arith.constant 0 : i32
        %scan3A_205 = arith.constant 8 : i32
        %scan3A_206 = arith.addi %scan3A_204, %scan3A_205 : i32
        %scan3A_207 = arith.constant 1 : i32
        %scan3A_208 = scf.for %scan3A_230 = %scan3A_204 to %scan3A_206 step %scan3A_207 iter_args(%scan3A_231 = %scan3A_203) -> (i32)  : i32 {
          %mul3A_232 = arith.constant 16 : i32
          %mul3A_233 = arith.muli %scan3A_230, %mul3A_232 : i32
          %get3A = arith.index_cast %mul3A_233 : i32 to index
          %get3A_234 = tpu.vector_load %arg25[%get3A] {strides = array<i32>} : memref<128xf32, #tpu.memory_space<vmem>>, vector<16xf32>,
          %mul3A_235 = arith.constant 16 : i32
          %mul3A_236 = arith.muli %scan3A_230, %mul3A_235 : i32
          %get3A_237 = arith.index_cast %mul3A_236 : i32 to index
          %get3A_238 = tpu.vector_load %arg26[%get3A_237] {strides = array<i32>} : memref<128xf32, #tpu.memory_space<vmem>>, vector<16xf32>,
          %add3A_239 = arith.addf %get3A_234, %get3A_238 : vector<16xf32>
          %mul3A_240 = arith.constant 16 : i32
          %mul3A_241 = arith.muli %scan3A_230, %mul3A_240 : i32
          %swap3A = arith.index_cast %mul3A_241 : i32 to index
          %swap3A_242 = tpu.vector_load %arg25[%swap3A] {strides = array<i32>} : memref<128xf32, #tpu.memory_space<vmem>>, vector<16xf32>,
          tpu.vector_store %arg25[%swap3A], %add3A_239 {strides = array<i32>} : memref<128xf32, #tpu.memory_space<vmem>>, vector<16xf32>,
          %scan3A_243 = arith.constant 0 : i32
          scf.yield %scan3A_243 : i32
        }
        %scan3A_209 = arith.constant 8 : i32
        %add3A_210 = arith.constant 32768 : i32
        %add3A_211 = arith.addi %add3A_210, %multiple_of3A : i32
        "tpu.region"() ({
          %run_scoped3A_230 = tpu.sem_alloc : memref<!tpu.dma_semaphore, #tpu.memory_space<semaphore_mem>>
          %dma_start3A_231 = arith.constant 0 : i32
          %dma_start3A_232 = tpu.memref_slice %arg25[%dma_start3A_231] : memref<128xf32, #tpu.memory_space<vmem>> -> memref<128xf32, #tpu.memory_space<vmem>>
          %dma_start3A_233 = tpu.memref_slice %arg28[%add3A_211] : memref<34816xf32, #tpu.memory_space<vmem_shared>> -> memref<128xf32, #tpu.memory_space<vmem_shared>>
          %dma_start3A_234 = tpu.memref_slice %arg28[%add3A_211] : memref<34816xf32, #tpu.memory_space<vmem_shared>> -> memref<128xf32, #tpu.memory_space<vmem_shared>>
          %dma_start3A_235 = arith.constant 0 : i32
          %dma_start3A_236 = tpu.memref_slice %arg25[%dma_start3A_235] : memref<128xf32, #tpu.memory_space<vmem>> -> memref<128xf32, #tpu.memory_space<vmem>>
          tpu.enqueue_dma source(%dma_start3A_236 : memref<128xf32, #tpu.memory_space<vmem>>) target(%dma_start3A_234 : memref<128xf32, #tpu.memory_space<vmem_shared>>) target_semaphore(%run_scoped3A_230 : memref<!tpu.dma_semaphore, #tpu.memory_space<semaphore_mem>>)
          %dma_wait3A_237 = arith.constant 0 : i32
          %dma_wait3A_238 = tpu.memref_slice %arg25[%dma_wait3A_237] : memref<128xf32, #tpu.memory_space<vmem>> -> memref<128xf32, #tpu.memory_space<vmem>>
          %dma_wait3A_239 = tpu.memref_slice %arg28[%add3A_211] : memref<34816xf32, #tpu.memory_space<vmem_shared>> -> memref<128xf32, #tpu.memory_space<vmem_shared>>
          %dma_wait3A_240 = tpu.memref_slice %arg28[%add3A_211] : memref<34816xf32, #tpu.memory_space<vmem_shared>> -> memref<128xf32, #tpu.memory_space<vmem_shared>>
          %dma_wait3A_241 = arith.constant 0 : i32
          %dma_wait3A_242 = tpu.memref_slice %arg25[%dma_wait3A_241] : memref<128xf32, #tpu.memory_space<vmem>> -> memref<128xf32, #tpu.memory_space<vmem>>
          tpu.wait_dma2 semaphore(%run_scoped3A_230 : memref<!tpu.dma_semaphore, #tpu.memory_space<semaphore_mem>>) src(%dma_wait3A_242 : memref<128xf32, #tpu.memory_space<vmem>>) dst(%dma_wait3A_240 : memref<128xf32, #tpu.memory_space<vmem_shared>>)
          tpu.yield
        }) : () -> ()
        %barrier3A_212 = arith.constant 0 : index
        tpu.barrier barrier_id(%barrier3A_212)
        "tpu.region"() ({
          %run_scoped3A_230 = tpu.sem_alloc : memref<!tpu.dma_semaphore, #tpu.memory_space<semaphore_mem>>
          %dma_start3A_231 = arith.constant 0 : i32
          %dma_start3A_232 = tpu.memref_slice %arg14[%dma_start3A_231] : memref<2048xf32, #tpu.memory_space<vmem>> -> memref<2048xf32, #tpu.memory_space<vmem>>
          %dma_start3A_233 = arith.constant 32768 : i32
          %dma_start3A_234 = tpu.memref_slice %arg28[%dma_start3A_233] : memref<34816xf32, #tpu.memory_space<vmem_shared>> -> memref<2048xf32, #tpu.memory_space<vmem_shared>>
          %dma_start3A_235 = arith.constant 0 : i32
          %dma_start3A_236 = tpu.memref_slice %arg14[%dma_start3A_235] : memref<2048xf32, #tpu.memory_space<vmem>> -> memref<2048xf32, #tpu.memory_space<vmem>>
          %dma_start3A_237 = arith.constant 32768 : i32
          %dma_start3A_238 = tpu.memref_slice %arg28[%dma_start3A_237] : memref<34816xf32, #tpu.memory_space<vmem_shared>> -> memref<2048xf32, #tpu.memory_space<vmem_shared>>
          tpu.enqueue_dma source(%dma_start3A_238 : memref<2048xf32, #tpu.memory_space<vmem_shared>>) target(%dma_start3A_236 : memref<2048xf32, #tpu.memory_space<vmem>>) target_semaphore(%run_scoped3A_230 : memref<!tpu.dma_semaphore, #tpu.memory_space<semaphore_mem>>)
          %dma_wait3A_239 = arith.constant 0 : i32
          %dma_wait3A_240 = tpu.memref_slice %arg14[%dma_wait3A_239] : memref<2048xf32, #tpu.memory_space<vmem>> -> memref<2048xf32, #tpu.memory_space<vmem>>
          %dma_wait3A_241 = arith.constant 32768 : i32
          %dma_wait3A_242 = tpu.memref_slice %arg28[%dma_wait3A_241] : memref<34816xf32, #tpu.memory_space<vmem_shared>> -> memref<2048xf32, #tpu.memory_space<vmem_shared>>
          %dma_wait3A_243 = arith.constant 0 : i32
          %dma_wait3A_244 = tpu.memref_slice %arg14[%dma_wait3A_243] : memref<2048xf32, #tpu.memory_space<vmem>> -> memref<2048xf32, #tpu.memory_space<vmem>>
          %dma_wait3A_245 = arith.constant 32768 : i32
          %dma_wait3A_246 = tpu.memref_slice %arg28[%dma_wait3A_245] : memref<34816xf32, #tpu.memory_space<vmem_shared>> -> memref<2048xf32, #tpu.memory_space<vmem_shared>>
          tpu.wait_dma2 semaphore(%run_scoped3A_230 : memref<!tpu.dma_semaphore, #tpu.memory_space<semaphore_mem>>) src(%dma_wait3A_246 : memref<2048xf32, #tpu.memory_space<vmem_shared>>) dst(%dma_wait3A_244 : memref<2048xf32, #tpu.memory_space<vmem>>)
          tpu.yield
        }) : () -> ()
        %barrier3A_213 = arith.constant 0 : index
        tpu.barrier barrier_id(%barrier3A_213)
        %dma_wait3A = tpu.memref_slice %arg2[%mul3A_46] : memref<1280000xf32, #tpu.memory_space<hbm>> -> memref<40000xf32, #tpu.memory_space<hbm>>
        %dma_wait3A_214 = tpu.memref_slice %arg2[%mul3A_46] : memref<1280000xf32, #tpu.memory_space<hbm>> -> memref<40000xf32, #tpu.memory_space<hbm>>
        tpu.wait_dma2 semaphore(%arg21 : memref<!tpu.dma_semaphore, #tpu.memory_space<semaphore_mem>>) src(%dma_wait3A_214 : memref<40000xf32, #tpu.memory_space<hbm>>) dst(%run_scoped3A_43 : memref<40000xf32, #tpu.memory_space<vmem>>)
        tpu.wait_dma2 semaphore(%arg22 : memref<!tpu.dma_semaphore, #tpu.memory_space<semaphore_mem>>) src(%arg7 : memref<40000xf32, #tpu.memory_space<hbm>>) dst(%run_scoped3A_44 : memref<40000xf32, #tpu.memory_space<vmem>>)
        %dma_start3A_215 = arith.constant 0 : i32
        %dma_start3A_216 = tpu.memref_slice %arg3[%dma_start3A_215] : memref<80000xi32, #tpu.memory_space<hbm>> -> memref<800xi32, #tpu.memory_space<hbm>>
        %dma_start3A_217 = arith.constant 0 : i32
        %dma_start3A_218 = tpu.memref_slice %arg3[%dma_start3A_217] : memref<80000xi32, #tpu.memory_space<hbm>> -> memref<800xi32, #tpu.memory_space<hbm>>
        tpu.enqueue_dma source(%dma_start3A_218 : memref<800xi32, #tpu.memory_space<hbm>>) target(%arg17 : memref<800xi32, #tpu.memory_space<vmem>>) target_semaphore(%arg21 : memref<!tpu.dma_semaphore, #tpu.memory_space<semaphore_mem>>)
        %dma_start3A_219 = arith.constant 0 : i32
        %dma_start3A_220 = tpu.memref_slice %arg4[%dma_start3A_219] : memref<80000xi32, #tpu.memory_space<hbm>> -> memref<800xi32, #tpu.memory_space<hbm>>
        %dma_start3A_221 = arith.constant 0 : i32
        %dma_start3A_222 = tpu.memref_slice %arg4[%dma_start3A_221] : memref<80000xi32, #tpu.memory_space<hbm>> -> memref<800xi32, #tpu.memory_space<hbm>>
        tpu.enqueue_dma source(%dma_start3A_222 : memref<800xi32, #tpu.memory_space<hbm>>) target(%arg19 : memref<800xi32, #tpu.memory_space<vmem>>) target_semaphore(%arg22 : memref<!tpu.dma_semaphore, #tpu.memory_space<semaphore_mem>>)
        %scan3A_223 = arith.constant 0 : i32
        %scan3A_224 = arith.constant 0 : i32
        %scan3A_225 = arith.constant 100 : i32
        %scan3A_226 = arith.addi %scan3A_224, %scan3A_225 : i32
        %scan3A_227 = arith.constant 1 : i32
        %scan3A_228 = scf.for %scan3A_230 = %scan3A_224 to %scan3A_226 step %scan3A_227 iter_args(%scan3A_231 = %scan3A_223) -> (i32)  : i32 {
          %rem3A = arith.constant 2 : i32
          %rem3A_232 = arith.remsi %scan3A_230, %rem3A : i32
          %add3A_233 = arith.constant 1 : i32
          %add3A_234 = arith.addi %scan3A_230, %add3A_233 : i32
          %lt3A = arith.constant 100 : i32
          %lt3A_235 = arith.cmpi slt, %add3A_234, %lt3A : i32
          %eq3A_236 = arith.constant 0 : i32
          %eq3A_237 = arith.cmpi eq, %rem3A_232, %eq3A_236 : i32
          %and3A_238 = arith.andi %lt3A_235, %eq3A_237 : i1
          %convert_element_type3A = arith.extui %and3A_238 : i1 to i32
          %cond3A = arith.constant 0 : i32
          %cond3A_239 = arith.cmpi ne, %convert_element_type3A, %cond3A : i32
          scf.if %cond3A_239 {
            %add3A_261 = arith.constant 1 : i32
            %add3A_262 = arith.addi %scan3A_230, %add3A_261 : i32
            %mul3A_263 = arith.constant 800 : i32
            %mul3A_264 = arith.muli %add3A_262, %mul3A_263 : i32
            %dma_start3A_265 = tpu.memref_slice %arg3[%mul3A_264] : memref<80000xi32, #tpu.memory_space<hbm>> -> memref<800xi32, #tpu.memory_space<hbm>>
            %dma_start3A_266 = tpu.memref_slice %arg3[%mul3A_264] : memref<80000xi32, #tpu.memory_space<hbm>> -> memref<800xi32, #tpu.memory_space<hbm>>
            tpu.enqueue_dma source(%dma_start3A_266 : memref<800xi32, #tpu.memory_space<hbm>>) target(%arg18 : memref<800xi32, #tpu.memory_space<vmem>>) target_semaphore(%arg23 : memref<!tpu.dma_semaphore, #tpu.memory_space<semaphore_mem>>)
            %mul3A_267 = arith.constant 800 : i32
            %mul3A_268 = arith.muli %add3A_262, %mul3A_267 : i32
            %dma_start3A_269 = tpu.memref_slice %arg4[%mul3A_268] : memref<80000xi32, #tpu.memory_space<hbm>> -> memref<800xi32, #tpu.memory_space<hbm>>
            %dma_start3A_270 = tpu.memref_slice %arg4[%mul3A_268] : memref<80000xi32, #tpu.memory_space<hbm>> -> memref<800xi32, #tpu.memory_space<hbm>>
            tpu.enqueue_dma source(%dma_start3A_270 : memref<800xi32, #tpu.memory_space<hbm>>) target(%arg20 : memref<800xi32, #tpu.memory_space<vmem>>) target_semaphore(%arg24 : memref<!tpu.dma_semaphore, #tpu.memory_space<semaphore_mem>>)
          } else {
          }
          %add3A_240 = arith.constant 1 : i32
          %add3A_241 = arith.addi %scan3A_230, %add3A_240 : i32
          %lt3A_242 = arith.constant 100 : i32
          %lt3A_243 = arith.cmpi slt, %add3A_241, %lt3A_242 : i32
          %eq3A_244 = arith.constant 1 : i32
          %eq3A_245 = arith.cmpi eq, %rem3A_232, %eq3A_244 : i32
          %and3A_246 = arith.andi %lt3A_243, %eq3A_245 : i1
          %convert_element_type3A_247 = arith.extui %and3A_246 : i1 to i32
          %cond3A_248 = arith.constant 0 : i32
          %cond3A_249 = arith.cmpi ne, %convert_element_type3A_247, %cond3A_248 : i32
          scf.if %cond3A_249 {
            %add3A_261 = arith.constant 1 : i32
            %add3A_262 = arith.addi %scan3A_230, %add3A_261 : i32
            %mul3A_263 = arith.constant 800 : i32
            %mul3A_264 = arith.muli %add3A_262, %mul3A_263 : i32
            %dma_start3A_265 = tpu.memref_slice %arg3[%mul3A_264] : memref<80000xi32, #tpu.memory_space<hbm>> -> memref<800xi32, #tpu.memory_space<hbm>>
            %dma_start3A_266 = tpu.memref_slice %arg3[%mul3A_264] : memref<80000xi32, #tpu.memory_space<hbm>> -> memref<800xi32, #tpu.memory_space<hbm>>
            tpu.enqueue_dma source(%dma_start3A_266 : memref<800xi32, #tpu.memory_space<hbm>>) target(%arg17 : memref<800xi32, #tpu.memory_space<vmem>>) target_semaphore(%arg21 : memref<!tpu.dma_semaphore, #tpu.memory_space<semaphore_mem>>)
            %mul3A_267 = arith.constant 800 : i32
            %mul3A_268 = arith.muli %add3A_262, %mul3A_267 : i32
            %dma_start3A_269 = tpu.memref_slice %arg4[%mul3A_268] : memref<80000xi32, #tpu.memory_space<hbm>> -> memref<800xi32, #tpu.memory_space<hbm>>
            %dma_start3A_270 = tpu.memref_slice %arg4[%mul3A_268] : memref<80000xi32, #tpu.memory_space<hbm>> -> memref<800xi32, #tpu.memory_space<hbm>>
            tpu.enqueue_dma source(%dma_start3A_270 : memref<800xi32, #tpu.memory_space<hbm>>) target(%arg19 : memref<800xi32, #tpu.memory_space<vmem>>) target_semaphore(%arg22 : memref<!tpu.dma_semaphore, #tpu.memory_space<semaphore_mem>>)
          } else {
          }
          %eq3A_250 = arith.constant 0 : i32
          %eq3A_251 = arith.cmpi eq, %rem3A_232, %eq3A_250 : i32
          %convert_element_type3A_252 = arith.extui %eq3A_251 : i1 to i32
          %cond3A_253 = arith.constant 0 : i32
          %cond3A_254 = arith.cmpi ne, %convert_element_type3A_252, %cond3A_253 : i32
          scf.if %cond3A_254 {
            %dma_wait3A_261 = arith.constant 0 : i32
            %dma_wait3A_262 = tpu.memref_slice %arg3[%dma_wait3A_261] : memref<80000xi32, #tpu.memory_space<hbm>> -> memref<800xi32, #tpu.memory_space<hbm>>
            %dma_wait3A_263 = arith.constant 0 : i32
            %dma_wait3A_264 = tpu.memref_slice %arg3[%dma_wait3A_263] : memref<80000xi32, #tpu.memory_space<hbm>> -> memref<800xi32, #tpu.memory_space<hbm>>
            tpu.wait_dma2 semaphore(%arg21 : memref<!tpu.dma_semaphore, #tpu.memory_space<semaphore_mem>>) src(%dma_wait3A_264 : memref<800xi32, #tpu.memory_space<hbm>>) dst(%arg17 : memref<800xi32, #tpu.memory_space<vmem>>)
            %dma_wait3A_265 = arith.constant 0 : i32
            %dma_wait3A_266 = tpu.memref_slice %arg4[%dma_wait3A_265] : memref<80000xi32, #tpu.memory_space<hbm>> -> memref<800xi32, #tpu.memory_space<hbm>>
            %dma_wait3A_267 = arith.constant 0 : i32
            %dma_wait3A_268 = tpu.memref_slice %arg4[%dma_wait3A_267] : memref<80000xi32, #tpu.memory_space<hbm>> -> memref<800xi32, #tpu.memory_space<hbm>>
            tpu.wait_dma2 semaphore(%arg22 : memref<!tpu.dma_semaphore, #tpu.memory_space<semaphore_mem>>) src(%dma_wait3A_268 : memref<800xi32, #tpu.memory_space<hbm>>) dst(%arg19 : memref<800xi32, #tpu.memory_space<vmem>>)
            %scan3A_269 = arith.constant 0 : i32
            %scan3A_270 = arith.constant 0 : i32
            %scan3A_271 = arith.constant 50 : i32
            %scan3A_272 = arith.addi %scan3A_270, %scan3A_271 : i32
            %scan3A_273 = arith.constant 1 : i32
            %scan3A_274 = scf.for %scan3A_276 = %scan3A_270 to %scan3A_272 step %scan3A_273 iter_args(%scan3A_277 = %scan3A_269) -> (i32)  : i32 {
              %mul3A_278 = arith.constant 16 : i32
              %mul3A_279 = arith.muli %scan3A_276, %mul3A_278 : i32
              %get3A = arith.index_cast %mul3A_279 : i32 to index
              %get3A_280 = tpu.vector_load %arg17[%get3A] {strides = array<i32>} : memref<800xi32, #tpu.memory_space<vmem>>, vector<16xi32>,
              %mul3A_281 = arith.constant 16 : i32
              %mul3A_282 = arith.muli %scan3A_276, %mul3A_281 : i32
              %get3A_283 = arith.index_cast %mul3A_282 : i32 to index
              %get3A_284 = tpu.vector_load %arg19[%get3A_283] {strides = array<i32>} : memref<800xi32, #tpu.memory_space<vmem>>, vector<16xi32>,
              %mul3A_285 = arith.constant 16 : i32
              %mul3A_286 = vector.broadcast %mul3A_285 : i32 to vector<16xi32>
              %mul3A_287 = arith.muli %get3A_284, %mul3A_286 : vector<16xi32>
              %add3A_288 = arith.constant 0 : i32
              %add3A_289 = vector.broadcast %add3A_288 : i32 to vector<16xi32>
              %add3A_290 = arith.addi %get3A_280, %add3A_289 : vector<16xi32>
              %gather3A = tpu.vector_load_idx %run_scoped3A_43[%add3A_290] : memref<40000xf32, #tpu.memory_space<vmem>>[vector<16xi32>], vector<16xf32>,
              %add3A_291 = arith.constant 10000 : i32
              %add3A_292 = vector.broadcast %add3A_291 : i32 to vector<16xi32>
              %add3A_293 = arith.addi %get3A_280, %add3A_292 : vector<16xi32>
              %gather3A_294 = tpu.vector_load_idx %run_scoped3A_43[%add3A_293] : memref<40000xf32, #tpu.memory_space<vmem>>[vector<16xi32>], vector<16xf32>,
              %add3A_295 = arith.constant 20000 : i32
              %add3A_296 = vector.broadcast %add3A_295 : i32 to vector<16xi32>
              %add3A_297 = arith.addi %get3A_280, %add3A_296 : vector<16xi32>
              %gather3A_298 = tpu.vector_load_idx %run_scoped3A_43[%add3A_297] : memref<40000xf32, #tpu.memory_space<vmem>>[vector<16xi32>], vector<16xf32>,
              %add3A_299 = arith.constant 30000 : i32
              %add3A_300 = vector.broadcast %add3A_299 : i32 to vector<16xi32>
              %add3A_301 = arith.addi %get3A_280, %add3A_300 : vector<16xi32>
              %gather3A_302 = tpu.vector_load_idx %run_scoped3A_43[%add3A_301] : memref<40000xf32, #tpu.memory_space<vmem>>[vector<16xi32>], vector<16xf32>,
              %add3A_303 = arith.constant 0 : i32
              %add3A_304 = vector.broadcast %add3A_303 : i32 to vector<16xi32>
              %add3A_305 = arith.addi %get3A_280, %add3A_304 : vector<16xi32>
              %gather3A_306 = tpu.vector_load_idx %run_scoped3A_44[%add3A_305] : memref<40000xf32, #tpu.memory_space<vmem>>[vector<16xi32>], vector<16xf32>,
              %add3A_307 = arith.constant 10000 : i32
              %add3A_308 = vector.broadcast %add3A_307 : i32 to vector<16xi32>
              %add3A_309 = arith.addi %get3A_280, %add3A_308 : vector<16xi32>
              %gather3A_310 = tpu.vector_load_idx %run_scoped3A_44[%add3A_309] : memref<40000xf32, #tpu.memory_space<vmem>>[vector<16xi32>], vector<16xf32>,
              %add3A_311 = arith.constant 20000 : i32
              %add3A_312 = vector.broadcast %add3A_311 : i32 to vector<16xi32>
              %add3A_313 = arith.addi %get3A_280, %add3A_312 : vector<16xi32>
              %gather3A_314 = tpu.vector_load_idx %run_scoped3A_44[%add3A_313] : memref<40000xf32, #tpu.memory_space<vmem>>[vector<16xi32>], vector<16xf32>,
              %add3A_315 = arith.constant 30000 : i32
              %add3A_316 = vector.broadcast %add3A_315 : i32 to vector<16xi32>
              %add3A_317 = arith.addi %get3A_280, %add3A_316 : vector<16xi32>
              %gather3A_318 = tpu.vector_load_idx %run_scoped3A_44[%add3A_317] : memref<40000xf32, #tpu.memory_space<vmem>>[vector<16xi32>], vector<16xf32>,
              %add3A_319 = arith.constant 0 : i32
              %add3A_320 = vector.broadcast %add3A_319 : i32 to vector<16xi32>
              %add3A_321 = arith.addi %mul3A_10, %add3A_320 : vector<16xi32>
              %mul3A_322 = arith.mulf %gather3A, %gather3A_306 : vector<16xf32>
              tpu.vector_store_idx %arg27[%add3A_321], %mul3A_322 : memref<272xf32, #tpu.memory_space<vmem>>[vector<16xi32>], vector<16xf32>,
              %add3A_323 = arith.constant 1 : i32
              %add3A_324 = vector.broadcast %add3A_323 : i32 to vector<16xi32>
              %add3A_325 = arith.addi %mul3A_10, %add3A_324 : vector<16xi32>
              %mul3A_326 = arith.mulf %gather3A_294, %gather3A_306 : vector<16xf32>
              tpu.vector_store_idx %arg27[%add3A_325], %mul3A_326 : memref<272xf32, #tpu.memory_space<vmem>>[vector<16xi32>], vector<16xf32>,
              %add3A_327 = arith.constant 2 : i32
              %add3A_328 = vector.broadcast %add3A_327 : i32 to vector<16xi32>
              %add3A_329 = arith.addi %mul3A_10, %add3A_328 : vector<16xi32>
              %mul3A_330 = arith.mulf %gather3A_298, %gather3A_306 : vector<16xf32>
              tpu.vector_store_idx %arg27[%add3A_329], %mul3A_330 : memref<272xf32, #tpu.memory_space<vmem>>[vector<16xi32>], vector<16xf32>,
              %add3A_331 = arith.constant 3 : i32
              %add3A_332 = vector.broadcast %add3A_331 : i32 to vector<16xi32>
              %add3A_333 = arith.addi %mul3A_10, %add3A_332 : vector<16xi32>
              %mul3A_334 = arith.mulf %gather3A_302, %gather3A_306 : vector<16xf32>
              tpu.vector_store_idx %arg27[%add3A_333], %mul3A_334 : memref<272xf32, #tpu.memory_space<vmem>>[vector<16xi32>], vector<16xf32>,
              %add3A_335 = arith.constant 4 : i32
              %add3A_336 = vector.broadcast %add3A_335 : i32 to vector<16xi32>
              %add3A_337 = arith.addi %mul3A_10, %add3A_336 : vector<16xi32>
              %mul3A_338 = arith.mulf %gather3A, %gather3A_310 : vector<16xf32>
              tpu.vector_store_idx %arg27[%add3A_337], %mul3A_338 : memref<272xf32, #tpu.memory_space<vmem>>[vector<16xi32>], vector<16xf32>,
              %add3A_339 = arith.constant 5 : i32
              %add3A_340 = vector.broadcast %add3A_339 : i32 to vector<16xi32>
              %add3A_341 = arith.addi %mul3A_10, %add3A_340 : vector<16xi32>
              %mul3A_342 = arith.mulf %gather3A_294, %gather3A_310 : vector<16xf32>
              tpu.vector_store_idx %arg27[%add3A_341], %mul3A_342 : memref<272xf32, #tpu.memory_space<vmem>>[vector<16xi32>], vector<16xf32>,
              %add3A_343 = arith.constant 6 : i32
              %add3A_344 = vector.broadcast %add3A_343 : i32 to vector<16xi32>
              %add3A_345 = arith.addi %mul3A_10, %add3A_344 : vector<16xi32>
              %mul3A_346 = arith.mulf %gather3A_298, %gather3A_310 : vector<16xf32>
              tpu.vector_store_idx %arg27[%add3A_345], %mul3A_346 : memref<272xf32, #tpu.memory_space<vmem>>[vector<16xi32>], vector<16xf32>,
              %add3A_347 = arith.constant 7 : i32
              %add3A_348 = vector.broadcast %add3A_347 : i32 to vector<16xi32>
              %add3A_349 = arith.addi %mul3A_10, %add3A_348 : vector<16xi32>
              %mul3A_350 = arith.mulf %gather3A_302, %gather3A_310 : vector<16xf32>
              tpu.vector_store_idx %arg27[%add3A_349], %mul3A_350 : memref<272xf32, #tpu.memory_space<vmem>>[vector<16xi32>], vector<16xf32>,
              %add3A_351 = arith.constant 8 : i32
              %add3A_352 = vector.broadcast %add3A_351 : i32 to vector<16xi32>
              %add3A_353 = arith.addi %mul3A_10, %add3A_352 : vector<16xi32>
              %mul3A_354 = arith.mulf %gather3A, %gather3A_314 : vector<16xf32>
              tpu.vector_store_idx %arg27[%add3A_353], %mul3A_354 : memref<272xf32, #tpu.memory_space<vmem>>[vector<16xi32>], vector<16xf32>,
              %add3A_355 = arith.constant 9 : i32
              %add3A_356 = vector.broadcast %add3A_355 : i32 to vector<16xi32>
              %add3A_357 = arith.addi %mul3A_10, %add3A_356 : vector<16xi32>
              %mul3A_358 = arith.mulf %gather3A_294, %gather3A_314 : vector<16xf32>
              tpu.vector_store_idx %arg27[%add3A_357], %mul3A_358 : memref<272xf32, #tpu.memory_space<vmem>>[vector<16xi32>], vector<16xf32>,
              %add3A_359 = arith.constant 10 : i32
              %add3A_360 = vector.broadcast %add3A_359 : i32 to vector<16xi32>
              %add3A_361 = arith.addi %mul3A_10, %add3A_360 : vector<16xi32>
              %mul3A_362 = arith.mulf %gather3A_298, %gather3A_314 : vector<16xf32>
              tpu.vector_store_idx %arg27[%add3A_361], %mul3A_362 : memref<272xf32, #tpu.memory_space<vmem>>[vector<16xi32>], vector<16xf32>,
              %add3A_363 = arith.constant 11 : i32
              %add3A_364 = vector.broadcast %add3A_363 : i32 to vector<16xi32>
              %add3A_365 = arith.addi %mul3A_10, %add3A_364 : vector<16xi32>
              %mul3A_366 = arith.mulf %gather3A_302, %gather3A_314 : vector<16xf32>
              tpu.vector_store_idx %arg27[%add3A_365], %mul3A_366 : memref<272xf32, #tpu.memory_space<vmem>>[vector<16xi32>], vector<16xf32>,
              %add3A_367 = arith.constant 12 : i32
              %add3A_368 = vector.broadcast %add3A_367 : i32 to vector<16xi32>
              %add3A_369 = arith.addi %mul3A_10, %add3A_368 : vector<16xi32>
              %mul3A_370 = arith.mulf %gather3A, %gather3A_318 : vector<16xf32>
              tpu.vector_store_idx %arg27[%add3A_369], %mul3A_370 : memref<272xf32, #tpu.memory_space<vmem>>[vector<16xi32>], vector<16xf32>,
              %add3A_371 = arith.constant 13 : i32
              %add3A_372 = vector.broadcast %add3A_371 : i32 to vector<16xi32>
              %add3A_373 = arith.addi %mul3A_10, %add3A_372 : vector<16xi32>
              %mul3A_374 = arith.mulf %gather3A_294, %gather3A_318 : vector<16xf32>
              tpu.vector_store_idx %arg27[%add3A_373], %mul3A_374 : memref<272xf32, #tpu.memory_space<vmem>>[vector<16xi32>], vector<16xf32>,
              %add3A_375 = arith.constant 14 : i32
              %add3A_376 = vector.broadcast %add3A_375 : i32 to vector<16xi32>
              %add3A_377 = arith.addi %mul3A_10, %add3A_376 : vector<16xi32>
              %mul3A_378 = arith.mulf %gather3A_298, %gather3A_318 : vector<16xf32>
              tpu.vector_store_idx %arg27[%add3A_377], %mul3A_378 : memref<272xf32, #tpu.memory_space<vmem>>[vector<16xi32>], vector<16xf32>,
              %add3A_379 = arith.constant 15 : i32
              %add3A_380 = vector.broadcast %add3A_379 : i32 to vector<16xi32>
              %add3A_381 = arith.addi %mul3A_10, %add3A_380 : vector<16xi32>
              %mul3A_382 = arith.mulf %gather3A_302, %gather3A_318 : vector<16xf32>
              tpu.vector_store_idx %arg27[%add3A_381], %mul3A_382 : memref<272xf32, #tpu.memory_space<vmem>>[vector<16xi32>], vector<16xf32>,
              %add3A_383 = arith.constant 0 : i32
              %add3A_384 = vector.broadcast %add3A_383 : i32 to vector<16xi32>
              %add3A_385 = arith.addi %iota3A, %add3A_384 : vector<16xi32>
              %gather3A_386 = tpu.vector_load_idx %arg27[%add3A_385] : memref<272xf32, #tpu.memory_space<vmem>>[vector<16xi32>], vector<16xf32>,
              %add3A_387 = arith.constant 17 : i32
              %add3A_388 = vector.broadcast %add3A_387 : i32 to vector<16xi32>
              %add3A_389 = arith.addi %iota3A, %add3A_388 : vector<16xi32>
              %gather3A_390 = tpu.vector_load_idx %arg27[%add3A_389] : memref<272xf32, #tpu.memory_space<vmem>>[vector<16xi32>], vector<16xf32>,
              %add3A_391 = arith.constant 34 : i32
              %add3A_392 = vector.broadcast %add3A_391 : i32 to vector<16xi32>
              %add3A_393 = arith.addi %iota3A, %add3A_392 : vector<16xi32>
              %gather3A_394 = tpu.vector_load_idx %arg27[%add3A_393] : memref<272xf32, #tpu.memory_space<vmem>>[vector<16xi32>], vector<16xf32>,
              %add3A_395 = arith.constant 51 : i32
              %add3A_396 = vector.broadcast %add3A_395 : i32 to vector<16xi32>
              %add3A_397 = arith.addi %iota3A, %add3A_396 : vector<16xi32>
              %gather3A_398 = tpu.vector_load_idx %arg27[%add3A_397] : memref<272xf32, #tpu.memory_space<vmem>>[vector<16xi32>], vector<16xf32>,
              %add3A_399 = arith.constant 68 : i32
              %add3A_400 = vector.broadcast %add3A_399 : i32 to vector<16xi32>
              %add3A_401 = arith.addi %iota3A, %add3A_400 : vector<16xi32>
              %gather3A_402 = tpu.vector_load_idx %arg27[%add3A_401] : memref<272xf32, #tpu.memory_space<vmem>>[vector<16xi32>], vector<16xf32>,
              %add3A_403 = arith.constant 85 : i32
              %add3A_404 = vector.broadcast %add3A_403 : i32 to vector<16xi32>
              %add3A_405 = arith.addi %iota3A, %add3A_404 : vector<16xi32>
              %gather3A_406 = tpu.vector_load_idx %arg27[%add3A_405] : memref<272xf32, #tpu.memory_space<vmem>>[vector<16xi32>], vector<16xf32>,
              %add3A_407 = arith.constant 102 : i32
              %add3A_408 = vector.broadcast %add3A_407 : i32 to vector<16xi32>
              %add3A_409 = arith.addi %iota3A, %add3A_408 : vector<16xi32>
              %gather3A_410 = tpu.vector_load_idx %arg27[%add3A_409] : memref<272xf32, #tpu.memory_space<vmem>>[vector<16xi32>], vector<16xf32>,
              %add3A_411 = arith.constant 119 : i32
              %add3A_412 = vector.broadcast %add3A_411 : i32 to vector<16xi32>
              %add3A_413 = arith.addi %iota3A, %add3A_412 : vector<16xi32>
              %gather3A_414 = tpu.vector_load_idx %arg27[%add3A_413] : memref<272xf32, #tpu.memory_space<vmem>>[vector<16xi32>], vector<16xf32>,
              %slice3A = vector.extract_strided_slice %mul3A_287 {offsets = [0], sizes = [1], strides = [1]} : vector<16xi32> to vector<1xi32>
              %squeeze3A = vector.extract %slice3A[0] : i32 from vector<1xi32>
              %broadcast_in_dim3A_415 = vector.broadcast %squeeze3A : i32 to vector<16xi32>
              %add3A_416 = arith.addi %broadcast_in_dim3A_415, %iota3A : vector<16xi32>
              tpu.vector_store_idx %run_scoped3A[%add3A_416], %gather3A_386 {add = true} : memref<32000xf32, #tpu.memory_space<vmem>>[vector<16xi32>], vector<16xf32>,
              %slice3A_417 = vector.extract_strided_slice %mul3A_287 {offsets = [1], sizes = [1], strides = [1]} : vector<16xi32> to vector<1xi32>
              %squeeze3A_418 = vector.extract %slice3A_417[0] : i32 from vector<1xi32>
              %broadcast_in_dim3A_419 = vector.broadcast %squeeze3A_418 : i32 to vector<16xi32>
              %add3A_420 = arith.addi %broadcast_in_dim3A_419, %iota3A : vector<16xi32>
              tpu.vector_store_idx %run_scoped3A[%add3A_420], %gather3A_390 {add = true} : memref<32000xf32, #tpu.memory_space<vmem>>[vector<16xi32>], vector<16xf32>,
              %slice3A_421 = vector.extract_strided_slice %mul3A_287 {offsets = [2], sizes = [1], strides = [1]} : vector<16xi32> to vector<1xi32>
              %squeeze3A_422 = vector.extract %slice3A_421[0] : i32 from vector<1xi32>
              %broadcast_in_dim3A_423 = vector.broadcast %squeeze3A_422 : i32 to vector<16xi32>
              %add3A_424 = arith.addi %broadcast_in_dim3A_423, %iota3A : vector<16xi32>
              tpu.vector_store_idx %run_scoped3A[%add3A_424], %gather3A_394 {add = true} : memref<32000xf32, #tpu.memory_space<vmem>>[vector<16xi32>], vector<16xf32>,
              %slice3A_425 = vector.extract_strided_slice %mul3A_287 {offsets = [3], sizes = [1], strides = [1]} : vector<16xi32> to vector<1xi32>
              %squeeze3A_426 = vector.extract %slice3A_425[0] : i32 from vector<1xi32>
              %broadcast_in_dim3A_427 = vector.broadcast %squeeze3A_426 : i32 to vector<16xi32>
              %add3A_428 = arith.addi %broadcast_in_dim3A_427, %iota3A : vector<16xi32>
              tpu.vector_store_idx %run_scoped3A[%add3A_428], %gather3A_398 {add = true} : memref<32000xf32, #tpu.memory_space<vmem>>[vector<16xi32>], vector<16xf32>,
              %slice3A_429 = vector.extract_strided_slice %mul3A_287 {offsets = [4], sizes = [1], strides = [1]} : vector<16xi32> to vector<1xi32>
              %squeeze3A_430 = vector.extract %slice3A_429[0] : i32 from vector<1xi32>
              %broadcast_in_dim3A_431 = vector.broadcast %squeeze3A_430 : i32 to vector<16xi32>
              %add3A_432 = arith.addi %broadcast_in_dim3A_431, %iota3A : vector<16xi32>
              tpu.vector_store_idx %run_scoped3A[%add3A_432], %gather3A_402 {add = true} : memref<32000xf32, #tpu.memory_space<vmem>>[vector<16xi32>], vector<16xf32>,
              %slice3A_433 = vector.extract_strided_slice %mul3A_287 {offsets = [5], sizes = [1], strides = [1]} : vector<16xi32> to vector<1xi32>
              %squeeze3A_434 = vector.extract %slice3A_433[0] : i32 from vector<1xi32>
              %broadcast_in_dim3A_435 = vector.broadcast %squeeze3A_434 : i32 to vector<16xi32>
              %add3A_436 = arith.addi %broadcast_in_dim3A_435, %iota3A : vector<16xi32>
              tpu.vector_store_idx %run_scoped3A[%add3A_436], %gather3A_406 {add = true} : memref<32000xf32, #tpu.memory_space<vmem>>[vector<16xi32>], vector<16xf32>,
              %slice3A_437 = vector.extract_strided_slice %mul3A_287 {offsets = [6], sizes = [1], strides = [1]} : vector<16xi32> to vector<1xi32>
              %squeeze3A_438 = vector.extract %slice3A_437[0] : i32 from vector<1xi32>
              %broadcast_in_dim3A_439 = vector.broadcast %squeeze3A_438 : i32 to vector<16xi32>
              %add3A_440 = arith.addi %broadcast_in_dim3A_439, %iota3A : vector<16xi32>
              tpu.vector_store_idx %run_scoped3A[%add3A_440], %gather3A_410 {add = true} : memref<32000xf32, #tpu.memory_space<vmem>>[vector<16xi32>], vector<16xf32>,
              %slice3A_441 = vector.extract_strided_slice %mul3A_287 {offsets = [7], sizes = [1], strides = [1]} : vector<16xi32> to vector<1xi32>
              %squeeze3A_442 = vector.extract %slice3A_441[0] : i32 from vector<1xi32>
              %broadcast_in_dim3A_443 = vector.broadcast %squeeze3A_442 : i32 to vector<16xi32>
              %add3A_444 = arith.addi %broadcast_in_dim3A_443, %iota3A : vector<16xi32>
              tpu.vector_store_idx %run_scoped3A[%add3A_444], %gather3A_414 {add = true} : memref<32000xf32, #tpu.memory_space<vmem>>[vector<16xi32>], vector<16xf32>,
              %add3A_445 = arith.constant 136 : i32
              %add3A_446 = vector.broadcast %add3A_445 : i32 to vector<16xi32>
              %add3A_447 = arith.addi %iota3A, %add3A_446 : vector<16xi32>
              %gather3A_448 = tpu.vector_load_idx %arg27[%add3A_447] : memref<272xf32, #tpu.memory_space<vmem>>[vector<16xi32>], vector<16xf32>,
              %add3A_449 = arith.constant 153 : i32
              %add3A_450 = vector.broadcast %add3A_449 : i32 to vector<16xi32>
              %add3A_451 = arith.addi %iota3A, %add3A_450 : vector<16xi32>
              %gather3A_452 = tpu.vector_load_idx %arg27[%add3A_451] : memref<272xf32, #tpu.memory_space<vmem>>[vector<16xi32>], vector<16xf32>,
              %add3A_453 = arith.constant 170 : i32
              %add3A_454 = vector.broadcast %add3A_453 : i32 to vector<16xi32>
              %add3A_455 = arith.addi %iota3A, %add3A_454 : vector<16xi32>
              %gather3A_456 = tpu.vector_load_idx %arg27[%add3A_455] : memref<272xf32, #tpu.memory_space<vmem>>[vector<16xi32>], vector<16xf32>,
              %add3A_457 = arith.constant 187 : i32
              %add3A_458 = vector.broadcast %add3A_457 : i32 to vector<16xi32>
              %add3A_459 = arith.addi %iota3A, %add3A_458 : vector<16xi32>
              %gather3A_460 = tpu.vector_load_idx %arg27[%add3A_459] : memref<272xf32, #tpu.memory_space<vmem>>[vector<16xi32>], vector<16xf32>,
              %add3A_461 = arith.constant 204 : i32
              %add3A_462 = vector.broadcast %add3A_461 : i32 to vector<16xi32>
              %add3A_463 = arith.addi %iota3A, %add3A_462 : vector<16xi32>
              %gather3A_464 = tpu.vector_load_idx %arg27[%add3A_463] : memref<272xf32, #tpu.memory_space<vmem>>[vector<16xi32>], vector<16xf32>,
              %add3A_465 = arith.constant 221 : i32
              %add3A_466 = vector.broadcast %add3A_465 : i32 to vector<16xi32>
              %add3A_467 = arith.addi %iota3A, %add3A_466 : vector<16xi32>
              %gather3A_468 = tpu.vector_load_idx %arg27[%add3A_467] : memref<272xf32, #tpu.memory_space<vmem>>[vector<16xi32>], vector<16xf32>,
              %add3A_469 = arith.constant 238 : i32
              %add3A_470 = vector.broadcast %add3A_469 : i32 to vector<16xi32>
              %add3A_471 = arith.addi %iota3A, %add3A_470 : vector<16xi32>
              %gather3A_472 = tpu.vector_load_idx %arg27[%add3A_471] : memref<272xf32, #tpu.memory_space<vmem>>[vector<16xi32>], vector<16xf32>,
              %add3A_473 = arith.constant 255 : i32
              %add3A_474 = vector.broadcast %add3A_473 : i32 to vector<16xi32>
              %add3A_475 = arith.addi %iota3A, %add3A_474 : vector<16xi32>
              %gather3A_476 = tpu.vector_load_idx %arg27[%add3A_475] : memref<272xf32, #tpu.memory_space<vmem>>[vector<16xi32>], vector<16xf32>,
              %slice3A_477 = vector.extract_strided_slice %mul3A_287 {offsets = [8], sizes = [1], strides = [1]} : vector<16xi32> to vector<1xi32>
              %squeeze3A_478 = vector.extract %slice3A_477[0] : i32 from vector<1xi32>
              %broadcast_in_dim3A_479 = vector.broadcast %squeeze3A_478 : i32 to vector<16xi32>
              %add3A_480 = arith.addi %broadcast_in_dim3A_479, %iota3A : vector<16xi32>
              tpu.vector_store_idx %run_scoped3A[%add3A_480], %gather3A_448 {add = true} : memref<32000xf32, #tpu.memory_space<vmem>>[vector<16xi32>], vector<16xf32>,
              %slice3A_481 = vector.extract_strided_slice %mul3A_287 {offsets = [9], sizes = [1], strides = [1]} : vector<16xi32> to vector<1xi32>
              %squeeze3A_482 = vector.extract %slice3A_481[0] : i32 from vector<1xi32>
              %broadcast_in_dim3A_483 = vector.broadcast %squeeze3A_482 : i32 to vector<16xi32>
              %add3A_484 = arith.addi %broadcast_in_dim3A_483, %iota3A : vector<16xi32>
              tpu.vector_store_idx %run_scoped3A[%add3A_484], %gather3A_452 {add = true} : memref<32000xf32, #tpu.memory_space<vmem>>[vector<16xi32>], vector<16xf32>,
              %slice3A_485 = vector.extract_strided_slice %mul3A_287 {offsets = [10], sizes = [1], strides = [1]} : vector<16xi32> to vector<1xi32>
              %squeeze3A_486 = vector.extract %slice3A_485[0] : i32 from vector<1xi32>
              %broadcast_in_dim3A_487 = vector.broadcast %squeeze3A_486 : i32 to vector<16xi32>
              %add3A_488 = arith.addi %broadcast_in_dim3A_487, %iota3A : vector<16xi32>
              tpu.vector_store_idx %run_scoped3A[%add3A_488], %gather3A_456 {add = true} : memref<32000xf32, #tpu.memory_space<vmem>>[vector<16xi32>], vector<16xf32>,
              %slice3A_489 = vector.extract_strided_slice %mul3A_287 {offsets = [11], sizes = [1], strides = [1]} : vector<16xi32> to vector<1xi32>
              %squeeze3A_490 = vector.extract %slice3A_489[0] : i32 from vector<1xi32>
              %broadcast_in_dim3A_491 = vector.broadcast %squeeze3A_490 : i32 to vector<16xi32>
              %add3A_492 = arith.addi %broadcast_in_dim3A_491, %iota3A : vector<16xi32>
              tpu.vector_store_idx %run_scoped3A[%add3A_492], %gather3A_460 {add = true} : memref<32000xf32, #tpu.memory_space<vmem>>[vector<16xi32>], vector<16xf32>,
              %slice3A_493 = vector.extract_strided_slice %mul3A_287 {offsets = [12], sizes = [1], strides = [1]} : vector<16xi32> to vector<1xi32>
              %squeeze3A_494 = vector.extract %slice3A_493[0] : i32 from vector<1xi32>
              %broadcast_in_dim3A_495 = vector.broadcast %squeeze3A_494 : i32 to vector<16xi32>
              %add3A_496 = arith.addi %broadcast_in_dim3A_495, %iota3A : vector<16xi32>
              tpu.vector_store_idx %run_scoped3A[%add3A_496], %gather3A_464 {add = true} : memref<32000xf32, #tpu.memory_space<vmem>>[vector<16xi32>], vector<16xf32>,
              %slice3A_497 = vector.extract_strided_slice %mul3A_287 {offsets = [13], sizes = [1], strides = [1]} : vector<16xi32> to vector<1xi32>
              %squeeze3A_498 = vector.extract %slice3A_497[0] : i32 from vector<1xi32>
              %broadcast_in_dim3A_499 = vector.broadcast %squeeze3A_498 : i32 to vector<16xi32>
              %add3A_500 = arith.addi %broadcast_in_dim3A_499, %iota3A : vector<16xi32>
              tpu.vector_store_idx %run_scoped3A[%add3A_500], %gather3A_468 {add = true} : memref<32000xf32, #tpu.memory_space<vmem>>[vector<16xi32>], vector<16xf32>,
              %slice3A_501 = vector.extract_strided_slice %mul3A_287 {offsets = [14], sizes = [1], strides = [1]} : vector<16xi32> to vector<1xi32>
              %squeeze3A_502 = vector.extract %slice3A_501[0] : i32 from vector<1xi32>
              %broadcast_in_dim3A_503 = vector.broadcast %squeeze3A_502 : i32 to vector<16xi32>
              %add3A_504 = arith.addi %broadcast_in_dim3A_503, %iota3A : vector<16xi32>
              tpu.vector_store_idx %run_scoped3A[%add3A_504], %gather3A_472 {add = true} : memref<32000xf32, #tpu.memory_space<vmem>>[vector<16xi32>], vector<16xf32>,
              %slice3A_505 = vector.extract_strided_slice %mul3A_287 {offsets = [15], sizes = [1], strides = [1]} : vector<16xi32> to vector<1xi32>
              %squeeze3A_506 = vector.extract %slice3A_505[0] : i32 from vector<1xi32>
              %broadcast_in_dim3A_507 = vector.broadcast %squeeze3A_506 : i32 to vector<16xi32>
              %add3A_508 = arith.addi %broadcast_in_dim3A_507, %iota3A : vector<16xi32>
              tpu.vector_store_idx %run_scoped3A[%add3A_508], %gather3A_476 {add = true} : memref<32000xf32, #tpu.memory_space<vmem>>[vector<16xi32>], vector<16xf32>,
              %scan3A_509 = arith.constant 0 : i32
              scf.yield %scan3A_509 : i32
            }
            %scan3A_275 = arith.constant 50 : i32
          } else {
          }
          %eq3A_255 = arith.constant 1 : i32
          %eq3A_256 = arith.cmpi eq, %rem3A_232, %eq3A_255 : i32
          %convert_element_type3A_257 = arith.extui %eq3A_256 : i1 to i32
          %cond3A_258 = arith.constant 0 : i32
          %cond3A_259 = arith.cmpi ne, %convert_element_type3A_257, %cond3A_258 : i32
          scf.if %cond3A_259 {
            %dma_wait3A_261 = arith.constant 0 : i32
            %dma_wait3A_262 = tpu.memref_slice %arg3[%dma_wait3A_261] : memref<80000xi32, #tpu.memory_space<hbm>> -> memref<800xi32, #tpu.memory_space<hbm>>
            %dma_wait3A_263 = arith.constant 0 : i32
            %dma_wait3A_264 = tpu.memref_slice %arg3[%dma_wait3A_263] : memref<80000xi32, #tpu.memory_space<hbm>> -> memref<800xi32, #tpu.memory_space<hbm>>
            tpu.wait_dma2 semaphore(%arg23 : memref<!tpu.dma_semaphore, #tpu.memory_space<semaphore_mem>>) src(%dma_wait3A_264 : memref<800xi32, #tpu.memory_space<hbm>>) dst(%arg18 : memref<800xi32, #tpu.memory_space<vmem>>)
            %dma_wait3A_265 = arith.constant 0 : i32
            %dma_wait3A_266 = tpu.memref_slice %arg4[%dma_wait3A_265] : memref<80000xi32, #tpu.memory_space<hbm>> -> memref<800xi32, #tpu.memory_space<hbm>>
            %dma_wait3A_267 = arith.constant 0 : i32
            %dma_wait3A_268 = tpu.memref_slice %arg4[%dma_wait3A_267] : memref<80000xi32, #tpu.memory_space<hbm>> -> memref<800xi32, #tpu.memory_space<hbm>>
            tpu.wait_dma2 semaphore(%arg24 : memref<!tpu.dma_semaphore, #tpu.memory_space<semaphore_mem>>) src(%dma_wait3A_268 : memref<800xi32, #tpu.memory_space<hbm>>) dst(%arg20 : memref<800xi32, #tpu.memory_space<vmem>>)
            %scan3A_269 = arith.constant 0 : i32
            %scan3A_270 = arith.constant 0 : i32
            %scan3A_271 = arith.constant 50 : i32
            %scan3A_272 = arith.addi %scan3A_270, %scan3A_271 : i32
            %scan3A_273 = arith.constant 1 : i32
            %scan3A_274 = scf.for %scan3A_276 = %scan3A_270 to %scan3A_272 step %scan3A_273 iter_args(%scan3A_277 = %scan3A_269) -> (i32)  : i32 {
              %mul3A_278 = arith.constant 16 : i32
              %mul3A_279 = arith.muli %scan3A_276, %mul3A_278 : i32
              %get3A = arith.index_cast %mul3A_279 : i32 to index
              %get3A_280 = tpu.vector_load %arg18[%get3A] {strides = array<i32>} : memref<800xi32, #tpu.memory_space<vmem>>, vector<16xi32>,
              %mul3A_281 = arith.constant 16 : i32
              %mul3A_282 = arith.muli %scan3A_276, %mul3A_281 : i32
              %get3A_283 = arith.index_cast %mul3A_282 : i32 to index
              %get3A_284 = tpu.vector_load %arg20[%get3A_283] {strides = array<i32>} : memref<800xi32, #tpu.memory_space<vmem>>, vector<16xi32>,
              %mul3A_285 = arith.constant 16 : i32
              %mul3A_286 = vector.broadcast %mul3A_285 : i32 to vector<16xi32>
              %mul3A_287 = arith.muli %get3A_284, %mul3A_286 : vector<16xi32>
              %add3A_288 = arith.constant 0 : i32
              %add3A_289 = vector.broadcast %add3A_288 : i32 to vector<16xi32>
              %add3A_290 = arith.addi %get3A_280, %add3A_289 : vector<16xi32>
              %gather3A = tpu.vector_load_idx %run_scoped3A_43[%add3A_290] : memref<40000xf32, #tpu.memory_space<vmem>>[vector<16xi32>], vector<16xf32>,
              %add3A_291 = arith.constant 10000 : i32
              %add3A_292 = vector.broadcast %add3A_291 : i32 to vector<16xi32>
              %add3A_293 = arith.addi %get3A_280, %add3A_292 : vector<16xi32>
              %gather3A_294 = tpu.vector_load_idx %run_scoped3A_43[%add3A_293] : memref<40000xf32, #tpu.memory_space<vmem>>[vector<16xi32>], vector<16xf32>,
              %add3A_295 = arith.constant 20000 : i32
              %add3A_296 = vector.broadcast %add3A_295 : i32 to vector<16xi32>
              %add3A_297 = arith.addi %get3A_280, %add3A_296 : vector<16xi32>
              %gather3A_298 = tpu.vector_load_idx %run_scoped3A_43[%add3A_297] : memref<40000xf32, #tpu.memory_space<vmem>>[vector<16xi32>], vector<16xf32>,
              %add3A_299 = arith.constant 30000 : i32
              %add3A_300 = vector.broadcast %add3A_299 : i32 to vector<16xi32>
              %add3A_301 = arith.addi %get3A_280, %add3A_300 : vector<16xi32>
              %gather3A_302 = tpu.vector_load_idx %run_scoped3A_43[%add3A_301] : memref<40000xf32, #tpu.memory_space<vmem>>[vector<16xi32>], vector<16xf32>,
              %add3A_303 = arith.constant 0 : i32
              %add3A_304 = vector.broadcast %add3A_303 : i32 to vector<16xi32>
              %add3A_305 = arith.addi %get3A_280, %add3A_304 : vector<16xi32>
              %gather3A_306 = tpu.vector_load_idx %run_scoped3A_44[%add3A_305] : memref<40000xf32, #tpu.memory_space<vmem>>[vector<16xi32>], vector<16xf32>,
              %add3A_307 = arith.constant 10000 : i32
              %add3A_308 = vector.broadcast %add3A_307 : i32 to vector<16xi32>
              %add3A_309 = arith.addi %get3A_280, %add3A_308 : vector<16xi32>
              %gather3A_310 = tpu.vector_load_idx %run_scoped3A_44[%add3A_309] : memref<40000xf32, #tpu.memory_space<vmem>>[vector<16xi32>], vector<16xf32>,
              %add3A_311 = arith.constant 20000 : i32
              %add3A_312 = vector.broadcast %add3A_311 : i32 to vector<16xi32>
              %add3A_313 = arith.addi %get3A_280, %add3A_312 : vector<16xi32>
              %gather3A_314 = tpu.vector_load_idx %run_scoped3A_44[%add3A_313] : memref<40000xf32, #tpu.memory_space<vmem>>[vector<16xi32>], vector<16xf32>,
              %add3A_315 = arith.constant 30000 : i32
              %add3A_316 = vector.broadcast %add3A_315 : i32 to vector<16xi32>
              %add3A_317 = arith.addi %get3A_280, %add3A_316 : vector<16xi32>
              %gather3A_318 = tpu.vector_load_idx %run_scoped3A_44[%add3A_317] : memref<40000xf32, #tpu.memory_space<vmem>>[vector<16xi32>], vector<16xf32>,
              %add3A_319 = arith.constant 0 : i32
              %add3A_320 = vector.broadcast %add3A_319 : i32 to vector<16xi32>
              %add3A_321 = arith.addi %mul3A_10, %add3A_320 : vector<16xi32>
              %mul3A_322 = arith.mulf %gather3A, %gather3A_306 : vector<16xf32>
              tpu.vector_store_idx %arg27[%add3A_321], %mul3A_322 : memref<272xf32, #tpu.memory_space<vmem>>[vector<16xi32>], vector<16xf32>,
              %add3A_323 = arith.constant 1 : i32
              %add3A_324 = vector.broadcast %add3A_323 : i32 to vector<16xi32>
              %add3A_325 = arith.addi %mul3A_10, %add3A_324 : vector<16xi32>
              %mul3A_326 = arith.mulf %gather3A_294, %gather3A_306 : vector<16xf32>
              tpu.vector_store_idx %arg27[%add3A_325], %mul3A_326 : memref<272xf32, #tpu.memory_space<vmem>>[vector<16xi32>], vector<16xf32>,
              %add3A_327 = arith.constant 2 : i32
              %add3A_328 = vector.broadcast %add3A_327 : i32 to vector<16xi32>
              %add3A_329 = arith.addi %mul3A_10, %add3A_328 : vector<16xi32>
              %mul3A_330 = arith.mulf %gather3A_298, %gather3A_306 : vector<16xf32>
              tpu.vector_store_idx %arg27[%add3A_329], %mul3A_330 : memref<272xf32, #tpu.memory_space<vmem>>[vector<16xi32>], vector<16xf32>,
              %add3A_331 = arith.constant 3 : i32
              %add3A_332 = vector.broadcast %add3A_331 : i32 to vector<16xi32>
              %add3A_333 = arith.addi %mul3A_10, %add3A_332 : vector<16xi32>
              %mul3A_334 = arith.mulf %gather3A_302, %gather3A_306 : vector<16xf32>
              tpu.vector_store_idx %arg27[%add3A_333], %mul3A_334 : memref<272xf32, #tpu.memory_space<vmem>>[vector<16xi32>], vector<16xf32>,
              %add3A_335 = arith.constant 4 : i32
              %add3A_336 = vector.broadcast %add3A_335 : i32 to vector<16xi32>
              %add3A_337 = arith.addi %mul3A_10, %add3A_336 : vector<16xi32>
              %mul3A_338 = arith.mulf %gather3A, %gather3A_310 : vector<16xf32>
              tpu.vector_store_idx %arg27[%add3A_337], %mul3A_338 : memref<272xf32, #tpu.memory_space<vmem>>[vector<16xi32>], vector<16xf32>,
              %add3A_339 = arith.constant 5 : i32
              %add3A_340 = vector.broadcast %add3A_339 : i32 to vector<16xi32>
              %add3A_341 = arith.addi %mul3A_10, %add3A_340 : vector<16xi32>
              %mul3A_342 = arith.mulf %gather3A_294, %gather3A_310 : vector<16xf32>
              tpu.vector_store_idx %arg27[%add3A_341], %mul3A_342 : memref<272xf32, #tpu.memory_space<vmem>>[vector<16xi32>], vector<16xf32>,
              %add3A_343 = arith.constant 6 : i32
              %add3A_344 = vector.broadcast %add3A_343 : i32 to vector<16xi32>
              %add3A_345 = arith.addi %mul3A_10, %add3A_344 : vector<16xi32>
              %mul3A_346 = arith.mulf %gather3A_298, %gather3A_310 : vector<16xf32>
              tpu.vector_store_idx %arg27[%add3A_345], %mul3A_346 : memref<272xf32, #tpu.memory_space<vmem>>[vector<16xi32>], vector<16xf32>,
              %add3A_347 = arith.constant 7 : i32
              %add3A_348 = vector.broadcast %add3A_347 : i32 to vector<16xi32>
              %add3A_349 = arith.addi %mul3A_10, %add3A_348 : vector<16xi32>
              %mul3A_350 = arith.mulf %gather3A_302, %gather3A_310 : vector<16xf32>
              tpu.vector_store_idx %arg27[%add3A_349], %mul3A_350 : memref<272xf32, #tpu.memory_space<vmem>>[vector<16xi32>], vector<16xf32>,
              %add3A_351 = arith.constant 8 : i32
              %add3A_352 = vector.broadcast %add3A_351 : i32 to vector<16xi32>
              %add3A_353 = arith.addi %mul3A_10, %add3A_352 : vector<16xi32>
              %mul3A_354 = arith.mulf %gather3A, %gather3A_314 : vector<16xf32>
              tpu.vector_store_idx %arg27[%add3A_353], %mul3A_354 : memref<272xf32, #tpu.memory_space<vmem>>[vector<16xi32>], vector<16xf32>,
              %add3A_355 = arith.constant 9 : i32
              %add3A_356 = vector.broadcast %add3A_355 : i32 to vector<16xi32>
              %add3A_357 = arith.addi %mul3A_10, %add3A_356 : vector<16xi32>
              %mul3A_358 = arith.mulf %gather3A_294, %gather3A_314 : vector<16xf32>
              tpu.vector_store_idx %arg27[%add3A_357], %mul3A_358 : memref<272xf32, #tpu.memory_space<vmem>>[vector<16xi32>], vector<16xf32>,
              %add3A_359 = arith.constant 10 : i32
              %add3A_360 = vector.broadcast %add3A_359 : i32 to vector<16xi32>
              %add3A_361 = arith.addi %mul3A_10, %add3A_360 : vector<16xi32>
              %mul3A_362 = arith.mulf %gather3A_298, %gather3A_314 : vector<16xf32>
              tpu.vector_store_idx %arg27[%add3A_361], %mul3A_362 : memref<272xf32, #tpu.memory_space<vmem>>[vector<16xi32>], vector<16xf32>,
              %add3A_363 = arith.constant 11 : i32
              %add3A_364 = vector.broadcast %add3A_363 : i32 to vector<16xi32>
              %add3A_365 = arith.addi %mul3A_10, %add3A_364 : vector<16xi32>
              %mul3A_366 = arith.mulf %gather3A_302, %gather3A_314 : vector<16xf32>
              tpu.vector_store_idx %arg27[%add3A_365], %mul3A_366 : memref<272xf32, #tpu.memory_space<vmem>>[vector<16xi32>], vector<16xf32>,
              %add3A_367 = arith.constant 12 : i32
              %add3A_368 = vector.broadcast %add3A_367 : i32 to vector<16xi32>
              %add3A_369 = arith.addi %mul3A_10, %add3A_368 : vector<16xi32>
              %mul3A_370 = arith.mulf %gather3A, %gather3A_318 : vector<16xf32>
              tpu.vector_store_idx %arg27[%add3A_369], %mul3A_370 : memref<272xf32, #tpu.memory_space<vmem>>[vector<16xi32>], vector<16xf32>,
              %add3A_371 = arith.constant 13 : i32
              %add3A_372 = vector.broadcast %add3A_371 : i32 to vector<16xi32>
              %add3A_373 = arith.addi %mul3A_10, %add3A_372 : vector<16xi32>
              %mul3A_374 = arith.mulf %gather3A_294, %gather3A_318 : vector<16xf32>
              tpu.vector_store_idx %arg27[%add3A_373], %mul3A_374 : memref<272xf32, #tpu.memory_space<vmem>>[vector<16xi32>], vector<16xf32>,
              %add3A_375 = arith.constant 14 : i32
              %add3A_376 = vector.broadcast %add3A_375 : i32 to vector<16xi32>
              %add3A_377 = arith.addi %mul3A_10, %add3A_376 : vector<16xi32>
              %mul3A_378 = arith.mulf %gather3A_298, %gather3A_318 : vector<16xf32>
              tpu.vector_store_idx %arg27[%add3A_377], %mul3A_378 : memref<272xf32, #tpu.memory_space<vmem>>[vector<16xi32>], vector<16xf32>,
              %add3A_379 = arith.constant 15 : i32
              %add3A_380 = vector.broadcast %add3A_379 : i32 to vector<16xi32>
              %add3A_381 = arith.addi %mul3A_10, %add3A_380 : vector<16xi32>
              %mul3A_382 = arith.mulf %gather3A_302, %gather3A_318 : vector<16xf32>
              tpu.vector_store_idx %arg27[%add3A_381], %mul3A_382 : memref<272xf32, #tpu.memory_space<vmem>>[vector<16xi32>], vector<16xf32>,
              %add3A_383 = arith.constant 0 : i32
              %add3A_384 = vector.broadcast %add3A_383 : i32 to vector<16xi32>
              %add3A_385 = arith.addi %iota3A, %add3A_384 : vector<16xi32>
              %gather3A_386 = tpu.vector_load_idx %arg27[%add3A_385] : memref<272xf32, #tpu.memory_space<vmem>>[vector<16xi32>], vector<16xf32>,
              %add3A_387 = arith.constant 17 : i32
              %add3A_388 = vector.broadcast %add3A_387 : i32 to vector<16xi32>
              %add3A_389 = arith.addi %iota3A, %add3A_388 : vector<16xi32>
              %gather3A_390 = tpu.vector_load_idx %arg27[%add3A_389] : memref<272xf32, #tpu.memory_space<vmem>>[vector<16xi32>], vector<16xf32>,
              %add3A_391 = arith.constant 34 : i32
              %add3A_392 = vector.broadcast %add3A_391 : i32 to vector<16xi32>
              %add3A_393 = arith.addi %iota3A, %add3A_392 : vector<16xi32>
              %gather3A_394 = tpu.vector_load_idx %arg27[%add3A_393] : memref<272xf32, #tpu.memory_space<vmem>>[vector<16xi32>], vector<16xf32>,
              %add3A_395 = arith.constant 51 : i32
              %add3A_396 = vector.broadcast %add3A_395 : i32 to vector<16xi32>
              %add3A_397 = arith.addi %iota3A, %add3A_396 : vector<16xi32>
              %gather3A_398 = tpu.vector_load_idx %arg27[%add3A_397] : memref<272xf32, #tpu.memory_space<vmem>>[vector<16xi32>], vector<16xf32>,
              %add3A_399 = arith.constant 68 : i32
              %add3A_400 = vector.broadcast %add3A_399 : i32 to vector<16xi32>
              %add3A_401 = arith.addi %iota3A, %add3A_400 : vector<16xi32>
              %gather3A_402 = tpu.vector_load_idx %arg27[%add3A_401] : memref<272xf32, #tpu.memory_space<vmem>>[vector<16xi32>], vector<16xf32>,
              %add3A_403 = arith.constant 85 : i32
              %add3A_404 = vector.broadcast %add3A_403 : i32 to vector<16xi32>
              %add3A_405 = arith.addi %iota3A, %add3A_404 : vector<16xi32>
              %gather3A_406 = tpu.vector_load_idx %arg27[%add3A_405] : memref<272xf32, #tpu.memory_space<vmem>>[vector<16xi32>], vector<16xf32>,
              %add3A_407 = arith.constant 102 : i32
              %add3A_408 = vector.broadcast %add3A_407 : i32 to vector<16xi32>
              %add3A_409 = arith.addi %iota3A, %add3A_408 : vector<16xi32>
              %gather3A_410 = tpu.vector_load_idx %arg27[%add3A_409] : memref<272xf32, #tpu.memory_space<vmem>>[vector<16xi32>], vector<16xf32>,
              %add3A_411 = arith.constant 119 : i32
              %add3A_412 = vector.broadcast %add3A_411 : i32 to vector<16xi32>
              %add3A_413 = arith.addi %iota3A, %add3A_412 : vector<16xi32>
              %gather3A_414 = tpu.vector_load_idx %arg27[%add3A_413] : memref<272xf32, #tpu.memory_space<vmem>>[vector<16xi32>], vector<16xf32>,
              %slice3A = vector.extract_strided_slice %mul3A_287 {offsets = [0], sizes = [1], strides = [1]} : vector<16xi32> to vector<1xi32>
              %squeeze3A = vector.extract %slice3A[0] : i32 from vector<1xi32>
              %broadcast_in_dim3A_415 = vector.broadcast %squeeze3A : i32 to vector<16xi32>
              %add3A_416 = arith.addi %broadcast_in_dim3A_415, %iota3A : vector<16xi32>
              tpu.vector_store_idx %run_scoped3A[%add3A_416], %gather3A_386 {add = true} : memref<32000xf32, #tpu.memory_space<vmem>>[vector<16xi32>], vector<16xf32>,
              %slice3A_417 = vector.extract_strided_slice %mul3A_287 {offsets = [1], sizes = [1], strides = [1]} : vector<16xi32> to vector<1xi32>
              %squeeze3A_418 = vector.extract %slice3A_417[0] : i32 from vector<1xi32>
              %broadcast_in_dim3A_419 = vector.broadcast %squeeze3A_418 : i32 to vector<16xi32>
              %add3A_420 = arith.addi %broadcast_in_dim3A_419, %iota3A : vector<16xi32>
              tpu.vector_store_idx %run_scoped3A[%add3A_420], %gather3A_390 {add = true} : memref<32000xf32, #tpu.memory_space<vmem>>[vector<16xi32>], vector<16xf32>,
              %slice3A_421 = vector.extract_strided_slice %mul3A_287 {offsets = [2], sizes = [1], strides = [1]} : vector<16xi32> to vector<1xi32>
              %squeeze3A_422 = vector.extract %slice3A_421[0] : i32 from vector<1xi32>
              %broadcast_in_dim3A_423 = vector.broadcast %squeeze3A_422 : i32 to vector<16xi32>
              %add3A_424 = arith.addi %broadcast_in_dim3A_423, %iota3A : vector<16xi32>
              tpu.vector_store_idx %run_scoped3A[%add3A_424], %gather3A_394 {add = true} : memref<32000xf32, #tpu.memory_space<vmem>>[vector<16xi32>], vector<16xf32>,
              %slice3A_425 = vector.extract_strided_slice %mul3A_287 {offsets = [3], sizes = [1], strides = [1]} : vector<16xi32> to vector<1xi32>
              %squeeze3A_426 = vector.extract %slice3A_425[0] : i32 from vector<1xi32>
              %broadcast_in_dim3A_427 = vector.broadcast %squeeze3A_426 : i32 to vector<16xi32>
              %add3A_428 = arith.addi %broadcast_in_dim3A_427, %iota3A : vector<16xi32>
              tpu.vector_store_idx %run_scoped3A[%add3A_428], %gather3A_398 {add = true} : memref<32000xf32, #tpu.memory_space<vmem>>[vector<16xi32>], vector<16xf32>,
              %slice3A_429 = vector.extract_strided_slice %mul3A_287 {offsets = [4], sizes = [1], strides = [1]} : vector<16xi32> to vector<1xi32>
              %squeeze3A_430 = vector.extract %slice3A_429[0] : i32 from vector<1xi32>
              %broadcast_in_dim3A_431 = vector.broadcast %squeeze3A_430 : i32 to vector<16xi32>
              %add3A_432 = arith.addi %broadcast_in_dim3A_431, %iota3A : vector<16xi32>
              tpu.vector_store_idx %run_scoped3A[%add3A_432], %gather3A_402 {add = true} : memref<32000xf32, #tpu.memory_space<vmem>>[vector<16xi32>], vector<16xf32>,
              %slice3A_433 = vector.extract_strided_slice %mul3A_287 {offsets = [5], sizes = [1], strides = [1]} : vector<16xi32> to vector<1xi32>
              %squeeze3A_434 = vector.extract %slice3A_433[0] : i32 from vector<1xi32>
              %broadcast_in_dim3A_435 = vector.broadcast %squeeze3A_434 : i32 to vector<16xi32>
              %add3A_436 = arith.addi %broadcast_in_dim3A_435, %iota3A : vector<16xi32>
              tpu.vector_store_idx %run_scoped3A[%add3A_436], %gather3A_406 {add = true} : memref<32000xf32, #tpu.memory_space<vmem>>[vector<16xi32>], vector<16xf32>,
              %slice3A_437 = vector.extract_strided_slice %mul3A_287 {offsets = [6], sizes = [1], strides = [1]} : vector<16xi32> to vector<1xi32>
              %squeeze3A_438 = vector.extract %slice3A_437[0] : i32 from vector<1xi32>
              %broadcast_in_dim3A_439 = vector.broadcast %squeeze3A_438 : i32 to vector<16xi32>
              %add3A_440 = arith.addi %broadcast_in_dim3A_439, %iota3A : vector<16xi32>
              tpu.vector_store_idx %run_scoped3A[%add3A_440], %gather3A_410 {add = true} : memref<32000xf32, #tpu.memory_space<vmem>>[vector<16xi32>], vector<16xf32>,
              %slice3A_441 = vector.extract_strided_slice %mul3A_287 {offsets = [7], sizes = [1], strides = [1]} : vector<16xi32> to vector<1xi32>
              %squeeze3A_442 = vector.extract %slice3A_441[0] : i32 from vector<1xi32>
              %broadcast_in_dim3A_443 = vector.broadcast %squeeze3A_442 : i32 to vector<16xi32>
              %add3A_444 = arith.addi %broadcast_in_dim3A_443, %iota3A : vector<16xi32>
              tpu.vector_store_idx %run_scoped3A[%add3A_444], %gather3A_414 {add = true} : memref<32000xf32, #tpu.memory_space<vmem>>[vector<16xi32>], vector<16xf32>,
              %add3A_445 = arith.constant 136 : i32
              %add3A_446 = vector.broadcast %add3A_445 : i32 to vector<16xi32>
              %add3A_447 = arith.addi %iota3A, %add3A_446 : vector<16xi32>
              %gather3A_448 = tpu.vector_load_idx %arg27[%add3A_447] : memref<272xf32, #tpu.memory_space<vmem>>[vector<16xi32>], vector<16xf32>,
              %add3A_449 = arith.constant 153 : i32
              %add3A_450 = vector.broadcast %add3A_449 : i32 to vector<16xi32>
              %add3A_451 = arith.addi %iota3A, %add3A_450 : vector<16xi32>
              %gather3A_452 = tpu.vector_load_idx %arg27[%add3A_451] : memref<272xf32, #tpu.memory_space<vmem>>[vector<16xi32>], vector<16xf32>,
              %add3A_453 = arith.constant 170 : i32
              %add3A_454 = vector.broadcast %add3A_453 : i32 to vector<16xi32>
              %add3A_455 = arith.addi %iota3A, %add3A_454 : vector<16xi32>
              %gather3A_456 = tpu.vector_load_idx %arg27[%add3A_455] : memref<272xf32, #tpu.memory_space<vmem>>[vector<16xi32>], vector<16xf32>,
              %add3A_457 = arith.constant 187 : i32
              %add3A_458 = vector.broadcast %add3A_457 : i32 to vector<16xi32>
              %add3A_459 = arith.addi %iota3A, %add3A_458 : vector<16xi32>
              %gather3A_460 = tpu.vector_load_idx %arg27[%add3A_459] : memref<272xf32, #tpu.memory_space<vmem>>[vector<16xi32>], vector<16xf32>,
              %add3A_461 = arith.constant 204 : i32
              %add3A_462 = vector.broadcast %add3A_461 : i32 to vector<16xi32>
              %add3A_463 = arith.addi %iota3A, %add3A_462 : vector<16xi32>
              %gather3A_464 = tpu.vector_load_idx %arg27[%add3A_463] : memref<272xf32, #tpu.memory_space<vmem>>[vector<16xi32>], vector<16xf32>,
              %add3A_465 = arith.constant 221 : i32
              %add3A_466 = vector.broadcast %add3A_465 : i32 to vector<16xi32>
              %add3A_467 = arith.addi %iota3A, %add3A_466 : vector<16xi32>
              %gather3A_468 = tpu.vector_load_idx %arg27[%add3A_467] : memref<272xf32, #tpu.memory_space<vmem>>[vector<16xi32>], vector<16xf32>,
              %add3A_469 = arith.constant 238 : i32
              %add3A_470 = vector.broadcast %add3A_469 : i32 to vector<16xi32>
              %add3A_471 = arith.addi %iota3A, %add3A_470 : vector<16xi32>
              %gather3A_472 = tpu.vector_load_idx %arg27[%add3A_471] : memref<272xf32, #tpu.memory_space<vmem>>[vector<16xi32>], vector<16xf32>,
              %add3A_473 = arith.constant 255 : i32
              %add3A_474 = vector.broadcast %add3A_473 : i32 to vector<16xi32>
              %add3A_475 = arith.addi %iota3A, %add3A_474 : vector<16xi32>
              %gather3A_476 = tpu.vector_load_idx %arg27[%add3A_475] : memref<272xf32, #tpu.memory_space<vmem>>[vector<16xi32>], vector<16xf32>,
              %slice3A_477 = vector.extract_strided_slice %mul3A_287 {offsets = [8], sizes = [1], strides = [1]} : vector<16xi32> to vector<1xi32>
              %squeeze3A_478 = vector.extract %slice3A_477[0] : i32 from vector<1xi32>
              %broadcast_in_dim3A_479 = vector.broadcast %squeeze3A_478 : i32 to vector<16xi32>
              %add3A_480 = arith.addi %broadcast_in_dim3A_479, %iota3A : vector<16xi32>
              tpu.vector_store_idx %run_scoped3A[%add3A_480], %gather3A_448 {add = true} : memref<32000xf32, #tpu.memory_space<vmem>>[vector<16xi32>], vector<16xf32>,
              %slice3A_481 = vector.extract_strided_slice %mul3A_287 {offsets = [9], sizes = [1], strides = [1]} : vector<16xi32> to vector<1xi32>
              %squeeze3A_482 = vector.extract %slice3A_481[0] : i32 from vector<1xi32>
              %broadcast_in_dim3A_483 = vector.broadcast %squeeze3A_482 : i32 to vector<16xi32>
              %add3A_484 = arith.addi %broadcast_in_dim3A_483, %iota3A : vector<16xi32>
              tpu.vector_store_idx %run_scoped3A[%add3A_484], %gather3A_452 {add = true} : memref<32000xf32, #tpu.memory_space<vmem>>[vector<16xi32>], vector<16xf32>,
              %slice3A_485 = vector.extract_strided_slice %mul3A_287 {offsets = [10], sizes = [1], strides = [1]} : vector<16xi32> to vector<1xi32>
              %squeeze3A_486 = vector.extract %slice3A_485[0] : i32 from vector<1xi32>
              %broadcast_in_dim3A_487 = vector.broadcast %squeeze3A_486 : i32 to vector<16xi32>
              %add3A_488 = arith.addi %broadcast_in_dim3A_487, %iota3A : vector<16xi32>
              tpu.vector_store_idx %run_scoped3A[%add3A_488], %gather3A_456 {add = true} : memref<32000xf32, #tpu.memory_space<vmem>>[vector<16xi32>], vector<16xf32>,
              %slice3A_489 = vector.extract_strided_slice %mul3A_287 {offsets = [11], sizes = [1], strides = [1]} : vector<16xi32> to vector<1xi32>
              %squeeze3A_490 = vector.extract %slice3A_489[0] : i32 from vector<1xi32>
              %broadcast_in_dim3A_491 = vector.broadcast %squeeze3A_490 : i32 to vector<16xi32>
              %add3A_492 = arith.addi %broadcast_in_dim3A_491, %iota3A : vector<16xi32>
              tpu.vector_store_idx %run_scoped3A[%add3A_492], %gather3A_460 {add = true} : memref<32000xf32, #tpu.memory_space<vmem>>[vector<16xi32>], vector<16xf32>,
              %slice3A_493 = vector.extract_strided_slice %mul3A_287 {offsets = [12], sizes = [1], strides = [1]} : vector<16xi32> to vector<1xi32>
              %squeeze3A_494 = vector.extract %slice3A_493[0] : i32 from vector<1xi32>
              %broadcast_in_dim3A_495 = vector.broadcast %squeeze3A_494 : i32 to vector<16xi32>
              %add3A_496 = arith.addi %broadcast_in_dim3A_495, %iota3A : vector<16xi32>
              tpu.vector_store_idx %run_scoped3A[%add3A_496], %gather3A_464 {add = true} : memref<32000xf32, #tpu.memory_space<vmem>>[vector<16xi32>], vector<16xf32>,
              %slice3A_497 = vector.extract_strided_slice %mul3A_287 {offsets = [13], sizes = [1], strides = [1]} : vector<16xi32> to vector<1xi32>
              %squeeze3A_498 = vector.extract %slice3A_497[0] : i32 from vector<1xi32>
              %broadcast_in_dim3A_499 = vector.broadcast %squeeze3A_498 : i32 to vector<16xi32>
              %add3A_500 = arith.addi %broadcast_in_dim3A_499, %iota3A : vector<16xi32>
              tpu.vector_store_idx %run_scoped3A[%add3A_500], %gather3A_468 {add = true} : memref<32000xf32, #tpu.memory_space<vmem>>[vector<16xi32>], vector<16xf32>,
              %slice3A_501 = vector.extract_strided_slice %mul3A_287 {offsets = [14], sizes = [1], strides = [1]} : vector<16xi32> to vector<1xi32>
              %squeeze3A_502 = vector.extract %slice3A_501[0] : i32 from vector<1xi32>
              %broadcast_in_dim3A_503 = vector.broadcast %squeeze3A_502 : i32 to vector<16xi32>
              %add3A_504 = arith.addi %broadcast_in_dim3A_503, %iota3A : vector<16xi32>
              tpu.vector_store_idx %run_scoped3A[%add3A_504], %gather3A_472 {add = true} : memref<32000xf32, #tpu.memory_space<vmem>>[vector<16xi32>], vector<16xf32>,
              %slice3A_505 = vector.extract_strided_slice %mul3A_287 {offsets = [15], sizes = [1], strides = [1]} : vector<16xi32> to vector<1xi32>
              %squeeze3A_506 = vector.extract %slice3A_505[0] : i32 from vector<1xi32>
              %broadcast_in_dim3A_507 = vector.broadcast %squeeze3A_506 : i32 to vector<16xi32>
              %add3A_508 = arith.addi %broadcast_in_dim3A_507, %iota3A : vector<16xi32>
              tpu.vector_store_idx %run_scoped3A[%add3A_508], %gather3A_476 {add = true} : memref<32000xf32, #tpu.memory_space<vmem>>[vector<16xi32>], vector<16xf32>,
              %scan3A_509 = arith.constant 0 : i32
              scf.yield %scan3A_509 : i32
            }
            %scan3A_275 = arith.constant 50 : i32
          } else {
          }
          %scan3A_260 = arith.constant 0 : i32
          scf.yield %scan3A_260 : i32
        }
        %scan3A_229 = arith.constant 100 : i32
        tpu.yield
      }) : () -> ()
      "tpu.region"() ({
        %run_scoped3A_43 = memref.alloca() : memref<8016xf32, #tpu.memory_space<vmem>>
        %run_scoped3A_44 = memref.alloca() : memref<8016xf32, #tpu.memory_space<vmem>>
        "tpu.region"() ({
          %run_scoped3A_66 = tpu.sem_alloc : memref<!tpu.dma_semaphore, #tpu.memory_space<semaphore_mem>>
          %dma_start3A = arith.constant 0 : i32
          %dma_start3A_67 = tpu.memref_slice %run_scoped3A_43[%dma_start3A] : memref<8016xf32, #tpu.memory_space<vmem>> -> memref<8000xf32, #tpu.memory_space<vmem>>
          %dma_start3A_68 = arith.constant 0 : i32
          %dma_start3A_69 = tpu.memref_slice %run_scoped3A_43[%dma_start3A_68] : memref<8016xf32, #tpu.memory_space<vmem>> -> memref<8000xf32, #tpu.memory_space<vmem>>
          tpu.enqueue_dma source(%arg9 : memref<8000xf32, #tpu.memory_space<hbm>>) target(%dma_start3A_69 : memref<8000xf32, #tpu.memory_space<vmem>>) target_semaphore(%run_scoped3A_66 : memref<!tpu.dma_semaphore, #tpu.memory_space<semaphore_mem>>)
          %dma_wait3A = arith.constant 0 : i32
          %dma_wait3A_70 = tpu.memref_slice %run_scoped3A_43[%dma_wait3A] : memref<8016xf32, #tpu.memory_space<vmem>> -> memref<8000xf32, #tpu.memory_space<vmem>>
          %dma_wait3A_71 = arith.constant 0 : i32
          %dma_wait3A_72 = tpu.memref_slice %run_scoped3A_43[%dma_wait3A_71] : memref<8016xf32, #tpu.memory_space<vmem>> -> memref<8000xf32, #tpu.memory_space<vmem>>
          tpu.wait_dma2 semaphore(%run_scoped3A_66 : memref<!tpu.dma_semaphore, #tpu.memory_space<semaphore_mem>>) src(%arg9 : memref<8000xf32, #tpu.memory_space<hbm>>) dst(%dma_wait3A_72 : memref<8000xf32, #tpu.memory_space<vmem>>)
          tpu.yield
        }) : () -> ()
        "tpu.region"() ({
          %run_scoped3A_66 = tpu.sem_alloc : memref<!tpu.dma_semaphore, #tpu.memory_space<semaphore_mem>>
          %dma_start3A = arith.constant 0 : i32
          %dma_start3A_67 = tpu.memref_slice %run_scoped3A_44[%dma_start3A] : memref<8016xf32, #tpu.memory_space<vmem>> -> memref<8000xf32, #tpu.memory_space<vmem>>
          %dma_start3A_68 = arith.constant 0 : i32
          %dma_start3A_69 = tpu.memref_slice %run_scoped3A_44[%dma_start3A_68] : memref<8016xf32, #tpu.memory_space<vmem>> -> memref<8000xf32, #tpu.memory_space<vmem>>
          tpu.enqueue_dma source(%arg10 : memref<8000xf32, #tpu.memory_space<hbm>>) target(%dma_start3A_69 : memref<8000xf32, #tpu.memory_space<vmem>>) target_semaphore(%run_scoped3A_66 : memref<!tpu.dma_semaphore, #tpu.memory_space<semaphore_mem>>)
          %dma_wait3A = arith.constant 0 : i32
          %dma_wait3A_70 = tpu.memref_slice %run_scoped3A_44[%dma_wait3A] : memref<8016xf32, #tpu.memory_space<vmem>> -> memref<8000xf32, #tpu.memory_space<vmem>>
          %dma_wait3A_71 = arith.constant 0 : i32
          %dma_wait3A_72 = tpu.memref_slice %run_scoped3A_44[%dma_wait3A_71] : memref<8016xf32, #tpu.memory_space<vmem>> -> memref<8000xf32, #tpu.memory_space<vmem>>
          tpu.wait_dma2 semaphore(%run_scoped3A_66 : memref<!tpu.dma_semaphore, #tpu.memory_space<semaphore_mem>>) src(%arg10 : memref<8000xf32, #tpu.memory_space<hbm>>) dst(%dma_wait3A_72 : memref<8000xf32, #tpu.memory_space<vmem>>)
          tpu.yield
        }) : () -> ()
        %scan3A_45 = arith.constant 0 : i32
        %scan3A_46 = arith.constant 0 : i32
        %scan3A_47 = arith.constant 125 : i32
        %scan3A_48 = arith.addi %scan3A_46, %scan3A_47 : i32
        %scan3A_49 = arith.constant 1 : i32
        %scan3A_50 = scf.for %scan3A_66 = %scan3A_46 to %scan3A_48 step %scan3A_49 iter_args(%scan3A_67 = %scan3A_45) -> (i32)  : i32 {
          %mul3A_68 = arith.constant 16 : i32
          %mul3A_69 = arith.muli %scan3A_66, %mul3A_68 : i32
          %get3A = arith.index_cast %mul3A_69 : i32 to index
          %get3A_70 = tpu.vector_load %arg14[%get3A] {strides = array<i32>} : memref<2048xf32, #tpu.memory_space<vmem>>, vector<16xf32>,
          %max3A = arith.constant 1.000000e+00 : f32
          %max3A_71 = vector.broadcast %max3A : f32 to vector<16xf32>
          %max3A_72 = arith.maximumf %get3A_70, %max3A_71 : vector<16xf32>
          %div3A = arith.constant 1.000000e+00 : f32
          %div3A_73 = vector.broadcast %div3A : f32 to vector<16xf32>
          %div3A_74 = arith.divf %div3A_73, %max3A_72 : vector<16xf32>
          %mul3A_75 = arith.constant 16 : i32
          %mul3A_76 = arith.muli %scan3A_66, %mul3A_75 : i32
          %swap3A = arith.index_cast %mul3A_76 : i32 to index
          %swap3A_77 = tpu.vector_load %arg14[%swap3A] {strides = array<i32>} : memref<2048xf32, #tpu.memory_space<vmem>>, vector<16xf32>,
          tpu.vector_store %arg14[%swap3A], %div3A_74 {strides = array<i32>} : memref<2048xf32, #tpu.memory_space<vmem>>, vector<16xf32>,
          %scan3A_78 = arith.constant 0 : i32
          scf.yield %scan3A_78 : i32
        }
        %scan3A_51 = arith.constant 125 : i32
        %scan3A_52 = arith.constant 0 : i32
        %scan3A_53 = arith.constant 0 : i32
        %scan3A_54 = arith.constant 500 : i32
        %scan3A_55 = arith.addi %scan3A_53, %scan3A_54 : i32
        %scan3A_56 = arith.constant 1 : i32
        %scan3A_57 = scf.for %scan3A_66 = %scan3A_53 to %scan3A_55 step %scan3A_56 iter_args(%scan3A_67 = %scan3A_52) -> (i32)  : i32 {
          %mul3A_68 = arith.constant 16 : i32
          %mul3A_69 = arith.muli %scan3A_66, %mul3A_68 : i32
          %broadcast_in_dim3A_70 = vector.broadcast %mul3A_69 : i32 to vector<16xi32>
          %add3A_71 = arith.addi %broadcast_in_dim3A_70, %iota3A : vector<16xi32>
          %shift_right_logical3A_72 = arith.constant 2 : i32
          %shift_right_logical3A_73 = vector.broadcast %shift_right_logical3A_72 : i32 to vector<16xi32>
          %shift_right_logical3A_74 = arith.shrui %add3A_71, %shift_right_logical3A_73 : vector<16xi32>
          %gather3A = tpu.vector_load_idx %arg14[%shift_right_logical3A_74] : memref<2048xf32, #tpu.memory_space<vmem>>[vector<16xi32>], vector<16xf32>,
          %mul3A_75 = arith.constant 16 : i32
          %mul3A_76 = arith.muli %scan3A_66, %mul3A_75 : i32
          %get3A = arith.index_cast %mul3A_76 : i32 to index
          %get3A_77 = tpu.vector_load %run_scoped3A_43[%get3A] {strides = array<i32>} : memref<8016xf32, #tpu.memory_space<vmem>>, vector<16xf32>,
          %mul3A_78 = arith.constant 16 : i32
          %mul3A_79 = arith.muli %scan3A_66, %mul3A_78 : i32
          %get3A_80 = arith.index_cast %mul3A_79 : i32 to index
          %get3A_81 = tpu.vector_load %run_scoped3A_44[%get3A_80] {strides = array<i32>} : memref<8016xf32, #tpu.memory_space<vmem>>, vector<16xf32>,
          %sub3A = arith.subf %get3A_81, %get3A_77 : vector<16xf32>
          %add3A_82 = arith.constant 9.99999993E-9 : f32
          %add3A_83 = vector.broadcast %add3A_82 : f32 to vector<16xf32>
          %add3A_84 = arith.addf %sub3A, %add3A_83 : vector<16xf32>
          %div3A = arith.constant 1.000000e+00 : f32
          %div3A_85 = vector.broadcast %div3A : f32 to vector<16xf32>
          %div3A_86 = arith.divf %div3A_85, %add3A_84 : vector<16xf32>
          %mul3A_87 = arith.mulf %gather3A, %div3A_86 : vector<16xf32>
          %mul3A_88 = arith.constant 16 : i32
          %mul3A_89 = arith.muli %scan3A_66, %mul3A_88 : i32
          %swap3A = arith.index_cast %mul3A_89 : i32 to index
          %swap3A_90 = tpu.vector_load %run_scoped3A_44[%swap3A] {strides = array<i32>} : memref<8016xf32, #tpu.memory_space<vmem>>, vector<16xf32>,
          tpu.vector_store %run_scoped3A_44[%swap3A], %mul3A_87 {strides = array<i32>} : memref<8016xf32, #tpu.memory_space<vmem>>, vector<16xf32>,
          %mul3A_91 = arith.mulf %get3A_77, %div3A_86 : vector<16xf32>
          %mul3A_92 = arith.constant 16 : i32
          %mul3A_93 = arith.muli %scan3A_66, %mul3A_92 : i32
          %swap3A_94 = arith.index_cast %mul3A_93 : i32 to index
          %swap3A_95 = tpu.vector_load %run_scoped3A_43[%swap3A_94] {strides = array<i32>} : memref<8016xf32, #tpu.memory_space<vmem>>, vector<16xf32>,
          tpu.vector_store %run_scoped3A_43[%swap3A_94], %mul3A_91 {strides = array<i32>} : memref<8016xf32, #tpu.memory_space<vmem>>, vector<16xf32>,
          %scan3A_96 = arith.constant 0 : i32
          scf.yield %scan3A_96 : i32
        }
        %scan3A_58 = arith.constant 500 : i32
        %scan3A_59 = arith.constant 0 : i32
        %scan3A_60 = arith.constant 0 : i32
        %scan3A_61 = arith.constant 1000 : i32
        %scan3A_62 = arith.addi %scan3A_60, %scan3A_61 : i32
        %scan3A_63 = arith.constant 1 : i32
        %scan3A_64 = scf.for %scan3A_66 = %scan3A_60 to %scan3A_62 step %scan3A_63 iter_args(%scan3A_67 = %scan3A_59) -> (i32)  : i32 {
          %mul3A_68 = arith.constant 32 : i32
          %mul3A_69 = arith.muli %scan3A_66, %mul3A_68 : i32
          %get3A = arith.index_cast %mul3A_69 : i32 to index
          %get3A_70 = tpu.vector_load %run_scoped3A[%get3A] {strides = array<i32>} : memref<32000xf32, #tpu.memory_space<vmem>>, vector<16xf32>,
          %mul3A_71 = arith.constant 32 : i32
          %mul3A_72 = arith.muli %scan3A_66, %mul3A_71 : i32
          %add3A_73 = arith.constant 16 : i32
          %add3A_74 = arith.addi %mul3A_72, %add3A_73 : i32
          %get3A_75 = arith.index_cast %add3A_74 : i32 to index
          %get3A_76 = tpu.vector_load %run_scoped3A[%get3A_75] {strides = array<i32>} : memref<32000xf32, #tpu.memory_space<vmem>>, vector<16xf32>,
          %mul3A_77 = arith.constant 8 : i32
          %mul3A_78 = arith.muli %scan3A_66, %mul3A_77 : i32
          %mul3A_79 = arith.constant 8 : i32
          %mul3A_80 = arith.muli %scan3A_66, %mul3A_79 : i32
          %gather3A = tpu.memref_slice %run_scoped3A_44[%mul3A_78] : memref<8016xf32, #tpu.memory_space<vmem>> -> memref<16xf32, #tpu.memory_space<vmem>>
          %gather3A_81 = tpu.vector_load_idx %gather3A[%shift_right_logical3A_2] : memref<16xf32, #tpu.memory_space<vmem>>[vector<16xi32>], vector<16xf32>,
          %gather3A_82 = tpu.memref_slice %run_scoped3A_44[%mul3A_78] : memref<8016xf32, #tpu.memory_space<vmem>> -> memref<16xf32, #tpu.memory_space<vmem>>
          %gather3A_83 = tpu.vector_load_idx %gather3A_82[%add3A_7] : memref<16xf32, #tpu.memory_space<vmem>>[vector<16xi32>], vector<16xf32>,
          %gather3A_84 = tpu.memref_slice %run_scoped3A_43[%mul3A_80] : memref<8016xf32, #tpu.memory_space<vmem>> -> memref<16xf32, #tpu.memory_space<vmem>>
          %gather3A_85 = tpu.vector_load_idx %gather3A_84[%shift_right_logical3A_2] : memref<16xf32, #tpu.memory_space<vmem>>[vector<16xi32>], vector<16xf32>,
          %gather3A_86 = tpu.memref_slice %run_scoped3A_43[%mul3A_80] : memref<8016xf32, #tpu.memory_space<vmem>> -> memref<16xf32, #tpu.memory_space<vmem>>
          %gather3A_87 = tpu.vector_load_idx %gather3A_86[%add3A_7] : memref<16xf32, #tpu.memory_space<vmem>>[vector<16xi32>], vector<16xf32>,
          %mul3A_88 = arith.mulf %get3A_70, %gather3A_81 : vector<16xf32>
          %sub3A = arith.subf %mul3A_88, %gather3A_85 : vector<16xf32>
          %max3A = arith.constant 0.000000e+00 : f32
          %max3A_89 = vector.broadcast %max3A : f32 to vector<16xf32>
          %max3A_90 = arith.maximumf %sub3A, %max3A_89 : vector<16xf32>
          %mul3A_91 = arith.constant 32 : i32
          %mul3A_92 = arith.muli %scan3A_66, %mul3A_91 : i32
          %swap3A = arith.index_cast %mul3A_92 : i32 to index
          %swap3A_93 = tpu.vector_load %run_scoped3A[%swap3A] {strides = array<i32>} : memref<32000xf32, #tpu.memory_space<vmem>>, vector<16xf32>,
          tpu.vector_store %run_scoped3A[%swap3A], %max3A_90 {strides = array<i32>} : memref<32000xf32, #tpu.memory_space<vmem>>, vector<16xf32>,
          %mul3A_94 = arith.mulf %get3A_76, %gather3A_83 : vector<16xf32>
          %sub3A_95 = arith.subf %mul3A_94, %gather3A_87 : vector<16xf32>
          %max3A_96 = arith.constant 0.000000e+00 : f32
          %max3A_97 = vector.broadcast %max3A_96 : f32 to vector<16xf32>
          %max3A_98 = arith.maximumf %sub3A_95, %max3A_97 : vector<16xf32>
          %mul3A_99 = arith.constant 32 : i32
          %mul3A_100 = arith.muli %scan3A_66, %mul3A_99 : i32
          %add3A_101 = arith.constant 16 : i32
          %add3A_102 = arith.addi %mul3A_100, %add3A_101 : i32
          %swap3A_103 = arith.index_cast %add3A_102 : i32 to index
          %swap3A_104 = tpu.vector_load %run_scoped3A[%swap3A_103] {strides = array<i32>} : memref<32000xf32, #tpu.memory_space<vmem>>, vector<16xf32>,
          tpu.vector_store %run_scoped3A[%swap3A_103], %max3A_98 {strides = array<i32>} : memref<32000xf32, #tpu.memory_space<vmem>>, vector<16xf32>,
          %scan3A_105 = arith.constant 0 : i32
          scf.yield %scan3A_105 : i32
        }
        %scan3A_65 = arith.constant 1000 : i32
        tpu.yield
      }) : () -> ()
      "tpu.region"() ({
        %run_scoped3A_43 = memref.alloca() : memref<32000xf32, #tpu.memory_space<vmem>>
        %run_scoped3A_44 = memref.alloca() : memref<32000xf32, #tpu.memory_space<vmem>>
        tpu.enqueue_dma source(%arg8 : memref<32000xf32, #tpu.memory_space<hbm>>) target(%run_scoped3A_44 : memref<32000xf32, #tpu.memory_space<vmem>>) target_semaphore(%arg21 : memref<!tpu.dma_semaphore, #tpu.memory_space<semaphore_mem>>)
        %scan3A_45 = arith.constant 0 : i32
        %scan3A_46 = arith.constant 0 : i32
        %scan3A_47 = arith.constant 2000 : i32
        %scan3A_48 = arith.addi %scan3A_46, %scan3A_47 : i32
        %scan3A_49 = arith.constant 1 : i32
        %scan3A_50 = scf.for %scan3A_232 = %scan3A_46 to %scan3A_48 step %scan3A_49 iter_args(%scan3A_233 = %scan3A_45) -> (i32)  : i32 {
          %mul3A_234 = arith.constant 16 : i32
          %mul3A_235 = arith.muli %scan3A_232, %mul3A_234 : i32
          %broadcast_in_dim3A_236 = vector.broadcast %mul3A_235 : i32 to vector<16xi32>
          %add3A_237 = arith.addi %broadcast_in_dim3A_236, %iota3A : vector<16xi32>
          %mul3A_238 = arith.constant 16 : i32
          %mul3A_239 = arith.muli %scan3A_232, %mul3A_238 : i32
          %get3A = arith.index_cast %mul3A_239 : i32 to index
          %get3A_240 = tpu.vector_load %run_scoped3A[%get3A] {strides = array<i32>} : memref<32000xf32, #tpu.memory_space<vmem>>, vector<16xf32>,
          %and3A_241 = arith.constant 3 : i32
          %and3A_242 = vector.broadcast %and3A_241 : i32 to vector<16xi32>
          %and3A_243 = arith.andi %add3A_237, %and3A_242 : vector<16xi32>
          %mul3A_244 = arith.constant 8000 : i32
          %mul3A_245 = vector.broadcast %mul3A_244 : i32 to vector<16xi32>
          %mul3A_246 = arith.muli %and3A_243, %mul3A_245 : vector<16xi32>
          %shift_right_logical3A_247 = arith.constant 2 : i32
          %shift_right_logical3A_248 = vector.broadcast %shift_right_logical3A_247 : i32 to vector<16xi32>
          %shift_right_logical3A_249 = arith.shrui %add3A_237, %shift_right_logical3A_248 : vector<16xi32>
          %add3A_250 = arith.addi %mul3A_246, %shift_right_logical3A_249 : vector<16xi32>
          tpu.vector_store_idx %run_scoped3A_43[%add3A_250], %get3A_240 : memref<32000xf32, #tpu.memory_space<vmem>>[vector<16xi32>], vector<16xf32>,
          %scan3A_251 = arith.constant 0 : i32
          scf.yield %scan3A_251 : i32
        }
        %scan3A_51 = arith.constant 2000 : i32
        %scan3A_52 = arith.constant 0 : i32
        %scan3A_53 = arith.constant 0 : i32
        %scan3A_54 = arith.constant 2 : i32
        %scan3A_55 = arith.addi %scan3A_53, %scan3A_54 : i32
        %scan3A_56 = arith.constant 1 : i32
        %scan3A_57 = scf.for %scan3A_232 = %scan3A_53 to %scan3A_55 step %scan3A_56 iter_args(%scan3A_233 = %scan3A_52) -> (i32)  : i32 {
          %mul3A_234 = arith.constant 2000 : i32
          %mul3A_235 = arith.muli %arg1, %mul3A_234 : i32
          %mul3A_236 = arith.constant 1000 : i32
          %mul3A_237 = arith.muli %scan3A_232, %mul3A_236 : i32
          %add3A_238 = arith.addi %mul3A_235, %mul3A_237 : i32
          "tpu.region"() ({
            %run_scoped3A_247 = tpu.sem_alloc : memref<!tpu.dma_semaphore, #tpu.memory_space<semaphore_mem>>
            %dma_start3A_248 = arith.constant 0 : i32
            %dma_start3A_249 = tpu.memref_slice %arg19[%dma_start3A_248] : memref<800xi32, #tpu.memory_space<vmem>> -> memref<1000xi32, #tpu.memory_space<vmem>>
            %dma_start3A_250 = tpu.memref_slice %arg6[%add3A_238] : memref<32000xi32, #tpu.memory_space<hbm>> -> memref<1000xi32, #tpu.memory_space<hbm>>
            %dma_start3A_251 = arith.constant 0 : i32
            %dma_start3A_252 = tpu.memref_slice %arg19[%dma_start3A_251] : memref<800xi32, #tpu.memory_space<vmem>> -> memref<1000xi32, #tpu.memory_space<vmem>>
            %dma_start3A_253 = tpu.memref_slice %arg6[%add3A_238] : memref<32000xi32, #tpu.memory_space<hbm>> -> memref<1000xi32, #tpu.memory_space<hbm>>
            tpu.enqueue_dma source(%dma_start3A_253 : memref<1000xi32, #tpu.memory_space<hbm>>) target(%dma_start3A_252 : memref<1000xi32, #tpu.memory_space<vmem>>) target_semaphore(%run_scoped3A_247 : memref<!tpu.dma_semaphore, #tpu.memory_space<semaphore_mem>>)
            %dma_wait3A = arith.constant 0 : i32
            %dma_wait3A_254 = tpu.memref_slice %arg19[%dma_wait3A] : memref<800xi32, #tpu.memory_space<vmem>> -> memref<1000xi32, #tpu.memory_space<vmem>>
            %dma_wait3A_255 = tpu.memref_slice %arg6[%add3A_238] : memref<32000xi32, #tpu.memory_space<hbm>> -> memref<1000xi32, #tpu.memory_space<hbm>>
            %dma_wait3A_256 = arith.constant 0 : i32
            %dma_wait3A_257 = tpu.memref_slice %arg19[%dma_wait3A_256] : memref<800xi32, #tpu.memory_space<vmem>> -> memref<1000xi32, #tpu.memory_space<vmem>>
            %dma_wait3A_258 = tpu.memref_slice %arg6[%add3A_238] : memref<32000xi32, #tpu.memory_space<hbm>> -> memref<1000xi32, #tpu.memory_space<hbm>>
            tpu.wait_dma2 semaphore(%run_scoped3A_247 : memref<!tpu.dma_semaphore, #tpu.memory_space<semaphore_mem>>) src(%dma_wait3A_258 : memref<1000xi32, #tpu.memory_space<hbm>>) dst(%dma_wait3A_257 : memref<1000xi32, #tpu.memory_space<vmem>>)
            tpu.yield
          }) : () -> ()
          %scan3A_239 = arith.constant 0 : i32
          %scan3A_240 = arith.constant 0 : i32
          %scan3A_241 = arith.constant 62 : i32
          %scan3A_242 = arith.addi %scan3A_240, %scan3A_241 : i32
          %scan3A_243 = arith.constant 1 : i32
          %scan3A_244 = scf.for %scan3A_247 = %scan3A_240 to %scan3A_242 step %scan3A_243 iter_args(%scan3A_248 = %scan3A_239) -> (i32)  : i32 {
            %mul3A_249 = arith.constant 16 : i32
            %mul3A_250 = arith.muli %scan3A_247, %mul3A_249 : i32
            %get3A = arith.index_cast %mul3A_250 : i32 to index
            %get3A_251 = tpu.vector_load %arg19[%get3A] {strides = array<i32>} : memref<800xi32, #tpu.memory_space<vmem>>, vector<16xi32>,
            tpu.vector_store_idx %arg16[%get3A_251], %broadcast_in_dim3A_13 {add = true} : memref<512xf32, #tpu.memory_space<vmem>>[vector<16xi32>], vector<16xf32>,
            %scan3A_252 = arith.constant 0 : i32
            scf.yield %scan3A_252 : i32
          }
          %scan3A_245 = arith.constant 62 : i32
          %scan3A_246 = arith.constant 0 : i32
          scf.yield %scan3A_246 : i32
        }
        %scan3A_58 = arith.constant 2 : i32
        %mul3A_59 = arith.constant 2048 : i32
        %mul3A_60 = arith.muli %arg1, %mul3A_59 : i32
        "tpu.region"() ({
          %run_scoped3A_232 = tpu.sem_alloc : memref<!tpu.dma_semaphore, #tpu.memory_space<semaphore_mem>>
          %dma_start3A_233 = tpu.memref_slice %arg28[%mul3A_60] : memref<34816xf32, #tpu.memory_space<vmem_shared>> -> memref<512xf32, #tpu.memory_space<vmem_shared>>
          %dma_start3A_234 = tpu.memref_slice %arg28[%mul3A_60] : memref<34816xf32, #tpu.memory_space<vmem_shared>> -> memref<512xf32, #tpu.memory_space<vmem_shared>>
          tpu.enqueue_dma source(%arg16 : memref<512xf32, #tpu.memory_space<vmem>>) target(%dma_start3A_234 : memref<512xf32, #tpu.memory_space<vmem_shared>>) target_semaphore(%run_scoped3A_232 : memref<!tpu.dma_semaphore, #tpu.memory_space<semaphore_mem>>)
          %dma_wait3A = tpu.memref_slice %arg28[%mul3A_60] : memref<34816xf32, #tpu.memory_space<vmem_shared>> -> memref<512xf32, #tpu.memory_space<vmem_shared>>
          %dma_wait3A_235 = tpu.memref_slice %arg28[%mul3A_60] : memref<34816xf32, #tpu.memory_space<vmem_shared>> -> memref<512xf32, #tpu.memory_space<vmem_shared>>
          tpu.wait_dma2 semaphore(%run_scoped3A_232 : memref<!tpu.dma_semaphore, #tpu.memory_space<semaphore_mem>>) src(%arg16 : memref<512xf32, #tpu.memory_space<vmem>>) dst(%dma_wait3A_235 : memref<512xf32, #tpu.memory_space<vmem_shared>>)
          tpu.yield
        }) : () -> ()
        %barrier3A = arith.constant 0 : index
        tpu.barrier barrier_id(%barrier3A)
        %mul3A_61 = arith.constant 32 : i32
        %mul3A_62 = arith.muli %arg1, %mul3A_61 : i32
        %multiple_of3A = tpu.assume_multiple %mul3A_62, 8 : i32
        %scan3A_63 = arith.constant 0 : i32
        %scan3A_64 = arith.constant 0 : i32
        %scan3A_65 = arith.constant 2 : i32
        %scan3A_66 = arith.addi %scan3A_64, %scan3A_65 : i32
        %scan3A_67 = arith.constant 1 : i32
        %scan3A_68 = scf.for %scan3A_232 = %scan3A_64 to %scan3A_66 step %scan3A_67 iter_args(%scan3A_233 = %scan3A_63) -> (i32)  : i32 {
          %mul3A_234 = arith.constant 16 : i32
          %mul3A_235 = arith.muli %scan3A_232, %mul3A_234 : i32
          %swap3A = arith.index_cast %mul3A_235 : i32 to index
          %swap3A_236 = tpu.vector_load %arg25[%swap3A] {strides = array<i32>} : memref<128xf32, #tpu.memory_space<vmem>>, vector<16xf32>,
          tpu.vector_store %arg25[%swap3A], %broadcast_in_dim3A_11 {strides = array<i32>} : memref<128xf32, #tpu.memory_space<vmem>>, vector<16xf32>,
          %scan3A_237 = arith.constant 0 : i32
          scf.yield %scan3A_237 : i32
        }
        %scan3A_69 = arith.constant 2 : i32
        %add3A_70 = arith.constant 0 : i32
        %add3A_71 = arith.addi %add3A_70, %multiple_of3A : i32
        "tpu.region"() ({
          %run_scoped3A_232 = tpu.sem_alloc : memref<!tpu.dma_semaphore, #tpu.memory_space<semaphore_mem>>
          %dma_start3A_233 = arith.constant 0 : i32
          %dma_start3A_234 = tpu.memref_slice %arg26[%dma_start3A_233] : memref<128xf32, #tpu.memory_space<vmem>> -> memref<32xf32, #tpu.memory_space<vmem>>
          %dma_start3A_235 = tpu.memref_slice %arg28[%add3A_71] : memref<34816xf32, #tpu.memory_space<vmem_shared>> -> memref<32xf32, #tpu.memory_space<vmem_shared>>
          %dma_start3A_236 = arith.constant 0 : i32
          %dma_start3A_237 = tpu.memref_slice %arg26[%dma_start3A_236] : memref<128xf32, #tpu.memory_space<vmem>> -> memref<32xf32, #tpu.memory_space<vmem>>
          %dma_start3A_238 = tpu.memref_slice %arg28[%add3A_71] : memref<34816xf32, #tpu.memory_space<vmem_shared>> -> memref<32xf32, #tpu.memory_space<vmem_shared>>
          tpu.enqueue_dma source(%dma_start3A_238 : memref<32xf32, #tpu.memory_space<vmem_shared>>) target(%dma_start3A_237 : memref<32xf32, #tpu.memory_space<vmem>>) target_semaphore(%run_scoped3A_232 : memref<!tpu.dma_semaphore, #tpu.memory_space<semaphore_mem>>)
          %dma_wait3A = arith.constant 0 : i32
          %dma_wait3A_239 = tpu.memref_slice %arg26[%dma_wait3A] : memref<128xf32, #tpu.memory_space<vmem>> -> memref<32xf32, #tpu.memory_space<vmem>>
          %dma_wait3A_240 = tpu.memref_slice %arg28[%add3A_71] : memref<34816xf32, #tpu.memory_space<vmem_shared>> -> memref<32xf32, #tpu.memory_space<vmem_shared>>
          %dma_wait3A_241 = arith.constant 0 : i32
          %dma_wait3A_242 = tpu.memref_slice %arg26[%dma_wait3A_241] : memref<128xf32, #tpu.memory_space<vmem>> -> memref<32xf32, #tpu.memory_space<vmem>>
          %dma_wait3A_243 = tpu.memref_slice %arg28[%add3A_71] : memref<34816xf32, #tpu.memory_space<vmem_shared>> -> memref<32xf32, #tpu.memory_space<vmem_shared>>
          tpu.wait_dma2 semaphore(%run_scoped3A_232 : memref<!tpu.dma_semaphore, #tpu.memory_space<semaphore_mem>>) src(%dma_wait3A_243 : memref<32xf32, #tpu.memory_space<vmem_shared>>) dst(%dma_wait3A_242 : memref<32xf32, #tpu.memory_space<vmem>>)
          tpu.yield
        }) : () -> ()
        %scan3A_72 = arith.constant 0 : i32
        %scan3A_73 = arith.constant 0 : i32
        %scan3A_74 = arith.constant 2 : i32
        %scan3A_75 = arith.addi %scan3A_73, %scan3A_74 : i32
        %scan3A_76 = arith.constant 1 : i32
        %scan3A_77 = scf.for %scan3A_232 = %scan3A_73 to %scan3A_75 step %scan3A_76 iter_args(%scan3A_233 = %scan3A_72) -> (i32)  : i32 {
          %mul3A_234 = arith.constant 16 : i32
          %mul3A_235 = arith.muli %scan3A_232, %mul3A_234 : i32
          %get3A = arith.index_cast %mul3A_235 : i32 to index
          %get3A_236 = tpu.vector_load %arg25[%get3A] {strides = array<i32>} : memref<128xf32, #tpu.memory_space<vmem>>, vector<16xf32>,
          %mul3A_237 = arith.constant 16 : i32
          %mul3A_238 = arith.muli %scan3A_232, %mul3A_237 : i32
          %get3A_239 = arith.index_cast %mul3A_238 : i32 to index
          %get3A_240 = tpu.vector_load %arg26[%get3A_239] {strides = array<i32>} : memref<128xf32, #tpu.memory_space<vmem>>, vector<16xf32>,
          %add3A_241 = arith.addf %get3A_236, %get3A_240 : vector<16xf32>
          %mul3A_242 = arith.constant 16 : i32
          %mul3A_243 = arith.muli %scan3A_232, %mul3A_242 : i32
          %swap3A = arith.index_cast %mul3A_243 : i32 to index
          %swap3A_244 = tpu.vector_load %arg25[%swap3A] {strides = array<i32>} : memref<128xf32, #tpu.memory_space<vmem>>, vector<16xf32>,
          tpu.vector_store %arg25[%swap3A], %add3A_241 {strides = array<i32>} : memref<128xf32, #tpu.memory_space<vmem>>, vector<16xf32>,
          %scan3A_245 = arith.constant 0 : i32
          scf.yield %scan3A_245 : i32
        }
        %scan3A_78 = arith.constant 2 : i32
        %add3A_79 = arith.constant 2048 : i32
        %add3A_80 = arith.addi %add3A_79, %multiple_of3A : i32
        "tpu.region"() ({
          %run_scoped3A_232 = tpu.sem_alloc : memref<!tpu.dma_semaphore, #tpu.memory_space<semaphore_mem>>
          %dma_start3A_233 = arith.constant 0 : i32
          %dma_start3A_234 = tpu.memref_slice %arg26[%dma_start3A_233] : memref<128xf32, #tpu.memory_space<vmem>> -> memref<32xf32, #tpu.memory_space<vmem>>
          %dma_start3A_235 = tpu.memref_slice %arg28[%add3A_80] : memref<34816xf32, #tpu.memory_space<vmem_shared>> -> memref<32xf32, #tpu.memory_space<vmem_shared>>
          %dma_start3A_236 = arith.constant 0 : i32
          %dma_start3A_237 = tpu.memref_slice %arg26[%dma_start3A_236] : memref<128xf32, #tpu.memory_space<vmem>> -> memref<32xf32, #tpu.memory_space<vmem>>
          %dma_start3A_238 = tpu.memref_slice %arg28[%add3A_80] : memref<34816xf32, #tpu.memory_space<vmem_shared>> -> memref<32xf32, #tpu.memory_space<vmem_shared>>
          tpu.enqueue_dma source(%dma_start3A_238 : memref<32xf32, #tpu.memory_space<vmem_shared>>) target(%dma_start3A_237 : memref<32xf32, #tpu.memory_space<vmem>>) target_semaphore(%run_scoped3A_232 : memref<!tpu.dma_semaphore, #tpu.memory_space<semaphore_mem>>)
          %dma_wait3A = arith.constant 0 : i32
          %dma_wait3A_239 = tpu.memref_slice %arg26[%dma_wait3A] : memref<128xf32, #tpu.memory_space<vmem>> -> memref<32xf32, #tpu.memory_space<vmem>>
          %dma_wait3A_240 = tpu.memref_slice %arg28[%add3A_80] : memref<34816xf32, #tpu.memory_space<vmem_shared>> -> memref<32xf32, #tpu.memory_space<vmem_shared>>
          %dma_wait3A_241 = arith.constant 0 : i32
          %dma_wait3A_242 = tpu.memref_slice %arg26[%dma_wait3A_241] : memref<128xf32, #tpu.memory_space<vmem>> -> memref<32xf32, #tpu.memory_space<vmem>>
          %dma_wait3A_243 = tpu.memref_slice %arg28[%add3A_80] : memref<34816xf32, #tpu.memory_space<vmem_shared>> -> memref<32xf32, #tpu.memory_space<vmem_shared>>
          tpu.wait_dma2 semaphore(%run_scoped3A_232 : memref<!tpu.dma_semaphore, #tpu.memory_space<semaphore_mem>>) src(%dma_wait3A_243 : memref<32xf32, #tpu.memory_space<vmem_shared>>) dst(%dma_wait3A_242 : memref<32xf32, #tpu.memory_space<vmem>>)
          tpu.yield
        }) : () -> ()
        %scan3A_81 = arith.constant 0 : i32
        %scan3A_82 = arith.constant 0 : i32
        %scan3A_83 = arith.constant 2 : i32
        %scan3A_84 = arith.addi %scan3A_82, %scan3A_83 : i32
        %scan3A_85 = arith.constant 1 : i32
        %scan3A_86 = scf.for %scan3A_232 = %scan3A_82 to %scan3A_84 step %scan3A_85 iter_args(%scan3A_233 = %scan3A_81) -> (i32)  : i32 {
          %mul3A_234 = arith.constant 16 : i32
          %mul3A_235 = arith.muli %scan3A_232, %mul3A_234 : i32
          %get3A = arith.index_cast %mul3A_235 : i32 to index
          %get3A_236 = tpu.vector_load %arg25[%get3A] {strides = array<i32>} : memref<128xf32, #tpu.memory_space<vmem>>, vector<16xf32>,
          %mul3A_237 = arith.constant 16 : i32
          %mul3A_238 = arith.muli %scan3A_232, %mul3A_237 : i32
          %get3A_239 = arith.index_cast %mul3A_238 : i32 to index
          %get3A_240 = tpu.vector_load %arg26[%get3A_239] {strides = array<i32>} : memref<128xf32, #tpu.memory_space<vmem>>, vector<16xf32>,
          %add3A_241 = arith.addf %get3A_236, %get3A_240 : vector<16xf32>
          %mul3A_242 = arith.constant 16 : i32
          %mul3A_243 = arith.muli %scan3A_232, %mul3A_242 : i32
          %swap3A = arith.index_cast %mul3A_243 : i32 to index
          %swap3A_244 = tpu.vector_load %arg25[%swap3A] {strides = array<i32>} : memref<128xf32, #tpu.memory_space<vmem>>, vector<16xf32>,
          tpu.vector_store %arg25[%swap3A], %add3A_241 {strides = array<i32>} : memref<128xf32, #tpu.memory_space<vmem>>, vector<16xf32>,
          %scan3A_245 = arith.constant 0 : i32
          scf.yield %scan3A_245 : i32
        }
        %scan3A_87 = arith.constant 2 : i32
        %add3A_88 = arith.constant 4096 : i32
        %add3A_89 = arith.addi %add3A_88, %multiple_of3A : i32
        "tpu.region"() ({
          %run_scoped3A_232 = tpu.sem_alloc : memref<!tpu.dma_semaphore, #tpu.memory_space<semaphore_mem>>
          %dma_start3A_233 = arith.constant 0 : i32
          %dma_start3A_234 = tpu.memref_slice %arg26[%dma_start3A_233] : memref<128xf32, #tpu.memory_space<vmem>> -> memref<32xf32, #tpu.memory_space<vmem>>
          %dma_start3A_235 = tpu.memref_slice %arg28[%add3A_89] : memref<34816xf32, #tpu.memory_space<vmem_shared>> -> memref<32xf32, #tpu.memory_space<vmem_shared>>
          %dma_start3A_236 = arith.constant 0 : i32
          %dma_start3A_237 = tpu.memref_slice %arg26[%dma_start3A_236] : memref<128xf32, #tpu.memory_space<vmem>> -> memref<32xf32, #tpu.memory_space<vmem>>
          %dma_start3A_238 = tpu.memref_slice %arg28[%add3A_89] : memref<34816xf32, #tpu.memory_space<vmem_shared>> -> memref<32xf32, #tpu.memory_space<vmem_shared>>
          tpu.enqueue_dma source(%dma_start3A_238 : memref<32xf32, #tpu.memory_space<vmem_shared>>) target(%dma_start3A_237 : memref<32xf32, #tpu.memory_space<vmem>>) target_semaphore(%run_scoped3A_232 : memref<!tpu.dma_semaphore, #tpu.memory_space<semaphore_mem>>)
          %dma_wait3A = arith.constant 0 : i32
          %dma_wait3A_239 = tpu.memref_slice %arg26[%dma_wait3A] : memref<128xf32, #tpu.memory_space<vmem>> -> memref<32xf32, #tpu.memory_space<vmem>>
          %dma_wait3A_240 = tpu.memref_slice %arg28[%add3A_89] : memref<34816xf32, #tpu.memory_space<vmem_shared>> -> memref<32xf32, #tpu.memory_space<vmem_shared>>
          %dma_wait3A_241 = arith.constant 0 : i32
          %dma_wait3A_242 = tpu.memref_slice %arg26[%dma_wait3A_241] : memref<128xf32, #tpu.memory_space<vmem>> -> memref<32xf32, #tpu.memory_space<vmem>>
          %dma_wait3A_243 = tpu.memref_slice %arg28[%add3A_89] : memref<34816xf32, #tpu.memory_space<vmem_shared>> -> memref<32xf32, #tpu.memory_space<vmem_shared>>
          tpu.wait_dma2 semaphore(%run_scoped3A_232 : memref<!tpu.dma_semaphore, #tpu.memory_space<semaphore_mem>>) src(%dma_wait3A_243 : memref<32xf32, #tpu.memory_space<vmem_shared>>) dst(%dma_wait3A_242 : memref<32xf32, #tpu.memory_space<vmem>>)
          tpu.yield
        }) : () -> ()
        %scan3A_90 = arith.constant 0 : i32
        %scan3A_91 = arith.constant 0 : i32
        %scan3A_92 = arith.constant 2 : i32
        %scan3A_93 = arith.addi %scan3A_91, %scan3A_92 : i32
        %scan3A_94 = arith.constant 1 : i32
        %scan3A_95 = scf.for %scan3A_232 = %scan3A_91 to %scan3A_93 step %scan3A_94 iter_args(%scan3A_233 = %scan3A_90) -> (i32)  : i32 {
          %mul3A_234 = arith.constant 16 : i32
          %mul3A_235 = arith.muli %scan3A_232, %mul3A_234 : i32
          %get3A = arith.index_cast %mul3A_235 : i32 to index
          %get3A_236 = tpu.vector_load %arg25[%get3A] {strides = array<i32>} : memref<128xf32, #tpu.memory_space<vmem>>, vector<16xf32>,
          %mul3A_237 = arith.constant 16 : i32
          %mul3A_238 = arith.muli %scan3A_232, %mul3A_237 : i32
          %get3A_239 = arith.index_cast %mul3A_238 : i32 to index
          %get3A_240 = tpu.vector_load %arg26[%get3A_239] {strides = array<i32>} : memref<128xf32, #tpu.memory_space<vmem>>, vector<16xf32>,
          %add3A_241 = arith.addf %get3A_236, %get3A_240 : vector<16xf32>
          %mul3A_242 = arith.constant 16 : i32
          %mul3A_243 = arith.muli %scan3A_232, %mul3A_242 : i32
          %swap3A = arith.index_cast %mul3A_243 : i32 to index
          %swap3A_244 = tpu.vector_load %arg25[%swap3A] {strides = array<i32>} : memref<128xf32, #tpu.memory_space<vmem>>, vector<16xf32>,
          tpu.vector_store %arg25[%swap3A], %add3A_241 {strides = array<i32>} : memref<128xf32, #tpu.memory_space<vmem>>, vector<16xf32>,
          %scan3A_245 = arith.constant 0 : i32
          scf.yield %scan3A_245 : i32
        }
        %scan3A_96 = arith.constant 2 : i32
        %add3A_97 = arith.constant 6144 : i32
        %add3A_98 = arith.addi %add3A_97, %multiple_of3A : i32
        "tpu.region"() ({
          %run_scoped3A_232 = tpu.sem_alloc : memref<!tpu.dma_semaphore, #tpu.memory_space<semaphore_mem>>
          %dma_start3A_233 = arith.constant 0 : i32
          %dma_start3A_234 = tpu.memref_slice %arg26[%dma_start3A_233] : memref<128xf32, #tpu.memory_space<vmem>> -> memref<32xf32, #tpu.memory_space<vmem>>
          %dma_start3A_235 = tpu.memref_slice %arg28[%add3A_98] : memref<34816xf32, #tpu.memory_space<vmem_shared>> -> memref<32xf32, #tpu.memory_space<vmem_shared>>
          %dma_start3A_236 = arith.constant 0 : i32
          %dma_start3A_237 = tpu.memref_slice %arg26[%dma_start3A_236] : memref<128xf32, #tpu.memory_space<vmem>> -> memref<32xf32, #tpu.memory_space<vmem>>
          %dma_start3A_238 = tpu.memref_slice %arg28[%add3A_98] : memref<34816xf32, #tpu.memory_space<vmem_shared>> -> memref<32xf32, #tpu.memory_space<vmem_shared>>
          tpu.enqueue_dma source(%dma_start3A_238 : memref<32xf32, #tpu.memory_space<vmem_shared>>) target(%dma_start3A_237 : memref<32xf32, #tpu.memory_space<vmem>>) target_semaphore(%run_scoped3A_232 : memref<!tpu.dma_semaphore, #tpu.memory_space<semaphore_mem>>)
          %dma_wait3A = arith.constant 0 : i32
          %dma_wait3A_239 = tpu.memref_slice %arg26[%dma_wait3A] : memref<128xf32, #tpu.memory_space<vmem>> -> memref<32xf32, #tpu.memory_space<vmem>>
          %dma_wait3A_240 = tpu.memref_slice %arg28[%add3A_98] : memref<34816xf32, #tpu.memory_space<vmem_shared>> -> memref<32xf32, #tpu.memory_space<vmem_shared>>
          %dma_wait3A_241 = arith.constant 0 : i32
          %dma_wait3A_242 = tpu.memref_slice %arg26[%dma_wait3A_241] : memref<128xf32, #tpu.memory_space<vmem>> -> memref<32xf32, #tpu.memory_space<vmem>>
          %dma_wait3A_243 = tpu.memref_slice %arg28[%add3A_98] : memref<34816xf32, #tpu.memory_space<vmem_shared>> -> memref<32xf32, #tpu.memory_space<vmem_shared>>
          tpu.wait_dma2 semaphore(%run_scoped3A_232 : memref<!tpu.dma_semaphore, #tpu.memory_space<semaphore_mem>>) src(%dma_wait3A_243 : memref<32xf32, #tpu.memory_space<vmem_shared>>) dst(%dma_wait3A_242 : memref<32xf32, #tpu.memory_space<vmem>>)
          tpu.yield
        }) : () -> ()
        %scan3A_99 = arith.constant 0 : i32
        %scan3A_100 = arith.constant 0 : i32
        %scan3A_101 = arith.constant 2 : i32
        %scan3A_102 = arith.addi %scan3A_100, %scan3A_101 : i32
        %scan3A_103 = arith.constant 1 : i32
        %scan3A_104 = scf.for %scan3A_232 = %scan3A_100 to %scan3A_102 step %scan3A_103 iter_args(%scan3A_233 = %scan3A_99) -> (i32)  : i32 {
          %mul3A_234 = arith.constant 16 : i32
          %mul3A_235 = arith.muli %scan3A_232, %mul3A_234 : i32
          %get3A = arith.index_cast %mul3A_235 : i32 to index
          %get3A_236 = tpu.vector_load %arg25[%get3A] {strides = array<i32>} : memref<128xf32, #tpu.memory_space<vmem>>, vector<16xf32>,
          %mul3A_237 = arith.constant 16 : i32
          %mul3A_238 = arith.muli %scan3A_232, %mul3A_237 : i32
          %get3A_239 = arith.index_cast %mul3A_238 : i32 to index
          %get3A_240 = tpu.vector_load %arg26[%get3A_239] {strides = array<i32>} : memref<128xf32, #tpu.memory_space<vmem>>, vector<16xf32>,
          %add3A_241 = arith.addf %get3A_236, %get3A_240 : vector<16xf32>
          %mul3A_242 = arith.constant 16 : i32
          %mul3A_243 = arith.muli %scan3A_232, %mul3A_242 : i32
          %swap3A = arith.index_cast %mul3A_243 : i32 to index
          %swap3A_244 = tpu.vector_load %arg25[%swap3A] {strides = array<i32>} : memref<128xf32, #tpu.memory_space<vmem>>, vector<16xf32>,
          tpu.vector_store %arg25[%swap3A], %add3A_241 {strides = array<i32>} : memref<128xf32, #tpu.memory_space<vmem>>, vector<16xf32>,
          %scan3A_245 = arith.constant 0 : i32
          scf.yield %scan3A_245 : i32
        }
        %scan3A_105 = arith.constant 2 : i32
        %add3A_106 = arith.constant 8192 : i32
        %add3A_107 = arith.addi %add3A_106, %multiple_of3A : i32
        "tpu.region"() ({
          %run_scoped3A_232 = tpu.sem_alloc : memref<!tpu.dma_semaphore, #tpu.memory_space<semaphore_mem>>
          %dma_start3A_233 = arith.constant 0 : i32
          %dma_start3A_234 = tpu.memref_slice %arg26[%dma_start3A_233] : memref<128xf32, #tpu.memory_space<vmem>> -> memref<32xf32, #tpu.memory_space<vmem>>
          %dma_start3A_235 = tpu.memref_slice %arg28[%add3A_107] : memref<34816xf32, #tpu.memory_space<vmem_shared>> -> memref<32xf32, #tpu.memory_space<vmem_shared>>
          %dma_start3A_236 = arith.constant 0 : i32
          %dma_start3A_237 = tpu.memref_slice %arg26[%dma_start3A_236] : memref<128xf32, #tpu.memory_space<vmem>> -> memref<32xf32, #tpu.memory_space<vmem>>
          %dma_start3A_238 = tpu.memref_slice %arg28[%add3A_107] : memref<34816xf32, #tpu.memory_space<vmem_shared>> -> memref<32xf32, #tpu.memory_space<vmem_shared>>
          tpu.enqueue_dma source(%dma_start3A_238 : memref<32xf32, #tpu.memory_space<vmem_shared>>) target(%dma_start3A_237 : memref<32xf32, #tpu.memory_space<vmem>>) target_semaphore(%run_scoped3A_232 : memref<!tpu.dma_semaphore, #tpu.memory_space<semaphore_mem>>)
          %dma_wait3A = arith.constant 0 : i32
          %dma_wait3A_239 = tpu.memref_slice %arg26[%dma_wait3A] : memref<128xf32, #tpu.memory_space<vmem>> -> memref<32xf32, #tpu.memory_space<vmem>>
          %dma_wait3A_240 = tpu.memref_slice %arg28[%add3A_107] : memref<34816xf32, #tpu.memory_space<vmem_shared>> -> memref<32xf32, #tpu.memory_space<vmem_shared>>
          %dma_wait3A_241 = arith.constant 0 : i32
          %dma_wait3A_242 = tpu.memref_slice %arg26[%dma_wait3A_241] : memref<128xf32, #tpu.memory_space<vmem>> -> memref<32xf32, #tpu.memory_space<vmem>>
          %dma_wait3A_243 = tpu.memref_slice %arg28[%add3A_107] : memref<34816xf32, #tpu.memory_space<vmem_shared>> -> memref<32xf32, #tpu.memory_space<vmem_shared>>
          tpu.wait_dma2 semaphore(%run_scoped3A_232 : memref<!tpu.dma_semaphore, #tpu.memory_space<semaphore_mem>>) src(%dma_wait3A_243 : memref<32xf32, #tpu.memory_space<vmem_shared>>) dst(%dma_wait3A_242 : memref<32xf32, #tpu.memory_space<vmem>>)
          tpu.yield
        }) : () -> ()
        %scan3A_108 = arith.constant 0 : i32
        %scan3A_109 = arith.constant 0 : i32
        %scan3A_110 = arith.constant 2 : i32
        %scan3A_111 = arith.addi %scan3A_109, %scan3A_110 : i32
        %scan3A_112 = arith.constant 1 : i32
        %scan3A_113 = scf.for %scan3A_232 = %scan3A_109 to %scan3A_111 step %scan3A_112 iter_args(%scan3A_233 = %scan3A_108) -> (i32)  : i32 {
          %mul3A_234 = arith.constant 16 : i32
          %mul3A_235 = arith.muli %scan3A_232, %mul3A_234 : i32
          %get3A = arith.index_cast %mul3A_235 : i32 to index
          %get3A_236 = tpu.vector_load %arg25[%get3A] {strides = array<i32>} : memref<128xf32, #tpu.memory_space<vmem>>, vector<16xf32>,
          %mul3A_237 = arith.constant 16 : i32
          %mul3A_238 = arith.muli %scan3A_232, %mul3A_237 : i32
          %get3A_239 = arith.index_cast %mul3A_238 : i32 to index
          %get3A_240 = tpu.vector_load %arg26[%get3A_239] {strides = array<i32>} : memref<128xf32, #tpu.memory_space<vmem>>, vector<16xf32>,
          %add3A_241 = arith.addf %get3A_236, %get3A_240 : vector<16xf32>
          %mul3A_242 = arith.constant 16 : i32
          %mul3A_243 = arith.muli %scan3A_232, %mul3A_242 : i32
          %swap3A = arith.index_cast %mul3A_243 : i32 to index
          %swap3A_244 = tpu.vector_load %arg25[%swap3A] {strides = array<i32>} : memref<128xf32, #tpu.memory_space<vmem>>, vector<16xf32>,
          tpu.vector_store %arg25[%swap3A], %add3A_241 {strides = array<i32>} : memref<128xf32, #tpu.memory_space<vmem>>, vector<16xf32>,
          %scan3A_245 = arith.constant 0 : i32
          scf.yield %scan3A_245 : i32
        }
        %scan3A_114 = arith.constant 2 : i32
        %add3A_115 = arith.constant 10240 : i32
        %add3A_116 = arith.addi %add3A_115, %multiple_of3A : i32
        "tpu.region"() ({
          %run_scoped3A_232 = tpu.sem_alloc : memref<!tpu.dma_semaphore, #tpu.memory_space<semaphore_mem>>
          %dma_start3A_233 = arith.constant 0 : i32
          %dma_start3A_234 = tpu.memref_slice %arg26[%dma_start3A_233] : memref<128xf32, #tpu.memory_space<vmem>> -> memref<32xf32, #tpu.memory_space<vmem>>
          %dma_start3A_235 = tpu.memref_slice %arg28[%add3A_116] : memref<34816xf32, #tpu.memory_space<vmem_shared>> -> memref<32xf32, #tpu.memory_space<vmem_shared>>
          %dma_start3A_236 = arith.constant 0 : i32
          %dma_start3A_237 = tpu.memref_slice %arg26[%dma_start3A_236] : memref<128xf32, #tpu.memory_space<vmem>> -> memref<32xf32, #tpu.memory_space<vmem>>
          %dma_start3A_238 = tpu.memref_slice %arg28[%add3A_116] : memref<34816xf32, #tpu.memory_space<vmem_shared>> -> memref<32xf32, #tpu.memory_space<vmem_shared>>
          tpu.enqueue_dma source(%dma_start3A_238 : memref<32xf32, #tpu.memory_space<vmem_shared>>) target(%dma_start3A_237 : memref<32xf32, #tpu.memory_space<vmem>>) target_semaphore(%run_scoped3A_232 : memref<!tpu.dma_semaphore, #tpu.memory_space<semaphore_mem>>)
          %dma_wait3A = arith.constant 0 : i32
          %dma_wait3A_239 = tpu.memref_slice %arg26[%dma_wait3A] : memref<128xf32, #tpu.memory_space<vmem>> -> memref<32xf32, #tpu.memory_space<vmem>>
          %dma_wait3A_240 = tpu.memref_slice %arg28[%add3A_116] : memref<34816xf32, #tpu.memory_space<vmem_shared>> -> memref<32xf32, #tpu.memory_space<vmem_shared>>
          %dma_wait3A_241 = arith.constant 0 : i32
          %dma_wait3A_242 = tpu.memref_slice %arg26[%dma_wait3A_241] : memref<128xf32, #tpu.memory_space<vmem>> -> memref<32xf32, #tpu.memory_space<vmem>>
          %dma_wait3A_243 = tpu.memref_slice %arg28[%add3A_116] : memref<34816xf32, #tpu.memory_space<vmem_shared>> -> memref<32xf32, #tpu.memory_space<vmem_shared>>
          tpu.wait_dma2 semaphore(%run_scoped3A_232 : memref<!tpu.dma_semaphore, #tpu.memory_space<semaphore_mem>>) src(%dma_wait3A_243 : memref<32xf32, #tpu.memory_space<vmem_shared>>) dst(%dma_wait3A_242 : memref<32xf32, #tpu.memory_space<vmem>>)
          tpu.yield
        }) : () -> ()
        %scan3A_117 = arith.constant 0 : i32
        %scan3A_118 = arith.constant 0 : i32
        %scan3A_119 = arith.constant 2 : i32
        %scan3A_120 = arith.addi %scan3A_118, %scan3A_119 : i32
        %scan3A_121 = arith.constant 1 : i32
        %scan3A_122 = scf.for %scan3A_232 = %scan3A_118 to %scan3A_120 step %scan3A_121 iter_args(%scan3A_233 = %scan3A_117) -> (i32)  : i32 {
          %mul3A_234 = arith.constant 16 : i32
          %mul3A_235 = arith.muli %scan3A_232, %mul3A_234 : i32
          %get3A = arith.index_cast %mul3A_235 : i32 to index
          %get3A_236 = tpu.vector_load %arg25[%get3A] {strides = array<i32>} : memref<128xf32, #tpu.memory_space<vmem>>, vector<16xf32>,
          %mul3A_237 = arith.constant 16 : i32
          %mul3A_238 = arith.muli %scan3A_232, %mul3A_237 : i32
          %get3A_239 = arith.index_cast %mul3A_238 : i32 to index
          %get3A_240 = tpu.vector_load %arg26[%get3A_239] {strides = array<i32>} : memref<128xf32, #tpu.memory_space<vmem>>, vector<16xf32>,
          %add3A_241 = arith.addf %get3A_236, %get3A_240 : vector<16xf32>
          %mul3A_242 = arith.constant 16 : i32
          %mul3A_243 = arith.muli %scan3A_232, %mul3A_242 : i32
          %swap3A = arith.index_cast %mul3A_243 : i32 to index
          %swap3A_244 = tpu.vector_load %arg25[%swap3A] {strides = array<i32>} : memref<128xf32, #tpu.memory_space<vmem>>, vector<16xf32>,
          tpu.vector_store %arg25[%swap3A], %add3A_241 {strides = array<i32>} : memref<128xf32, #tpu.memory_space<vmem>>, vector<16xf32>,
          %scan3A_245 = arith.constant 0 : i32
          scf.yield %scan3A_245 : i32
        }
        %scan3A_123 = arith.constant 2 : i32
        %add3A_124 = arith.constant 12288 : i32
        %add3A_125 = arith.addi %add3A_124, %multiple_of3A : i32
        "tpu.region"() ({
          %run_scoped3A_232 = tpu.sem_alloc : memref<!tpu.dma_semaphore, #tpu.memory_space<semaphore_mem>>
          %dma_start3A_233 = arith.constant 0 : i32
          %dma_start3A_234 = tpu.memref_slice %arg26[%dma_start3A_233] : memref<128xf32, #tpu.memory_space<vmem>> -> memref<32xf32, #tpu.memory_space<vmem>>
          %dma_start3A_235 = tpu.memref_slice %arg28[%add3A_125] : memref<34816xf32, #tpu.memory_space<vmem_shared>> -> memref<32xf32, #tpu.memory_space<vmem_shared>>
          %dma_start3A_236 = arith.constant 0 : i32
          %dma_start3A_237 = tpu.memref_slice %arg26[%dma_start3A_236] : memref<128xf32, #tpu.memory_space<vmem>> -> memref<32xf32, #tpu.memory_space<vmem>>
          %dma_start3A_238 = tpu.memref_slice %arg28[%add3A_125] : memref<34816xf32, #tpu.memory_space<vmem_shared>> -> memref<32xf32, #tpu.memory_space<vmem_shared>>
          tpu.enqueue_dma source(%dma_start3A_238 : memref<32xf32, #tpu.memory_space<vmem_shared>>) target(%dma_start3A_237 : memref<32xf32, #tpu.memory_space<vmem>>) target_semaphore(%run_scoped3A_232 : memref<!tpu.dma_semaphore, #tpu.memory_space<semaphore_mem>>)
          %dma_wait3A = arith.constant 0 : i32
          %dma_wait3A_239 = tpu.memref_slice %arg26[%dma_wait3A] : memref<128xf32, #tpu.memory_space<vmem>> -> memref<32xf32, #tpu.memory_space<vmem>>
          %dma_wait3A_240 = tpu.memref_slice %arg28[%add3A_125] : memref<34816xf32, #tpu.memory_space<vmem_shared>> -> memref<32xf32, #tpu.memory_space<vmem_shared>>
          %dma_wait3A_241 = arith.constant 0 : i32
          %dma_wait3A_242 = tpu.memref_slice %arg26[%dma_wait3A_241] : memref<128xf32, #tpu.memory_space<vmem>> -> memref<32xf32, #tpu.memory_space<vmem>>
          %dma_wait3A_243 = tpu.memref_slice %arg28[%add3A_125] : memref<34816xf32, #tpu.memory_space<vmem_shared>> -> memref<32xf32, #tpu.memory_space<vmem_shared>>
          tpu.wait_dma2 semaphore(%run_scoped3A_232 : memref<!tpu.dma_semaphore, #tpu.memory_space<semaphore_mem>>) src(%dma_wait3A_243 : memref<32xf32, #tpu.memory_space<vmem_shared>>) dst(%dma_wait3A_242 : memref<32xf32, #tpu.memory_space<vmem>>)
          tpu.yield
        }) : () -> ()
        %scan3A_126 = arith.constant 0 : i32
        %scan3A_127 = arith.constant 0 : i32
        %scan3A_128 = arith.constant 2 : i32
        %scan3A_129 = arith.addi %scan3A_127, %scan3A_128 : i32
        %scan3A_130 = arith.constant 1 : i32
        %scan3A_131 = scf.for %scan3A_232 = %scan3A_127 to %scan3A_129 step %scan3A_130 iter_args(%scan3A_233 = %scan3A_126) -> (i32)  : i32 {
          %mul3A_234 = arith.constant 16 : i32
          %mul3A_235 = arith.muli %scan3A_232, %mul3A_234 : i32
          %get3A = arith.index_cast %mul3A_235 : i32 to index
          %get3A_236 = tpu.vector_load %arg25[%get3A] {strides = array<i32>} : memref<128xf32, #tpu.memory_space<vmem>>, vector<16xf32>,
          %mul3A_237 = arith.constant 16 : i32
          %mul3A_238 = arith.muli %scan3A_232, %mul3A_237 : i32
          %get3A_239 = arith.index_cast %mul3A_238 : i32 to index
          %get3A_240 = tpu.vector_load %arg26[%get3A_239] {strides = array<i32>} : memref<128xf32, #tpu.memory_space<vmem>>, vector<16xf32>,
          %add3A_241 = arith.addf %get3A_236, %get3A_240 : vector<16xf32>
          %mul3A_242 = arith.constant 16 : i32
          %mul3A_243 = arith.muli %scan3A_232, %mul3A_242 : i32
          %swap3A = arith.index_cast %mul3A_243 : i32 to index
          %swap3A_244 = tpu.vector_load %arg25[%swap3A] {strides = array<i32>} : memref<128xf32, #tpu.memory_space<vmem>>, vector<16xf32>,
          tpu.vector_store %arg25[%swap3A], %add3A_241 {strides = array<i32>} : memref<128xf32, #tpu.memory_space<vmem>>, vector<16xf32>,
          %scan3A_245 = arith.constant 0 : i32
          scf.yield %scan3A_245 : i32
        }
        %scan3A_132 = arith.constant 2 : i32
        %add3A_133 = arith.constant 14336 : i32
        %add3A_134 = arith.addi %add3A_133, %multiple_of3A : i32
        "tpu.region"() ({
          %run_scoped3A_232 = tpu.sem_alloc : memref<!tpu.dma_semaphore, #tpu.memory_space<semaphore_mem>>
          %dma_start3A_233 = arith.constant 0 : i32
          %dma_start3A_234 = tpu.memref_slice %arg26[%dma_start3A_233] : memref<128xf32, #tpu.memory_space<vmem>> -> memref<32xf32, #tpu.memory_space<vmem>>
          %dma_start3A_235 = tpu.memref_slice %arg28[%add3A_134] : memref<34816xf32, #tpu.memory_space<vmem_shared>> -> memref<32xf32, #tpu.memory_space<vmem_shared>>
          %dma_start3A_236 = arith.constant 0 : i32
          %dma_start3A_237 = tpu.memref_slice %arg26[%dma_start3A_236] : memref<128xf32, #tpu.memory_space<vmem>> -> memref<32xf32, #tpu.memory_space<vmem>>
          %dma_start3A_238 = tpu.memref_slice %arg28[%add3A_134] : memref<34816xf32, #tpu.memory_space<vmem_shared>> -> memref<32xf32, #tpu.memory_space<vmem_shared>>
          tpu.enqueue_dma source(%dma_start3A_238 : memref<32xf32, #tpu.memory_space<vmem_shared>>) target(%dma_start3A_237 : memref<32xf32, #tpu.memory_space<vmem>>) target_semaphore(%run_scoped3A_232 : memref<!tpu.dma_semaphore, #tpu.memory_space<semaphore_mem>>)
          %dma_wait3A = arith.constant 0 : i32
          %dma_wait3A_239 = tpu.memref_slice %arg26[%dma_wait3A] : memref<128xf32, #tpu.memory_space<vmem>> -> memref<32xf32, #tpu.memory_space<vmem>>
          %dma_wait3A_240 = tpu.memref_slice %arg28[%add3A_134] : memref<34816xf32, #tpu.memory_space<vmem_shared>> -> memref<32xf32, #tpu.memory_space<vmem_shared>>
          %dma_wait3A_241 = arith.constant 0 : i32
          %dma_wait3A_242 = tpu.memref_slice %arg26[%dma_wait3A_241] : memref<128xf32, #tpu.memory_space<vmem>> -> memref<32xf32, #tpu.memory_space<vmem>>
          %dma_wait3A_243 = tpu.memref_slice %arg28[%add3A_134] : memref<34816xf32, #tpu.memory_space<vmem_shared>> -> memref<32xf32, #tpu.memory_space<vmem_shared>>
          tpu.wait_dma2 semaphore(%run_scoped3A_232 : memref<!tpu.dma_semaphore, #tpu.memory_space<semaphore_mem>>) src(%dma_wait3A_243 : memref<32xf32, #tpu.memory_space<vmem_shared>>) dst(%dma_wait3A_242 : memref<32xf32, #tpu.memory_space<vmem>>)
          tpu.yield
        }) : () -> ()
        %scan3A_135 = arith.constant 0 : i32
        %scan3A_136 = arith.constant 0 : i32
        %scan3A_137 = arith.constant 2 : i32
        %scan3A_138 = arith.addi %scan3A_136, %scan3A_137 : i32
        %scan3A_139 = arith.constant 1 : i32
        %scan3A_140 = scf.for %scan3A_232 = %scan3A_136 to %scan3A_138 step %scan3A_139 iter_args(%scan3A_233 = %scan3A_135) -> (i32)  : i32 {
          %mul3A_234 = arith.constant 16 : i32
          %mul3A_235 = arith.muli %scan3A_232, %mul3A_234 : i32
          %get3A = arith.index_cast %mul3A_235 : i32 to index
          %get3A_236 = tpu.vector_load %arg25[%get3A] {strides = array<i32>} : memref<128xf32, #tpu.memory_space<vmem>>, vector<16xf32>,
          %mul3A_237 = arith.constant 16 : i32
          %mul3A_238 = arith.muli %scan3A_232, %mul3A_237 : i32
          %get3A_239 = arith.index_cast %mul3A_238 : i32 to index
          %get3A_240 = tpu.vector_load %arg26[%get3A_239] {strides = array<i32>} : memref<128xf32, #tpu.memory_space<vmem>>, vector<16xf32>,
          %add3A_241 = arith.addf %get3A_236, %get3A_240 : vector<16xf32>
          %mul3A_242 = arith.constant 16 : i32
          %mul3A_243 = arith.muli %scan3A_232, %mul3A_242 : i32
          %swap3A = arith.index_cast %mul3A_243 : i32 to index
          %swap3A_244 = tpu.vector_load %arg25[%swap3A] {strides = array<i32>} : memref<128xf32, #tpu.memory_space<vmem>>, vector<16xf32>,
          tpu.vector_store %arg25[%swap3A], %add3A_241 {strides = array<i32>} : memref<128xf32, #tpu.memory_space<vmem>>, vector<16xf32>,
          %scan3A_245 = arith.constant 0 : i32
          scf.yield %scan3A_245 : i32
        }
        %scan3A_141 = arith.constant 2 : i32
        %add3A_142 = arith.constant 16384 : i32
        %add3A_143 = arith.addi %add3A_142, %multiple_of3A : i32
        "tpu.region"() ({
          %run_scoped3A_232 = tpu.sem_alloc : memref<!tpu.dma_semaphore, #tpu.memory_space<semaphore_mem>>
          %dma_start3A_233 = arith.constant 0 : i32
          %dma_start3A_234 = tpu.memref_slice %arg26[%dma_start3A_233] : memref<128xf32, #tpu.memory_space<vmem>> -> memref<32xf32, #tpu.memory_space<vmem>>
          %dma_start3A_235 = tpu.memref_slice %arg28[%add3A_143] : memref<34816xf32, #tpu.memory_space<vmem_shared>> -> memref<32xf32, #tpu.memory_space<vmem_shared>>
          %dma_start3A_236 = arith.constant 0 : i32
          %dma_start3A_237 = tpu.memref_slice %arg26[%dma_start3A_236] : memref<128xf32, #tpu.memory_space<vmem>> -> memref<32xf32, #tpu.memory_space<vmem>>
          %dma_start3A_238 = tpu.memref_slice %arg28[%add3A_143] : memref<34816xf32, #tpu.memory_space<vmem_shared>> -> memref<32xf32, #tpu.memory_space<vmem_shared>>
          tpu.enqueue_dma source(%dma_start3A_238 : memref<32xf32, #tpu.memory_space<vmem_shared>>) target(%dma_start3A_237 : memref<32xf32, #tpu.memory_space<vmem>>) target_semaphore(%run_scoped3A_232 : memref<!tpu.dma_semaphore, #tpu.memory_space<semaphore_mem>>)
          %dma_wait3A = arith.constant 0 : i32
          %dma_wait3A_239 = tpu.memref_slice %arg26[%dma_wait3A] : memref<128xf32, #tpu.memory_space<vmem>> -> memref<32xf32, #tpu.memory_space<vmem>>
          %dma_wait3A_240 = tpu.memref_slice %arg28[%add3A_143] : memref<34816xf32, #tpu.memory_space<vmem_shared>> -> memref<32xf32, #tpu.memory_space<vmem_shared>>
          %dma_wait3A_241 = arith.constant 0 : i32
          %dma_wait3A_242 = tpu.memref_slice %arg26[%dma_wait3A_241] : memref<128xf32, #tpu.memory_space<vmem>> -> memref<32xf32, #tpu.memory_space<vmem>>
          %dma_wait3A_243 = tpu.memref_slice %arg28[%add3A_143] : memref<34816xf32, #tpu.memory_space<vmem_shared>> -> memref<32xf32, #tpu.memory_space<vmem_shared>>
          tpu.wait_dma2 semaphore(%run_scoped3A_232 : memref<!tpu.dma_semaphore, #tpu.memory_space<semaphore_mem>>) src(%dma_wait3A_243 : memref<32xf32, #tpu.memory_space<vmem_shared>>) dst(%dma_wait3A_242 : memref<32xf32, #tpu.memory_space<vmem>>)
          tpu.yield
        }) : () -> ()
        %scan3A_144 = arith.constant 0 : i32
        %scan3A_145 = arith.constant 0 : i32
        %scan3A_146 = arith.constant 2 : i32
        %scan3A_147 = arith.addi %scan3A_145, %scan3A_146 : i32
        %scan3A_148 = arith.constant 1 : i32
        %scan3A_149 = scf.for %scan3A_232 = %scan3A_145 to %scan3A_147 step %scan3A_148 iter_args(%scan3A_233 = %scan3A_144) -> (i32)  : i32 {
          %mul3A_234 = arith.constant 16 : i32
          %mul3A_235 = arith.muli %scan3A_232, %mul3A_234 : i32
          %get3A = arith.index_cast %mul3A_235 : i32 to index
          %get3A_236 = tpu.vector_load %arg25[%get3A] {strides = array<i32>} : memref<128xf32, #tpu.memory_space<vmem>>, vector<16xf32>,
          %mul3A_237 = arith.constant 16 : i32
          %mul3A_238 = arith.muli %scan3A_232, %mul3A_237 : i32
          %get3A_239 = arith.index_cast %mul3A_238 : i32 to index
          %get3A_240 = tpu.vector_load %arg26[%get3A_239] {strides = array<i32>} : memref<128xf32, #tpu.memory_space<vmem>>, vector<16xf32>,
          %add3A_241 = arith.addf %get3A_236, %get3A_240 : vector<16xf32>
          %mul3A_242 = arith.constant 16 : i32
          %mul3A_243 = arith.muli %scan3A_232, %mul3A_242 : i32
          %swap3A = arith.index_cast %mul3A_243 : i32 to index
          %swap3A_244 = tpu.vector_load %arg25[%swap3A] {strides = array<i32>} : memref<128xf32, #tpu.memory_space<vmem>>, vector<16xf32>,
          tpu.vector_store %arg25[%swap3A], %add3A_241 {strides = array<i32>} : memref<128xf32, #tpu.memory_space<vmem>>, vector<16xf32>,
          %scan3A_245 = arith.constant 0 : i32
          scf.yield %scan3A_245 : i32
        }
        %scan3A_150 = arith.constant 2 : i32
        %add3A_151 = arith.constant 18432 : i32
        %add3A_152 = arith.addi %add3A_151, %multiple_of3A : i32
        "tpu.region"() ({
          %run_scoped3A_232 = tpu.sem_alloc : memref<!tpu.dma_semaphore, #tpu.memory_space<semaphore_mem>>
          %dma_start3A_233 = arith.constant 0 : i32
          %dma_start3A_234 = tpu.memref_slice %arg26[%dma_start3A_233] : memref<128xf32, #tpu.memory_space<vmem>> -> memref<32xf32, #tpu.memory_space<vmem>>
          %dma_start3A_235 = tpu.memref_slice %arg28[%add3A_152] : memref<34816xf32, #tpu.memory_space<vmem_shared>> -> memref<32xf32, #tpu.memory_space<vmem_shared>>
          %dma_start3A_236 = arith.constant 0 : i32
          %dma_start3A_237 = tpu.memref_slice %arg26[%dma_start3A_236] : memref<128xf32, #tpu.memory_space<vmem>> -> memref<32xf32, #tpu.memory_space<vmem>>
          %dma_start3A_238 = tpu.memref_slice %arg28[%add3A_152] : memref<34816xf32, #tpu.memory_space<vmem_shared>> -> memref<32xf32, #tpu.memory_space<vmem_shared>>
          tpu.enqueue_dma source(%dma_start3A_238 : memref<32xf32, #tpu.memory_space<vmem_shared>>) target(%dma_start3A_237 : memref<32xf32, #tpu.memory_space<vmem>>) target_semaphore(%run_scoped3A_232 : memref<!tpu.dma_semaphore, #tpu.memory_space<semaphore_mem>>)
          %dma_wait3A = arith.constant 0 : i32
          %dma_wait3A_239 = tpu.memref_slice %arg26[%dma_wait3A] : memref<128xf32, #tpu.memory_space<vmem>> -> memref<32xf32, #tpu.memory_space<vmem>>
          %dma_wait3A_240 = tpu.memref_slice %arg28[%add3A_152] : memref<34816xf32, #tpu.memory_space<vmem_shared>> -> memref<32xf32, #tpu.memory_space<vmem_shared>>
          %dma_wait3A_241 = arith.constant 0 : i32
          %dma_wait3A_242 = tpu.memref_slice %arg26[%dma_wait3A_241] : memref<128xf32, #tpu.memory_space<vmem>> -> memref<32xf32, #tpu.memory_space<vmem>>
          %dma_wait3A_243 = tpu.memref_slice %arg28[%add3A_152] : memref<34816xf32, #tpu.memory_space<vmem_shared>> -> memref<32xf32, #tpu.memory_space<vmem_shared>>
          tpu.wait_dma2 semaphore(%run_scoped3A_232 : memref<!tpu.dma_semaphore, #tpu.memory_space<semaphore_mem>>) src(%dma_wait3A_243 : memref<32xf32, #tpu.memory_space<vmem_shared>>) dst(%dma_wait3A_242 : memref<32xf32, #tpu.memory_space<vmem>>)
          tpu.yield
        }) : () -> ()
        %scan3A_153 = arith.constant 0 : i32
        %scan3A_154 = arith.constant 0 : i32
        %scan3A_155 = arith.constant 2 : i32
        %scan3A_156 = arith.addi %scan3A_154, %scan3A_155 : i32
        %scan3A_157 = arith.constant 1 : i32
        %scan3A_158 = scf.for %scan3A_232 = %scan3A_154 to %scan3A_156 step %scan3A_157 iter_args(%scan3A_233 = %scan3A_153) -> (i32)  : i32 {
          %mul3A_234 = arith.constant 16 : i32
          %mul3A_235 = arith.muli %scan3A_232, %mul3A_234 : i32
          %get3A = arith.index_cast %mul3A_235 : i32 to index
          %get3A_236 = tpu.vector_load %arg25[%get3A] {strides = array<i32>} : memref<128xf32, #tpu.memory_space<vmem>>, vector<16xf32>,
          %mul3A_237 = arith.constant 16 : i32
          %mul3A_238 = arith.muli %scan3A_232, %mul3A_237 : i32
          %get3A_239 = arith.index_cast %mul3A_238 : i32 to index
          %get3A_240 = tpu.vector_load %arg26[%get3A_239] {strides = array<i32>} : memref<128xf32, #tpu.memory_space<vmem>>, vector<16xf32>,
          %add3A_241 = arith.addf %get3A_236, %get3A_240 : vector<16xf32>
          %mul3A_242 = arith.constant 16 : i32
          %mul3A_243 = arith.muli %scan3A_232, %mul3A_242 : i32
          %swap3A = arith.index_cast %mul3A_243 : i32 to index
          %swap3A_244 = tpu.vector_load %arg25[%swap3A] {strides = array<i32>} : memref<128xf32, #tpu.memory_space<vmem>>, vector<16xf32>,
          tpu.vector_store %arg25[%swap3A], %add3A_241 {strides = array<i32>} : memref<128xf32, #tpu.memory_space<vmem>>, vector<16xf32>,
          %scan3A_245 = arith.constant 0 : i32
          scf.yield %scan3A_245 : i32
        }
        %scan3A_159 = arith.constant 2 : i32
        %add3A_160 = arith.constant 20480 : i32
        %add3A_161 = arith.addi %add3A_160, %multiple_of3A : i32
        "tpu.region"() ({
          %run_scoped3A_232 = tpu.sem_alloc : memref<!tpu.dma_semaphore, #tpu.memory_space<semaphore_mem>>
          %dma_start3A_233 = arith.constant 0 : i32
          %dma_start3A_234 = tpu.memref_slice %arg26[%dma_start3A_233] : memref<128xf32, #tpu.memory_space<vmem>> -> memref<32xf32, #tpu.memory_space<vmem>>
          %dma_start3A_235 = tpu.memref_slice %arg28[%add3A_161] : memref<34816xf32, #tpu.memory_space<vmem_shared>> -> memref<32xf32, #tpu.memory_space<vmem_shared>>
          %dma_start3A_236 = arith.constant 0 : i32
          %dma_start3A_237 = tpu.memref_slice %arg26[%dma_start3A_236] : memref<128xf32, #tpu.memory_space<vmem>> -> memref<32xf32, #tpu.memory_space<vmem>>
          %dma_start3A_238 = tpu.memref_slice %arg28[%add3A_161] : memref<34816xf32, #tpu.memory_space<vmem_shared>> -> memref<32xf32, #tpu.memory_space<vmem_shared>>
          tpu.enqueue_dma source(%dma_start3A_238 : memref<32xf32, #tpu.memory_space<vmem_shared>>) target(%dma_start3A_237 : memref<32xf32, #tpu.memory_space<vmem>>) target_semaphore(%run_scoped3A_232 : memref<!tpu.dma_semaphore, #tpu.memory_space<semaphore_mem>>)
          %dma_wait3A = arith.constant 0 : i32
          %dma_wait3A_239 = tpu.memref_slice %arg26[%dma_wait3A] : memref<128xf32, #tpu.memory_space<vmem>> -> memref<32xf32, #tpu.memory_space<vmem>>
          %dma_wait3A_240 = tpu.memref_slice %arg28[%add3A_161] : memref<34816xf32, #tpu.memory_space<vmem_shared>> -> memref<32xf32, #tpu.memory_space<vmem_shared>>
          %dma_wait3A_241 = arith.constant 0 : i32
          %dma_wait3A_242 = tpu.memref_slice %arg26[%dma_wait3A_241] : memref<128xf32, #tpu.memory_space<vmem>> -> memref<32xf32, #tpu.memory_space<vmem>>
          %dma_wait3A_243 = tpu.memref_slice %arg28[%add3A_161] : memref<34816xf32, #tpu.memory_space<vmem_shared>> -> memref<32xf32, #tpu.memory_space<vmem_shared>>
          tpu.wait_dma2 semaphore(%run_scoped3A_232 : memref<!tpu.dma_semaphore, #tpu.memory_space<semaphore_mem>>) src(%dma_wait3A_243 : memref<32xf32, #tpu.memory_space<vmem_shared>>) dst(%dma_wait3A_242 : memref<32xf32, #tpu.memory_space<vmem>>)
          tpu.yield
        }) : () -> ()
        %scan3A_162 = arith.constant 0 : i32
        %scan3A_163 = arith.constant 0 : i32
        %scan3A_164 = arith.constant 2 : i32
        %scan3A_165 = arith.addi %scan3A_163, %scan3A_164 : i32
        %scan3A_166 = arith.constant 1 : i32
        %scan3A_167 = scf.for %scan3A_232 = %scan3A_163 to %scan3A_165 step %scan3A_166 iter_args(%scan3A_233 = %scan3A_162) -> (i32)  : i32 {
          %mul3A_234 = arith.constant 16 : i32
          %mul3A_235 = arith.muli %scan3A_232, %mul3A_234 : i32
          %get3A = arith.index_cast %mul3A_235 : i32 to index
          %get3A_236 = tpu.vector_load %arg25[%get3A] {strides = array<i32>} : memref<128xf32, #tpu.memory_space<vmem>>, vector<16xf32>,
          %mul3A_237 = arith.constant 16 : i32
          %mul3A_238 = arith.muli %scan3A_232, %mul3A_237 : i32
          %get3A_239 = arith.index_cast %mul3A_238 : i32 to index
          %get3A_240 = tpu.vector_load %arg26[%get3A_239] {strides = array<i32>} : memref<128xf32, #tpu.memory_space<vmem>>, vector<16xf32>,
          %add3A_241 = arith.addf %get3A_236, %get3A_240 : vector<16xf32>
          %mul3A_242 = arith.constant 16 : i32
          %mul3A_243 = arith.muli %scan3A_232, %mul3A_242 : i32
          %swap3A = arith.index_cast %mul3A_243 : i32 to index
          %swap3A_244 = tpu.vector_load %arg25[%swap3A] {strides = array<i32>} : memref<128xf32, #tpu.memory_space<vmem>>, vector<16xf32>,
          tpu.vector_store %arg25[%swap3A], %add3A_241 {strides = array<i32>} : memref<128xf32, #tpu.memory_space<vmem>>, vector<16xf32>,
          %scan3A_245 = arith.constant 0 : i32
          scf.yield %scan3A_245 : i32
        }
        %scan3A_168 = arith.constant 2 : i32
        %add3A_169 = arith.constant 22528 : i32
        %add3A_170 = arith.addi %add3A_169, %multiple_of3A : i32
        "tpu.region"() ({
          %run_scoped3A_232 = tpu.sem_alloc : memref<!tpu.dma_semaphore, #tpu.memory_space<semaphore_mem>>
          %dma_start3A_233 = arith.constant 0 : i32
          %dma_start3A_234 = tpu.memref_slice %arg26[%dma_start3A_233] : memref<128xf32, #tpu.memory_space<vmem>> -> memref<32xf32, #tpu.memory_space<vmem>>
          %dma_start3A_235 = tpu.memref_slice %arg28[%add3A_170] : memref<34816xf32, #tpu.memory_space<vmem_shared>> -> memref<32xf32, #tpu.memory_space<vmem_shared>>
          %dma_start3A_236 = arith.constant 0 : i32
          %dma_start3A_237 = tpu.memref_slice %arg26[%dma_start3A_236] : memref<128xf32, #tpu.memory_space<vmem>> -> memref<32xf32, #tpu.memory_space<vmem>>
          %dma_start3A_238 = tpu.memref_slice %arg28[%add3A_170] : memref<34816xf32, #tpu.memory_space<vmem_shared>> -> memref<32xf32, #tpu.memory_space<vmem_shared>>
          tpu.enqueue_dma source(%dma_start3A_238 : memref<32xf32, #tpu.memory_space<vmem_shared>>) target(%dma_start3A_237 : memref<32xf32, #tpu.memory_space<vmem>>) target_semaphore(%run_scoped3A_232 : memref<!tpu.dma_semaphore, #tpu.memory_space<semaphore_mem>>)
          %dma_wait3A = arith.constant 0 : i32
          %dma_wait3A_239 = tpu.memref_slice %arg26[%dma_wait3A] : memref<128xf32, #tpu.memory_space<vmem>> -> memref<32xf32, #tpu.memory_space<vmem>>
          %dma_wait3A_240 = tpu.memref_slice %arg28[%add3A_170] : memref<34816xf32, #tpu.memory_space<vmem_shared>> -> memref<32xf32, #tpu.memory_space<vmem_shared>>
          %dma_wait3A_241 = arith.constant 0 : i32
          %dma_wait3A_242 = tpu.memref_slice %arg26[%dma_wait3A_241] : memref<128xf32, #tpu.memory_space<vmem>> -> memref<32xf32, #tpu.memory_space<vmem>>
          %dma_wait3A_243 = tpu.memref_slice %arg28[%add3A_170] : memref<34816xf32, #tpu.memory_space<vmem_shared>> -> memref<32xf32, #tpu.memory_space<vmem_shared>>
          tpu.wait_dma2 semaphore(%run_scoped3A_232 : memref<!tpu.dma_semaphore, #tpu.memory_space<semaphore_mem>>) src(%dma_wait3A_243 : memref<32xf32, #tpu.memory_space<vmem_shared>>) dst(%dma_wait3A_242 : memref<32xf32, #tpu.memory_space<vmem>>)
          tpu.yield
        }) : () -> ()
        %scan3A_171 = arith.constant 0 : i32
        %scan3A_172 = arith.constant 0 : i32
        %scan3A_173 = arith.constant 2 : i32
        %scan3A_174 = arith.addi %scan3A_172, %scan3A_173 : i32
        %scan3A_175 = arith.constant 1 : i32
        %scan3A_176 = scf.for %scan3A_232 = %scan3A_172 to %scan3A_174 step %scan3A_175 iter_args(%scan3A_233 = %scan3A_171) -> (i32)  : i32 {
          %mul3A_234 = arith.constant 16 : i32
          %mul3A_235 = arith.muli %scan3A_232, %mul3A_234 : i32
          %get3A = arith.index_cast %mul3A_235 : i32 to index
          %get3A_236 = tpu.vector_load %arg25[%get3A] {strides = array<i32>} : memref<128xf32, #tpu.memory_space<vmem>>, vector<16xf32>,
          %mul3A_237 = arith.constant 16 : i32
          %mul3A_238 = arith.muli %scan3A_232, %mul3A_237 : i32
          %get3A_239 = arith.index_cast %mul3A_238 : i32 to index
          %get3A_240 = tpu.vector_load %arg26[%get3A_239] {strides = array<i32>} : memref<128xf32, #tpu.memory_space<vmem>>, vector<16xf32>,
          %add3A_241 = arith.addf %get3A_236, %get3A_240 : vector<16xf32>
          %mul3A_242 = arith.constant 16 : i32
          %mul3A_243 = arith.muli %scan3A_232, %mul3A_242 : i32
          %swap3A = arith.index_cast %mul3A_243 : i32 to index
          %swap3A_244 = tpu.vector_load %arg25[%swap3A] {strides = array<i32>} : memref<128xf32, #tpu.memory_space<vmem>>, vector<16xf32>,
          tpu.vector_store %arg25[%swap3A], %add3A_241 {strides = array<i32>} : memref<128xf32, #tpu.memory_space<vmem>>, vector<16xf32>,
          %scan3A_245 = arith.constant 0 : i32
          scf.yield %scan3A_245 : i32
        }
        %scan3A_177 = arith.constant 2 : i32
        %add3A_178 = arith.constant 24576 : i32
        %add3A_179 = arith.addi %add3A_178, %multiple_of3A : i32
        "tpu.region"() ({
          %run_scoped3A_232 = tpu.sem_alloc : memref<!tpu.dma_semaphore, #tpu.memory_space<semaphore_mem>>
          %dma_start3A_233 = arith.constant 0 : i32
          %dma_start3A_234 = tpu.memref_slice %arg26[%dma_start3A_233] : memref<128xf32, #tpu.memory_space<vmem>> -> memref<32xf32, #tpu.memory_space<vmem>>
          %dma_start3A_235 = tpu.memref_slice %arg28[%add3A_179] : memref<34816xf32, #tpu.memory_space<vmem_shared>> -> memref<32xf32, #tpu.memory_space<vmem_shared>>
          %dma_start3A_236 = arith.constant 0 : i32
          %dma_start3A_237 = tpu.memref_slice %arg26[%dma_start3A_236] : memref<128xf32, #tpu.memory_space<vmem>> -> memref<32xf32, #tpu.memory_space<vmem>>
          %dma_start3A_238 = tpu.memref_slice %arg28[%add3A_179] : memref<34816xf32, #tpu.memory_space<vmem_shared>> -> memref<32xf32, #tpu.memory_space<vmem_shared>>
          tpu.enqueue_dma source(%dma_start3A_238 : memref<32xf32, #tpu.memory_space<vmem_shared>>) target(%dma_start3A_237 : memref<32xf32, #tpu.memory_space<vmem>>) target_semaphore(%run_scoped3A_232 : memref<!tpu.dma_semaphore, #tpu.memory_space<semaphore_mem>>)
          %dma_wait3A = arith.constant 0 : i32
          %dma_wait3A_239 = tpu.memref_slice %arg26[%dma_wait3A] : memref<128xf32, #tpu.memory_space<vmem>> -> memref<32xf32, #tpu.memory_space<vmem>>
          %dma_wait3A_240 = tpu.memref_slice %arg28[%add3A_179] : memref<34816xf32, #tpu.memory_space<vmem_shared>> -> memref<32xf32, #tpu.memory_space<vmem_shared>>
          %dma_wait3A_241 = arith.constant 0 : i32
          %dma_wait3A_242 = tpu.memref_slice %arg26[%dma_wait3A_241] : memref<128xf32, #tpu.memory_space<vmem>> -> memref<32xf32, #tpu.memory_space<vmem>>
          %dma_wait3A_243 = tpu.memref_slice %arg28[%add3A_179] : memref<34816xf32, #tpu.memory_space<vmem_shared>> -> memref<32xf32, #tpu.memory_space<vmem_shared>>
          tpu.wait_dma2 semaphore(%run_scoped3A_232 : memref<!tpu.dma_semaphore, #tpu.memory_space<semaphore_mem>>) src(%dma_wait3A_243 : memref<32xf32, #tpu.memory_space<vmem_shared>>) dst(%dma_wait3A_242 : memref<32xf32, #tpu.memory_space<vmem>>)
          tpu.yield
        }) : () -> ()
        %scan3A_180 = arith.constant 0 : i32
        %scan3A_181 = arith.constant 0 : i32
        %scan3A_182 = arith.constant 2 : i32
        %scan3A_183 = arith.addi %scan3A_181, %scan3A_182 : i32
        %scan3A_184 = arith.constant 1 : i32
        %scan3A_185 = scf.for %scan3A_232 = %scan3A_181 to %scan3A_183 step %scan3A_184 iter_args(%scan3A_233 = %scan3A_180) -> (i32)  : i32 {
          %mul3A_234 = arith.constant 16 : i32
          %mul3A_235 = arith.muli %scan3A_232, %mul3A_234 : i32
          %get3A = arith.index_cast %mul3A_235 : i32 to index
          %get3A_236 = tpu.vector_load %arg25[%get3A] {strides = array<i32>} : memref<128xf32, #tpu.memory_space<vmem>>, vector<16xf32>,
          %mul3A_237 = arith.constant 16 : i32
          %mul3A_238 = arith.muli %scan3A_232, %mul3A_237 : i32
          %get3A_239 = arith.index_cast %mul3A_238 : i32 to index
          %get3A_240 = tpu.vector_load %arg26[%get3A_239] {strides = array<i32>} : memref<128xf32, #tpu.memory_space<vmem>>, vector<16xf32>,
          %add3A_241 = arith.addf %get3A_236, %get3A_240 : vector<16xf32>
          %mul3A_242 = arith.constant 16 : i32
          %mul3A_243 = arith.muli %scan3A_232, %mul3A_242 : i32
          %swap3A = arith.index_cast %mul3A_243 : i32 to index
          %swap3A_244 = tpu.vector_load %arg25[%swap3A] {strides = array<i32>} : memref<128xf32, #tpu.memory_space<vmem>>, vector<16xf32>,
          tpu.vector_store %arg25[%swap3A], %add3A_241 {strides = array<i32>} : memref<128xf32, #tpu.memory_space<vmem>>, vector<16xf32>,
          %scan3A_245 = arith.constant 0 : i32
          scf.yield %scan3A_245 : i32
        }
        %scan3A_186 = arith.constant 2 : i32
        %add3A_187 = arith.constant 26624 : i32
        %add3A_188 = arith.addi %add3A_187, %multiple_of3A : i32
        "tpu.region"() ({
          %run_scoped3A_232 = tpu.sem_alloc : memref<!tpu.dma_semaphore, #tpu.memory_space<semaphore_mem>>
          %dma_start3A_233 = arith.constant 0 : i32
          %dma_start3A_234 = tpu.memref_slice %arg26[%dma_start3A_233] : memref<128xf32, #tpu.memory_space<vmem>> -> memref<32xf32, #tpu.memory_space<vmem>>
          %dma_start3A_235 = tpu.memref_slice %arg28[%add3A_188] : memref<34816xf32, #tpu.memory_space<vmem_shared>> -> memref<32xf32, #tpu.memory_space<vmem_shared>>
          %dma_start3A_236 = arith.constant 0 : i32
          %dma_start3A_237 = tpu.memref_slice %arg26[%dma_start3A_236] : memref<128xf32, #tpu.memory_space<vmem>> -> memref<32xf32, #tpu.memory_space<vmem>>
          %dma_start3A_238 = tpu.memref_slice %arg28[%add3A_188] : memref<34816xf32, #tpu.memory_space<vmem_shared>> -> memref<32xf32, #tpu.memory_space<vmem_shared>>
          tpu.enqueue_dma source(%dma_start3A_238 : memref<32xf32, #tpu.memory_space<vmem_shared>>) target(%dma_start3A_237 : memref<32xf32, #tpu.memory_space<vmem>>) target_semaphore(%run_scoped3A_232 : memref<!tpu.dma_semaphore, #tpu.memory_space<semaphore_mem>>)
          %dma_wait3A = arith.constant 0 : i32
          %dma_wait3A_239 = tpu.memref_slice %arg26[%dma_wait3A] : memref<128xf32, #tpu.memory_space<vmem>> -> memref<32xf32, #tpu.memory_space<vmem>>
          %dma_wait3A_240 = tpu.memref_slice %arg28[%add3A_188] : memref<34816xf32, #tpu.memory_space<vmem_shared>> -> memref<32xf32, #tpu.memory_space<vmem_shared>>
          %dma_wait3A_241 = arith.constant 0 : i32
          %dma_wait3A_242 = tpu.memref_slice %arg26[%dma_wait3A_241] : memref<128xf32, #tpu.memory_space<vmem>> -> memref<32xf32, #tpu.memory_space<vmem>>
          %dma_wait3A_243 = tpu.memref_slice %arg28[%add3A_188] : memref<34816xf32, #tpu.memory_space<vmem_shared>> -> memref<32xf32, #tpu.memory_space<vmem_shared>>
          tpu.wait_dma2 semaphore(%run_scoped3A_232 : memref<!tpu.dma_semaphore, #tpu.memory_space<semaphore_mem>>) src(%dma_wait3A_243 : memref<32xf32, #tpu.memory_space<vmem_shared>>) dst(%dma_wait3A_242 : memref<32xf32, #tpu.memory_space<vmem>>)
          tpu.yield
        }) : () -> ()
        %scan3A_189 = arith.constant 0 : i32
        %scan3A_190 = arith.constant 0 : i32
        %scan3A_191 = arith.constant 2 : i32
        %scan3A_192 = arith.addi %scan3A_190, %scan3A_191 : i32
        %scan3A_193 = arith.constant 1 : i32
        %scan3A_194 = scf.for %scan3A_232 = %scan3A_190 to %scan3A_192 step %scan3A_193 iter_args(%scan3A_233 = %scan3A_189) -> (i32)  : i32 {
          %mul3A_234 = arith.constant 16 : i32
          %mul3A_235 = arith.muli %scan3A_232, %mul3A_234 : i32
          %get3A = arith.index_cast %mul3A_235 : i32 to index
          %get3A_236 = tpu.vector_load %arg25[%get3A] {strides = array<i32>} : memref<128xf32, #tpu.memory_space<vmem>>, vector<16xf32>,
          %mul3A_237 = arith.constant 16 : i32
          %mul3A_238 = arith.muli %scan3A_232, %mul3A_237 : i32
          %get3A_239 = arith.index_cast %mul3A_238 : i32 to index
          %get3A_240 = tpu.vector_load %arg26[%get3A_239] {strides = array<i32>} : memref<128xf32, #tpu.memory_space<vmem>>, vector<16xf32>,
          %add3A_241 = arith.addf %get3A_236, %get3A_240 : vector<16xf32>
          %mul3A_242 = arith.constant 16 : i32
          %mul3A_243 = arith.muli %scan3A_232, %mul3A_242 : i32
          %swap3A = arith.index_cast %mul3A_243 : i32 to index
          %swap3A_244 = tpu.vector_load %arg25[%swap3A] {strides = array<i32>} : memref<128xf32, #tpu.memory_space<vmem>>, vector<16xf32>,
          tpu.vector_store %arg25[%swap3A], %add3A_241 {strides = array<i32>} : memref<128xf32, #tpu.memory_space<vmem>>, vector<16xf32>,
          %scan3A_245 = arith.constant 0 : i32
          scf.yield %scan3A_245 : i32
        }
        %scan3A_195 = arith.constant 2 : i32
        %add3A_196 = arith.constant 28672 : i32
        %add3A_197 = arith.addi %add3A_196, %multiple_of3A : i32
        "tpu.region"() ({
          %run_scoped3A_232 = tpu.sem_alloc : memref<!tpu.dma_semaphore, #tpu.memory_space<semaphore_mem>>
          %dma_start3A_233 = arith.constant 0 : i32
          %dma_start3A_234 = tpu.memref_slice %arg26[%dma_start3A_233] : memref<128xf32, #tpu.memory_space<vmem>> -> memref<32xf32, #tpu.memory_space<vmem>>
          %dma_start3A_235 = tpu.memref_slice %arg28[%add3A_197] : memref<34816xf32, #tpu.memory_space<vmem_shared>> -> memref<32xf32, #tpu.memory_space<vmem_shared>>
          %dma_start3A_236 = arith.constant 0 : i32
          %dma_start3A_237 = tpu.memref_slice %arg26[%dma_start3A_236] : memref<128xf32, #tpu.memory_space<vmem>> -> memref<32xf32, #tpu.memory_space<vmem>>
          %dma_start3A_238 = tpu.memref_slice %arg28[%add3A_197] : memref<34816xf32, #tpu.memory_space<vmem_shared>> -> memref<32xf32, #tpu.memory_space<vmem_shared>>
          tpu.enqueue_dma source(%dma_start3A_238 : memref<32xf32, #tpu.memory_space<vmem_shared>>) target(%dma_start3A_237 : memref<32xf32, #tpu.memory_space<vmem>>) target_semaphore(%run_scoped3A_232 : memref<!tpu.dma_semaphore, #tpu.memory_space<semaphore_mem>>)
          %dma_wait3A = arith.constant 0 : i32
          %dma_wait3A_239 = tpu.memref_slice %arg26[%dma_wait3A] : memref<128xf32, #tpu.memory_space<vmem>> -> memref<32xf32, #tpu.memory_space<vmem>>
          %dma_wait3A_240 = tpu.memref_slice %arg28[%add3A_197] : memref<34816xf32, #tpu.memory_space<vmem_shared>> -> memref<32xf32, #tpu.memory_space<vmem_shared>>
          %dma_wait3A_241 = arith.constant 0 : i32
          %dma_wait3A_242 = tpu.memref_slice %arg26[%dma_wait3A_241] : memref<128xf32, #tpu.memory_space<vmem>> -> memref<32xf32, #tpu.memory_space<vmem>>
          %dma_wait3A_243 = tpu.memref_slice %arg28[%add3A_197] : memref<34816xf32, #tpu.memory_space<vmem_shared>> -> memref<32xf32, #tpu.memory_space<vmem_shared>>
          tpu.wait_dma2 semaphore(%run_scoped3A_232 : memref<!tpu.dma_semaphore, #tpu.memory_space<semaphore_mem>>) src(%dma_wait3A_243 : memref<32xf32, #tpu.memory_space<vmem_shared>>) dst(%dma_wait3A_242 : memref<32xf32, #tpu.memory_space<vmem>>)
          tpu.yield
        }) : () -> ()
        %scan3A_198 = arith.constant 0 : i32
        %scan3A_199 = arith.constant 0 : i32
        %scan3A_200 = arith.constant 2 : i32
        %scan3A_201 = arith.addi %scan3A_199, %scan3A_200 : i32
        %scan3A_202 = arith.constant 1 : i32
        %scan3A_203 = scf.for %scan3A_232 = %scan3A_199 to %scan3A_201 step %scan3A_202 iter_args(%scan3A_233 = %scan3A_198) -> (i32)  : i32 {
          %mul3A_234 = arith.constant 16 : i32
          %mul3A_235 = arith.muli %scan3A_232, %mul3A_234 : i32
          %get3A = arith.index_cast %mul3A_235 : i32 to index
          %get3A_236 = tpu.vector_load %arg25[%get3A] {strides = array<i32>} : memref<128xf32, #tpu.memory_space<vmem>>, vector<16xf32>,
          %mul3A_237 = arith.constant 16 : i32
          %mul3A_238 = arith.muli %scan3A_232, %mul3A_237 : i32
          %get3A_239 = arith.index_cast %mul3A_238 : i32 to index
          %get3A_240 = tpu.vector_load %arg26[%get3A_239] {strides = array<i32>} : memref<128xf32, #tpu.memory_space<vmem>>, vector<16xf32>,
          %add3A_241 = arith.addf %get3A_236, %get3A_240 : vector<16xf32>
          %mul3A_242 = arith.constant 16 : i32
          %mul3A_243 = arith.muli %scan3A_232, %mul3A_242 : i32
          %swap3A = arith.index_cast %mul3A_243 : i32 to index
          %swap3A_244 = tpu.vector_load %arg25[%swap3A] {strides = array<i32>} : memref<128xf32, #tpu.memory_space<vmem>>, vector<16xf32>,
          tpu.vector_store %arg25[%swap3A], %add3A_241 {strides = array<i32>} : memref<128xf32, #tpu.memory_space<vmem>>, vector<16xf32>,
          %scan3A_245 = arith.constant 0 : i32
          scf.yield %scan3A_245 : i32
        }
        %scan3A_204 = arith.constant 2 : i32
        %add3A_205 = arith.constant 30720 : i32
        %add3A_206 = arith.addi %add3A_205, %multiple_of3A : i32
        "tpu.region"() ({
          %run_scoped3A_232 = tpu.sem_alloc : memref<!tpu.dma_semaphore, #tpu.memory_space<semaphore_mem>>
          %dma_start3A_233 = arith.constant 0 : i32
          %dma_start3A_234 = tpu.memref_slice %arg26[%dma_start3A_233] : memref<128xf32, #tpu.memory_space<vmem>> -> memref<32xf32, #tpu.memory_space<vmem>>
          %dma_start3A_235 = tpu.memref_slice %arg28[%add3A_206] : memref<34816xf32, #tpu.memory_space<vmem_shared>> -> memref<32xf32, #tpu.memory_space<vmem_shared>>
          %dma_start3A_236 = arith.constant 0 : i32
          %dma_start3A_237 = tpu.memref_slice %arg26[%dma_start3A_236] : memref<128xf32, #tpu.memory_space<vmem>> -> memref<32xf32, #tpu.memory_space<vmem>>
          %dma_start3A_238 = tpu.memref_slice %arg28[%add3A_206] : memref<34816xf32, #tpu.memory_space<vmem_shared>> -> memref<32xf32, #tpu.memory_space<vmem_shared>>
          tpu.enqueue_dma source(%dma_start3A_238 : memref<32xf32, #tpu.memory_space<vmem_shared>>) target(%dma_start3A_237 : memref<32xf32, #tpu.memory_space<vmem>>) target_semaphore(%run_scoped3A_232 : memref<!tpu.dma_semaphore, #tpu.memory_space<semaphore_mem>>)
          %dma_wait3A = arith.constant 0 : i32
          %dma_wait3A_239 = tpu.memref_slice %arg26[%dma_wait3A] : memref<128xf32, #tpu.memory_space<vmem>> -> memref<32xf32, #tpu.memory_space<vmem>>
          %dma_wait3A_240 = tpu.memref_slice %arg28[%add3A_206] : memref<34816xf32, #tpu.memory_space<vmem_shared>> -> memref<32xf32, #tpu.memory_space<vmem_shared>>
          %dma_wait3A_241 = arith.constant 0 : i32
          %dma_wait3A_242 = tpu.memref_slice %arg26[%dma_wait3A_241] : memref<128xf32, #tpu.memory_space<vmem>> -> memref<32xf32, #tpu.memory_space<vmem>>
          %dma_wait3A_243 = tpu.memref_slice %arg28[%add3A_206] : memref<34816xf32, #tpu.memory_space<vmem_shared>> -> memref<32xf32, #tpu.memory_space<vmem_shared>>
          tpu.wait_dma2 semaphore(%run_scoped3A_232 : memref<!tpu.dma_semaphore, #tpu.memory_space<semaphore_mem>>) src(%dma_wait3A_243 : memref<32xf32, #tpu.memory_space<vmem_shared>>) dst(%dma_wait3A_242 : memref<32xf32, #tpu.memory_space<vmem>>)
          tpu.yield
        }) : () -> ()
        %scan3A_207 = arith.constant 0 : i32
        %scan3A_208 = arith.constant 0 : i32
        %scan3A_209 = arith.constant 2 : i32
        %scan3A_210 = arith.addi %scan3A_208, %scan3A_209 : i32
        %scan3A_211 = arith.constant 1 : i32
        %scan3A_212 = scf.for %scan3A_232 = %scan3A_208 to %scan3A_210 step %scan3A_211 iter_args(%scan3A_233 = %scan3A_207) -> (i32)  : i32 {
          %mul3A_234 = arith.constant 16 : i32
          %mul3A_235 = arith.muli %scan3A_232, %mul3A_234 : i32
          %get3A = arith.index_cast %mul3A_235 : i32 to index
          %get3A_236 = tpu.vector_load %arg25[%get3A] {strides = array<i32>} : memref<128xf32, #tpu.memory_space<vmem>>, vector<16xf32>,
          %mul3A_237 = arith.constant 16 : i32
          %mul3A_238 = arith.muli %scan3A_232, %mul3A_237 : i32
          %get3A_239 = arith.index_cast %mul3A_238 : i32 to index
          %get3A_240 = tpu.vector_load %arg26[%get3A_239] {strides = array<i32>} : memref<128xf32, #tpu.memory_space<vmem>>, vector<16xf32>,
          %add3A_241 = arith.addf %get3A_236, %get3A_240 : vector<16xf32>
          %mul3A_242 = arith.constant 16 : i32
          %mul3A_243 = arith.muli %scan3A_232, %mul3A_242 : i32
          %swap3A = arith.index_cast %mul3A_243 : i32 to index
          %swap3A_244 = tpu.vector_load %arg25[%swap3A] {strides = array<i32>} : memref<128xf32, #tpu.memory_space<vmem>>, vector<16xf32>,
          tpu.vector_store %arg25[%swap3A], %add3A_241 {strides = array<i32>} : memref<128xf32, #tpu.memory_space<vmem>>, vector<16xf32>,
          %scan3A_245 = arith.constant 0 : i32
          scf.yield %scan3A_245 : i32
        }
        %scan3A_213 = arith.constant 2 : i32
        %add3A_214 = arith.constant 32768 : i32
        %add3A_215 = arith.addi %add3A_214, %multiple_of3A : i32
        "tpu.region"() ({
          %run_scoped3A_232 = tpu.sem_alloc : memref<!tpu.dma_semaphore, #tpu.memory_space<semaphore_mem>>
          %dma_start3A_233 = arith.constant 0 : i32
          %dma_start3A_234 = tpu.memref_slice %arg25[%dma_start3A_233] : memref<128xf32, #tpu.memory_space<vmem>> -> memref<32xf32, #tpu.memory_space<vmem>>
          %dma_start3A_235 = tpu.memref_slice %arg28[%add3A_215] : memref<34816xf32, #tpu.memory_space<vmem_shared>> -> memref<32xf32, #tpu.memory_space<vmem_shared>>
          %dma_start3A_236 = tpu.memref_slice %arg28[%add3A_215] : memref<34816xf32, #tpu.memory_space<vmem_shared>> -> memref<32xf32, #tpu.memory_space<vmem_shared>>
          %dma_start3A_237 = arith.constant 0 : i32
          %dma_start3A_238 = tpu.memref_slice %arg25[%dma_start3A_237] : memref<128xf32, #tpu.memory_space<vmem>> -> memref<32xf32, #tpu.memory_space<vmem>>
          tpu.enqueue_dma source(%dma_start3A_238 : memref<32xf32, #tpu.memory_space<vmem>>) target(%dma_start3A_236 : memref<32xf32, #tpu.memory_space<vmem_shared>>) target_semaphore(%run_scoped3A_232 : memref<!tpu.dma_semaphore, #tpu.memory_space<semaphore_mem>>)
          %dma_wait3A = arith.constant 0 : i32
          %dma_wait3A_239 = tpu.memref_slice %arg25[%dma_wait3A] : memref<128xf32, #tpu.memory_space<vmem>> -> memref<32xf32, #tpu.memory_space<vmem>>
          %dma_wait3A_240 = tpu.memref_slice %arg28[%add3A_215] : memref<34816xf32, #tpu.memory_space<vmem_shared>> -> memref<32xf32, #tpu.memory_space<vmem_shared>>
          %dma_wait3A_241 = tpu.memref_slice %arg28[%add3A_215] : memref<34816xf32, #tpu.memory_space<vmem_shared>> -> memref<32xf32, #tpu.memory_space<vmem_shared>>
          %dma_wait3A_242 = arith.constant 0 : i32
          %dma_wait3A_243 = tpu.memref_slice %arg25[%dma_wait3A_242] : memref<128xf32, #tpu.memory_space<vmem>> -> memref<32xf32, #tpu.memory_space<vmem>>
          tpu.wait_dma2 semaphore(%run_scoped3A_232 : memref<!tpu.dma_semaphore, #tpu.memory_space<semaphore_mem>>) src(%dma_wait3A_243 : memref<32xf32, #tpu.memory_space<vmem>>) dst(%dma_wait3A_241 : memref<32xf32, #tpu.memory_space<vmem_shared>>)
          tpu.yield
        }) : () -> ()
        %barrier3A_216 = arith.constant 0 : index
        tpu.barrier barrier_id(%barrier3A_216)
        "tpu.region"() ({
          %run_scoped3A_232 = tpu.sem_alloc : memref<!tpu.dma_semaphore, #tpu.memory_space<semaphore_mem>>
          %dma_start3A_233 = arith.constant 0 : i32
          %dma_start3A_234 = tpu.memref_slice %arg16[%dma_start3A_233] : memref<512xf32, #tpu.memory_space<vmem>> -> memref<512xf32, #tpu.memory_space<vmem>>
          %dma_start3A_235 = arith.constant 32768 : i32
          %dma_start3A_236 = tpu.memref_slice %arg28[%dma_start3A_235] : memref<34816xf32, #tpu.memory_space<vmem_shared>> -> memref<512xf32, #tpu.memory_space<vmem_shared>>
          %dma_start3A_237 = arith.constant 0 : i32
          %dma_start3A_238 = tpu.memref_slice %arg16[%dma_start3A_237] : memref<512xf32, #tpu.memory_space<vmem>> -> memref<512xf32, #tpu.memory_space<vmem>>
          %dma_start3A_239 = arith.constant 32768 : i32
          %dma_start3A_240 = tpu.memref_slice %arg28[%dma_start3A_239] : memref<34816xf32, #tpu.memory_space<vmem_shared>> -> memref<512xf32, #tpu.memory_space<vmem_shared>>
          tpu.enqueue_dma source(%dma_start3A_240 : memref<512xf32, #tpu.memory_space<vmem_shared>>) target(%dma_start3A_238 : memref<512xf32, #tpu.memory_space<vmem>>) target_semaphore(%run_scoped3A_232 : memref<!tpu.dma_semaphore, #tpu.memory_space<semaphore_mem>>)
          %dma_wait3A = arith.constant 0 : i32
          %dma_wait3A_241 = tpu.memref_slice %arg16[%dma_wait3A] : memref<512xf32, #tpu.memory_space<vmem>> -> memref<512xf32, #tpu.memory_space<vmem>>
          %dma_wait3A_242 = arith.constant 32768 : i32
          %dma_wait3A_243 = tpu.memref_slice %arg28[%dma_wait3A_242] : memref<34816xf32, #tpu.memory_space<vmem_shared>> -> memref<512xf32, #tpu.memory_space<vmem_shared>>
          %dma_wait3A_244 = arith.constant 0 : i32
          %dma_wait3A_245 = tpu.memref_slice %arg16[%dma_wait3A_244] : memref<512xf32, #tpu.memory_space<vmem>> -> memref<512xf32, #tpu.memory_space<vmem>>
          %dma_wait3A_246 = arith.constant 32768 : i32
          %dma_wait3A_247 = tpu.memref_slice %arg28[%dma_wait3A_246] : memref<34816xf32, #tpu.memory_space<vmem_shared>> -> memref<512xf32, #tpu.memory_space<vmem_shared>>
          tpu.wait_dma2 semaphore(%run_scoped3A_232 : memref<!tpu.dma_semaphore, #tpu.memory_space<semaphore_mem>>) src(%dma_wait3A_247 : memref<512xf32, #tpu.memory_space<vmem_shared>>) dst(%dma_wait3A_245 : memref<512xf32, #tpu.memory_space<vmem>>)
          tpu.yield
        }) : () -> ()
        %barrier3A_217 = arith.constant 0 : index
        tpu.barrier barrier_id(%barrier3A_217)
        tpu.wait_dma2 semaphore(%arg21 : memref<!tpu.dma_semaphore, #tpu.memory_space<semaphore_mem>>) src(%arg8 : memref<32000xf32, #tpu.memory_space<hbm>>) dst(%run_scoped3A_44 : memref<32000xf32, #tpu.memory_space<vmem>>)
        %dma_start3A = arith.constant 0 : i32
        %dma_start3A_218 = tpu.memref_slice %arg5[%dma_start3A] : memref<32000xi32, #tpu.memory_space<hbm>> -> memref<800xi32, #tpu.memory_space<hbm>>
        %dma_start3A_219 = arith.constant 0 : i32
        %dma_start3A_220 = tpu.memref_slice %arg5[%dma_start3A_219] : memref<32000xi32, #tpu.memory_space<hbm>> -> memref<800xi32, #tpu.memory_space<hbm>>
        tpu.enqueue_dma source(%dma_start3A_220 : memref<800xi32, #tpu.memory_space<hbm>>) target(%arg17 : memref<800xi32, #tpu.memory_space<vmem>>) target_semaphore(%arg21 : memref<!tpu.dma_semaphore, #tpu.memory_space<semaphore_mem>>)
        %dma_start3A_221 = arith.constant 0 : i32
        %dma_start3A_222 = tpu.memref_slice %arg6[%dma_start3A_221] : memref<32000xi32, #tpu.memory_space<hbm>> -> memref<800xi32, #tpu.memory_space<hbm>>
        %dma_start3A_223 = arith.constant 0 : i32
        %dma_start3A_224 = tpu.memref_slice %arg6[%dma_start3A_223] : memref<32000xi32, #tpu.memory_space<hbm>> -> memref<800xi32, #tpu.memory_space<hbm>>
        tpu.enqueue_dma source(%dma_start3A_224 : memref<800xi32, #tpu.memory_space<hbm>>) target(%arg19 : memref<800xi32, #tpu.memory_space<vmem>>) target_semaphore(%arg22 : memref<!tpu.dma_semaphore, #tpu.memory_space<semaphore_mem>>)
        %scan3A_225 = arith.constant 0 : i32
        %scan3A_226 = arith.constant 0 : i32
        %scan3A_227 = arith.constant 40 : i32
        %scan3A_228 = arith.addi %scan3A_226, %scan3A_227 : i32
        %scan3A_229 = arith.constant 1 : i32
        %scan3A_230 = scf.for %scan3A_232 = %scan3A_226 to %scan3A_228 step %scan3A_229 iter_args(%scan3A_233 = %scan3A_225) -> (i32)  : i32 {
          %rem3A = arith.constant 2 : i32
          %rem3A_234 = arith.remsi %scan3A_232, %rem3A : i32
          %add3A_235 = arith.constant 1 : i32
          %add3A_236 = arith.addi %scan3A_232, %add3A_235 : i32
          %lt3A = arith.constant 40 : i32
          %lt3A_237 = arith.cmpi slt, %add3A_236, %lt3A : i32
          %eq3A_238 = arith.constant 0 : i32
          %eq3A_239 = arith.cmpi eq, %rem3A_234, %eq3A_238 : i32
          %and3A_240 = arith.andi %lt3A_237, %eq3A_239 : i1
          %convert_element_type3A = arith.extui %and3A_240 : i1 to i32
          %cond3A = arith.constant 0 : i32
          %cond3A_241 = arith.cmpi ne, %convert_element_type3A, %cond3A : i32
          scf.if %cond3A_241 {
            %add3A_263 = arith.constant 1 : i32
            %add3A_264 = arith.addi %scan3A_232, %add3A_263 : i32
            %mul3A_265 = arith.constant 800 : i32
            %mul3A_266 = arith.muli %add3A_264, %mul3A_265 : i32
            %dma_start3A_267 = tpu.memref_slice %arg5[%mul3A_266] : memref<32000xi32, #tpu.memory_space<hbm>> -> memref<800xi32, #tpu.memory_space<hbm>>
            %dma_start3A_268 = tpu.memref_slice %arg5[%mul3A_266] : memref<32000xi32, #tpu.memory_space<hbm>> -> memref<800xi32, #tpu.memory_space<hbm>>
            tpu.enqueue_dma source(%dma_start3A_268 : memref<800xi32, #tpu.memory_space<hbm>>) target(%arg18 : memref<800xi32, #tpu.memory_space<vmem>>) target_semaphore(%arg23 : memref<!tpu.dma_semaphore, #tpu.memory_space<semaphore_mem>>)
            %mul3A_269 = arith.constant 800 : i32
            %mul3A_270 = arith.muli %add3A_264, %mul3A_269 : i32
            %dma_start3A_271 = tpu.memref_slice %arg6[%mul3A_270] : memref<32000xi32, #tpu.memory_space<hbm>> -> memref<800xi32, #tpu.memory_space<hbm>>
            %dma_start3A_272 = tpu.memref_slice %arg6[%mul3A_270] : memref<32000xi32, #tpu.memory_space<hbm>> -> memref<800xi32, #tpu.memory_space<hbm>>
            tpu.enqueue_dma source(%dma_start3A_272 : memref<800xi32, #tpu.memory_space<hbm>>) target(%arg20 : memref<800xi32, #tpu.memory_space<vmem>>) target_semaphore(%arg24 : memref<!tpu.dma_semaphore, #tpu.memory_space<semaphore_mem>>)
          } else {
          }
          %add3A_242 = arith.constant 1 : i32
          %add3A_243 = arith.addi %scan3A_232, %add3A_242 : i32
          %lt3A_244 = arith.constant 40 : i32
          %lt3A_245 = arith.cmpi slt, %add3A_243, %lt3A_244 : i32
          %eq3A_246 = arith.constant 1 : i32
          %eq3A_247 = arith.cmpi eq, %rem3A_234, %eq3A_246 : i32
          %and3A_248 = arith.andi %lt3A_245, %eq3A_247 : i1
          %convert_element_type3A_249 = arith.extui %and3A_248 : i1 to i32
          %cond3A_250 = arith.constant 0 : i32
          %cond3A_251 = arith.cmpi ne, %convert_element_type3A_249, %cond3A_250 : i32
          scf.if %cond3A_251 {
            %add3A_263 = arith.constant 1 : i32
            %add3A_264 = arith.addi %scan3A_232, %add3A_263 : i32
            %mul3A_265 = arith.constant 800 : i32
            %mul3A_266 = arith.muli %add3A_264, %mul3A_265 : i32
            %dma_start3A_267 = tpu.memref_slice %arg5[%mul3A_266] : memref<32000xi32, #tpu.memory_space<hbm>> -> memref<800xi32, #tpu.memory_space<hbm>>
            %dma_start3A_268 = tpu.memref_slice %arg5[%mul3A_266] : memref<32000xi32, #tpu.memory_space<hbm>> -> memref<800xi32, #tpu.memory_space<hbm>>
            tpu.enqueue_dma source(%dma_start3A_268 : memref<800xi32, #tpu.memory_space<hbm>>) target(%arg17 : memref<800xi32, #tpu.memory_space<vmem>>) target_semaphore(%arg21 : memref<!tpu.dma_semaphore, #tpu.memory_space<semaphore_mem>>)
            %mul3A_269 = arith.constant 800 : i32
            %mul3A_270 = arith.muli %add3A_264, %mul3A_269 : i32
            %dma_start3A_271 = tpu.memref_slice %arg6[%mul3A_270] : memref<32000xi32, #tpu.memory_space<hbm>> -> memref<800xi32, #tpu.memory_space<hbm>>
            %dma_start3A_272 = tpu.memref_slice %arg6[%mul3A_270] : memref<32000xi32, #tpu.memory_space<hbm>> -> memref<800xi32, #tpu.memory_space<hbm>>
            tpu.enqueue_dma source(%dma_start3A_272 : memref<800xi32, #tpu.memory_space<hbm>>) target(%arg19 : memref<800xi32, #tpu.memory_space<vmem>>) target_semaphore(%arg22 : memref<!tpu.dma_semaphore, #tpu.memory_space<semaphore_mem>>)
          } else {
          }
          %eq3A_252 = arith.constant 0 : i32
          %eq3A_253 = arith.cmpi eq, %rem3A_234, %eq3A_252 : i32
          %convert_element_type3A_254 = arith.extui %eq3A_253 : i1 to i32
          %cond3A_255 = arith.constant 0 : i32
          %cond3A_256 = arith.cmpi ne, %convert_element_type3A_254, %cond3A_255 : i32
          scf.if %cond3A_256 {
            %dma_wait3A = arith.constant 0 : i32
            %dma_wait3A_263 = tpu.memref_slice %arg5[%dma_wait3A] : memref<32000xi32, #tpu.memory_space<hbm>> -> memref<800xi32, #tpu.memory_space<hbm>>
            %dma_wait3A_264 = arith.constant 0 : i32
            %dma_wait3A_265 = tpu.memref_slice %arg5[%dma_wait3A_264] : memref<32000xi32, #tpu.memory_space<hbm>> -> memref<800xi32, #tpu.memory_space<hbm>>
            tpu.wait_dma2 semaphore(%arg21 : memref<!tpu.dma_semaphore, #tpu.memory_space<semaphore_mem>>) src(%dma_wait3A_265 : memref<800xi32, #tpu.memory_space<hbm>>) dst(%arg17 : memref<800xi32, #tpu.memory_space<vmem>>)
            %dma_wait3A_266 = arith.constant 0 : i32
            %dma_wait3A_267 = tpu.memref_slice %arg6[%dma_wait3A_266] : memref<32000xi32, #tpu.memory_space<hbm>> -> memref<800xi32, #tpu.memory_space<hbm>>
            %dma_wait3A_268 = arith.constant 0 : i32
            %dma_wait3A_269 = tpu.memref_slice %arg6[%dma_wait3A_268] : memref<32000xi32, #tpu.memory_space<hbm>> -> memref<800xi32, #tpu.memory_space<hbm>>
            tpu.wait_dma2 semaphore(%arg22 : memref<!tpu.dma_semaphore, #tpu.memory_space<semaphore_mem>>) src(%dma_wait3A_269 : memref<800xi32, #tpu.memory_space<hbm>>) dst(%arg19 : memref<800xi32, #tpu.memory_space<vmem>>)
            %scan3A_270 = arith.constant 0 : i32
            %scan3A_271 = arith.constant 0 : i32
            %scan3A_272 = arith.constant 50 : i32
            %scan3A_273 = arith.addi %scan3A_271, %scan3A_272 : i32
            %scan3A_274 = arith.constant 1 : i32
            %scan3A_275 = scf.for %scan3A_277 = %scan3A_271 to %scan3A_273 step %scan3A_274 iter_args(%scan3A_278 = %scan3A_270) -> (i32)  : i32 {
              %mul3A_279 = arith.constant 16 : i32
              %mul3A_280 = arith.muli %scan3A_277, %mul3A_279 : i32
              %get3A = arith.index_cast %mul3A_280 : i32 to index
              %get3A_281 = tpu.vector_load %arg17[%get3A] {strides = array<i32>} : memref<800xi32, #tpu.memory_space<vmem>>, vector<16xi32>,
              %mul3A_282 = arith.constant 16 : i32
              %mul3A_283 = arith.muli %scan3A_277, %mul3A_282 : i32
              %get3A_284 = arith.index_cast %mul3A_283 : i32 to index
              %get3A_285 = tpu.vector_load %arg19[%get3A_284] {strides = array<i32>} : memref<800xi32, #tpu.memory_space<vmem>>, vector<16xi32>,
              %mul3A_286 = arith.constant 16 : i32
              %mul3A_287 = vector.broadcast %mul3A_286 : i32 to vector<16xi32>
              %mul3A_288 = arith.muli %get3A_285, %mul3A_287 : vector<16xi32>
              %add3A_289 = arith.constant 0 : i32
              %add3A_290 = vector.broadcast %add3A_289 : i32 to vector<16xi32>
              %add3A_291 = arith.addi %get3A_281, %add3A_290 : vector<16xi32>
              %gather3A = tpu.vector_load_idx %run_scoped3A_43[%add3A_291] : memref<32000xf32, #tpu.memory_space<vmem>>[vector<16xi32>], vector<16xf32>,
              %add3A_292 = arith.constant 8000 : i32
              %add3A_293 = vector.broadcast %add3A_292 : i32 to vector<16xi32>
              %add3A_294 = arith.addi %get3A_281, %add3A_293 : vector<16xi32>
              %gather3A_295 = tpu.vector_load_idx %run_scoped3A_43[%add3A_294] : memref<32000xf32, #tpu.memory_space<vmem>>[vector<16xi32>], vector<16xf32>,
              %add3A_296 = arith.constant 16000 : i32
              %add3A_297 = vector.broadcast %add3A_296 : i32 to vector<16xi32>
              %add3A_298 = arith.addi %get3A_281, %add3A_297 : vector<16xi32>
              %gather3A_299 = tpu.vector_load_idx %run_scoped3A_43[%add3A_298] : memref<32000xf32, #tpu.memory_space<vmem>>[vector<16xi32>], vector<16xf32>,
              %add3A_300 = arith.constant 24000 : i32
              %add3A_301 = vector.broadcast %add3A_300 : i32 to vector<16xi32>
              %add3A_302 = arith.addi %get3A_281, %add3A_301 : vector<16xi32>
              %gather3A_303 = tpu.vector_load_idx %run_scoped3A_43[%add3A_302] : memref<32000xf32, #tpu.memory_space<vmem>>[vector<16xi32>], vector<16xf32>,
              %add3A_304 = arith.constant 0 : i32
              %add3A_305 = vector.broadcast %add3A_304 : i32 to vector<16xi32>
              %add3A_306 = arith.addi %get3A_281, %add3A_305 : vector<16xi32>
              %gather3A_307 = tpu.vector_load_idx %run_scoped3A_44[%add3A_306] : memref<32000xf32, #tpu.memory_space<vmem>>[vector<16xi32>], vector<16xf32>,
              %add3A_308 = arith.constant 8000 : i32
              %add3A_309 = vector.broadcast %add3A_308 : i32 to vector<16xi32>
              %add3A_310 = arith.addi %get3A_281, %add3A_309 : vector<16xi32>
              %gather3A_311 = tpu.vector_load_idx %run_scoped3A_44[%add3A_310] : memref<32000xf32, #tpu.memory_space<vmem>>[vector<16xi32>], vector<16xf32>,
              %add3A_312 = arith.constant 16000 : i32
              %add3A_313 = vector.broadcast %add3A_312 : i32 to vector<16xi32>
              %add3A_314 = arith.addi %get3A_281, %add3A_313 : vector<16xi32>
              %gather3A_315 = tpu.vector_load_idx %run_scoped3A_44[%add3A_314] : memref<32000xf32, #tpu.memory_space<vmem>>[vector<16xi32>], vector<16xf32>,
              %add3A_316 = arith.constant 24000 : i32
              %add3A_317 = vector.broadcast %add3A_316 : i32 to vector<16xi32>
              %add3A_318 = arith.addi %get3A_281, %add3A_317 : vector<16xi32>
              %gather3A_319 = tpu.vector_load_idx %run_scoped3A_44[%add3A_318] : memref<32000xf32, #tpu.memory_space<vmem>>[vector<16xi32>], vector<16xf32>,
              %add3A_320 = arith.constant 0 : i32
              %add3A_321 = vector.broadcast %add3A_320 : i32 to vector<16xi32>
              %add3A_322 = arith.addi %mul3A_10, %add3A_321 : vector<16xi32>
              %mul3A_323 = arith.mulf %gather3A, %gather3A_307 : vector<16xf32>
              tpu.vector_store_idx %arg27[%add3A_322], %mul3A_323 : memref<272xf32, #tpu.memory_space<vmem>>[vector<16xi32>], vector<16xf32>,
              %add3A_324 = arith.constant 1 : i32
              %add3A_325 = vector.broadcast %add3A_324 : i32 to vector<16xi32>
              %add3A_326 = arith.addi %mul3A_10, %add3A_325 : vector<16xi32>
              %mul3A_327 = arith.mulf %gather3A_295, %gather3A_307 : vector<16xf32>
              tpu.vector_store_idx %arg27[%add3A_326], %mul3A_327 : memref<272xf32, #tpu.memory_space<vmem>>[vector<16xi32>], vector<16xf32>,
              %add3A_328 = arith.constant 2 : i32
              %add3A_329 = vector.broadcast %add3A_328 : i32 to vector<16xi32>
              %add3A_330 = arith.addi %mul3A_10, %add3A_329 : vector<16xi32>
              %mul3A_331 = arith.mulf %gather3A_299, %gather3A_307 : vector<16xf32>
              tpu.vector_store_idx %arg27[%add3A_330], %mul3A_331 : memref<272xf32, #tpu.memory_space<vmem>>[vector<16xi32>], vector<16xf32>,
              %add3A_332 = arith.constant 3 : i32
              %add3A_333 = vector.broadcast %add3A_332 : i32 to vector<16xi32>
              %add3A_334 = arith.addi %mul3A_10, %add3A_333 : vector<16xi32>
              %mul3A_335 = arith.mulf %gather3A_303, %gather3A_307 : vector<16xf32>
              tpu.vector_store_idx %arg27[%add3A_334], %mul3A_335 : memref<272xf32, #tpu.memory_space<vmem>>[vector<16xi32>], vector<16xf32>,
              %add3A_336 = arith.constant 4 : i32
              %add3A_337 = vector.broadcast %add3A_336 : i32 to vector<16xi32>
              %add3A_338 = arith.addi %mul3A_10, %add3A_337 : vector<16xi32>
              %mul3A_339 = arith.mulf %gather3A, %gather3A_311 : vector<16xf32>
              tpu.vector_store_idx %arg27[%add3A_338], %mul3A_339 : memref<272xf32, #tpu.memory_space<vmem>>[vector<16xi32>], vector<16xf32>,
              %add3A_340 = arith.constant 5 : i32
              %add3A_341 = vector.broadcast %add3A_340 : i32 to vector<16xi32>
              %add3A_342 = arith.addi %mul3A_10, %add3A_341 : vector<16xi32>
              %mul3A_343 = arith.mulf %gather3A_295, %gather3A_311 : vector<16xf32>
              tpu.vector_store_idx %arg27[%add3A_342], %mul3A_343 : memref<272xf32, #tpu.memory_space<vmem>>[vector<16xi32>], vector<16xf32>,
              %add3A_344 = arith.constant 6 : i32
              %add3A_345 = vector.broadcast %add3A_344 : i32 to vector<16xi32>
              %add3A_346 = arith.addi %mul3A_10, %add3A_345 : vector<16xi32>
              %mul3A_347 = arith.mulf %gather3A_299, %gather3A_311 : vector<16xf32>
              tpu.vector_store_idx %arg27[%add3A_346], %mul3A_347 : memref<272xf32, #tpu.memory_space<vmem>>[vector<16xi32>], vector<16xf32>,
              %add3A_348 = arith.constant 7 : i32
              %add3A_349 = vector.broadcast %add3A_348 : i32 to vector<16xi32>
              %add3A_350 = arith.addi %mul3A_10, %add3A_349 : vector<16xi32>
              %mul3A_351 = arith.mulf %gather3A_303, %gather3A_311 : vector<16xf32>
              tpu.vector_store_idx %arg27[%add3A_350], %mul3A_351 : memref<272xf32, #tpu.memory_space<vmem>>[vector<16xi32>], vector<16xf32>,
              %add3A_352 = arith.constant 8 : i32
              %add3A_353 = vector.broadcast %add3A_352 : i32 to vector<16xi32>
              %add3A_354 = arith.addi %mul3A_10, %add3A_353 : vector<16xi32>
              %mul3A_355 = arith.mulf %gather3A, %gather3A_315 : vector<16xf32>
              tpu.vector_store_idx %arg27[%add3A_354], %mul3A_355 : memref<272xf32, #tpu.memory_space<vmem>>[vector<16xi32>], vector<16xf32>,
              %add3A_356 = arith.constant 9 : i32
              %add3A_357 = vector.broadcast %add3A_356 : i32 to vector<16xi32>
              %add3A_358 = arith.addi %mul3A_10, %add3A_357 : vector<16xi32>
              %mul3A_359 = arith.mulf %gather3A_295, %gather3A_315 : vector<16xf32>
              tpu.vector_store_idx %arg27[%add3A_358], %mul3A_359 : memref<272xf32, #tpu.memory_space<vmem>>[vector<16xi32>], vector<16xf32>,
              %add3A_360 = arith.constant 10 : i32
              %add3A_361 = vector.broadcast %add3A_360 : i32 to vector<16xi32>
              %add3A_362 = arith.addi %mul3A_10, %add3A_361 : vector<16xi32>
              %mul3A_363 = arith.mulf %gather3A_299, %gather3A_315 : vector<16xf32>
              tpu.vector_store_idx %arg27[%add3A_362], %mul3A_363 : memref<272xf32, #tpu.memory_space<vmem>>[vector<16xi32>], vector<16xf32>,
              %add3A_364 = arith.constant 11 : i32
              %add3A_365 = vector.broadcast %add3A_364 : i32 to vector<16xi32>
              %add3A_366 = arith.addi %mul3A_10, %add3A_365 : vector<16xi32>
              %mul3A_367 = arith.mulf %gather3A_303, %gather3A_315 : vector<16xf32>
              tpu.vector_store_idx %arg27[%add3A_366], %mul3A_367 : memref<272xf32, #tpu.memory_space<vmem>>[vector<16xi32>], vector<16xf32>,
              %add3A_368 = arith.constant 12 : i32
              %add3A_369 = vector.broadcast %add3A_368 : i32 to vector<16xi32>
              %add3A_370 = arith.addi %mul3A_10, %add3A_369 : vector<16xi32>
              %mul3A_371 = arith.mulf %gather3A, %gather3A_319 : vector<16xf32>
              tpu.vector_store_idx %arg27[%add3A_370], %mul3A_371 : memref<272xf32, #tpu.memory_space<vmem>>[vector<16xi32>], vector<16xf32>,
              %add3A_372 = arith.constant 13 : i32
              %add3A_373 = vector.broadcast %add3A_372 : i32 to vector<16xi32>
              %add3A_374 = arith.addi %mul3A_10, %add3A_373 : vector<16xi32>
              %mul3A_375 = arith.mulf %gather3A_295, %gather3A_319 : vector<16xf32>
              tpu.vector_store_idx %arg27[%add3A_374], %mul3A_375 : memref<272xf32, #tpu.memory_space<vmem>>[vector<16xi32>], vector<16xf32>,
              %add3A_376 = arith.constant 14 : i32
              %add3A_377 = vector.broadcast %add3A_376 : i32 to vector<16xi32>
              %add3A_378 = arith.addi %mul3A_10, %add3A_377 : vector<16xi32>
              %mul3A_379 = arith.mulf %gather3A_299, %gather3A_319 : vector<16xf32>
              tpu.vector_store_idx %arg27[%add3A_378], %mul3A_379 : memref<272xf32, #tpu.memory_space<vmem>>[vector<16xi32>], vector<16xf32>,
              %add3A_380 = arith.constant 15 : i32
              %add3A_381 = vector.broadcast %add3A_380 : i32 to vector<16xi32>
              %add3A_382 = arith.addi %mul3A_10, %add3A_381 : vector<16xi32>
              %mul3A_383 = arith.mulf %gather3A_303, %gather3A_319 : vector<16xf32>
              tpu.vector_store_idx %arg27[%add3A_382], %mul3A_383 : memref<272xf32, #tpu.memory_space<vmem>>[vector<16xi32>], vector<16xf32>,
              %add3A_384 = arith.constant 0 : i32
              %add3A_385 = vector.broadcast %add3A_384 : i32 to vector<16xi32>
              %add3A_386 = arith.addi %iota3A, %add3A_385 : vector<16xi32>
              %gather3A_387 = tpu.vector_load_idx %arg27[%add3A_386] : memref<272xf32, #tpu.memory_space<vmem>>[vector<16xi32>], vector<16xf32>,
              %add3A_388 = arith.constant 17 : i32
              %add3A_389 = vector.broadcast %add3A_388 : i32 to vector<16xi32>
              %add3A_390 = arith.addi %iota3A, %add3A_389 : vector<16xi32>
              %gather3A_391 = tpu.vector_load_idx %arg27[%add3A_390] : memref<272xf32, #tpu.memory_space<vmem>>[vector<16xi32>], vector<16xf32>,
              %add3A_392 = arith.constant 34 : i32
              %add3A_393 = vector.broadcast %add3A_392 : i32 to vector<16xi32>
              %add3A_394 = arith.addi %iota3A, %add3A_393 : vector<16xi32>
              %gather3A_395 = tpu.vector_load_idx %arg27[%add3A_394] : memref<272xf32, #tpu.memory_space<vmem>>[vector<16xi32>], vector<16xf32>,
              %add3A_396 = arith.constant 51 : i32
              %add3A_397 = vector.broadcast %add3A_396 : i32 to vector<16xi32>
              %add3A_398 = arith.addi %iota3A, %add3A_397 : vector<16xi32>
              %gather3A_399 = tpu.vector_load_idx %arg27[%add3A_398] : memref<272xf32, #tpu.memory_space<vmem>>[vector<16xi32>], vector<16xf32>,
              %add3A_400 = arith.constant 68 : i32
              %add3A_401 = vector.broadcast %add3A_400 : i32 to vector<16xi32>
              %add3A_402 = arith.addi %iota3A, %add3A_401 : vector<16xi32>
              %gather3A_403 = tpu.vector_load_idx %arg27[%add3A_402] : memref<272xf32, #tpu.memory_space<vmem>>[vector<16xi32>], vector<16xf32>,
              %add3A_404 = arith.constant 85 : i32
              %add3A_405 = vector.broadcast %add3A_404 : i32 to vector<16xi32>
              %add3A_406 = arith.addi %iota3A, %add3A_405 : vector<16xi32>
              %gather3A_407 = tpu.vector_load_idx %arg27[%add3A_406] : memref<272xf32, #tpu.memory_space<vmem>>[vector<16xi32>], vector<16xf32>,
              %add3A_408 = arith.constant 102 : i32
              %add3A_409 = vector.broadcast %add3A_408 : i32 to vector<16xi32>
              %add3A_410 = arith.addi %iota3A, %add3A_409 : vector<16xi32>
              %gather3A_411 = tpu.vector_load_idx %arg27[%add3A_410] : memref<272xf32, #tpu.memory_space<vmem>>[vector<16xi32>], vector<16xf32>,
              %add3A_412 = arith.constant 119 : i32
              %add3A_413 = vector.broadcast %add3A_412 : i32 to vector<16xi32>
              %add3A_414 = arith.addi %iota3A, %add3A_413 : vector<16xi32>
              %gather3A_415 = tpu.vector_load_idx %arg27[%add3A_414] : memref<272xf32, #tpu.memory_space<vmem>>[vector<16xi32>], vector<16xf32>,
              %slice3A = vector.extract_strided_slice %mul3A_288 {offsets = [0], sizes = [1], strides = [1]} : vector<16xi32> to vector<1xi32>
              %squeeze3A = vector.extract %slice3A[0] : i32 from vector<1xi32>
              %broadcast_in_dim3A_416 = vector.broadcast %squeeze3A : i32 to vector<16xi32>
              %add3A_417 = arith.addi %broadcast_in_dim3A_416, %iota3A : vector<16xi32>
              tpu.vector_store_idx %arg15[%add3A_417], %gather3A_387 {add = true} : memref<8192xf32, #tpu.memory_space<vmem>>[vector<16xi32>], vector<16xf32>,
              %slice3A_418 = vector.extract_strided_slice %mul3A_288 {offsets = [1], sizes = [1], strides = [1]} : vector<16xi32> to vector<1xi32>
              %squeeze3A_419 = vector.extract %slice3A_418[0] : i32 from vector<1xi32>
              %broadcast_in_dim3A_420 = vector.broadcast %squeeze3A_419 : i32 to vector<16xi32>
              %add3A_421 = arith.addi %broadcast_in_dim3A_420, %iota3A : vector<16xi32>
              tpu.vector_store_idx %arg15[%add3A_421], %gather3A_391 {add = true} : memref<8192xf32, #tpu.memory_space<vmem>>[vector<16xi32>], vector<16xf32>,
              %slice3A_422 = vector.extract_strided_slice %mul3A_288 {offsets = [2], sizes = [1], strides = [1]} : vector<16xi32> to vector<1xi32>
              %squeeze3A_423 = vector.extract %slice3A_422[0] : i32 from vector<1xi32>
              %broadcast_in_dim3A_424 = vector.broadcast %squeeze3A_423 : i32 to vector<16xi32>
              %add3A_425 = arith.addi %broadcast_in_dim3A_424, %iota3A : vector<16xi32>
              tpu.vector_store_idx %arg15[%add3A_425], %gather3A_395 {add = true} : memref<8192xf32, #tpu.memory_space<vmem>>[vector<16xi32>], vector<16xf32>,
              %slice3A_426 = vector.extract_strided_slice %mul3A_288 {offsets = [3], sizes = [1], strides = [1]} : vector<16xi32> to vector<1xi32>
              %squeeze3A_427 = vector.extract %slice3A_426[0] : i32 from vector<1xi32>
              %broadcast_in_dim3A_428 = vector.broadcast %squeeze3A_427 : i32 to vector<16xi32>
              %add3A_429 = arith.addi %broadcast_in_dim3A_428, %iota3A : vector<16xi32>
              tpu.vector_store_idx %arg15[%add3A_429], %gather3A_399 {add = true} : memref<8192xf32, #tpu.memory_space<vmem>>[vector<16xi32>], vector<16xf32>,
              %slice3A_430 = vector.extract_strided_slice %mul3A_288 {offsets = [4], sizes = [1], strides = [1]} : vector<16xi32> to vector<1xi32>
              %squeeze3A_431 = vector.extract %slice3A_430[0] : i32 from vector<1xi32>
              %broadcast_in_dim3A_432 = vector.broadcast %squeeze3A_431 : i32 to vector<16xi32>
              %add3A_433 = arith.addi %broadcast_in_dim3A_432, %iota3A : vector<16xi32>
              tpu.vector_store_idx %arg15[%add3A_433], %gather3A_403 {add = true} : memref<8192xf32, #tpu.memory_space<vmem>>[vector<16xi32>], vector<16xf32>,
              %slice3A_434 = vector.extract_strided_slice %mul3A_288 {offsets = [5], sizes = [1], strides = [1]} : vector<16xi32> to vector<1xi32>
              %squeeze3A_435 = vector.extract %slice3A_434[0] : i32 from vector<1xi32>
              %broadcast_in_dim3A_436 = vector.broadcast %squeeze3A_435 : i32 to vector<16xi32>
              %add3A_437 = arith.addi %broadcast_in_dim3A_436, %iota3A : vector<16xi32>
              tpu.vector_store_idx %arg15[%add3A_437], %gather3A_407 {add = true} : memref<8192xf32, #tpu.memory_space<vmem>>[vector<16xi32>], vector<16xf32>,
              %slice3A_438 = vector.extract_strided_slice %mul3A_288 {offsets = [6], sizes = [1], strides = [1]} : vector<16xi32> to vector<1xi32>
              %squeeze3A_439 = vector.extract %slice3A_438[0] : i32 from vector<1xi32>
              %broadcast_in_dim3A_440 = vector.broadcast %squeeze3A_439 : i32 to vector<16xi32>
              %add3A_441 = arith.addi %broadcast_in_dim3A_440, %iota3A : vector<16xi32>
              tpu.vector_store_idx %arg15[%add3A_441], %gather3A_411 {add = true} : memref<8192xf32, #tpu.memory_space<vmem>>[vector<16xi32>], vector<16xf32>,
              %slice3A_442 = vector.extract_strided_slice %mul3A_288 {offsets = [7], sizes = [1], strides = [1]} : vector<16xi32> to vector<1xi32>
              %squeeze3A_443 = vector.extract %slice3A_442[0] : i32 from vector<1xi32>
              %broadcast_in_dim3A_444 = vector.broadcast %squeeze3A_443 : i32 to vector<16xi32>
              %add3A_445 = arith.addi %broadcast_in_dim3A_444, %iota3A : vector<16xi32>
              tpu.vector_store_idx %arg15[%add3A_445], %gather3A_415 {add = true} : memref<8192xf32, #tpu.memory_space<vmem>>[vector<16xi32>], vector<16xf32>,
              %add3A_446 = arith.constant 136 : i32
              %add3A_447 = vector.broadcast %add3A_446 : i32 to vector<16xi32>
              %add3A_448 = arith.addi %iota3A, %add3A_447 : vector<16xi32>
              %gather3A_449 = tpu.vector_load_idx %arg27[%add3A_448] : memref<272xf32, #tpu.memory_space<vmem>>[vector<16xi32>], vector<16xf32>,
              %add3A_450 = arith.constant 153 : i32
              %add3A_451 = vector.broadcast %add3A_450 : i32 to vector<16xi32>
              %add3A_452 = arith.addi %iota3A, %add3A_451 : vector<16xi32>
              %gather3A_453 = tpu.vector_load_idx %arg27[%add3A_452] : memref<272xf32, #tpu.memory_space<vmem>>[vector<16xi32>], vector<16xf32>,
              %add3A_454 = arith.constant 170 : i32
              %add3A_455 = vector.broadcast %add3A_454 : i32 to vector<16xi32>
              %add3A_456 = arith.addi %iota3A, %add3A_455 : vector<16xi32>
              %gather3A_457 = tpu.vector_load_idx %arg27[%add3A_456] : memref<272xf32, #tpu.memory_space<vmem>>[vector<16xi32>], vector<16xf32>,
              %add3A_458 = arith.constant 187 : i32
              %add3A_459 = vector.broadcast %add3A_458 : i32 to vector<16xi32>
              %add3A_460 = arith.addi %iota3A, %add3A_459 : vector<16xi32>
              %gather3A_461 = tpu.vector_load_idx %arg27[%add3A_460] : memref<272xf32, #tpu.memory_space<vmem>>[vector<16xi32>], vector<16xf32>,
              %add3A_462 = arith.constant 204 : i32
              %add3A_463 = vector.broadcast %add3A_462 : i32 to vector<16xi32>
              %add3A_464 = arith.addi %iota3A, %add3A_463 : vector<16xi32>
              %gather3A_465 = tpu.vector_load_idx %arg27[%add3A_464] : memref<272xf32, #tpu.memory_space<vmem>>[vector<16xi32>], vector<16xf32>,
              %add3A_466 = arith.constant 221 : i32
              %add3A_467 = vector.broadcast %add3A_466 : i32 to vector<16xi32>
              %add3A_468 = arith.addi %iota3A, %add3A_467 : vector<16xi32>
              %gather3A_469 = tpu.vector_load_idx %arg27[%add3A_468] : memref<272xf32, #tpu.memory_space<vmem>>[vector<16xi32>], vector<16xf32>,
              %add3A_470 = arith.constant 238 : i32
              %add3A_471 = vector.broadcast %add3A_470 : i32 to vector<16xi32>
              %add3A_472 = arith.addi %iota3A, %add3A_471 : vector<16xi32>
              %gather3A_473 = tpu.vector_load_idx %arg27[%add3A_472] : memref<272xf32, #tpu.memory_space<vmem>>[vector<16xi32>], vector<16xf32>,
              %add3A_474 = arith.constant 255 : i32
              %add3A_475 = vector.broadcast %add3A_474 : i32 to vector<16xi32>
              %add3A_476 = arith.addi %iota3A, %add3A_475 : vector<16xi32>
              %gather3A_477 = tpu.vector_load_idx %arg27[%add3A_476] : memref<272xf32, #tpu.memory_space<vmem>>[vector<16xi32>], vector<16xf32>,
              %slice3A_478 = vector.extract_strided_slice %mul3A_288 {offsets = [8], sizes = [1], strides = [1]} : vector<16xi32> to vector<1xi32>
              %squeeze3A_479 = vector.extract %slice3A_478[0] : i32 from vector<1xi32>
              %broadcast_in_dim3A_480 = vector.broadcast %squeeze3A_479 : i32 to vector<16xi32>
              %add3A_481 = arith.addi %broadcast_in_dim3A_480, %iota3A : vector<16xi32>
              tpu.vector_store_idx %arg15[%add3A_481], %gather3A_449 {add = true} : memref<8192xf32, #tpu.memory_space<vmem>>[vector<16xi32>], vector<16xf32>,
              %slice3A_482 = vector.extract_strided_slice %mul3A_288 {offsets = [9], sizes = [1], strides = [1]} : vector<16xi32> to vector<1xi32>
              %squeeze3A_483 = vector.extract %slice3A_482[0] : i32 from vector<1xi32>
              %broadcast_in_dim3A_484 = vector.broadcast %squeeze3A_483 : i32 to vector<16xi32>
              %add3A_485 = arith.addi %broadcast_in_dim3A_484, %iota3A : vector<16xi32>
              tpu.vector_store_idx %arg15[%add3A_485], %gather3A_453 {add = true} : memref<8192xf32, #tpu.memory_space<vmem>>[vector<16xi32>], vector<16xf32>,
              %slice3A_486 = vector.extract_strided_slice %mul3A_288 {offsets = [10], sizes = [1], strides = [1]} : vector<16xi32> to vector<1xi32>
              %squeeze3A_487 = vector.extract %slice3A_486[0] : i32 from vector<1xi32>
              %broadcast_in_dim3A_488 = vector.broadcast %squeeze3A_487 : i32 to vector<16xi32>
              %add3A_489 = arith.addi %broadcast_in_dim3A_488, %iota3A : vector<16xi32>
              tpu.vector_store_idx %arg15[%add3A_489], %gather3A_457 {add = true} : memref<8192xf32, #tpu.memory_space<vmem>>[vector<16xi32>], vector<16xf32>,
              %slice3A_490 = vector.extract_strided_slice %mul3A_288 {offsets = [11], sizes = [1], strides = [1]} : vector<16xi32> to vector<1xi32>
              %squeeze3A_491 = vector.extract %slice3A_490[0] : i32 from vector<1xi32>
              %broadcast_in_dim3A_492 = vector.broadcast %squeeze3A_491 : i32 to vector<16xi32>
              %add3A_493 = arith.addi %broadcast_in_dim3A_492, %iota3A : vector<16xi32>
              tpu.vector_store_idx %arg15[%add3A_493], %gather3A_461 {add = true} : memref<8192xf32, #tpu.memory_space<vmem>>[vector<16xi32>], vector<16xf32>,
              %slice3A_494 = vector.extract_strided_slice %mul3A_288 {offsets = [12], sizes = [1], strides = [1]} : vector<16xi32> to vector<1xi32>
              %squeeze3A_495 = vector.extract %slice3A_494[0] : i32 from vector<1xi32>
              %broadcast_in_dim3A_496 = vector.broadcast %squeeze3A_495 : i32 to vector<16xi32>
              %add3A_497 = arith.addi %broadcast_in_dim3A_496, %iota3A : vector<16xi32>
              tpu.vector_store_idx %arg15[%add3A_497], %gather3A_465 {add = true} : memref<8192xf32, #tpu.memory_space<vmem>>[vector<16xi32>], vector<16xf32>,
              %slice3A_498 = vector.extract_strided_slice %mul3A_288 {offsets = [13], sizes = [1], strides = [1]} : vector<16xi32> to vector<1xi32>
              %squeeze3A_499 = vector.extract %slice3A_498[0] : i32 from vector<1xi32>
              %broadcast_in_dim3A_500 = vector.broadcast %squeeze3A_499 : i32 to vector<16xi32>
              %add3A_501 = arith.addi %broadcast_in_dim3A_500, %iota3A : vector<16xi32>
              tpu.vector_store_idx %arg15[%add3A_501], %gather3A_469 {add = true} : memref<8192xf32, #tpu.memory_space<vmem>>[vector<16xi32>], vector<16xf32>,
              %slice3A_502 = vector.extract_strided_slice %mul3A_288 {offsets = [14], sizes = [1], strides = [1]} : vector<16xi32> to vector<1xi32>
              %squeeze3A_503 = vector.extract %slice3A_502[0] : i32 from vector<1xi32>
              %broadcast_in_dim3A_504 = vector.broadcast %squeeze3A_503 : i32 to vector<16xi32>
              %add3A_505 = arith.addi %broadcast_in_dim3A_504, %iota3A : vector<16xi32>
              tpu.vector_store_idx %arg15[%add3A_505], %gather3A_473 {add = true} : memref<8192xf32, #tpu.memory_space<vmem>>[vector<16xi32>], vector<16xf32>,
              %slice3A_506 = vector.extract_strided_slice %mul3A_288 {offsets = [15], sizes = [1], strides = [1]} : vector<16xi32> to vector<1xi32>
              %squeeze3A_507 = vector.extract %slice3A_506[0] : i32 from vector<1xi32>
              %broadcast_in_dim3A_508 = vector.broadcast %squeeze3A_507 : i32 to vector<16xi32>
              %add3A_509 = arith.addi %broadcast_in_dim3A_508, %iota3A : vector<16xi32>
              tpu.vector_store_idx %arg15[%add3A_509], %gather3A_477 {add = true} : memref<8192xf32, #tpu.memory_space<vmem>>[vector<16xi32>], vector<16xf32>,
              %scan3A_510 = arith.constant 0 : i32
              scf.yield %scan3A_510 : i32
            }
            %scan3A_276 = arith.constant 50 : i32
          } else {
          }
          %eq3A_257 = arith.constant 1 : i32
          %eq3A_258 = arith.cmpi eq, %rem3A_234, %eq3A_257 : i32
          %convert_element_type3A_259 = arith.extui %eq3A_258 : i1 to i32
          %cond3A_260 = arith.constant 0 : i32
          %cond3A_261 = arith.cmpi ne, %convert_element_type3A_259, %cond3A_260 : i32
          scf.if %cond3A_261 {
            %dma_wait3A = arith.constant 0 : i32
            %dma_wait3A_263 = tpu.memref_slice %arg5[%dma_wait3A] : memref<32000xi32, #tpu.memory_space<hbm>> -> memref<800xi32, #tpu.memory_space<hbm>>
            %dma_wait3A_264 = arith.constant 0 : i32
            %dma_wait3A_265 = tpu.memref_slice %arg5[%dma_wait3A_264] : memref<32000xi32, #tpu.memory_space<hbm>> -> memref<800xi32, #tpu.memory_space<hbm>>
            tpu.wait_dma2 semaphore(%arg23 : memref<!tpu.dma_semaphore, #tpu.memory_space<semaphore_mem>>) src(%dma_wait3A_265 : memref<800xi32, #tpu.memory_space<hbm>>) dst(%arg18 : memref<800xi32, #tpu.memory_space<vmem>>)
            %dma_wait3A_266 = arith.constant 0 : i32
            %dma_wait3A_267 = tpu.memref_slice %arg6[%dma_wait3A_266] : memref<32000xi32, #tpu.memory_space<hbm>> -> memref<800xi32, #tpu.memory_space<hbm>>
            %dma_wait3A_268 = arith.constant 0 : i32
            %dma_wait3A_269 = tpu.memref_slice %arg6[%dma_wait3A_268] : memref<32000xi32, #tpu.memory_space<hbm>> -> memref<800xi32, #tpu.memory_space<hbm>>
            tpu.wait_dma2 semaphore(%arg24 : memref<!tpu.dma_semaphore, #tpu.memory_space<semaphore_mem>>) src(%dma_wait3A_269 : memref<800xi32, #tpu.memory_space<hbm>>) dst(%arg20 : memref<800xi32, #tpu.memory_space<vmem>>)
            %scan3A_270 = arith.constant 0 : i32
            %scan3A_271 = arith.constant 0 : i32
            %scan3A_272 = arith.constant 50 : i32
            %scan3A_273 = arith.addi %scan3A_271, %scan3A_272 : i32
            %scan3A_274 = arith.constant 1 : i32
            %scan3A_275 = scf.for %scan3A_277 = %scan3A_271 to %scan3A_273 step %scan3A_274 iter_args(%scan3A_278 = %scan3A_270) -> (i32)  : i32 {
              %mul3A_279 = arith.constant 16 : i32
              %mul3A_280 = arith.muli %scan3A_277, %mul3A_279 : i32
              %get3A = arith.index_cast %mul3A_280 : i32 to index
              %get3A_281 = tpu.vector_load %arg18[%get3A] {strides = array<i32>} : memref<800xi32, #tpu.memory_space<vmem>>, vector<16xi32>,
              %mul3A_282 = arith.constant 16 : i32
              %mul3A_283 = arith.muli %scan3A_277, %mul3A_282 : i32
              %get3A_284 = arith.index_cast %mul3A_283 : i32 to index
              %get3A_285 = tpu.vector_load %arg20[%get3A_284] {strides = array<i32>} : memref<800xi32, #tpu.memory_space<vmem>>, vector<16xi32>,
              %mul3A_286 = arith.constant 16 : i32
              %mul3A_287 = vector.broadcast %mul3A_286 : i32 to vector<16xi32>
              %mul3A_288 = arith.muli %get3A_285, %mul3A_287 : vector<16xi32>
              %add3A_289 = arith.constant 0 : i32
              %add3A_290 = vector.broadcast %add3A_289 : i32 to vector<16xi32>
              %add3A_291 = arith.addi %get3A_281, %add3A_290 : vector<16xi32>
              %gather3A = tpu.vector_load_idx %run_scoped3A_43[%add3A_291] : memref<32000xf32, #tpu.memory_space<vmem>>[vector<16xi32>], vector<16xf32>,
              %add3A_292 = arith.constant 8000 : i32
              %add3A_293 = vector.broadcast %add3A_292 : i32 to vector<16xi32>
              %add3A_294 = arith.addi %get3A_281, %add3A_293 : vector<16xi32>
              %gather3A_295 = tpu.vector_load_idx %run_scoped3A_43[%add3A_294] : memref<32000xf32, #tpu.memory_space<vmem>>[vector<16xi32>], vector<16xf32>,
              %add3A_296 = arith.constant 16000 : i32
              %add3A_297 = vector.broadcast %add3A_296 : i32 to vector<16xi32>
              %add3A_298 = arith.addi %get3A_281, %add3A_297 : vector<16xi32>
              %gather3A_299 = tpu.vector_load_idx %run_scoped3A_43[%add3A_298] : memref<32000xf32, #tpu.memory_space<vmem>>[vector<16xi32>], vector<16xf32>,
              %add3A_300 = arith.constant 24000 : i32
              %add3A_301 = vector.broadcast %add3A_300 : i32 to vector<16xi32>
              %add3A_302 = arith.addi %get3A_281, %add3A_301 : vector<16xi32>
              %gather3A_303 = tpu.vector_load_idx %run_scoped3A_43[%add3A_302] : memref<32000xf32, #tpu.memory_space<vmem>>[vector<16xi32>], vector<16xf32>,
              %add3A_304 = arith.constant 0 : i32
              %add3A_305 = vector.broadcast %add3A_304 : i32 to vector<16xi32>
              %add3A_306 = arith.addi %get3A_281, %add3A_305 : vector<16xi32>
              %gather3A_307 = tpu.vector_load_idx %run_scoped3A_44[%add3A_306] : memref<32000xf32, #tpu.memory_space<vmem>>[vector<16xi32>], vector<16xf32>,
              %add3A_308 = arith.constant 8000 : i32
              %add3A_309 = vector.broadcast %add3A_308 : i32 to vector<16xi32>
              %add3A_310 = arith.addi %get3A_281, %add3A_309 : vector<16xi32>
              %gather3A_311 = tpu.vector_load_idx %run_scoped3A_44[%add3A_310] : memref<32000xf32, #tpu.memory_space<vmem>>[vector<16xi32>], vector<16xf32>,
              %add3A_312 = arith.constant 16000 : i32
              %add3A_313 = vector.broadcast %add3A_312 : i32 to vector<16xi32>
              %add3A_314 = arith.addi %get3A_281, %add3A_313 : vector<16xi32>
              %gather3A_315 = tpu.vector_load_idx %run_scoped3A_44[%add3A_314] : memref<32000xf32, #tpu.memory_space<vmem>>[vector<16xi32>], vector<16xf32>,
              %add3A_316 = arith.constant 24000 : i32
              %add3A_317 = vector.broadcast %add3A_316 : i32 to vector<16xi32>
              %add3A_318 = arith.addi %get3A_281, %add3A_317 : vector<16xi32>
              %gather3A_319 = tpu.vector_load_idx %run_scoped3A_44[%add3A_318] : memref<32000xf32, #tpu.memory_space<vmem>>[vector<16xi32>], vector<16xf32>,
              %add3A_320 = arith.constant 0 : i32
              %add3A_321 = vector.broadcast %add3A_320 : i32 to vector<16xi32>
              %add3A_322 = arith.addi %mul3A_10, %add3A_321 : vector<16xi32>
              %mul3A_323 = arith.mulf %gather3A, %gather3A_307 : vector<16xf32>
              tpu.vector_store_idx %arg27[%add3A_322], %mul3A_323 : memref<272xf32, #tpu.memory_space<vmem>>[vector<16xi32>], vector<16xf32>,
              %add3A_324 = arith.constant 1 : i32
              %add3A_325 = vector.broadcast %add3A_324 : i32 to vector<16xi32>
              %add3A_326 = arith.addi %mul3A_10, %add3A_325 : vector<16xi32>
              %mul3A_327 = arith.mulf %gather3A_295, %gather3A_307 : vector<16xf32>
              tpu.vector_store_idx %arg27[%add3A_326], %mul3A_327 : memref<272xf32, #tpu.memory_space<vmem>>[vector<16xi32>], vector<16xf32>,
              %add3A_328 = arith.constant 2 : i32
              %add3A_329 = vector.broadcast %add3A_328 : i32 to vector<16xi32>
              %add3A_330 = arith.addi %mul3A_10, %add3A_329 : vector<16xi32>
              %mul3A_331 = arith.mulf %gather3A_299, %gather3A_307 : vector<16xf32>
              tpu.vector_store_idx %arg27[%add3A_330], %mul3A_331 : memref<272xf32, #tpu.memory_space<vmem>>[vector<16xi32>], vector<16xf32>,
              %add3A_332 = arith.constant 3 : i32
              %add3A_333 = vector.broadcast %add3A_332 : i32 to vector<16xi32>
              %add3A_334 = arith.addi %mul3A_10, %add3A_333 : vector<16xi32>
              %mul3A_335 = arith.mulf %gather3A_303, %gather3A_307 : vector<16xf32>
              tpu.vector_store_idx %arg27[%add3A_334], %mul3A_335 : memref<272xf32, #tpu.memory_space<vmem>>[vector<16xi32>], vector<16xf32>,
              %add3A_336 = arith.constant 4 : i32
              %add3A_337 = vector.broadcast %add3A_336 : i32 to vector<16xi32>
              %add3A_338 = arith.addi %mul3A_10, %add3A_337 : vector<16xi32>
              %mul3A_339 = arith.mulf %gather3A, %gather3A_311 : vector<16xf32>
              tpu.vector_store_idx %arg27[%add3A_338], %mul3A_339 : memref<272xf32, #tpu.memory_space<vmem>>[vector<16xi32>], vector<16xf32>,
              %add3A_340 = arith.constant 5 : i32
              %add3A_341 = vector.broadcast %add3A_340 : i32 to vector<16xi32>
              %add3A_342 = arith.addi %mul3A_10, %add3A_341 : vector<16xi32>
              %mul3A_343 = arith.mulf %gather3A_295, %gather3A_311 : vector<16xf32>
              tpu.vector_store_idx %arg27[%add3A_342], %mul3A_343 : memref<272xf32, #tpu.memory_space<vmem>>[vector<16xi32>], vector<16xf32>,
              %add3A_344 = arith.constant 6 : i32
              %add3A_345 = vector.broadcast %add3A_344 : i32 to vector<16xi32>
              %add3A_346 = arith.addi %mul3A_10, %add3A_345 : vector<16xi32>
              %mul3A_347 = arith.mulf %gather3A_299, %gather3A_311 : vector<16xf32>
              tpu.vector_store_idx %arg27[%add3A_346], %mul3A_347 : memref<272xf32, #tpu.memory_space<vmem>>[vector<16xi32>], vector<16xf32>,
              %add3A_348 = arith.constant 7 : i32
              %add3A_349 = vector.broadcast %add3A_348 : i32 to vector<16xi32>
              %add3A_350 = arith.addi %mul3A_10, %add3A_349 : vector<16xi32>
              %mul3A_351 = arith.mulf %gather3A_303, %gather3A_311 : vector<16xf32>
              tpu.vector_store_idx %arg27[%add3A_350], %mul3A_351 : memref<272xf32, #tpu.memory_space<vmem>>[vector<16xi32>], vector<16xf32>,
              %add3A_352 = arith.constant 8 : i32
              %add3A_353 = vector.broadcast %add3A_352 : i32 to vector<16xi32>
              %add3A_354 = arith.addi %mul3A_10, %add3A_353 : vector<16xi32>
              %mul3A_355 = arith.mulf %gather3A, %gather3A_315 : vector<16xf32>
              tpu.vector_store_idx %arg27[%add3A_354], %mul3A_355 : memref<272xf32, #tpu.memory_space<vmem>>[vector<16xi32>], vector<16xf32>,
              %add3A_356 = arith.constant 9 : i32
              %add3A_357 = vector.broadcast %add3A_356 : i32 to vector<16xi32>
              %add3A_358 = arith.addi %mul3A_10, %add3A_357 : vector<16xi32>
              %mul3A_359 = arith.mulf %gather3A_295, %gather3A_315 : vector<16xf32>
              tpu.vector_store_idx %arg27[%add3A_358], %mul3A_359 : memref<272xf32, #tpu.memory_space<vmem>>[vector<16xi32>], vector<16xf32>,
              %add3A_360 = arith.constant 10 : i32
              %add3A_361 = vector.broadcast %add3A_360 : i32 to vector<16xi32>
              %add3A_362 = arith.addi %mul3A_10, %add3A_361 : vector<16xi32>
              %mul3A_363 = arith.mulf %gather3A_299, %gather3A_315 : vector<16xf32>
              tpu.vector_store_idx %arg27[%add3A_362], %mul3A_363 : memref<272xf32, #tpu.memory_space<vmem>>[vector<16xi32>], vector<16xf32>,
              %add3A_364 = arith.constant 11 : i32
              %add3A_365 = vector.broadcast %add3A_364 : i32 to vector<16xi32>
              %add3A_366 = arith.addi %mul3A_10, %add3A_365 : vector<16xi32>
              %mul3A_367 = arith.mulf %gather3A_303, %gather3A_315 : vector<16xf32>
              tpu.vector_store_idx %arg27[%add3A_366], %mul3A_367 : memref<272xf32, #tpu.memory_space<vmem>>[vector<16xi32>], vector<16xf32>,
              %add3A_368 = arith.constant 12 : i32
              %add3A_369 = vector.broadcast %add3A_368 : i32 to vector<16xi32>
              %add3A_370 = arith.addi %mul3A_10, %add3A_369 : vector<16xi32>
              %mul3A_371 = arith.mulf %gather3A, %gather3A_319 : vector<16xf32>
              tpu.vector_store_idx %arg27[%add3A_370], %mul3A_371 : memref<272xf32, #tpu.memory_space<vmem>>[vector<16xi32>], vector<16xf32>,
              %add3A_372 = arith.constant 13 : i32
              %add3A_373 = vector.broadcast %add3A_372 : i32 to vector<16xi32>
              %add3A_374 = arith.addi %mul3A_10, %add3A_373 : vector<16xi32>
              %mul3A_375 = arith.mulf %gather3A_295, %gather3A_319 : vector<16xf32>
              tpu.vector_store_idx %arg27[%add3A_374], %mul3A_375 : memref<272xf32, #tpu.memory_space<vmem>>[vector<16xi32>], vector<16xf32>,
              %add3A_376 = arith.constant 14 : i32
              %add3A_377 = vector.broadcast %add3A_376 : i32 to vector<16xi32>
              %add3A_378 = arith.addi %mul3A_10, %add3A_377 : vector<16xi32>
              %mul3A_379 = arith.mulf %gather3A_299, %gather3A_319 : vector<16xf32>
              tpu.vector_store_idx %arg27[%add3A_378], %mul3A_379 : memref<272xf32, #tpu.memory_space<vmem>>[vector<16xi32>], vector<16xf32>,
              %add3A_380 = arith.constant 15 : i32
              %add3A_381 = vector.broadcast %add3A_380 : i32 to vector<16xi32>
              %add3A_382 = arith.addi %mul3A_10, %add3A_381 : vector<16xi32>
              %mul3A_383 = arith.mulf %gather3A_303, %gather3A_319 : vector<16xf32>
              tpu.vector_store_idx %arg27[%add3A_382], %mul3A_383 : memref<272xf32, #tpu.memory_space<vmem>>[vector<16xi32>], vector<16xf32>,
              %add3A_384 = arith.constant 0 : i32
              %add3A_385 = vector.broadcast %add3A_384 : i32 to vector<16xi32>
              %add3A_386 = arith.addi %iota3A, %add3A_385 : vector<16xi32>
              %gather3A_387 = tpu.vector_load_idx %arg27[%add3A_386] : memref<272xf32, #tpu.memory_space<vmem>>[vector<16xi32>], vector<16xf32>,
              %add3A_388 = arith.constant 17 : i32
              %add3A_389 = vector.broadcast %add3A_388 : i32 to vector<16xi32>
              %add3A_390 = arith.addi %iota3A, %add3A_389 : vector<16xi32>
              %gather3A_391 = tpu.vector_load_idx %arg27[%add3A_390] : memref<272xf32, #tpu.memory_space<vmem>>[vector<16xi32>], vector<16xf32>,
              %add3A_392 = arith.constant 34 : i32
              %add3A_393 = vector.broadcast %add3A_392 : i32 to vector<16xi32>
              %add3A_394 = arith.addi %iota3A, %add3A_393 : vector<16xi32>
              %gather3A_395 = tpu.vector_load_idx %arg27[%add3A_394] : memref<272xf32, #tpu.memory_space<vmem>>[vector<16xi32>], vector<16xf32>,
              %add3A_396 = arith.constant 51 : i32
              %add3A_397 = vector.broadcast %add3A_396 : i32 to vector<16xi32>
              %add3A_398 = arith.addi %iota3A, %add3A_397 : vector<16xi32>
              %gather3A_399 = tpu.vector_load_idx %arg27[%add3A_398] : memref<272xf32, #tpu.memory_space<vmem>>[vector<16xi32>], vector<16xf32>,
              %add3A_400 = arith.constant 68 : i32
              %add3A_401 = vector.broadcast %add3A_400 : i32 to vector<16xi32>
              %add3A_402 = arith.addi %iota3A, %add3A_401 : vector<16xi32>
              %gather3A_403 = tpu.vector_load_idx %arg27[%add3A_402] : memref<272xf32, #tpu.memory_space<vmem>>[vector<16xi32>], vector<16xf32>,
              %add3A_404 = arith.constant 85 : i32
              %add3A_405 = vector.broadcast %add3A_404 : i32 to vector<16xi32>
              %add3A_406 = arith.addi %iota3A, %add3A_405 : vector<16xi32>
              %gather3A_407 = tpu.vector_load_idx %arg27[%add3A_406] : memref<272xf32, #tpu.memory_space<vmem>>[vector<16xi32>], vector<16xf32>,
              %add3A_408 = arith.constant 102 : i32
              %add3A_409 = vector.broadcast %add3A_408 : i32 to vector<16xi32>
              %add3A_410 = arith.addi %iota3A, %add3A_409 : vector<16xi32>
              %gather3A_411 = tpu.vector_load_idx %arg27[%add3A_410] : memref<272xf32, #tpu.memory_space<vmem>>[vector<16xi32>], vector<16xf32>,
              %add3A_412 = arith.constant 119 : i32
              %add3A_413 = vector.broadcast %add3A_412 : i32 to vector<16xi32>
              %add3A_414 = arith.addi %iota3A, %add3A_413 : vector<16xi32>
              %gather3A_415 = tpu.vector_load_idx %arg27[%add3A_414] : memref<272xf32, #tpu.memory_space<vmem>>[vector<16xi32>], vector<16xf32>,
              %slice3A = vector.extract_strided_slice %mul3A_288 {offsets = [0], sizes = [1], strides = [1]} : vector<16xi32> to vector<1xi32>
              %squeeze3A = vector.extract %slice3A[0] : i32 from vector<1xi32>
              %broadcast_in_dim3A_416 = vector.broadcast %squeeze3A : i32 to vector<16xi32>
              %add3A_417 = arith.addi %broadcast_in_dim3A_416, %iota3A : vector<16xi32>
              tpu.vector_store_idx %arg15[%add3A_417], %gather3A_387 {add = true} : memref<8192xf32, #tpu.memory_space<vmem>>[vector<16xi32>], vector<16xf32>,
              %slice3A_418 = vector.extract_strided_slice %mul3A_288 {offsets = [1], sizes = [1], strides = [1]} : vector<16xi32> to vector<1xi32>
              %squeeze3A_419 = vector.extract %slice3A_418[0] : i32 from vector<1xi32>
              %broadcast_in_dim3A_420 = vector.broadcast %squeeze3A_419 : i32 to vector<16xi32>
              %add3A_421 = arith.addi %broadcast_in_dim3A_420, %iota3A : vector<16xi32>
              tpu.vector_store_idx %arg15[%add3A_421], %gather3A_391 {add = true} : memref<8192xf32, #tpu.memory_space<vmem>>[vector<16xi32>], vector<16xf32>,
              %slice3A_422 = vector.extract_strided_slice %mul3A_288 {offsets = [2], sizes = [1], strides = [1]} : vector<16xi32> to vector<1xi32>
              %squeeze3A_423 = vector.extract %slice3A_422[0] : i32 from vector<1xi32>
              %broadcast_in_dim3A_424 = vector.broadcast %squeeze3A_423 : i32 to vector<16xi32>
              %add3A_425 = arith.addi %broadcast_in_dim3A_424, %iota3A : vector<16xi32>
              tpu.vector_store_idx %arg15[%add3A_425], %gather3A_395 {add = true} : memref<8192xf32, #tpu.memory_space<vmem>>[vector<16xi32>], vector<16xf32>,
              %slice3A_426 = vector.extract_strided_slice %mul3A_288 {offsets = [3], sizes = [1], strides = [1]} : vector<16xi32> to vector<1xi32>
              %squeeze3A_427 = vector.extract %slice3A_426[0] : i32 from vector<1xi32>
              %broadcast_in_dim3A_428 = vector.broadcast %squeeze3A_427 : i32 to vector<16xi32>
              %add3A_429 = arith.addi %broadcast_in_dim3A_428, %iota3A : vector<16xi32>
              tpu.vector_store_idx %arg15[%add3A_429], %gather3A_399 {add = true} : memref<8192xf32, #tpu.memory_space<vmem>>[vector<16xi32>], vector<16xf32>,
              %slice3A_430 = vector.extract_strided_slice %mul3A_288 {offsets = [4], sizes = [1], strides = [1]} : vector<16xi32> to vector<1xi32>
              %squeeze3A_431 = vector.extract %slice3A_430[0] : i32 from vector<1xi32>
              %broadcast_in_dim3A_432 = vector.broadcast %squeeze3A_431 : i32 to vector<16xi32>
              %add3A_433 = arith.addi %broadcast_in_dim3A_432, %iota3A : vector<16xi32>
              tpu.vector_store_idx %arg15[%add3A_433], %gather3A_403 {add = true} : memref<8192xf32, #tpu.memory_space<vmem>>[vector<16xi32>], vector<16xf32>,
              %slice3A_434 = vector.extract_strided_slice %mul3A_288 {offsets = [5], sizes = [1], strides = [1]} : vector<16xi32> to vector<1xi32>
              %squeeze3A_435 = vector.extract %slice3A_434[0] : i32 from vector<1xi32>
              %broadcast_in_dim3A_436 = vector.broadcast %squeeze3A_435 : i32 to vector<16xi32>
              %add3A_437 = arith.addi %broadcast_in_dim3A_436, %iota3A : vector<16xi32>
              tpu.vector_store_idx %arg15[%add3A_437], %gather3A_407 {add = true} : memref<8192xf32, #tpu.memory_space<vmem>>[vector<16xi32>], vector<16xf32>,
              %slice3A_438 = vector.extract_strided_slice %mul3A_288 {offsets = [6], sizes = [1], strides = [1]} : vector<16xi32> to vector<1xi32>
              %squeeze3A_439 = vector.extract %slice3A_438[0] : i32 from vector<1xi32>
              %broadcast_in_dim3A_440 = vector.broadcast %squeeze3A_439 : i32 to vector<16xi32>
              %add3A_441 = arith.addi %broadcast_in_dim3A_440, %iota3A : vector<16xi32>
              tpu.vector_store_idx %arg15[%add3A_441], %gather3A_411 {add = true} : memref<8192xf32, #tpu.memory_space<vmem>>[vector<16xi32>], vector<16xf32>,
              %slice3A_442 = vector.extract_strided_slice %mul3A_288 {offsets = [7], sizes = [1], strides = [1]} : vector<16xi32> to vector<1xi32>
              %squeeze3A_443 = vector.extract %slice3A_442[0] : i32 from vector<1xi32>
              %broadcast_in_dim3A_444 = vector.broadcast %squeeze3A_443 : i32 to vector<16xi32>
              %add3A_445 = arith.addi %broadcast_in_dim3A_444, %iota3A : vector<16xi32>
              tpu.vector_store_idx %arg15[%add3A_445], %gather3A_415 {add = true} : memref<8192xf32, #tpu.memory_space<vmem>>[vector<16xi32>], vector<16xf32>,
              %add3A_446 = arith.constant 136 : i32
              %add3A_447 = vector.broadcast %add3A_446 : i32 to vector<16xi32>
              %add3A_448 = arith.addi %iota3A, %add3A_447 : vector<16xi32>
              %gather3A_449 = tpu.vector_load_idx %arg27[%add3A_448] : memref<272xf32, #tpu.memory_space<vmem>>[vector<16xi32>], vector<16xf32>,
              %add3A_450 = arith.constant 153 : i32
              %add3A_451 = vector.broadcast %add3A_450 : i32 to vector<16xi32>
              %add3A_452 = arith.addi %iota3A, %add3A_451 : vector<16xi32>
              %gather3A_453 = tpu.vector_load_idx %arg27[%add3A_452] : memref<272xf32, #tpu.memory_space<vmem>>[vector<16xi32>], vector<16xf32>,
              %add3A_454 = arith.constant 170 : i32
              %add3A_455 = vector.broadcast %add3A_454 : i32 to vector<16xi32>
              %add3A_456 = arith.addi %iota3A, %add3A_455 : vector<16xi32>
              %gather3A_457 = tpu.vector_load_idx %arg27[%add3A_456] : memref<272xf32, #tpu.memory_space<vmem>>[vector<16xi32>], vector<16xf32>,
              %add3A_458 = arith.constant 187 : i32
              %add3A_459 = vector.broadcast %add3A_458 : i32 to vector<16xi32>
              %add3A_460 = arith.addi %iota3A, %add3A_459 : vector<16xi32>
              %gather3A_461 = tpu.vector_load_idx %arg27[%add3A_460] : memref<272xf32, #tpu.memory_space<vmem>>[vector<16xi32>], vector<16xf32>,
              %add3A_462 = arith.constant 204 : i32
              %add3A_463 = vector.broadcast %add3A_462 : i32 to vector<16xi32>
              %add3A_464 = arith.addi %iota3A, %add3A_463 : vector<16xi32>
              %gather3A_465 = tpu.vector_load_idx %arg27[%add3A_464] : memref<272xf32, #tpu.memory_space<vmem>>[vector<16xi32>], vector<16xf32>,
              %add3A_466 = arith.constant 221 : i32
              %add3A_467 = vector.broadcast %add3A_466 : i32 to vector<16xi32>
              %add3A_468 = arith.addi %iota3A, %add3A_467 : vector<16xi32>
              %gather3A_469 = tpu.vector_load_idx %arg27[%add3A_468] : memref<272xf32, #tpu.memory_space<vmem>>[vector<16xi32>], vector<16xf32>,
              %add3A_470 = arith.constant 238 : i32
              %add3A_471 = vector.broadcast %add3A_470 : i32 to vector<16xi32>
              %add3A_472 = arith.addi %iota3A, %add3A_471 : vector<16xi32>
              %gather3A_473 = tpu.vector_load_idx %arg27[%add3A_472] : memref<272xf32, #tpu.memory_space<vmem>>[vector<16xi32>], vector<16xf32>,
              %add3A_474 = arith.constant 255 : i32
              %add3A_475 = vector.broadcast %add3A_474 : i32 to vector<16xi32>
              %add3A_476 = arith.addi %iota3A, %add3A_475 : vector<16xi32>
              %gather3A_477 = tpu.vector_load_idx %arg27[%add3A_476] : memref<272xf32, #tpu.memory_space<vmem>>[vector<16xi32>], vector<16xf32>,
              %slice3A_478 = vector.extract_strided_slice %mul3A_288 {offsets = [8], sizes = [1], strides = [1]} : vector<16xi32> to vector<1xi32>
              %squeeze3A_479 = vector.extract %slice3A_478[0] : i32 from vector<1xi32>
              %broadcast_in_dim3A_480 = vector.broadcast %squeeze3A_479 : i32 to vector<16xi32>
              %add3A_481 = arith.addi %broadcast_in_dim3A_480, %iota3A : vector<16xi32>
              tpu.vector_store_idx %arg15[%add3A_481], %gather3A_449 {add = true} : memref<8192xf32, #tpu.memory_space<vmem>>[vector<16xi32>], vector<16xf32>,
              %slice3A_482 = vector.extract_strided_slice %mul3A_288 {offsets = [9], sizes = [1], strides = [1]} : vector<16xi32> to vector<1xi32>
              %squeeze3A_483 = vector.extract %slice3A_482[0] : i32 from vector<1xi32>
              %broadcast_in_dim3A_484 = vector.broadcast %squeeze3A_483 : i32 to vector<16xi32>
              %add3A_485 = arith.addi %broadcast_in_dim3A_484, %iota3A : vector<16xi32>
              tpu.vector_store_idx %arg15[%add3A_485], %gather3A_453 {add = true} : memref<8192xf32, #tpu.memory_space<vmem>>[vector<16xi32>], vector<16xf32>,
              %slice3A_486 = vector.extract_strided_slice %mul3A_288 {offsets = [10], sizes = [1], strides = [1]} : vector<16xi32> to vector<1xi32>
              %squeeze3A_487 = vector.extract %slice3A_486[0] : i32 from vector<1xi32>
              %broadcast_in_dim3A_488 = vector.broadcast %squeeze3A_487 : i32 to vector<16xi32>
              %add3A_489 = arith.addi %broadcast_in_dim3A_488, %iota3A : vector<16xi32>
              tpu.vector_store_idx %arg15[%add3A_489], %gather3A_457 {add = true} : memref<8192xf32, #tpu.memory_space<vmem>>[vector<16xi32>], vector<16xf32>,
              %slice3A_490 = vector.extract_strided_slice %mul3A_288 {offsets = [11], sizes = [1], strides = [1]} : vector<16xi32> to vector<1xi32>
              %squeeze3A_491 = vector.extract %slice3A_490[0] : i32 from vector<1xi32>
              %broadcast_in_dim3A_492 = vector.broadcast %squeeze3A_491 : i32 to vector<16xi32>
              %add3A_493 = arith.addi %broadcast_in_dim3A_492, %iota3A : vector<16xi32>
              tpu.vector_store_idx %arg15[%add3A_493], %gather3A_461 {add = true} : memref<8192xf32, #tpu.memory_space<vmem>>[vector<16xi32>], vector<16xf32>,
              %slice3A_494 = vector.extract_strided_slice %mul3A_288 {offsets = [12], sizes = [1], strides = [1]} : vector<16xi32> to vector<1xi32>
              %squeeze3A_495 = vector.extract %slice3A_494[0] : i32 from vector<1xi32>
              %broadcast_in_dim3A_496 = vector.broadcast %squeeze3A_495 : i32 to vector<16xi32>
              %add3A_497 = arith.addi %broadcast_in_dim3A_496, %iota3A : vector<16xi32>
              tpu.vector_store_idx %arg15[%add3A_497], %gather3A_465 {add = true} : memref<8192xf32, #tpu.memory_space<vmem>>[vector<16xi32>], vector<16xf32>,
              %slice3A_498 = vector.extract_strided_slice %mul3A_288 {offsets = [13], sizes = [1], strides = [1]} : vector<16xi32> to vector<1xi32>
              %squeeze3A_499 = vector.extract %slice3A_498[0] : i32 from vector<1xi32>
              %broadcast_in_dim3A_500 = vector.broadcast %squeeze3A_499 : i32 to vector<16xi32>
              %add3A_501 = arith.addi %broadcast_in_dim3A_500, %iota3A : vector<16xi32>
              tpu.vector_store_idx %arg15[%add3A_501], %gather3A_469 {add = true} : memref<8192xf32, #tpu.memory_space<vmem>>[vector<16xi32>], vector<16xf32>,
              %slice3A_502 = vector.extract_strided_slice %mul3A_288 {offsets = [14], sizes = [1], strides = [1]} : vector<16xi32> to vector<1xi32>
              %squeeze3A_503 = vector.extract %slice3A_502[0] : i32 from vector<1xi32>
              %broadcast_in_dim3A_504 = vector.broadcast %squeeze3A_503 : i32 to vector<16xi32>
              %add3A_505 = arith.addi %broadcast_in_dim3A_504, %iota3A : vector<16xi32>
              tpu.vector_store_idx %arg15[%add3A_505], %gather3A_473 {add = true} : memref<8192xf32, #tpu.memory_space<vmem>>[vector<16xi32>], vector<16xf32>,
              %slice3A_506 = vector.extract_strided_slice %mul3A_288 {offsets = [15], sizes = [1], strides = [1]} : vector<16xi32> to vector<1xi32>
              %squeeze3A_507 = vector.extract %slice3A_506[0] : i32 from vector<1xi32>
              %broadcast_in_dim3A_508 = vector.broadcast %squeeze3A_507 : i32 to vector<16xi32>
              %add3A_509 = arith.addi %broadcast_in_dim3A_508, %iota3A : vector<16xi32>
              tpu.vector_store_idx %arg15[%add3A_509], %gather3A_477 {add = true} : memref<8192xf32, #tpu.memory_space<vmem>>[vector<16xi32>], vector<16xf32>,
              %scan3A_510 = arith.constant 0 : i32
              scf.yield %scan3A_510 : i32
            }
            %scan3A_276 = arith.constant 50 : i32
          } else {
          }
          %scan3A_262 = arith.constant 0 : i32
          scf.yield %scan3A_262 : i32
        }
        %scan3A_231 = arith.constant 40 : i32
        tpu.yield
      }) : () -> ()
      tpu.yield
    }) : () -> ()
    "tpu.region"() ({
      %run_scoped3A = memref.alloca() : memref<2064xf32, #tpu.memory_space<vmem>>
      %run_scoped3A_36 = memref.alloca() : memref<2064xf32, #tpu.memory_space<vmem>>
      "tpu.region"() ({
        %run_scoped3A_58 = tpu.sem_alloc : memref<!tpu.dma_semaphore, #tpu.memory_space<semaphore_mem>>
        %dma_start3A = arith.constant 0 : i32
        %dma_start3A_59 = tpu.memref_slice %run_scoped3A[%dma_start3A] : memref<2064xf32, #tpu.memory_space<vmem>> -> memref<2048xf32, #tpu.memory_space<vmem>>
        %dma_start3A_60 = arith.constant 0 : i32
        %dma_start3A_61 = tpu.memref_slice %run_scoped3A[%dma_start3A_60] : memref<2064xf32, #tpu.memory_space<vmem>> -> memref<2048xf32, #tpu.memory_space<vmem>>
        tpu.enqueue_dma source(%arg11 : memref<2048xf32, #tpu.memory_space<hbm>>) target(%dma_start3A_61 : memref<2048xf32, #tpu.memory_space<vmem>>) target_semaphore(%run_scoped3A_58 : memref<!tpu.dma_semaphore, #tpu.memory_space<semaphore_mem>>)
        %dma_wait3A = arith.constant 0 : i32
        %dma_wait3A_62 = tpu.memref_slice %run_scoped3A[%dma_wait3A] : memref<2064xf32, #tpu.memory_space<vmem>> -> memref<2048xf32, #tpu.memory_space<vmem>>
        %dma_wait3A_63 = arith.constant 0 : i32
        %dma_wait3A_64 = tpu.memref_slice %run_scoped3A[%dma_wait3A_63] : memref<2064xf32, #tpu.memory_space<vmem>> -> memref<2048xf32, #tpu.memory_space<vmem>>
        tpu.wait_dma2 semaphore(%run_scoped3A_58 : memref<!tpu.dma_semaphore, #tpu.memory_space<semaphore_mem>>) src(%arg11 : memref<2048xf32, #tpu.memory_space<hbm>>) dst(%dma_wait3A_64 : memref<2048xf32, #tpu.memory_space<vmem>>)
        tpu.yield
      }) : () -> ()
      "tpu.region"() ({
        %run_scoped3A_58 = tpu.sem_alloc : memref<!tpu.dma_semaphore, #tpu.memory_space<semaphore_mem>>
        %dma_start3A = arith.constant 0 : i32
        %dma_start3A_59 = tpu.memref_slice %run_scoped3A_36[%dma_start3A] : memref<2064xf32, #tpu.memory_space<vmem>> -> memref<2048xf32, #tpu.memory_space<vmem>>
        %dma_start3A_60 = arith.constant 0 : i32
        %dma_start3A_61 = tpu.memref_slice %run_scoped3A_36[%dma_start3A_60] : memref<2064xf32, #tpu.memory_space<vmem>> -> memref<2048xf32, #tpu.memory_space<vmem>>
        tpu.enqueue_dma source(%arg12 : memref<2048xf32, #tpu.memory_space<hbm>>) target(%dma_start3A_61 : memref<2048xf32, #tpu.memory_space<vmem>>) target_semaphore(%run_scoped3A_58 : memref<!tpu.dma_semaphore, #tpu.memory_space<semaphore_mem>>)
        %dma_wait3A = arith.constant 0 : i32
        %dma_wait3A_62 = tpu.memref_slice %run_scoped3A_36[%dma_wait3A] : memref<2064xf32, #tpu.memory_space<vmem>> -> memref<2048xf32, #tpu.memory_space<vmem>>
        %dma_wait3A_63 = arith.constant 0 : i32
        %dma_wait3A_64 = tpu.memref_slice %run_scoped3A_36[%dma_wait3A_63] : memref<2064xf32, #tpu.memory_space<vmem>> -> memref<2048xf32, #tpu.memory_space<vmem>>
        tpu.wait_dma2 semaphore(%run_scoped3A_58 : memref<!tpu.dma_semaphore, #tpu.memory_space<semaphore_mem>>) src(%arg12 : memref<2048xf32, #tpu.memory_space<hbm>>) dst(%dma_wait3A_64 : memref<2048xf32, #tpu.memory_space<vmem>>)
        tpu.yield
      }) : () -> ()
      %scan3A_37 = arith.constant 0 : i32
      %scan3A_38 = arith.constant 0 : i32
      %scan3A_39 = arith.constant 32 : i32
      %scan3A_40 = arith.addi %scan3A_38, %scan3A_39 : i32
      %scan3A_41 = arith.constant 1 : i32
      %scan3A_42 = scf.for %scan3A_58 = %scan3A_38 to %scan3A_40 step %scan3A_41 iter_args(%scan3A_59 = %scan3A_37) -> (i32)  : i32 {
        %mul3A_60 = arith.constant 16 : i32
        %mul3A_61 = arith.muli %scan3A_58, %mul3A_60 : i32
        %get3A = arith.index_cast %mul3A_61 : i32 to index
        %get3A_62 = tpu.vector_load %arg16[%get3A] {strides = array<i32>} : memref<512xf32, #tpu.memory_space<vmem>>, vector<16xf32>,
        %max3A = arith.constant 1.000000e+00 : f32
        %max3A_63 = vector.broadcast %max3A : f32 to vector<16xf32>
        %max3A_64 = arith.maximumf %get3A_62, %max3A_63 : vector<16xf32>
        %div3A = arith.constant 1.000000e+00 : f32
        %div3A_65 = vector.broadcast %div3A : f32 to vector<16xf32>
        %div3A_66 = arith.divf %div3A_65, %max3A_64 : vector<16xf32>
        %mul3A_67 = arith.constant 16 : i32
        %mul3A_68 = arith.muli %scan3A_58, %mul3A_67 : i32
        %swap3A = arith.index_cast %mul3A_68 : i32 to index
        %swap3A_69 = tpu.vector_load %arg16[%swap3A] {strides = array<i32>} : memref<512xf32, #tpu.memory_space<vmem>>, vector<16xf32>,
        tpu.vector_store %arg16[%swap3A], %div3A_66 {strides = array<i32>} : memref<512xf32, #tpu.memory_space<vmem>>, vector<16xf32>,
        %scan3A_70 = arith.constant 0 : i32
        scf.yield %scan3A_70 : i32
      }
      %scan3A_43 = arith.constant 32 : i32
      %scan3A_44 = arith.constant 0 : i32
      %scan3A_45 = arith.constant 0 : i32
      %scan3A_46 = arith.constant 128 : i32
      %scan3A_47 = arith.addi %scan3A_45, %scan3A_46 : i32
      %scan3A_48 = arith.constant 1 : i32
      %scan3A_49 = scf.for %scan3A_58 = %scan3A_45 to %scan3A_47 step %scan3A_48 iter_args(%scan3A_59 = %scan3A_44) -> (i32)  : i32 {
        %mul3A_60 = arith.constant 16 : i32
        %mul3A_61 = arith.muli %scan3A_58, %mul3A_60 : i32
        %broadcast_in_dim3A_62 = vector.broadcast %mul3A_61 : i32 to vector<16xi32>
        %add3A_63 = arith.addi %broadcast_in_dim3A_62, %iota3A : vector<16xi32>
        %shift_right_logical3A_64 = arith.constant 2 : i32
        %shift_right_logical3A_65 = vector.broadcast %shift_right_logical3A_64 : i32 to vector<16xi32>
        %shift_right_logical3A_66 = arith.shrui %add3A_63, %shift_right_logical3A_65 : vector<16xi32>
        %gather3A = tpu.vector_load_idx %arg16[%shift_right_logical3A_66] : memref<512xf32, #tpu.memory_space<vmem>>[vector<16xi32>], vector<16xf32>,
        %mul3A_67 = arith.constant 16 : i32
        %mul3A_68 = arith.muli %scan3A_58, %mul3A_67 : i32
        %get3A = arith.index_cast %mul3A_68 : i32 to index
        %get3A_69 = tpu.vector_load %run_scoped3A[%get3A] {strides = array<i32>} : memref<2064xf32, #tpu.memory_space<vmem>>, vector<16xf32>,
        %mul3A_70 = arith.constant 16 : i32
        %mul3A_71 = arith.muli %scan3A_58, %mul3A_70 : i32
        %get3A_72 = arith.index_cast %mul3A_71 : i32 to index
        %get3A_73 = tpu.vector_load %run_scoped3A_36[%get3A_72] {strides = array<i32>} : memref<2064xf32, #tpu.memory_space<vmem>>, vector<16xf32>,
        %sub3A = arith.subf %get3A_73, %get3A_69 : vector<16xf32>
        %add3A_74 = arith.constant 9.99999993E-9 : f32
        %add3A_75 = vector.broadcast %add3A_74 : f32 to vector<16xf32>
        %add3A_76 = arith.addf %sub3A, %add3A_75 : vector<16xf32>
        %div3A = arith.constant 1.000000e+00 : f32
        %div3A_77 = vector.broadcast %div3A : f32 to vector<16xf32>
        %div3A_78 = arith.divf %div3A_77, %add3A_76 : vector<16xf32>
        %mul3A_79 = arith.mulf %gather3A, %div3A_78 : vector<16xf32>
        %mul3A_80 = arith.constant 16 : i32
        %mul3A_81 = arith.muli %scan3A_58, %mul3A_80 : i32
        %swap3A = arith.index_cast %mul3A_81 : i32 to index
        %swap3A_82 = tpu.vector_load %run_scoped3A_36[%swap3A] {strides = array<i32>} : memref<2064xf32, #tpu.memory_space<vmem>>, vector<16xf32>,
        tpu.vector_store %run_scoped3A_36[%swap3A], %mul3A_79 {strides = array<i32>} : memref<2064xf32, #tpu.memory_space<vmem>>, vector<16xf32>,
        %mul3A_83 = arith.mulf %get3A_69, %div3A_78 : vector<16xf32>
        %mul3A_84 = arith.constant 16 : i32
        %mul3A_85 = arith.muli %scan3A_58, %mul3A_84 : i32
        %swap3A_86 = arith.index_cast %mul3A_85 : i32 to index
        %swap3A_87 = tpu.vector_load %run_scoped3A[%swap3A_86] {strides = array<i32>} : memref<2064xf32, #tpu.memory_space<vmem>>, vector<16xf32>,
        tpu.vector_store %run_scoped3A[%swap3A_86], %mul3A_83 {strides = array<i32>} : memref<2064xf32, #tpu.memory_space<vmem>>, vector<16xf32>,
        %scan3A_88 = arith.constant 0 : i32
        scf.yield %scan3A_88 : i32
      }
      %scan3A_50 = arith.constant 128 : i32
      %scan3A_51 = arith.constant 0 : i32
      %scan3A_52 = arith.constant 0 : i32
      %scan3A_53 = arith.constant 256 : i32
      %scan3A_54 = arith.addi %scan3A_52, %scan3A_53 : i32
      %scan3A_55 = arith.constant 1 : i32
      %scan3A_56 = scf.for %scan3A_58 = %scan3A_52 to %scan3A_54 step %scan3A_55 iter_args(%scan3A_59 = %scan3A_51) -> (i32)  : i32 {
        %mul3A_60 = arith.constant 32 : i32
        %mul3A_61 = arith.muli %scan3A_58, %mul3A_60 : i32
        %get3A = arith.index_cast %mul3A_61 : i32 to index
        %get3A_62 = tpu.vector_load %arg15[%get3A] {strides = array<i32>} : memref<8192xf32, #tpu.memory_space<vmem>>, vector<16xf32>,
        %mul3A_63 = arith.constant 32 : i32
        %mul3A_64 = arith.muli %scan3A_58, %mul3A_63 : i32
        %add3A_65 = arith.constant 16 : i32
        %add3A_66 = arith.addi %mul3A_64, %add3A_65 : i32
        %get3A_67 = arith.index_cast %add3A_66 : i32 to index
        %get3A_68 = tpu.vector_load %arg15[%get3A_67] {strides = array<i32>} : memref<8192xf32, #tpu.memory_space<vmem>>, vector<16xf32>,
        %mul3A_69 = arith.constant 8 : i32
        %mul3A_70 = arith.muli %scan3A_58, %mul3A_69 : i32
        %mul3A_71 = arith.constant 8 : i32
        %mul3A_72 = arith.muli %scan3A_58, %mul3A_71 : i32
        %gather3A = tpu.memref_slice %run_scoped3A_36[%mul3A_70] : memref<2064xf32, #tpu.memory_space<vmem>> -> memref<16xf32, #tpu.memory_space<vmem>>
        %gather3A_73 = tpu.vector_load_idx %gather3A[%shift_right_logical3A_2] : memref<16xf32, #tpu.memory_space<vmem>>[vector<16xi32>], vector<16xf32>,
        %gather3A_74 = tpu.memref_slice %run_scoped3A_36[%mul3A_70] : memref<2064xf32, #tpu.memory_space<vmem>> -> memref<16xf32, #tpu.memory_space<vmem>>
        %gather3A_75 = tpu.vector_load_idx %gather3A_74[%add3A_7] : memref<16xf32, #tpu.memory_space<vmem>>[vector<16xi32>], vector<16xf32>,
        %gather3A_76 = tpu.memref_slice %run_scoped3A[%mul3A_72] : memref<2064xf32, #tpu.memory_space<vmem>> -> memref<16xf32, #tpu.memory_space<vmem>>
        %gather3A_77 = tpu.vector_load_idx %gather3A_76[%shift_right_logical3A_2] : memref<16xf32, #tpu.memory_space<vmem>>[vector<16xi32>], vector<16xf32>,
        %gather3A_78 = tpu.memref_slice %run_scoped3A[%mul3A_72] : memref<2064xf32, #tpu.memory_space<vmem>> -> memref<16xf32, #tpu.memory_space<vmem>>
        %gather3A_79 = tpu.vector_load_idx %gather3A_78[%add3A_7] : memref<16xf32, #tpu.memory_space<vmem>>[vector<16xi32>], vector<16xf32>,
        %mul3A_80 = arith.mulf %get3A_62, %gather3A_73 : vector<16xf32>
        %sub3A = arith.subf %mul3A_80, %gather3A_77 : vector<16xf32>
        %max3A = arith.constant 0.000000e+00 : f32
        %max3A_81 = vector.broadcast %max3A : f32 to vector<16xf32>
        %max3A_82 = arith.maximumf %sub3A, %max3A_81 : vector<16xf32>
        %mul3A_83 = arith.constant 32 : i32
        %mul3A_84 = arith.muli %scan3A_58, %mul3A_83 : i32
        %swap3A = arith.index_cast %mul3A_84 : i32 to index
        %swap3A_85 = tpu.vector_load %arg15[%swap3A] {strides = array<i32>} : memref<8192xf32, #tpu.memory_space<vmem>>, vector<16xf32>,
        tpu.vector_store %arg15[%swap3A], %max3A_82 {strides = array<i32>} : memref<8192xf32, #tpu.memory_space<vmem>>, vector<16xf32>,
        %mul3A_86 = arith.mulf %get3A_68, %gather3A_75 : vector<16xf32>
        %sub3A_87 = arith.subf %mul3A_86, %gather3A_79 : vector<16xf32>
        %max3A_88 = arith.constant 0.000000e+00 : f32
        %max3A_89 = vector.broadcast %max3A_88 : f32 to vector<16xf32>
        %max3A_90 = arith.maximumf %sub3A_87, %max3A_89 : vector<16xf32>
        %mul3A_91 = arith.constant 32 : i32
        %mul3A_92 = arith.muli %scan3A_58, %mul3A_91 : i32
        %add3A_93 = arith.constant 16 : i32
        %add3A_94 = arith.addi %mul3A_92, %add3A_93 : i32
        %swap3A_95 = arith.index_cast %add3A_94 : i32 to index
        %swap3A_96 = tpu.vector_load %arg15[%swap3A_95] {strides = array<i32>} : memref<8192xf32, #tpu.memory_space<vmem>>, vector<16xf32>,
        tpu.vector_store %arg15[%swap3A_95], %max3A_90 {strides = array<i32>} : memref<8192xf32, #tpu.memory_space<vmem>>, vector<16xf32>,
        %scan3A_97 = arith.constant 0 : i32
        scf.yield %scan3A_97 : i32
      }
      %scan3A_57 = arith.constant 256 : i32
      tpu.yield
    }) : () -> ()
    "tpu.region"() ({
      %run_scoped3A = memref.alloca() : memref<8192xf32, #tpu.memory_space<vmem>>
      %scan3A_36 = arith.constant 0 : i32
      %scan3A_37 = arith.constant 0 : i32
      %scan3A_38 = arith.constant 512 : i32
      %scan3A_39 = arith.addi %scan3A_37, %scan3A_38 : i32
      %scan3A_40 = arith.constant 1 : i32
      %scan3A_41 = scf.for %scan3A_45 = %scan3A_37 to %scan3A_39 step %scan3A_40 iter_args(%scan3A_46 = %scan3A_36) -> (i32)  : i32 {
        %shift_right_logical3A_47 = arith.constant 7 : i32
        %shift_right_logical3A_48 = arith.shrui %scan3A_45, %shift_right_logical3A_47 : i32
        %and3A_49 = arith.constant 127 : i32
        %and3A_50 = arith.andi %scan3A_45, %and3A_49 : i32
        %mul3A_51 = arith.constant 16 : i32
        %mul3A_52 = arith.muli %and3A_50, %mul3A_51 : i32
        %broadcast_in_dim3A_53 = vector.broadcast %mul3A_52 : i32 to vector<16xi32>
        %add3A_54 = arith.addi %broadcast_in_dim3A_53, %iota3A : vector<16xi32>
        %mul3A_55 = arith.constant 4 : i32
        %mul3A_56 = vector.broadcast %mul3A_55 : i32 to vector<16xi32>
        %mul3A_57 = arith.muli %add3A_54, %mul3A_56 : vector<16xi32>
        %add3A_58 = vector.broadcast %shift_right_logical3A_48 : i32 to vector<16xi32>
        %add3A_59 = arith.addi %mul3A_57, %add3A_58 : vector<16xi32>
        %gather3A = tpu.vector_load_idx %arg15[%add3A_59] : memref<8192xf32, #tpu.memory_space<vmem>>[vector<16xi32>], vector<16xf32>,
        %mul3A_60 = arith.constant 16 : i32
        %mul3A_61 = arith.muli %scan3A_45, %mul3A_60 : i32
        %swap3A = arith.index_cast %mul3A_61 : i32 to index
        %swap3A_62 = tpu.vector_load %run_scoped3A[%swap3A] {strides = array<i32>} : memref<8192xf32, #tpu.memory_space<vmem>>, vector<16xf32>,
        tpu.vector_store %run_scoped3A[%swap3A], %gather3A {strides = array<i32>} : memref<8192xf32, #tpu.memory_space<vmem>>, vector<16xf32>,
        %scan3A_63 = arith.constant 0 : i32
        scf.yield %scan3A_63 : i32
      }
      %scan3A_42 = arith.constant 512 : i32
      %mul3A_43 = arith.constant 8192 : i32
      %mul3A_44 = arith.muli %add3A, %mul3A_43 : i32
      "tpu.region"() ({
        %run_scoped3A_45 = tpu.sem_alloc : memref<!tpu.dma_semaphore, #tpu.memory_space<semaphore_mem>>
        %dma_start3A = tpu.memref_slice %arg13[%mul3A_44] : memref<262144xf32, #tpu.memory_space<hbm>> -> memref<8192xf32, #tpu.memory_space<hbm>>
        %dma_start3A_46 = tpu.memref_slice %arg13[%mul3A_44] : memref<262144xf32, #tpu.memory_space<hbm>> -> memref<8192xf32, #tpu.memory_space<hbm>>
        tpu.enqueue_dma source(%run_scoped3A : memref<8192xf32, #tpu.memory_space<vmem>>) target(%dma_start3A_46 : memref<8192xf32, #tpu.memory_space<hbm>>) target_semaphore(%run_scoped3A_45 : memref<!tpu.dma_semaphore, #tpu.memory_space<semaphore_mem>>)
        %dma_wait3A = tpu.memref_slice %arg13[%mul3A_44] : memref<262144xf32, #tpu.memory_space<hbm>> -> memref<8192xf32, #tpu.memory_space<hbm>>
        %dma_wait3A_47 = tpu.memref_slice %arg13[%mul3A_44] : memref<262144xf32, #tpu.memory_space<hbm>> -> memref<8192xf32, #tpu.memory_space<hbm>>
        tpu.wait_dma2 semaphore(%run_scoped3A_45 : memref<!tpu.dma_semaphore, #tpu.memory_space<semaphore_mem>>) src(%run_scoped3A : memref<8192xf32, #tpu.memory_space<vmem>>) dst(%dma_wait3A_47 : memref<8192xf32, #tpu.memory_space<hbm>>)
        tpu.yield
      }) : () -> ()
      tpu.yield
    }) : () -> ()
    return
  }
}

</mosaic_0001>

<sc_bundles>
// kernel: _gnn_sc.3.cloned.1.call-start
scs
__scs_entry_jumppad:
0x0: {  	(pc) =	sbr.rel $0x88, $3  }
0x1: {  	(tag) =	ssettag $0x0;
	lr =	simm.s32 $0x1  }
0x2: {  	[smem:$0x3F96] =	sst lr;
	_ =	strace $0xD0000000  }
0x3: {  	_ = 	snop  }
0x4: {  	_ = 	snop  }
0x5: {  	_ = 	snop  }
0x6: {  	_ = 	snop  }
0x7: {  	_ = 	snop  }
__scs_overlays_trampoline_lowered:
0x8: {  	[smem:$0x3FA5] =	sst s0  }
0x9: {  	[smem:$0x3FA6] =	sst s1  }
0xa: {  	[smem:$0x3FA7] =	sst s2  }
0xb: {  	[smem:$0x3FA8] =	sst s3  }
0xc: {  	[smem:$0x3FA9] =	sst s4  }
0xd: {  	[smem:$0x3FAA] =	sst s5  }
0xe: {  	[smem:$0x3FAB] =	sst s6  }
0xf: {  	[smem:$0x3FAC] =	sst s7  }
0x10: {  	[smem:$0x3FAD] =	sst s8  }
0x11: {  	[smem:$0x3FAE] =	sst s9;
	s0 =	simm.s32 @!p0 $0x0  }
0x12: {  	s1 =	sld [smem:$0x3F94];
	s0 =	simm.s32 @p0 $0x1  }
0x13: {  	[smem:$0x3FAF] =	sst s0;
	s0 =	simm.s32 @!p1 $0x0  }
0x14: {  	s2 =	sld [smem:$0x3F93];
	s0 =	simm.s32 @p1 $0x1  }
0x15: {  	[smem:$0x3FB0] =	sst s0;
	s0 =	simm.s32 @!p2 $0x0  }
0x16: {  	s3 =	sld [smem:$0x3FDB];
	s0 =	simm.s32 @p2 $0x1  }
0x17: {  	s4 =	simm.s32 $0x1BF5;
	[smem:$0x3FB2] =	sst s0  }
0x18: {  	s0 =	sld [smem:$0x3F95];
	_ =	swait.ge [sflag:s4], $0x0  }
0x19: {  	s7 =	sld [smem:$0x3F96]  }
0x1a: {  	s8 =	sadd.s32 $0xFFFFE003, lr  }
0x1b: {  	s9 =	sadd.s32 $0xFFFFFEF7, lr;
	s5 =	simm.s32 $0xFFFFFFFF;
	p2 =	slt.u32 s8, $0xFFFFF086  }
0x1c: {  	p1 =	slt.u32 s9, $0xF7A;
	s5 =	simm.s32 @!p2 $0x0  }
0x1d: {  	s5 =	simm.s32 @p1 $0x1;
	p0 =	seq.s32 s7, s2  }
0x1e: {  	s7 =	smul.u32 @!p0 $0xF7A, s2;
	p2 =	seq.s32 @!p0 s5, $0x0  }
0x1f: {  	s9 =	smul.u32 $0xF7A, s1;
	s8 =	simm.s32 @!p0 $0x1BF5;
	p2 =	por !p2, p0  }
0x20: {  	[sflag:s8] =	ssyncset.s32 @!p0 $0xFFFFF086;
	s6 =	sadd.s32 @!p0 s3, s7;
	s7 =	simm.s32 @!p0 $0x108  }
0x21: {  	s3 =	sadd.s32 s3, s9;
	s6 =	sadd.s32 @!p0 $0x88, s6;
	s7 =	simm.s32 @p2 $0x1082  }
0x22: {  	[simem:s7], [sflag:s8] =	dma.local @!p0 [hbm:s6], $0xF7A  }
0x23: {  	s9 =	sor.u32 $0xD0000000, s2;
	s6 =	simm.s32 $0x108;
	_ =	swait.ge @!p0 [sflag:s8], $0x0  }
0x24: {  	s3 =	sadd.s32 $0x88, s3;
	s6 =	simm.s32 @!p1 $0x1082;
	[sflag:s4] =	ssyncset.s32 $0xFFFFF086  }
0x25: {  	[simem:s6], [sflag:s4] =	dma.local [hbm:s3], $0xF7A  }
0x26: {  	[smem:$0x3F96] =	sst s1;
	(tag) =	ssettag s2;
	_ =	strace s9  }
0x27: {  	s1 =	sld [smem:$0x3FA6]  }
0x28: {  	s2 =	sld [smem:$0x3FA7]  }
0x29: {  	s4 =	sld [smem:$0x3FA9]  }
0x2a: {  	p0 =	seq.s32 s5, $0x0;
	s5 =	sld [smem:$0x3FAA]  }
0x2b: {  	s6 =	sld [smem:$0x3FAB]  }
0x2c: {  	s7 =	sld [smem:$0x3FAC]  }
0x2d: {  	s3 =	simm.s32 $0x108;
	s8 =	sld [smem:$0x3FAD]  }
0x2e: {  	s3 =	simm.s32 @!p0 $0x1082;
	s9 =	sld [smem:$0x3FAE]  }
0x2f: {  	lr =	sadd.s32 s0, s3;
	s0 =	sld [smem:$0x3FA5]  }
0x30: {  	s3 =	sld [smem:$0x3FA8]  }
0x31: {  	[smem:$0x3FB1] =	sst s10  }
0x32: {  	s10 =	sld [smem:$0x3FAF];
	_ =	sdelay $0x3  }
0x33: {  	p0 =	seq.s32 s10, $0x1;
	s10 =	sld [smem:$0x3FB1];
	_ =	sdelay $0x3  }
0x34: {  	[smem:$0x3FB1] =	sst s10  }
0x35: {  	s10 =	sld [smem:$0x3FB0];
	_ =	sdelay $0x3  }
0x36: {  	p1 =	seq.s32 s10, $0x1;
	s10 =	sld [smem:$0x3FB1];
	_ =	sdelay $0x3  }
0x37: {  	[smem:$0x3FB1] =	sst s10  }
0x38: {  	s10 =	sld [smem:$0x3FB2]  }
0x39: {  	_ = 	snop;
	(pc) =	sbr.ind lr, $3  }
0x3a: {  	_ = 	snop  }
0x3b: {  	_ = 	snop  }
0x3c: {  	p2 =	seq.s32 s10, $0x1;
	s10 =	sld [smem:$0x3FB1]  }
0x3d: {  	_ =	shalt  }
0x3e: {  	_ =	shalt  }
0x3f: {  	_ =	shalt  }
0x40: {  	_ =	shalt  }
0x41: {  	_ =	shalt  }
0x42: {  	_ =	shalt  }
0x43: {  	_ =	shalt  }
0x44: {  	_ =	shalt  }
0x45: {  	_ =	shalt  }
0x46: {  	_ =	shalt  }
0x47: {  	_ =	shalt  }
0x48: {  	_ =	shalt  }
0x49: {  	_ =	shalt  }
0x4a: {  	_ =	shalt  }
0x4b: {  	_ =	shalt  }
0x4c: {  	_ =	shalt  }
0x4d: {  	_ =	shalt  }
0x4e: {  	_ =	shalt  }
0x4f: {  	_ =	shalt  }
0x50: {  	_ =	shalt  }
0x51: {  	_ =	shalt  }
0x52: {  	_ =	shalt  }
0x53: {  	_ =	shalt  }
0x54: {  	_ =	shalt  }
0x55: {  	_ =	shalt  }
0x56: {  	_ =	shalt  }
0x57: {  	_ =	shalt  }
0x58: {  	_ =	shalt  }
0x59: {  	_ =	shalt  }
0x5a: {  	_ =	shalt  }
0x5b: {  	_ =	shalt  }
0x5c: {  	_ =	shalt  }
0x5d: {  	_ =	shalt  }
0x5e: {  	_ =	shalt  }
0x5f: {  	_ =	shalt  }
0x60: {  	_ =	shalt  }
0x61: {  	_ =	shalt  }
0x62: {  	_ =	shalt  }
0x63: {  	_ =	shalt  }
0x64: {  	_ =	shalt  }
0x65: {  	_ =	shalt  }
0x66: {  	_ =	shalt  }
0x67: {  	_ =	shalt  }
0x68: {  	_ =	shalt  }
0x69: {  	_ =	shalt  }
0x6a: {  	_ =	shalt  }
0x6b: {  	_ =	shalt  }
0x6c: {  	_ =	shalt  }
0x6d: {  	_ =	shalt  }
0x6e: {  	_ =	shalt  }
0x6f: {  	_ =	shalt  }
0x70: {  	_ =	shalt  }
0x71: {  	_ =	shalt  }
0x72: {  	_ =	shalt  }
0x73: {  	_ =	shalt  }
0x74: {  	_ =	shalt  }
0x75: {  	_ =	shalt  }
0x76: {  	_ =	shalt  }
0x77: {  	_ =	shalt  }
0x78: {  	_ =	shalt  }
0x79: {  	_ =	shalt  }
0x7a: {  	_ =	shalt  }
0x7b: {  	_ =	shalt  }
0x7c: {  	_ =	shalt  }
0x7d: {  	_ =	shalt  }
0x7e: {  	_ =	shalt  }
0x7f: {  	_ =	shalt  }
0x80: {  	_ =	shalt  }
0x81: {  	_ =	shalt  }
0x82: {  	_ =	shalt  }
0x83: {  	_ =	shalt  }
0x84: {  	_ =	shalt  }
0x85: {  	_ =	shalt  }
0x86: {  	_ =	shalt  }
0x87: {  	_ =	shalt  }
.Lfunc_end0:
.L_simem_size_0:
called_computation_lowered:
.L_overlay_start_0:
0x88: {  	s2 =	sld [smem:$0x3FD9]  }
0x89: {  	s3 =	sld [smem:$0x3FFE];
	_ =	sdelay $0x1  }
0x8a: {  	s1 =	srdreg.scid  }
0x8b: {  	s0 =	sand.u32 $0x1, s1  }
0x8c: {  	s18 =	sshll.u32 s0, $0xA;
	s2 =	sadd.s32 s3, s2  }
0x8d: {  	s2 =	sadd.s32 s2, s18  }
0x8e: {  	[smem:$0x3FBD] =	sst s2  }
0x8f: {  	_ = 	snop  }
0x90: {  	s2 =	sld [smem:$0x3FC9]  }
0x91: {  	s19 =	sld [smem:$0x3FC8]  }
0x92: {  	s4 =	sld [smem:$0x3FC7]  }
0x93: {  	s5 =	sld [smem:$0x3FC6]  }
0x94: {  	s6 =	sld [smem:$0x3FC5]  }
0x95: {  	s7 =	sld [smem:$0x3FC4]  }
0x96: {  	s8 =	sld [smem:$0x3FC3]  }
0x97: {  	s9 =	sld [smem:$0x3FC2]  }
0x98: {  	s10 =	sld [smem:$0x3FC1]  }
0x99: {  	s11 =	sld [smem:$0x3FC0]  }
0x9a: {  	s12 =	sld [smem:$0x3FBF]  }
0x9b: {  	s13 =	sld [smem:$0x3FD0];
	(tm) =	ssettm $0x1  }
0x9c: {  	s14 =	sld [smem:$0x3FFB];
	_ =	sdelay $0x3  }
0x9d: {  	_ =	strace s14  }
0x9e: {  	s14 =	sld [smem:$0x3FFC];
	_ =	sdelay $0x3  }
0x9f: {  	_ =	strace s14  }
0xa0: {  	s14 =	sld [smem:$0x3FFD];
	_ =	sdelay $0x3  }
0xa1: {  	_ =	strace s14  }
0xa2: {  	_ =	strace $0x8FFFFFFF  }
0xa3: {  	s20 =	sld [smem:$0x3FDB];
	_ =	sdelay $0x1  }
0xa4: {  	s15 =	simm.s32 $_scs_section_size  }
0xa5: {  	s16 =	simm.s32 $_size__tile_overlayer_lowered;
	s17 =	simm.s32 $_tile_overlayer_lowered  }
0xa6: {  	s23 =	simm.s32 $0x1BFF;
	s22 =	sshll.u32 s17, $0x1;
	s14 =	sadd.s32 s15, s20  }
0xa7: {  	s21 =	sshll.u32 s16, $0x1;
	s18 =	simm.s32 $0x0;
	s16 =	sadd.s32 s22, s14  }
0xa8: {  	[timem:s18], [sflag:s23] =	dma.local [hbm:s16], s21  }
0xa9: {  	_ =	swait.ge [sflag:s23], s21  }
0xaa: {  	s15 =	ssub.s32 $0x0, s21;
	[sflag:s23] =	ssyncset.done $0x0  }
0xab: {  	[sflag:s23] =	ssyncadd.s32 s15;
	_ =	sdelay $0x1  }
0xac: {  	s24 =	simm.s32 $0x1B8B  }
0xad: {  	_ =	swait.ge [sflag:s24], $0x1  }
0xae: {  	[sflag:s24] =	ssyncset.done $0x0  }
0xaf: {  	s25 =	simm.s32 $0x1B8E;
	[sflag:s24] =	ssyncadd.s32 $0xFFFFFFFF  }
0xb0: {  	s26 =	simm.s32 $execute0_lowered;
	[smem:$0x3FD2] =	sst s25  }
0xb1: {  	s15 =	sshll.u32 s26, $0x1;
	_ =	strace $0x80000046;
	[dreg:$0x1] =	wrdreg $0xFFFFFFFF  }
0xb2: {  	s28 =	simm.s32 $_size_execute0_lowered;
	s14 =	sadd.s32 s14, s15;
	[dreg:$0x0] =	wrdreg $0x0  }
0xb3: {  	s15 =	sshll.u32 s28, $0x1;
	[dreg:$0x2] =	wrdreg s14  }
0xb4: {  	[dreg:$0x3] =	wrdreg s15  }
0xb5: {  	[dreg:$0x4] =	wrdreg $0xC0  }
0xb6: {  	_ =	task [dreg:s18], $0x5FFFF  }
0xb7: {  	[dreg:$0x1] =	wrdreg $0xFFFFFFFF  }
0xb8: {  	[dreg:$0x0] =	wrdreg $0x60  }
0xb9: {  	[dreg:$0x2] =	wrdreg s2  }
0xba: {  	[dreg:$0x3] =	wrdreg s19  }
0xbb: {  	[dreg:$0x4] =	wrdreg s4  }
0xbc: {  	[dreg:$0x5] =	wrdreg s5  }
0xbd: {  	[dreg:$0x6] =	wrdreg s6  }
0xbe: {  	[dreg:$0x7] =	wrdreg s7  }
0xbf: {  	[dreg:$0x8] =	wrdreg s8  }
0xc0: {  	[dreg:$0x9] =	wrdreg s9  }
0xc1: {  	[dreg:$0xa] =	wrdreg s10  }
0xc2: {  	[dreg:$0xb] =	wrdreg s11  }
0xc3: {  	[dreg:$0xc] =	wrdreg s12  }
0xc4: {  	[dreg:$0xd] =	wrdreg s13  }
0xc5: {  	[dreg:$0xe] =	wrdreg $0x3A800  }
0xc6: {  	[dreg:$0xf] =	wrdreg $0x9  }
0xc7: {  	_ =	task.clear_ibuf [dreg:s18], $0x10FFFF;
	_ =	strace $0x90000046  }
0xc8: {  	s29 =	simm.s32 $0x9;
	_ =	strace $0x80000048  }
0xc9: {  	_ =	swait.ge [sflag:s29], $0x1  }
0xca: {  	[sflag:s29] =	ssyncadd.s32 $0xFFFFFFFF  }
0xcb: {  	_ =	strace $0x90000048  }
0xcc: {  	_ =	sfence  }
0xcd: {  	s30 =	sld [smem:$0x0];
	_ =	sdelay $0x2  }
0xce: {  	s31 =	sshll.u32 s1, $0xD;
	s1 =	sshrl.u32 s1, $0x2  }
0xcf: {  	s3 =	sand.u32 $0x4000, s31;
	s1 =	sadd.s32 s1, s30  }
0xd0: {  	s0 =	sor.u32 s3, s0;
	s1 =	sshll.u32 s1, $0x11  }
0xd1: {  	s0 =	sor.u32 s1, s0  }
0xd2: {  	s0 =	sadd.s32 $0x8F2B, s0  }
0xd3: {  	[sflag:s0] =	ssyncadd.remote.s32 $0x1  }
0xd4: {  	_ =	sfence.sel $0xFFFF  }
0xd5: {  	[dreg:$0x0] =	wrdreg $0xFFFFFFFF;
	(pc) =	sbr.abs _section_cstart, $3  }
0xd6: {  	[dreg:$0x1] =	wrdreg $0xFFFFFFFF  }
0xd7: {  	_ =	task.clear_ibuf [dreg:s18], $0x2FFFF;
	_ =	strace $0x9FFFFFFF  }
0xd8: {  	(tm) =	ssettm $0x7FFFFFFF  }
0xd9: {  	_ =	shalt  }
tec
execute0_lowered:
.L_overlay_start_1:
0x0: {  	(tag) =	ssettag $0x1  }
0x1: {  	s4 =	rddreg [dreg:$0x0]  }
0x2: {  	s0 =	rddreg [dreg:$0x1]  }
0x3: {  	s1 =	rddreg [dreg:$0x2]  }
0x4: {  	s2 =	rddreg [dreg:$0x3]  }
0x5: {  	s3 =	rddreg [dreg:$0x4]  }
0x6: {  	s5 =	rddreg [dreg:$0xb]  }
0x7: {  	s6 =	rddreg [dreg:$0xc]  }
0x8: {  	s7 =	srdreg.scid;
	s11 =	stileid.u32;
	s12 =	simm.s32 $0x0  }
0x9: {  	s7 =	sand.u32 $0x1, s7;
	s8 =	sshll.u32 s11, $0x1;
	[smem:$0x7FF] =	sst s12  }
0xa: {  	s21 =	sshll.u32 s11, $0x7;
	s22 =	sshll.u32 s11, $0xB;
	s23 =	smul.u32 $0x1388, s11  }
0xb: {  	s17 =	sadd.s32 $0x8000, s6;
	s25 =	sshll.u32 s11, $0x5;
	s26 =	smul.u32 $0x7D0, s11  }
0xc: {  	s9 =	ssub.s32 $0x2, s7;
	s7 =	sor.u32 s7, s8;
	_ =	strace $0x80000047  }
0xd: {  	s14 =	sadd.s32 s21, s6;
	s15 =	sadd.s32 s22, s6;
	s18 =	sadd.s32 s25, s6  }
0xe: {  	s10 =	smul.u32 $0x1388, s7;
	s24 =	sadd.s32 $0x800, s14;
	s7 =	sshll.u32 s7, $0xA  }
0xf: {  	s16 =	sshrl.u32 s23, $0x3;
	s19 =	sadd.s32 $0x3E8, s23;
	s21 =	sadd.s32 $0xBB8, s23  }
0x10: {  	s23 =	sadd.s32 $0x3E8, s26;
	[dreg:$0xf] =	wrdreg s24;
	s11 =	sadd.s32 s5, s7  }
0x11: {  	s24 =	sshrl.u32 s26, $0x3;
	s26 =	sadd.s32 $0x1000, s14;
	[dreg:$0x10] =	wrdreg s11  }
0x12: {  	s20 =	sshrl.u32 s9, $0x1;
	s7 =	sadd.s32 $0x2000, s14;
	[dreg:$0x17] =	wrdreg s26  }
0x13: {  	s8 =	ssub.s32 s9, s20;
	s9 =	sadd.s32 $0x3000, s14;
	[dreg:$0x19] =	wrdreg s7  }
0x14: {  	s6 =	sadd.s32 s1, s16;
	s16 =	sadd.s32 $0x5000, s14;
	[dreg:$0x1b] =	wrdreg s9  }
0x15: {  	s20 =	sshrl.u32 s19, $0x3;
	s19 =	sadd.s32 $0x5800, s14;
	[dreg:$0x1f] =	wrdreg s16  }
0x16: {  	s22 =	sshrl.u32 s21, $0x3;
	s21 =	sadd.s32 $0x6800, s14;
	[smem:$0x7E6] =	sst s19  }
0x17: {  	s5 =	sshrl.u32 s23, $0x3;
	s23 =	sadd.s32 $0x7800, s14;
	[smem:$0x7E8] =	sst s21  }
0x18: {  	[smem:$0x7EA] =	sst s23  }
0x19: {  	s4 =	sadd.s32 s4, s10;
	[dreg:$0x12] =	wrdreg s6  }
0x1a: {  	s13 =	smax.u32 s8, $0x1;
	[dreg:$0xe] =	wrdreg s4  }
0x1b: {  	s25 =	sadd.s32 s3, s5;
	[dreg:$0x11] =	wrdreg s13  }
0x1c: {  	s5 =	sadd.s32 $0x1800, s14;
	[dreg:$0x16] =	wrdreg s25  }
0x1d: {  	s8 =	sadd.s32 $0x2800, s14;
	[dreg:$0x18] =	wrdreg s5  }
0x1e: {  	s10 =	sadd.s32 $0x3800, s14;
	[dreg:$0x1a] =	wrdreg s8  }
0x1f: {  	s11 =	sadd.s32 $0x4000, s14;
	[dreg:$0x1c] =	wrdreg s10  }
0x20: {  	s26 =	sadd.s32 $0x1000, s18;
	[dreg:$0x1d] =	wrdreg s11  }
0x21: {  	s7 =	sadd.s32 $0x2000, s18;
	[smem:$0x7ED] =	sst s26  }
0x22: {  	s9 =	sadd.s32 $0x3000, s18;
	[smem:$0x7EF] =	sst s7  }
0x23: {  	s16 =	sadd.s32 $0x5000, s18;
	[smem:$0x7F1] =	sst s9  }
0x24: {  	s19 =	sadd.s32 $0x5800, s18;
	[smem:$0x7F5] =	sst s16  }
0x25: {  	s21 =	sadd.s32 $0x6800, s18;
	[smem:$0x7F6] =	sst s19  }
0x26: {  	s23 =	sadd.s32 $0x7800, s18;
	[smem:$0x7F8] =	sst s21  }
0x27: {  	s4 =	sadd.s32 s1, s20;
	[smem:$0x7FA] =	sst s23  }
0x28: {  	s13 =	sadd.s32 $0x4800, s14;
	[dreg:$0x13] =	wrdreg s4  }
0x29: {  	s20 =	sadd.s32 $0x6000, s14;
	[dreg:$0x1e] =	wrdreg s13  }
0x2a: {  	s25 =	sadd.s32 $0x800, s18;
	[smem:$0x7E7] =	sst s20  }
0x2b: {  	s5 =	sadd.s32 $0x1800, s18;
	[smem:$0x7EC] =	sst s25  }
0x2c: {  	s28 =	simm.s32 $0x4;
	s8 =	sadd.s32 $0x2800, s18;
	[smem:$0x7EE] =	sst s5  }
0x2d: {  	v0 =	vlaneseq.u32;
	v2 =	vimm.f32 $0.0e+00;
	v3 =	vimm.f32 $1.000000000e+00;
	s29 =	simm.s32 $0x13D00;
	s10 =	sadd.s32 $0x3800, s18;
	[smem:$0x7F0] =	sst s8  }
0x2e: {  	s30 =	simm.s32 $0x2800;
	v1 =	vmul.u32 $0x11, v0;
	v19 =	vadd.s32 $0x11, v0;
	v20 =	vadd.s32 $0x22, v0;
	s11 =	sadd.s32 $0x4000, s18;
	[smem:$0x7F2] =	sst s10  }
0x2f: {  	s31 =	simm.s32 $0x800;
	v21 =	vadd.s32 $0x33, v0;
	v22 =	vadd.s32 $0x44, v0;
	v23 =	vadd.s32 $0x55, v0;
	s26 =	sadd.s32 $0x1F4, s6;
	[smem:$0x7F3] =	sst s11  }
0x30: {  	v24 =	vadd.s32 $0x66, v0;
	v25 =	vadd.s32 $0x77, v0;
	v26 =	vadd.s32 $0x88, v0;
	s16 =	simm.s32 $0x3100;
	s4 =	sadd.s32 s1, s22;
	[smem:$0x7FD] =	sst s26  }
0x31: {  	v27 =	vadd.s32 $0x99, v0;
	v28 =	vadd.s32 $0xAA, v0;
	v29 =	vadd.s32 $0xBB, v0;
	s19 =	simm.s32 $0x5;
	s22 =	sadd.s32 $0x7000, s14;
	[dreg:$0x14] =	wrdreg s4  }
0x32: {  	v30 =	vadd.s32 $0xCC, v0;
	v31 =	vadd.s32 $0xDD, v0;
	v32 =	vadd.s32 $0xEE, v0;
	s23 =	simm.s32 $0x2;
	s13 =	sadd.s32 $0x4800, s18;
	[smem:$0x7E9] =	sst s22  }
0x33: {  	v33 =	vadd.s32 $0xFF, v0;
	v34 =	vshrl.u32 v0, $0x2;
	v36 =	vand.u32 $0x3, v0;
	s20 =	sadd.s32 $0x6000, s18;
	s25 =	sadd.s32 $0xFA, s6;
	[smem:$0x7F4] =	sst s13  }
0x34: {  	v37 =	vmul.u32 $0x4, v0;
	v35 =	vor.u32 $0x4, v34;
	v36 =	vmul.u32 $0x1F40, v36;
	s11 =	simm.s32 $0xC000;
	s26 =	simm.s32 $0x3;
	[smem:$0x7F7] =	sst s20  }
0x35: {  	v4 =	vadd.s32 $0x1, v1;
	v5 =	vadd.s32 $0x2, v1;
	v6 =	vadd.s32 $0x3, v1;
	s8 =	simm.s32 $0x0;
	s4 =	sadd.s32 s3, s24;
	[smem:$0x7FC] =	sst s25  }
0x36: {  	v7 =	vadd.s32 $0x4, v1;
	v8 =	vadd.s32 $0x5, v1;
	v9 =	vadd.s32 $0x6, v1;
	s24 =	sadd.s32 $0x8000, s14;
	s22 =	sadd.s32 $0x7000, s18;
	[dreg:$0x15] =	wrdreg s4  }
0x37: {  	v10 =	vadd.s32 $0x7, v1;
	v11 =	vadd.s32 $0x8, v1;
	v12 =	vadd.s32 $0x9, v1;
	s13 =	simm.s32 $0x15C80;
	s20 =	simm.s32 $0x3880;
	[smem:$0x7EB] =	sst s24  }
0x38: {  	v13 =	vadd.s32 $0xA, v1;
	v14 =	vadd.s32 $0xB, v1;
	v15 =	vadd.s32 $0xC, v1;
	s25 =	simm.s32 $0x4300;
	[smem:$0x7F9] =	sst s22;
	s24 =	sadd.s32 $0x8000, s18  }
0x39: {  	v16 =	vadd.s32 $0xD, v1;
	v17 =	vadd.s32 $0xE, v1;
	v18 =	vadd.s32 $0xF, v1;
	s22 =	simm.s32 $0x1;
	[smem:$0x7FB] =	sst s24;
	s24 =	simm.s32 $0x3900  }
.LBB2_1:
0x3a: {  	s4 =	simm.s32 $0x0  }
.LBB2_2:
0x3b: {  	p0 =	sne.s32 s4, $0x1FC0  }
.Ltmp0:
0x3c: {  	_ = 	snop;
	(pc) =	sbr.rel @p0 .LBB2_2-.Ltmp0, $3  }
0x3d: {  	_ =	sdelay $0x1  }
0x3e: {  	s5 =	sshra.s32 s4, $0x2  }
0x3f: {  	s4 =	sadd.s32 $0x40, s4;
	[tilespmem:s5+$0x0] =	vst v2  }
0x40: {  	s4 =	simm.s32 $0x40;
	s5 =	simm.s32 $0x0  }
.LBB2_4:
0x41: {  	p0 =	sne.s32 s4, $0x7FC0;
	[tilespmem:s5+$0x800] =	vst v2;
	s5 =	smov.u32 s4;
	s4 =	sadd.s32 $0x40, s4  }
.Ltmp1:
0x42: {  	(pc) =	sbr.rel @p0 .LBB2_4-.Ltmp1, $2  }
0x43: {  	_ =	sdelay $0x2  }
0x44: {  	s5 =	sshra.s32 s5, $0x2  }
0x45: {  	[tilespmem:s5+$0x800] =	vst v2  }
0x46: {  	[tilespmem:$0x2800] =	vst v2  }
0x47: {  	[tilespmem:$0x2810] =	vst v2  }
0x48: {  	[tilespmem:$0x2820] =	vst v2  }
0x49: {  	[tilespmem:$0x2830] =	vst v2  }
0x4a: {  	[tilespmem:$0x2840] =	vst v2  }
0x4b: {  	[tilespmem:$0x2850] =	vst v2  }
0x4c: {  	[tilespmem:$0x2860] =	vst v2  }
0x4d: {  	[tilespmem:$0x2870] =	vst v2  }
0x4e: {  	[tilespmem:$0x2880] =	vst v2  }
0x4f: {  	[tilespmem:$0x2890] =	vst v2  }
0x50: {  	[tilespmem:$0x28A0] =	vst v2  }
0x51: {  	[tilespmem:$0x28B0] =	vst v2  }
0x52: {  	[tilespmem:$0x28C0] =	vst v2  }
0x53: {  	[tilespmem:$0x28D0] =	vst v2  }
0x54: {  	[tilespmem:$0x28E0] =	vst v2  }
0x55: {  	[tilespmem:$0x28F0] =	vst v2  }
0x56: {  	[tilespmem:$0x2900] =	vst v2  }
0x57: {  	[tilespmem:$0x2910] =	vst v2  }
0x58: {  	[tilespmem:$0x2920] =	vst v2  }
0x59: {  	[tilespmem:$0x2930] =	vst v2  }
0x5a: {  	[tilespmem:$0x2940] =	vst v2  }
0x5b: {  	[tilespmem:$0x2950] =	vst v2  }
0x5c: {  	[tilespmem:$0x2960] =	vst v2  }
0x5d: {  	[tilespmem:$0x2970] =	vst v2  }
0x5e: {  	[tilespmem:$0x2980] =	vst v2  }
0x5f: {  	[tilespmem:$0x2990] =	vst v2  }
0x60: {  	[tilespmem:$0x29A0] =	vst v2  }
0x61: {  	[tilespmem:$0x29B0] =	vst v2  }
0x62: {  	[tilespmem:$0x29C0] =	vst v2  }
0x63: {  	[tilespmem:$0x29D0] =	vst v2  }
0x64: {  	[tilespmem:$0x29E0] =	vst v2  }
0x65: {  	s4 =	simm.s32 $0x40;
	s5 =	simm.s32 $0x0;
	[tilespmem:$0x29F0] =	vst v2  }
.LBB2_6:
0x66: {  	p0 =	sne.s32 s4, $0x1F3C0;
	[tilespmem:s5+$0x4300] =	vst v2;
	s5 =	smov.u32 s4;
	s4 =	sadd.s32 $0x40, s4  }
.Ltmp2:
0x67: {  	(pc) =	sbr.rel @p0 .LBB2_6-.Ltmp2, $2  }
0x68: {  	_ =	sdelay $0x2  }
0x69: {  	s5 =	sshra.s32 s5, $0x2  }
0x6a: {  	[tilespmem:s5+$0x4300] =	vst v2;
	s4 =	simm.s32 $0x0;
	s9 =	rddreg [dreg:$0xe]  }
0x6b: {  	[tilespmem:s11], [sflag:$0x1] =	stream.linear.gather [hbm4b:s9+s4], $0x9C40, $0x38;
	[tilespmem:$0x1F900] =	vst v63  }
0x6c: {  	s10 =	rddreg [dreg:$0x5]  }
0x6d: {  	[tilespmem:s13], [sflag:$0x2] =	stream.linear.gather [hbm4b:s10+s4], $0x9C80, $0x38;
	[tilespmem:$0x1F900] =	vst v63  }
0x6e: {  	s21 =	rddreg [dreg:$0x12]  }
0x6f: {  	[tilespmem:s16], [sflag:$0x5] =	stream.linear.gather [hbm4b:s21+s4], $0x3E8, $0x38;
	[tilespmem:$0x1F900] =	vst v63  }
0x70: {  	_ =	swait.ge [sflag:s19], $0x3E8  }
0x71: {  	[sflag:s19] =	ssyncset.done $0x0  }
0x72: {  	s5 =	simm.s32 $0x0;
	s4 =	simm.s32 $0x40;
	[sflag:s19] =	ssyncadd.s32 $0xFFFFFC18  }
.LBB2_8:
0x73: {  	p0 =	sne.s32 s4, $0xF40;
	v38 =	vld [tilespmem:s5+$0x3100];
	_ =	sdelay $0x3  }
.Ltmp3:
0x74: {  	(pc) =	sbr.rel @p0 .LBB2_8-.Ltmp3, $2  }
0x75: {  	_ =	sdelay $0x2  }
0x76: {  	s5 =	sshra.s32 s4, $0x2;
	s4 =	sadd.s32 $0x40, s4;
	[tilespmem:v38+s12+$0x0] =	vst.idx.add.f32.msk $0xffff, v3  }
0x77: {  	v38 =	vld [tilespmem:s5+$0x3100];
	_ =	sdelay $0x7  }
0x78: {  	s4 =	simm.s32 $0x0;
	s21 =	rddreg [dreg:$0x13];
	[tilespmem:v38+s12+$0x0] =	vst.idx.add.f32.msk $0xffff, v3  }
0x79: {  	[tilespmem:s16], [sflag:$0x5] =	stream.linear.gather [hbm4b:s21+s4], $0x3E8, $0x38;
	[tilespmem:$0x1F900] =	vst v63  }
0x7a: {  	_ =	swait.ge [sflag:s19], $0x3E8  }
0x7b: {  	[sflag:s19] =	ssyncset.done $0x0  }
0x7c: {  	s5 =	simm.s32 $0x0;
	s4 =	simm.s32 $0x40;
	[sflag:s19] =	ssyncadd.s32 $0xFFFFFC18  }
.LBB2_10:
0x7d: {  	p0 =	sne.s32 s4, $0xF40;
	v38 =	vld [tilespmem:s5+$0x3100];
	_ =	sdelay $0x3  }
.Ltmp4:
0x7e: {  	(pc) =	sbr.rel @p0 .LBB2_10-.Ltmp4, $2  }
0x7f: {  	_ =	sdelay $0x2  }
0x80: {  	s5 =	sshra.s32 s4, $0x2;
	s4 =	sadd.s32 $0x40, s4;
	[tilespmem:v38+s12+$0x0] =	vst.idx.add.f32.msk $0xffff, v3  }
0x81: {  	v38 =	vld [tilespmem:s5+$0x3100];
	_ =	sdelay $0x5  }
0x82: {  	s21 =	sld [smem:$0x7FC];
	_ =	sdelay $0x1  }
0x83: {  	s4 =	simm.s32 $0x0;
	[tilespmem:v38+s12+$0x0] =	vst.idx.add.f32.msk $0xffff, v3  }
0x84: {  	[tilespmem:s16], [sflag:$0x5] =	stream.linear.gather [hbm4b:s21+s4], $0x3E8, $0x38;
	[tilespmem:$0x1F900] =	vst v63  }
0x85: {  	_ =	swait.ge [sflag:s19], $0x3E8  }
0x86: {  	[sflag:s19] =	ssyncset.done $0x0  }
0x87: {  	s5 =	simm.s32 $0x0;
	s4 =	simm.s32 $0x40;
	[sflag:s19] =	ssyncadd.s32 $0xFFFFFC18  }
.LBB2_12:
0x88: {  	p0 =	sne.s32 s4, $0xF40;
	v38 =	vld [tilespmem:s5+$0x3100];
	_ =	sdelay $0x3  }
.Ltmp5:
0x89: {  	(pc) =	sbr.rel @p0 .LBB2_12-.Ltmp5, $2  }
0x8a: {  	_ =	sdelay $0x2  }
0x8b: {  	s5 =	sshra.s32 s4, $0x2;
	s4 =	sadd.s32 $0x40, s4;
	[tilespmem:v38+s12+$0x0] =	vst.idx.add.f32.msk $0xffff, v3  }
0x8c: {  	v38 =	vld [tilespmem:s5+$0x3100];
	_ =	sdelay $0x7  }
0x8d: {  	s4 =	simm.s32 $0x0;
	s21 =	rddreg [dreg:$0x14];
	[tilespmem:v38+s12+$0x0] =	vst.idx.add.f32.msk $0xffff, v3  }
0x8e: {  	[tilespmem:s16], [sflag:$0x5] =	stream.linear.gather [hbm4b:s21+s4], $0x3E8, $0x38;
	[tilespmem:$0x1F900] =	vst v63  }
0x8f: {  	_ =	swait.ge [sflag:s19], $0x3E8  }
0x90: {  	[sflag:s19] =	ssyncset.done $0x0  }
0x91: {  	s5 =	simm.s32 $0x0;
	s4 =	simm.s32 $0x40;
	[sflag:s19] =	ssyncadd.s32 $0xFFFFFC18  }
.LBB2_14:
0x92: {  	p0 =	sne.s32 s4, $0xF40;
	v38 =	vld [tilespmem:s5+$0x3100];
	_ =	sdelay $0x3  }
.Ltmp6:
0x93: {  	(pc) =	sbr.rel @p0 .LBB2_14-.Ltmp6, $2  }
0x94: {  	_ =	sdelay $0x2  }
0x95: {  	s5 =	sshra.s32 s4, $0x2;
	s4 =	sadd.s32 $0x40, s4;
	[tilespmem:v38+s12+$0x0] =	vst.idx.add.f32.msk $0xffff, v3  }
0x96: {  	v38 =	vld [tilespmem:s5+$0x3100];
	_ =	sdelay $0x5  }
0x97: {  	s21 =	sld [smem:$0x7FD];
	_ =	sdelay $0x1  }
0x98: {  	s4 =	simm.s32 $0x0;
	[tilespmem:v38+s12+$0x0] =	vst.idx.add.f32.msk $0xffff, v3  }
0x99: {  	[tilespmem:s16], [sflag:$0x5] =	stream.linear.gather [hbm4b:s21+s4], $0x3E8, $0x38;
	[tilespmem:$0x1F900] =	vst v63  }
0x9a: {  	_ =	swait.ge [sflag:s19], $0x3E8  }
0x9b: {  	[sflag:s19] =	ssyncset.done $0x0  }
0x9c: {  	s5 =	simm.s32 $0x0;
	s4 =	simm.s32 $0x40;
	[sflag:s19] =	ssyncadd.s32 $0xFFFFFC18  }
.LBB2_16:
0x9d: {  	p0 =	sne.s32 s4, $0xF40;
	v38 =	vld [tilespmem:s5+$0x3100];
	_ =	sdelay $0x3  }
.Ltmp7:
0x9e: {  	(pc) =	sbr.rel @p0 .LBB2_16-.Ltmp7, $2  }
0x9f: {  	_ =	sdelay $0x2  }
0xa0: {  	s5 =	sshra.s32 s4, $0x2;
	s4 =	sadd.s32 $0x40, s4;
	[tilespmem:v38+s12+$0x0] =	vst.idx.add.f32.msk $0xffff, v3  }
0xa1: {  	v38 =	vld [tilespmem:s5+$0x3100];
	_ =	sdelay $0x7  }
0xa2: {  	s10 =	simm.s32 $0x0;
	[tilespmem:v38+s12+$0x0] =	vst.idx.add.f32.msk $0xffff, v3  }
0xa3: {  	[spmem:s15] =	stream.linear.scatter [tilespmem:s10], [sflag:$0x5], $0x800, $0x38;
	[tilespmem:$0x1F900] =	vst v63  }
0xa4: {  	_ =	swait.ge [sflag:s19], $0x800  }
0xa5: {  	[sflag:s19] =	ssyncset.done $0x0  }
0xa6: {  	[sflag:s19] =	ssyncadd.s32 $0xFFFFF800  }
0xa7: {  	[bflag:$0x0] =	sbarrier.arrive $0xFFFF  }
0xa8: {  	[tilespmem:$0x3800] =	vst v2  }
0xa9: {  	[tilespmem:$0x3810] =	vst v2  }
0xaa: {  	[tilespmem:$0x3820] =	vst v2  }
0xab: {  	[tilespmem:$0x3830] =	vst v2  }
0xac: {  	[tilespmem:$0x3840] =	vst v2  }
0xad: {  	[tilespmem:$0x3850] =	vst v2  }
0xae: {  	[tilespmem:$0x3860] =	vst v2  }
0xaf: {  	[tilespmem:$0x3870] =	vst v2  }
0xb0: {  	[tilespmem:s20], [sflag:$0x5] =	stream.linear.gather [spmem:s14], $0x80, $0x38;
	[tilespmem:$0x1F900] =	vst v63  }
0xb1: {  	_ =	swait.ge [sflag:s19], $0x80  }
0xb2: {  	[sflag:s19] =	ssyncset.done $0x0  }
0xb3: {  	[sflag:s19] =	ssyncadd.s32 $0xFFFFFF80  }
0xb4: {  	v59 =	vld [tilespmem:$0x3800]  }
0xb5: {  	v39 =	vld [tilespmem:$0x3880]  }
0xb6: {  	v40 =	vld [tilespmem:$0x3810]  }
0xb7: {  	v41 =	vld [tilespmem:$0x3890]  }
0xb8: {  	v42 =	vld [tilespmem:$0x3820]  }
0xb9: {  	v43 =	vld [tilespmem:$0x38A0]  }
0xba: {  	v44 =	vld [tilespmem:$0x3830]  }
0xbb: {  	v45 =	vld [tilespmem:$0x38B0]  }
0xbc: {  	v46 =	vld [tilespmem:$0x3840]  }
0xbd: {  	v47 =	vld [tilespmem:$0x38C0]  }
0xbe: {  	v48 =	vld [tilespmem:$0x3850]  }
0xbf: {  	v49 =	vld [tilespmem:$0x38D0]  }
0xc0: {  	v50 =	vld [tilespmem:$0x3860]  }
0xc1: {  	v60 =	vld [tilespmem:$0x38E0];
	v38 =	vadd.f32 v39, v59  }
0xc2: {  	v61 =	vld [tilespmem:$0x3870];
	v40 =	vadd.f32 v41, v40  }
0xc3: {  	v63 =	vld [tilespmem:$0x38F0];
	v62 =	vadd.f32 v43, v42;
	[tilespmem:$0x3800] =	vst v38  }
0xc4: {  	v45 =	vadd.f32 v45, v44;
	[tilespmem:$0x3810] =	vst v40  }
0xc5: {  	v47 =	vadd.f32 v47, v46;
	[tilespmem:$0x3820] =	vst v62  }
0xc6: {  	v49 =	vadd.f32 v49, v48;
	[tilespmem:$0x3830] =	vst v45  }
0xc7: {  	v50 =	vadd.f32 v60, v50;
	[tilespmem:$0x3840] =	vst v47  }
0xc8: {  	v51 =	vadd.f32 v63, v61;
	[tilespmem:$0x3850] =	vst v49  }
0xc9: {  	[tilespmem:$0x3860] =	vst v50  }
0xca: {  	s4 =	rddreg [dreg:$0xf];
	[tilespmem:$0x3870] =	vst v51  }
0xcb: {  	[tilespmem:s20], [sflag:$0x5] =	stream.linear.gather [spmem:s4], $0x80, $0x38;
	[tilespmem:$0x1F900] =	vst v63  }
0xcc: {  	_ =	swait.ge [sflag:s19], $0x80  }
0xcd: {  	[sflag:s19] =	ssyncset.done $0x0  }
0xce: {  	[sflag:s19] =	ssyncadd.s32 $0xFFFFFF80  }
0xcf: {  	v38 =	vld [tilespmem:$0x3800]  }
0xd0: {  	v52 =	vld [tilespmem:$0x3880]  }
0xd1: {  	v53 =	vld [tilespmem:$0x3810]  }
0xd2: {  	v54 =	vld [tilespmem:$0x3890]  }
0xd3: {  	v55 =	vld [tilespmem:$0x3820]  }
0xd4: {  	v56 =	vld [tilespmem:$0x38A0]  }
0xd5: {  	v57 =	vld [tilespmem:$0x3830]  }
0xd6: {  	v58 =	vld [tilespmem:$0x38B0]  }
0xd7: {  	v59 =	vld [tilespmem:$0x3840]  }
0xd8: {  	v60 =	vld [tilespmem:$0x38C0]  }
0xd9: {  	v61 =	vld [tilespmem:$0x3850]  }
0xda: {  	v62 =	vld [tilespmem:$0x38D0]  }
0xdb: {  	v63 =	vld [tilespmem:$0x3860]  }
0xdc: {  	v51 =	vld [tilespmem:$0x38E0];
	v38 =	vadd.f32 v52, v38  }
0xdd: {  	v40 =	vadd.f32 v54, v53;
	v52 =	vld [tilespmem:$0x3870]  }
0xde: {  	v53 =	vadd.f32 v56, v55;
	v54 =	vld [tilespmem:$0x38F0];
	[tilespmem:$0x3800] =	vst v38  }
0xdf: {  	v55 =	vadd.f32 v58, v57;
	[tilespmem:$0x3810] =	vst v40  }
0xe0: {  	v56 =	vadd.f32 v60, v59;
	[tilespmem:$0x3820] =	vst v53  }
0xe1: {  	v57 =	vadd.f32 v62, v61;
	[tilespmem:$0x3830] =	vst v55  }
0xe2: {  	v58 =	vadd.f32 v51, v63;
	[tilespmem:$0x3840] =	vst v56  }
0xe3: {  	[tilespmem:$0x3850] =	vst v57;
	v59 =	vadd.f32 v54, v52  }
0xe4: {  	[tilespmem:$0x3860] =	vst v58  }
0xe5: {  	s9 =	rddreg [dreg:$0x17];
	[tilespmem:$0x3870] =	vst v59  }
0xe6: {  	[tilespmem:s20], [sflag:$0x5] =	stream.linear.gather [spmem:s9], $0x80, $0x38;
	[tilespmem:$0x1F900] =	vst v63  }
0xe7: {  	_ =	swait.ge [sflag:s19], $0x80  }
0xe8: {  	[sflag:s19] =	ssyncset.done $0x0  }
0xe9: {  	[sflag:s19] =	ssyncadd.s32 $0xFFFFFF80  }
0xea: {  	v38 =	vld [tilespmem:$0x3800]  }
0xeb: {  	v60 =	vld [tilespmem:$0x3880]  }
0xec: {  	v61 =	vld [tilespmem:$0x3810]  }
0xed: {  	v62 =	vld [tilespmem:$0x3890]  }
0xee: {  	v63 =	vld [tilespmem:$0x3820]  }
0xef: {  	v52 =	vld [tilespmem:$0x38A0]  }
0xf0: {  	v53 =	vld [tilespmem:$0x3830]  }
0xf1: {  	v54 =	vld [tilespmem:$0x38B0]  }
0xf2: {  	v55 =	vld [tilespmem:$0x3840]  }
0xf3: {  	v56 =	vld [tilespmem:$0x38C0]  }
0xf4: {  	v57 =	vld [tilespmem:$0x3850]  }
0xf5: {  	v58 =	vld [tilespmem:$0x38D0]  }
0xf6: {  	v59 =	vld [tilespmem:$0x3860]  }
0xf7: {  	v38 =	vadd.f32 v60, v38;
	v60 =	vld [tilespmem:$0x38E0]  }
0xf8: {  	v40 =	vadd.f32 v62, v61;
	v61 =	vld [tilespmem:$0x3870]  }
0xf9: {  	v62 =	vadd.f32 v52, v63;
	v63 =	vld [tilespmem:$0x38F0];
	[tilespmem:$0x3800] =	vst v38  }
0xfa: {  	v45 =	vadd.f32 v54, v53;
	[tilespmem:$0x3810] =	vst v40  }
0xfb: {  	v47 =	vadd.f32 v56, v55;
	[tilespmem:$0x3820] =	vst v62  }
0xfc: {  	v49 =	vadd.f32 v58, v57;
	[tilespmem:$0x3830] =	vst v45  }
0xfd: {  	[tilespmem:$0x3840] =	vst v47;
	v50 =	vadd.f32 v60, v59  }
0xfe: {  	[tilespmem:$0x3850] =	vst v49;
	v51 =	vadd.f32 v63, v61  }
0xff: {  	[tilespmem:$0x3860] =	vst v50  }
0x100: {  	s21 =	rddreg [dreg:$0x18];
	[tilespmem:$0x3870] =	vst v51  }
0x101: {  	[tilespmem:s20], [sflag:$0x5] =	stream.linear.gather [spmem:s21], $0x80, $0x38;
	[tilespmem:$0x1F900] =	vst v63  }
0x102: {  	_ =	swait.ge [sflag:s19], $0x80  }
0x103: {  	[sflag:s19] =	ssyncset.done $0x0  }
0x104: {  	[sflag:s19] =	ssyncadd.s32 $0xFFFFFF80  }
0x105: {  	v38 =	vld [tilespmem:$0x3800]  }
0x106: {  	v52 =	vld [tilespmem:$0x3880]  }
0x107: {  	v53 =	vld [tilespmem:$0x3810]  }
0x108: {  	v54 =	vld [tilespmem:$0x3890]  }
0x109: {  	v55 =	vld [tilespmem:$0x3820]  }
0x10a: {  	v56 =	vld [tilespmem:$0x38A0]  }
0x10b: {  	v57 =	vld [tilespmem:$0x3830]  }
0x10c: {  	v58 =	vld [tilespmem:$0x38B0]  }
0x10d: {  	v59 =	vld [tilespmem:$0x3840]  }
0x10e: {  	v60 =	vld [tilespmem:$0x38C0]  }
0x10f: {  	v61 =	vld [tilespmem:$0x3850]  }
0x110: {  	v62 =	vld [tilespmem:$0x38D0]  }
0x111: {  	v63 =	vld [tilespmem:$0x3860]  }
0x112: {  	v51 =	vld [tilespmem:$0x38E0];
	v38 =	vadd.f32 v52, v38  }
0x113: {  	v40 =	vadd.f32 v54, v53;
	v52 =	vld [tilespmem:$0x3870]  }
0x114: {  	v53 =	vadd.f32 v56, v55;
	v54 =	vld [tilespmem:$0x38F0];
	[tilespmem:$0x3800] =	vst v38  }
0x115: {  	v55 =	vadd.f32 v58, v57;
	[tilespmem:$0x3810] =	vst v40  }
0x116: {  	v56 =	vadd.f32 v60, v59;
	[tilespmem:$0x3820] =	vst v53  }
0x117: {  	v57 =	vadd.f32 v62, v61;
	[tilespmem:$0x3830] =	vst v55  }
0x118: {  	v58 =	vadd.f32 v51, v63;
	[tilespmem:$0x3840] =	vst v56  }
0x119: {  	[tilespmem:$0x3850] =	vst v57;
	v59 =	vadd.f32 v54, v52  }
0x11a: {  	[tilespmem:$0x3860] =	vst v58  }
0x11b: {  	s5 =	rddreg [dreg:$0x19];
	[tilespmem:$0x3870] =	vst v59  }
0x11c: {  	[tilespmem:s20], [sflag:$0x5] =	stream.linear.gather [spmem:s5], $0x80, $0x38;
	[tilespmem:$0x1F900] =	vst v63  }
0x11d: {  	_ =	swait.ge [sflag:s19], $0x80  }
0x11e: {  	[sflag:s19] =	ssyncset.done $0x0  }
0x11f: {  	[sflag:s19] =	ssyncadd.s32 $0xFFFFFF80  }
0x120: {  	v38 =	vld [tilespmem:$0x3800]  }
0x121: {  	v60 =	vld [tilespmem:$0x3880]  }
0x122: {  	v61 =	vld [tilespmem:$0x3810]  }
0x123: {  	v62 =	vld [tilespmem:$0x3890]  }
0x124: {  	v63 =	vld [tilespmem:$0x3820]  }
0x125: {  	v52 =	vld [tilespmem:$0x38A0]  }
0x126: {  	v53 =	vld [tilespmem:$0x3830]  }
0x127: {  	v54 =	vld [tilespmem:$0x38B0]  }
0x128: {  	v55 =	vld [tilespmem:$0x3840]  }
0x129: {  	v56 =	vld [tilespmem:$0x38C0]  }
0x12a: {  	v57 =	vld [tilespmem:$0x3850]  }
0x12b: {  	v58 =	vld [tilespmem:$0x38D0]  }
0x12c: {  	v59 =	vld [tilespmem:$0x3860]  }
0x12d: {  	v38 =	vadd.f32 v60, v38;
	v60 =	vld [tilespmem:$0x38E0]  }
0x12e: {  	v40 =	vadd.f32 v62, v61;
	v61 =	vld [tilespmem:$0x3870]  }
0x12f: {  	v62 =	vadd.f32 v52, v63;
	v63 =	vld [tilespmem:$0x38F0];
	[tilespmem:$0x3800] =	vst v38  }
0x130: {  	v45 =	vadd.f32 v54, v53;
	[tilespmem:$0x3810] =	vst v40  }
0x131: {  	v47 =	vadd.f32 v56, v55;
	[tilespmem:$0x3820] =	vst v62  }
0x132: {  	v49 =	vadd.f32 v58, v57;
	[tilespmem:$0x3830] =	vst v45  }
0x133: {  	[tilespmem:$0x3840] =	vst v47;
	v50 =	vadd.f32 v60, v59  }
0x134: {  	[tilespmem:$0x3850] =	vst v49;
	v51 =	vadd.f32 v63, v61  }
0x135: {  	[tilespmem:$0x3860] =	vst v50  }
0x136: {  	s6 =	rddreg [dreg:$0x1a];
	[tilespmem:$0x3870] =	vst v51  }
0x137: {  	[tilespmem:s20], [sflag:$0x5] =	stream.linear.gather [spmem:s6], $0x80, $0x38;
	[tilespmem:$0x1F900] =	vst v63  }
0x138: {  	_ =	swait.ge [sflag:s19], $0x80  }
0x139: {  	[sflag:s19] =	ssyncset.done $0x0  }
0x13a: {  	[sflag:s19] =	ssyncadd.s32 $0xFFFFFF80  }
0x13b: {  	v38 =	vld [tilespmem:$0x3800]  }
0x13c: {  	v52 =	vld [tilespmem:$0x3880]  }
0x13d: {  	v53 =	vld [tilespmem:$0x3810]  }
0x13e: {  	v54 =	vld [tilespmem:$0x3890]  }
0x13f: {  	v55 =	vld [tilespmem:$0x3820]  }
0x140: {  	v56 =	vld [tilespmem:$0x38A0]  }
0x141: {  	v57 =	vld [tilespmem:$0x3830]  }
0x142: {  	v58 =	vld [tilespmem:$0x38B0]  }
0x143: {  	v59 =	vld [tilespmem:$0x3840]  }
0x144: {  	v60 =	vld [tilespmem:$0x38C0]  }
0x145: {  	v61 =	vld [tilespmem:$0x3850]  }
0x146: {  	v62 =	vld [tilespmem:$0x38D0]  }
0x147: {  	v63 =	vld [tilespmem:$0x3860]  }
0x148: {  	v51 =	vld [tilespmem:$0x38E0];
	v38 =	vadd.f32 v52, v38  }
0x149: {  	v40 =	vadd.f32 v54, v53;
	v52 =	vld [tilespmem:$0x3870]  }
0x14a: {  	v53 =	vadd.f32 v56, v55;
	v54 =	vld [tilespmem:$0x38F0];
	[tilespmem:$0x3800] =	vst v38  }
0x14b: {  	v55 =	vadd.f32 v58, v57;
	[tilespmem:$0x3810] =	vst v40  }
0x14c: {  	v56 =	vadd.f32 v60, v59;
	[tilespmem:$0x3820] =	vst v53  }
0x14d: {  	v57 =	vadd.f32 v62, v61;
	[tilespmem:$0x3830] =	vst v55  }
0x14e: {  	v58 =	vadd.f32 v51, v63;
	[tilespmem:$0x3840] =	vst v56  }
0x14f: {  	[tilespmem:$0x3850] =	vst v57;
	v59 =	vadd.f32 v54, v52  }
0x150: {  	[tilespmem:$0x3860] =	vst v58  }
0x151: {  	s7 =	rddreg [dreg:$0x1b];
	[tilespmem:$0x3870] =	vst v59  }
0x152: {  	[tilespmem:s20], [sflag:$0x5] =	stream.linear.gather [spmem:s7], $0x80, $0x38;
	[tilespmem:$0x1F900] =	vst v63  }
0x153: {  	_ =	swait.ge [sflag:s19], $0x80  }
0x154: {  	[sflag:s19] =	ssyncset.done $0x0  }
0x155: {  	[sflag:s19] =	ssyncadd.s32 $0xFFFFFF80  }
0x156: {  	v38 =	vld [tilespmem:$0x3800]  }
0x157: {  	v60 =	vld [tilespmem:$0x3880]  }
0x158: {  	v61 =	vld [tilespmem:$0x3810]  }
0x159: {  	v62 =	vld [tilespmem:$0x3890]  }
0x15a: {  	v63 =	vld [tilespmem:$0x3820]  }
0x15b: {  	v52 =	vld [tilespmem:$0x38A0]  }
0x15c: {  	v53 =	vld [tilespmem:$0x3830]  }
0x15d: {  	v54 =	vld [tilespmem:$0x38B0]  }
0x15e: {  	v55 =	vld [tilespmem:$0x3840]  }
0x15f: {  	v56 =	vld [tilespmem:$0x38C0]  }
0x160: {  	v57 =	vld [tilespmem:$0x3850]  }
0x161: {  	v58 =	vld [tilespmem:$0x38D0]  }
0x162: {  	v59 =	vld [tilespmem:$0x3860]  }
0x163: {  	v38 =	vadd.f32 v60, v38;
	v60 =	vld [tilespmem:$0x38E0]  }
0x164: {  	v40 =	vadd.f32 v62, v61;
	v61 =	vld [tilespmem:$0x3870]  }
0x165: {  	v62 =	vadd.f32 v52, v63;
	v63 =	vld [tilespmem:$0x38F0];
	[tilespmem:$0x3800] =	vst v38  }
0x166: {  	v45 =	vadd.f32 v54, v53;
	[tilespmem:$0x3810] =	vst v40  }
0x167: {  	v47 =	vadd.f32 v56, v55;
	[tilespmem:$0x3820] =	vst v62  }
0x168: {  	v49 =	vadd.f32 v58, v57;
	[tilespmem:$0x3830] =	vst v45  }
0x169: {  	[tilespmem:$0x3840] =	vst v47;
	v50 =	vadd.f32 v60, v59  }
0x16a: {  	[tilespmem:$0x3850] =	vst v49;
	v51 =	vadd.f32 v63, v61  }
0x16b: {  	[tilespmem:$0x3860] =	vst v50  }
0x16c: {  	s9 =	rddreg [dreg:$0x1c];
	[tilespmem:$0x3870] =	vst v51  }
0x16d: {  	[tilespmem:s20], [sflag:$0x5] =	stream.linear.gather [spmem:s9], $0x80, $0x38;
	[tilespmem:$0x1F900] =	vst v63  }
0x16e: {  	_ =	swait.ge [sflag:s19], $0x80  }
0x16f: {  	[sflag:s19] =	ssyncset.done $0x0  }
0x170: {  	[sflag:s19] =	ssyncadd.s32 $0xFFFFFF80  }
0x171: {  	v38 =	vld [tilespmem:$0x3800]  }
0x172: {  	v52 =	vld [tilespmem:$0x3880]  }
0x173: {  	v53 =	vld [tilespmem:$0x3810]  }
0x174: {  	v54 =	vld [tilespmem:$0x3890]  }
0x175: {  	v55 =	vld [tilespmem:$0x3820]  }
0x176: {  	v56 =	vld [tilespmem:$0x38A0]  }
0x177: {  	v57 =	vld [tilespmem:$0x3830]  }
0x178: {  	v58 =	vld [tilespmem:$0x38B0]  }
0x179: {  	v59 =	vld [tilespmem:$0x3840]  }
0x17a: {  	v60 =	vld [tilespmem:$0x38C0]  }
0x17b: {  	v61 =	vld [tilespmem:$0x3850]  }
0x17c: {  	v62 =	vld [tilespmem:$0x38D0]  }
0x17d: {  	v63 =	vld [tilespmem:$0x3860]  }
0x17e: {  	v51 =	vld [tilespmem:$0x38E0];
	v38 =	vadd.f32 v52, v38  }
0x17f: {  	v40 =	vadd.f32 v54, v53;
	v52 =	vld [tilespmem:$0x3870]  }
0x180: {  	v53 =	vadd.f32 v56, v55;
	v54 =	vld [tilespmem:$0x38F0];
	[tilespmem:$0x3800] =	vst v38  }
0x181: {  	v55 =	vadd.f32 v58, v57;
	[tilespmem:$0x3810] =	vst v40  }
0x182: {  	v56 =	vadd.f32 v60, v59;
	[tilespmem:$0x3820] =	vst v53  }
0x183: {  	v57 =	vadd.f32 v62, v61;
	[tilespmem:$0x3830] =	vst v55  }
0x184: {  	v58 =	vadd.f32 v51, v63;
	[tilespmem:$0x3840] =	vst v56  }
0x185: {  	[tilespmem:$0x3850] =	vst v57;
	v59 =	vadd.f32 v54, v52  }
0x186: {  	[tilespmem:$0x3860] =	vst v58  }
0x187: {  	s21 =	rddreg [dreg:$0x1d];
	[tilespmem:$0x3870] =	vst v59  }
0x188: {  	[tilespmem:s20], [sflag:$0x5] =	stream.linear.gather [spmem:s21], $0x80, $0x38;
	[tilespmem:$0x1F900] =	vst v63  }
0x189: {  	_ =	swait.ge [sflag:s19], $0x80  }
0x18a: {  	[sflag:s19] =	ssyncset.done $0x0  }
0x18b: {  	[sflag:s19] =	ssyncadd.s32 $0xFFFFFF80  }
0x18c: {  	v38 =	vld [tilespmem:$0x3800]  }
0x18d: {  	v60 =	vld [tilespmem:$0x3880]  }
0x18e: {  	v61 =	vld [tilespmem:$0x3810]  }
0x18f: {  	v62 =	vld [tilespmem:$0x3890]  }
0x190: {  	v63 =	vld [tilespmem:$0x3820]  }
0x191: {  	v52 =	vld [tilespmem:$0x38A0]  }
0x192: {  	v53 =	vld [tilespmem:$0x3830]  }
0x193: {  	v54 =	vld [tilespmem:$0x38B0]  }
0x194: {  	v55 =	vld [tilespmem:$0x3840]  }
0x195: {  	v56 =	vld [tilespmem:$0x38C0]  }
0x196: {  	v57 =	vld [tilespmem:$0x3850]  }
0x197: {  	v58 =	vld [tilespmem:$0x38D0]  }
0x198: {  	v59 =	vld [tilespmem:$0x3860]  }
0x199: {  	v38 =	vadd.f32 v60, v38;
	v60 =	vld [tilespmem:$0x38E0]  }
0x19a: {  	v40 =	vadd.f32 v62, v61;
	v61 =	vld [tilespmem:$0x3870]  }
0x19b: {  	v62 =	vadd.f32 v52, v63;
	v63 =	vld [tilespmem:$0x38F0];
	[tilespmem:$0x3800] =	vst v38  }
0x19c: {  	v45 =	vadd.f32 v54, v53;
	[tilespmem:$0x3810] =	vst v40  }
0x19d: {  	v47 =	vadd.f32 v56, v55;
	[tilespmem:$0x3820] =	vst v62  }
0x19e: {  	v49 =	vadd.f32 v58, v57;
	[tilespmem:$0x3830] =	vst v45  }
0x19f: {  	[tilespmem:$0x3840] =	vst v47;
	v50 =	vadd.f32 v60, v59  }
0x1a0: {  	[tilespmem:$0x3850] =	vst v49;
	v51 =	vadd.f32 v63, v61  }
0x1a1: {  	[tilespmem:$0x3860] =	vst v50  }
0x1a2: {  	s5 =	rddreg [dreg:$0x1e];
	[tilespmem:$0x3870] =	vst v51  }
0x1a3: {  	[tilespmem:s20], [sflag:$0x5] =	stream.linear.gather [spmem:s5], $0x80, $0x38;
	[tilespmem:$0x1F900] =	vst v63  }
0x1a4: {  	_ =	swait.ge [sflag:s19], $0x80  }
0x1a5: {  	[sflag:s19] =	ssyncset.done $0x0  }
0x1a6: {  	[sflag:s19] =	ssyncadd.s32 $0xFFFFFF80  }
0x1a7: {  	v38 =	vld [tilespmem:$0x3800]  }
0x1a8: {  	v52 =	vld [tilespmem:$0x3880]  }
0x1a9: {  	v53 =	vld [tilespmem:$0x3810]  }
0x1aa: {  	v54 =	vld [tilespmem:$0x3890]  }
0x1ab: {  	v55 =	vld [tilespmem:$0x3820]  }
0x1ac: {  	v56 =	vld [tilespmem:$0x38A0]  }
0x1ad: {  	v57 =	vld [tilespmem:$0x3830]  }
0x1ae: {  	v58 =	vld [tilespmem:$0x38B0]  }
0x1af: {  	v59 =	vld [tilespmem:$0x3840]  }
0x1b0: {  	v60 =	vld [tilespmem:$0x38C0]  }
0x1b1: {  	v61 =	vld [tilespmem:$0x3850]  }
0x1b2: {  	v62 =	vld [tilespmem:$0x38D0]  }
0x1b3: {  	v63 =	vld [tilespmem:$0x3860]  }
0x1b4: {  	v51 =	vld [tilespmem:$0x38E0];
	v38 =	vadd.f32 v52, v38  }
0x1b5: {  	v40 =	vadd.f32 v54, v53;
	v52 =	vld [tilespmem:$0x3870]  }
0x1b6: {  	v53 =	vadd.f32 v56, v55;
	v54 =	vld [tilespmem:$0x38F0];
	[tilespmem:$0x3800] =	vst v38  }
0x1b7: {  	v55 =	vadd.f32 v58, v57;
	[tilespmem:$0x3810] =	vst v40  }
0x1b8: {  	v56 =	vadd.f32 v60, v59;
	[tilespmem:$0x3820] =	vst v53  }
0x1b9: {  	v57 =	vadd.f32 v62, v61;
	[tilespmem:$0x3830] =	vst v55  }
0x1ba: {  	v58 =	vadd.f32 v51, v63;
	[tilespmem:$0x3840] =	vst v56  }
0x1bb: {  	[tilespmem:$0x3850] =	vst v57;
	v59 =	vadd.f32 v54, v52  }
0x1bc: {  	[tilespmem:$0x3860] =	vst v58  }
0x1bd: {  	s6 =	rddreg [dreg:$0x1f];
	[tilespmem:$0x3870] =	vst v59  }
0x1be: {  	[tilespmem:s20], [sflag:$0x5] =	stream.linear.gather [spmem:s6], $0x80, $0x38;
	[tilespmem:$0x1F900] =	vst v63  }
0x1bf: {  	_ =	swait.ge [sflag:s19], $0x80  }
0x1c0: {  	[sflag:s19] =	ssyncset.done $0x0  }
0x1c1: {  	[sflag:s19] =	ssyncadd.s32 $0xFFFFFF80  }
0x1c2: {  	v38 =	vld [tilespmem:$0x3800]  }
0x1c3: {  	v60 =	vld [tilespmem:$0x3880]  }
0x1c4: {  	v61 =	vld [tilespmem:$0x3810]  }
0x1c5: {  	v62 =	vld [tilespmem:$0x3890]  }
0x1c6: {  	v63 =	vld [tilespmem:$0x3820]  }
0x1c7: {  	v52 =	vld [tilespmem:$0x38A0]  }
0x1c8: {  	v53 =	vld [tilespmem:$0x3830]  }
0x1c9: {  	v54 =	vld [tilespmem:$0x38B0]  }
0x1ca: {  	v55 =	vld [tilespmem:$0x3840]  }
0x1cb: {  	v56 =	vld [tilespmem:$0x38C0]  }
0x1cc: {  	v57 =	vld [tilespmem:$0x3850]  }
0x1cd: {  	v58 =	vld [tilespmem:$0x38D0]  }
0x1ce: {  	v59 =	vld [tilespmem:$0x3860]  }
0x1cf: {  	v38 =	vadd.f32 v60, v38;
	v60 =	vld [tilespmem:$0x38E0]  }
0x1d0: {  	v40 =	vadd.f32 v62, v61;
	v61 =	vld [tilespmem:$0x3870]  }
0x1d1: {  	v62 =	vadd.f32 v52, v63;
	v63 =	vld [tilespmem:$0x38F0];
	[tilespmem:$0x3800] =	vst v38  }
0x1d2: {  	v45 =	vadd.f32 v54, v53;
	[tilespmem:$0x3810] =	vst v40  }
0x1d3: {  	v47 =	vadd.f32 v56, v55;
	[tilespmem:$0x3820] =	vst v62  }
0x1d4: {  	v49 =	vadd.f32 v58, v57;
	[tilespmem:$0x3830] =	vst v45  }
0x1d5: {  	[tilespmem:$0x3840] =	vst v47;
	v50 =	vadd.f32 v60, v59  }
0x1d6: {  	s7 =	sld [smem:$0x7E6];
	[tilespmem:$0x3850] =	vst v49;
	v51 =	vadd.f32 v63, v61  }
0x1d7: {  	[tilespmem:$0x3860] =	vst v50  }
0x1d8: {  	[tilespmem:$0x3870] =	vst v51  }
0x1d9: {  	[tilespmem:s20], [sflag:$0x5] =	stream.linear.gather [spmem:s7], $0x80, $0x38;
	[tilespmem:$0x1F900] =	vst v63  }
0x1da: {  	_ =	swait.ge [sflag:s19], $0x80  }
0x1db: {  	[sflag:s19] =	ssyncset.done $0x0  }
0x1dc: {  	[sflag:s19] =	ssyncadd.s32 $0xFFFFFF80  }
0x1dd: {  	v38 =	vld [tilespmem:$0x3800]  }
0x1de: {  	v52 =	vld [tilespmem:$0x3880]  }
0x1df: {  	v53 =	vld [tilespmem:$0x3810]  }
0x1e0: {  	v54 =	vld [tilespmem:$0x3890]  }
0x1e1: {  	v55 =	vld [tilespmem:$0x3820]  }
0x1e2: {  	v56 =	vld [tilespmem:$0x38A0]  }
0x1e3: {  	v57 =	vld [tilespmem:$0x3830]  }
0x1e4: {  	v58 =	vld [tilespmem:$0x38B0]  }
0x1e5: {  	v59 =	vld [tilespmem:$0x3840]  }
0x1e6: {  	v60 =	vld [tilespmem:$0x38C0]  }
0x1e7: {  	v61 =	vld [tilespmem:$0x3850]  }
0x1e8: {  	v62 =	vld [tilespmem:$0x38D0]  }
0x1e9: {  	v63 =	vld [tilespmem:$0x3860]  }
0x1ea: {  	v51 =	vld [tilespmem:$0x38E0];
	v38 =	vadd.f32 v52, v38  }
0x1eb: {  	v40 =	vadd.f32 v54, v53;
	v52 =	vld [tilespmem:$0x3870]  }
0x1ec: {  	v53 =	vadd.f32 v56, v55;
	v54 =	vld [tilespmem:$0x38F0];
	[tilespmem:$0x3800] =	vst v38  }
0x1ed: {  	v55 =	vadd.f32 v58, v57;
	[tilespmem:$0x3810] =	vst v40  }
0x1ee: {  	v56 =	vadd.f32 v60, v59;
	[tilespmem:$0x3820] =	vst v53  }
0x1ef: {  	v57 =	vadd.f32 v62, v61;
	[tilespmem:$0x3830] =	vst v55  }
0x1f0: {  	v58 =	vadd.f32 v51, v63;
	[tilespmem:$0x3840] =	vst v56  }
0x1f1: {  	s9 =	sld [smem:$0x7E7];
	[tilespmem:$0x3850] =	vst v57;
	v59 =	vadd.f32 v54, v52  }
0x1f2: {  	[tilespmem:$0x3860] =	vst v58  }
0x1f3: {  	[tilespmem:$0x3870] =	vst v59  }
0x1f4: {  	[tilespmem:s20], [sflag:$0x5] =	stream.linear.gather [spmem:s9], $0x80, $0x38;
	[tilespmem:$0x1F900] =	vst v63  }
0x1f5: {  	_ =	swait.ge [sflag:s19], $0x80  }
0x1f6: {  	[sflag:s19] =	ssyncset.done $0x0  }
0x1f7: {  	[sflag:s19] =	ssyncadd.s32 $0xFFFFFF80  }
0x1f8: {  	v38 =	vld [tilespmem:$0x3800]  }
0x1f9: {  	v60 =	vld [tilespmem:$0x3880]  }
0x1fa: {  	v61 =	vld [tilespmem:$0x3810]  }
0x1fb: {  	v62 =	vld [tilespmem:$0x3890]  }
0x1fc: {  	v63 =	vld [tilespmem:$0x3820]  }
0x1fd: {  	v52 =	vld [tilespmem:$0x38A0]  }
0x1fe: {  	v53 =	vld [tilespmem:$0x3830]  }
0x1ff: {  	v54 =	vld [tilespmem:$0x38B0]  }
0x200: {  	v55 =	vld [tilespmem:$0x3840]  }
0x201: {  	v56 =	vld [tilespmem:$0x38C0]  }
0x202: {  	v57 =	vld [tilespmem:$0x3850]  }
0x203: {  	v58 =	vld [tilespmem:$0x38D0]  }
0x204: {  	v59 =	vld [tilespmem:$0x3860]  }
0x205: {  	v38 =	vadd.f32 v60, v38;
	v60 =	vld [tilespmem:$0x38E0]  }
0x206: {  	v40 =	vadd.f32 v62, v61;
	v61 =	vld [tilespmem:$0x3870]  }
0x207: {  	v62 =	vadd.f32 v52, v63;
	v63 =	vld [tilespmem:$0x38F0];
	[tilespmem:$0x3800] =	vst v38  }
0x208: {  	v45 =	vadd.f32 v54, v53;
	[tilespmem:$0x3810] =	vst v40  }
0x209: {  	v47 =	vadd.f32 v56, v55;
	[tilespmem:$0x3820] =	vst v62  }
0x20a: {  	v49 =	vadd.f32 v58, v57;
	[tilespmem:$0x3830] =	vst v45  }
0x20b: {  	[tilespmem:$0x3840] =	vst v47;
	v50 =	vadd.f32 v60, v59  }
0x20c: {  	s21 =	sld [smem:$0x7E8];
	[tilespmem:$0x3850] =	vst v49;
	v51 =	vadd.f32 v63, v61  }
0x20d: {  	[tilespmem:$0x3860] =	vst v50  }
0x20e: {  	[tilespmem:$0x3870] =	vst v51  }
0x20f: {  	[tilespmem:s20], [sflag:$0x5] =	stream.linear.gather [spmem:s21], $0x80, $0x38;
	[tilespmem:$0x1F900] =	vst v63  }
0x210: {  	_ =	swait.ge [sflag:s19], $0x80  }
0x211: {  	[sflag:s19] =	ssyncset.done $0x0  }
0x212: {  	[sflag:s19] =	ssyncadd.s32 $0xFFFFFF80  }
0x213: {  	v38 =	vld [tilespmem:$0x3800]  }
0x214: {  	v52 =	vld [tilespmem:$0x3880]  }
0x215: {  	v53 =	vld [tilespmem:$0x3810]  }
0x216: {  	v54 =	vld [tilespmem:$0x3890]  }
0x217: {  	v55 =	vld [tilespmem:$0x3820]  }
0x218: {  	v56 =	vld [tilespmem:$0x38A0]  }
0x219: {  	v57 =	vld [tilespmem:$0x3830]  }
0x21a: {  	v58 =	vld [tilespmem:$0x38B0]  }
0x21b: {  	v59 =	vld [tilespmem:$0x3840]  }
0x21c: {  	v60 =	vld [tilespmem:$0x38C0]  }
0x21d: {  	v61 =	vld [tilespmem:$0x3850]  }
0x21e: {  	v62 =	vld [tilespmem:$0x38D0]  }
0x21f: {  	v63 =	vld [tilespmem:$0x3860]  }
0x220: {  	v51 =	vld [tilespmem:$0x38E0];
	v38 =	vadd.f32 v52, v38  }
0x221: {  	v40 =	vadd.f32 v54, v53;
	v52 =	vld [tilespmem:$0x3870]  }
0x222: {  	v53 =	vadd.f32 v56, v55;
	v54 =	vld [tilespmem:$0x38F0];
	[tilespmem:$0x3800] =	vst v38  }
0x223: {  	v55 =	vadd.f32 v58, v57;
	[tilespmem:$0x3810] =	vst v40  }
0x224: {  	v56 =	vadd.f32 v60, v59;
	[tilespmem:$0x3820] =	vst v53  }
0x225: {  	v57 =	vadd.f32 v62, v61;
	[tilespmem:$0x3830] =	vst v55  }
0x226: {  	v58 =	vadd.f32 v51, v63;
	[tilespmem:$0x3840] =	vst v56  }
0x227: {  	s5 =	sld [smem:$0x7E9];
	[tilespmem:$0x3850] =	vst v57;
	v59 =	vadd.f32 v54, v52  }
0x228: {  	[tilespmem:$0x3860] =	vst v58  }
0x229: {  	[tilespmem:$0x3870] =	vst v59  }
0x22a: {  	[tilespmem:s20], [sflag:$0x5] =	stream.linear.gather [spmem:s5], $0x80, $0x38;
	[tilespmem:$0x1F900] =	vst v63  }
0x22b: {  	_ =	swait.ge [sflag:s19], $0x80  }
0x22c: {  	[sflag:s19] =	ssyncset.done $0x0  }
0x22d: {  	[sflag:s19] =	ssyncadd.s32 $0xFFFFFF80  }
0x22e: {  	v38 =	vld [tilespmem:$0x3800]  }
0x22f: {  	v60 =	vld [tilespmem:$0x3880]  }
0x230: {  	v61 =	vld [tilespmem:$0x3810]  }
0x231: {  	v62 =	vld [tilespmem:$0x3890]  }
0x232: {  	v63 =	vld [tilespmem:$0x3820]  }
0x233: {  	v52 =	vld [tilespmem:$0x38A0]  }
0x234: {  	v53 =	vld [tilespmem:$0x3830]  }
0x235: {  	v54 =	vld [tilespmem:$0x38B0]  }
0x236: {  	v55 =	vld [tilespmem:$0x3840]  }
0x237: {  	v56 =	vld [tilespmem:$0x38C0]  }
0x238: {  	v57 =	vld [tilespmem:$0x3850]  }
0x239: {  	v58 =	vld [tilespmem:$0x38D0]  }
0x23a: {  	v59 =	vld [tilespmem:$0x3860]  }
0x23b: {  	v38 =	vadd.f32 v60, v38;
	v60 =	vld [tilespmem:$0x38E0]  }
0x23c: {  	v40 =	vadd.f32 v62, v61;
	v61 =	vld [tilespmem:$0x3870]  }
0x23d: {  	v62 =	vadd.f32 v52, v63;
	v63 =	vld [tilespmem:$0x38F0];
	[tilespmem:$0x3800] =	vst v38  }
0x23e: {  	v45 =	vadd.f32 v54, v53;
	[tilespmem:$0x3810] =	vst v40  }
0x23f: {  	v51 =	vadd.f32 v56, v55;
	[tilespmem:$0x3820] =	vst v62  }
0x240: {  	v52 =	vadd.f32 v58, v57;
	[tilespmem:$0x3830] =	vst v45  }
0x241: {  	[tilespmem:$0x3840] =	vst v51;
	v53 =	vadd.f32 v60, v59  }
0x242: {  	s6 =	sld [smem:$0x7EA];
	[tilespmem:$0x3850] =	vst v52;
	v54 =	vadd.f32 v63, v61  }
0x243: {  	[tilespmem:$0x3860] =	vst v53  }
0x244: {  	[tilespmem:$0x3870] =	vst v54  }
0x245: {  	[tilespmem:s20], [sflag:$0x5] =	stream.linear.gather [spmem:s6], $0x80, $0x38;
	[tilespmem:$0x1F900] =	vst v63  }
0x246: {  	_ =	swait.ge [sflag:s19], $0x80  }
0x247: {  	[sflag:s19] =	ssyncset.done $0x0  }
0x248: {  	[sflag:s19] =	ssyncadd.s32 $0xFFFFFF80  }
0x249: {  	v38 =	vld [tilespmem:$0x3800]  }
0x24a: {  	v55 =	vld [tilespmem:$0x3880]  }
0x24b: {  	v56 =	vld [tilespmem:$0x3810]  }
0x24c: {  	v57 =	vld [tilespmem:$0x3890]  }
0x24d: {  	v58 =	vld [tilespmem:$0x3820]  }
0x24e: {  	v59 =	vld [tilespmem:$0x38A0]  }
0x24f: {  	v60 =	vld [tilespmem:$0x3830]  }
0x250: {  	v61 =	vld [tilespmem:$0x38B0]  }
0x251: {  	v62 =	vld [tilespmem:$0x3840]  }
0x252: {  	v63 =	vld [tilespmem:$0x38C0]  }
0x253: {  	v52 =	vld [tilespmem:$0x3850]  }
0x254: {  	v53 =	vld [tilespmem:$0x38D0]  }
0x255: {  	v54 =	vld [tilespmem:$0x3860]  }
0x256: {  	v38 =	vadd.f32 v55, v38;
	v55 =	vld [tilespmem:$0x38E0]  }
0x257: {  	v40 =	vadd.f32 v57, v56;
	v56 =	vld [tilespmem:$0x3870]  }
0x258: {  	v57 =	vadd.f32 v59, v58;
	v58 =	vld [tilespmem:$0x38F0];
	[tilespmem:$0x3800] =	vst v38  }
0x259: {  	v59 =	vadd.f32 v61, v60;
	[tilespmem:$0x3810] =	vst v40  }
0x25a: {  	v60 =	vadd.f32 v63, v62;
	[tilespmem:$0x3820] =	vst v57  }
0x25b: {  	v61 =	vadd.f32 v53, v52;
	[tilespmem:$0x3830] =	vst v59  }
0x25c: {  	[tilespmem:$0x3840] =	vst v60;
	v62 =	vadd.f32 v55, v54  }
0x25d: {  	s7 =	sld [smem:$0x7EB];
	[tilespmem:$0x3850] =	vst v61;
	v63 =	vadd.f32 v58, v56  }
0x25e: {  	[tilespmem:$0x3860] =	vst v62  }
0x25f: {  	s9 =	simm.s32 $0x3800;
	[tilespmem:$0x3870] =	vst v63  }
0x260: {  	[spmem:s7] =	stream.linear.scatter [tilespmem:s9], [sflag:$0x5], $0x80, $0x38;
	[tilespmem:$0x1F900] =	vst v63  }
0x261: {  	_ =	swait.ge [sflag:s19], $0x80  }
0x262: {  	[sflag:s19] =	ssyncset.done $0x0  }
0x263: {  	[sflag:s19] =	ssyncadd.s32 $0xFFFFFF80  }
0x264: {  	[bflag:$0x0] =	sbarrier.arrive $0xFFFF  }
0x265: {  	[tilespmem:s10], [sflag:$0x5] =	stream.linear.gather [spmem:s17], $0x800, $0x38;
	[tilespmem:$0x1F900] =	vst v63  }
0x266: {  	_ =	swait.ge [sflag:s19], $0x800  }
0x267: {  	[sflag:s19] =	ssyncset.done $0x0  }
0x268: {  	[sflag:s19] =	ssyncadd.s32 $0xFFFFF800  }
0x269: {  	[bflag:$0x0] =	sbarrier.arrive $0xFFFF  }
0x26a: {  	_ =	swait.ge [sflag:s22], $0x9C40  }
0x26b: {  	[sflag:s22] =	ssyncset.done $0x0  }
0x26c: {  	[sflag:s22] =	ssyncadd.s32 $0xFFFF63C0  }
0x26d: {  	_ =	swait.ge [sflag:s23], $0x9C80  }
.Ltmp8:
0x26e: {  	[sflag:s23] =	ssyncset.done $0x0;
	(pc) =	sbr.rel .LBB2_18-.Ltmp8, $4  }
0x26f: {  	s21 =	simm.s32 $0x2A00;
	[sflag:s23] =	ssyncadd.s32 $0xFFFF6380  }
0x270: {  	[tilespmem:s21], [sflag:$0x1] =	stream.linear.gather [hbm4b:s0+s10], $0x320, $0x38;
	[tilespmem:$0x1F900] =	vst v63  }
0x271: {  	_ = 	snop  }
0x272: {  	[tilespmem:s16], [sflag:$0x2] =	stream.linear.gather [hbm4b:s1+s10], $0x320, $0x38;
	[tilespmem:$0x1F900] =	vst v63  }
.LBB2_26:
0x273: {  	p0 =	sne.s32 s10, $0x64  }
.Ltmp9:
0x274: {  	_ = 	snop;
	(pc) =	sbr.rel @!p0 .LBB2_27-.Ltmp9, $1  }
0x275: {  	_ =	sdelay $0x3  }
.LBB2_18:
0x276: {  	s5 =	sand.u32 $0x1, s10  }
0x277: {  	s4 =	smov.u32 s10;
	s10 =	sadd.s32 $0x1, s10;
	p0 =	seq.s32 s5, $0x1  }
0x278: {  	s6 =	smul.u32 @!p0 $0x64, s10  }
0x279: {  	p1 =	seq.s32 s4, $0x63;
	s9 =	simm.s32 @!p0 $0x0  }
0x27a: {  	s21 =	simm.s32 @!p0 $0x2D80;
	p1 =	por !p0, p1;
	s7 =	sadd.s32 @!p0 s0, s6  }
0x27b: {  	[tilespmem:s21], [sflag:$0x3] =	stream.linear.gather @!p0 [hbm4b:s7+s9], $0x320, $0x38;
	[tilespmem:$0x1F900] =	vst v63  }
0x27c: {  	s4 =	sadd.s32 @!p0 s1, s6;
	s6 =	simm.s32 @!p0 $0x3480;
	s7 =	smul.u32 @!p1 $0x64, s10  }
0x27d: {  	[tilespmem:s6], [sflag:$0x4] =	stream.linear.gather @!p0 [hbm4b:s4+s9], $0x320, $0x38;
	[tilespmem:$0x1F900] =	vst v63  }
0x27e: {  	s4 =	sadd.s32 @!p1 s0, s7;
	s6 =	simm.s32 @!p1 $0x0;
	s9 =	simm.s32 @!p1 $0x2A00  }
0x27f: {  	[tilespmem:s9], [sflag:$0x1] =	stream.linear.gather @!p1 [hbm4b:s4+s6], $0x320, $0x38;
	[tilespmem:$0x1F900] =	vst v63  }
0x280: {  	s4 =	sadd.s32 @!p1 s1, s7;
	s7 =	simm.s32 @!p1 $0x3100  }
0x281: {  	[tilespmem:s7], [sflag:$0x2] =	stream.linear.gather @!p1 [hbm4b:s4+s6], $0x320, $0x38;
	[tilespmem:$0x1F900] =	vst v63  }
0x282: {  	p1 =	sne.s32 s5, $0x0  }
.Ltmp10:
0x283: {  	_ = 	snop;
	(pc) =	sbr.rel @p1 .LBB2_22-.Ltmp10, $1  }
0x284: {  	_ =	sdelay $0x3  }
0x285: {  	_ =	swait.ge [sflag:s22], $0x320  }
0x286: {  	[sflag:s22] =	ssyncset.done $0x0  }
0x287: {  	[sflag:s22] =	ssyncadd.s32 $0xFFFFFCE0  }
0x288: {  	_ =	swait.ge [sflag:s23], $0x320  }
0x289: {  	[sflag:s23] =	ssyncset.done $0x0  }
0x28a: {  	s4 =	simm.s32 $0x0;
	[sflag:s23] =	ssyncadd.s32 $0xFFFFFCE0  }
0x28b: {  	v38 =	vld [tilespmem:s4+$0x2A00];
	_ =	sdelay $0x4  }
0x28c: {  	v39 =	vadd.s32 $0x2710, v38  }
0x28d: {  	v40 =	vadd.s32 $0x4E20, v38  }
0x28e: {  	v41 =	vadd.s32 $0x7530, v38  }
0x28f: {  	v42 =	vld.idx.msk [tilespmem:v38+s13+$0x0], $0xffff  }
0x290: {  	v38 =	vld.idx.msk [tilespmem:v38+s11+$0x0], $0xffff  }
0x291: {  	v43 =	vld.idx.msk [tilespmem:v39+s11+$0x0], $0xffff  }
0x292: {  	v44 =	vld.idx.msk [tilespmem:v40+s11+$0x0], $0xffff  }
0x293: {  	v45 =	vld.idx.msk [tilespmem:v41+s11+$0x0], $0xffff  }
0x294: {  	v39 =	vld.idx.msk [tilespmem:v39+s13+$0x0], $0xffff  }
0x295: {  	v46 =	vld [tilespmem:s4+$0x3100];
	v47 =	vmul.f32 v42, v38  }
0x296: {  	v41 =	vld.idx.msk [tilespmem:v41+s13+$0x0], $0xffff;
	v48 =	vmul.f32 v42, v43  }
0x297: {  	v40 =	vld.idx.msk [tilespmem:v40+s13+$0x0], $0xffff;
	[tilespmem:v1+s24+$0x0] =	vst.idx.msk $0xffff, v47;
	v61 =	vmul.f32 v42, v44  }
0x298: {  	v42 =	vmul.f32 v42, v45;
	[tilespmem:v4+s24+$0x0] =	vst.idx.msk $0xffff, v48  }
0x299: {  	v62 =	vmul.f32 v39, v38;
	[tilespmem:v5+s24+$0x0] =	vst.idx.msk $0xffff, v61  }
0x29a: {  	v63 =	vmul.f32 v39, v43;
	[tilespmem:v6+s24+$0x0] =	vst.idx.msk $0xffff, v42  }
0x29b: {  	v51 =	vmul.f32 v39, v44;
	[tilespmem:v7+s24+$0x0] =	vst.idx.msk $0xffff, v62  }
0x29c: {  	v39 =	vmul.f32 v39, v45;
	[tilespmem:v8+s24+$0x0] =	vst.idx.msk $0xffff, v63  }
0x29d: {  	v52 =	vmul.f32 v40, v38;
	[tilespmem:v9+s24+$0x0] =	vst.idx.msk $0xffff, v51  }
0x29e: {  	v53 =	vmul.f32 v40, v43;
	[tilespmem:v10+s24+$0x0] =	vst.idx.msk $0xffff, v39  }
0x29f: {  	v54 =	vmul.f32 v40, v44;
	[tilespmem:v11+s24+$0x0] =	vst.idx.msk $0xffff, v52  }
0x2a0: {  	v40 =	vmul.f32 v40, v45;
	[tilespmem:v12+s24+$0x0] =	vst.idx.msk $0xffff, v53  }
0x2a1: {  	v38 =	vmul.f32 v41, v38;
	[tilespmem:v13+s24+$0x0] =	vst.idx.msk $0xffff, v54  }
0x2a2: {  	v55 =	vmul.f32 v41, v43;
	[tilespmem:v14+s24+$0x0] =	vst.idx.msk $0xffff, v40  }
0x2a3: {  	v56 =	vmul.f32 v41, v44;
	[tilespmem:v15+s24+$0x0] =	vst.idx.msk $0xffff, v38  }
0x2a4: {  	v57 =	vmul.f32 v41, v45;
	[tilespmem:v16+s24+$0x0] =	vst.idx.msk $0xffff, v55  }
0x2a5: {  	[tilespmem:v17+s24+$0x0] =	vst.idx.msk $0xffff, v56  }
0x2a6: {  	[tilespmem:v18+s24+$0x0] =	vst.idx.msk $0xffff, v57  }
0x2a7: {  	v43 =	vshll.u32 v46, $0x4;
	v38 =	vld.idx.msk [tilespmem:v20+s24+$0x0], $0xffff  }
0x2a8: {  	v58 =	vbroadcast v43, $0x0;
	v40 =	vld.idx.msk [tilespmem:v19+s24+$0x0], $0xffff  }
0x2a9: {  	v59 =	vbroadcast v43, $0x1;
	v42 =	vld.idx.msk [tilespmem:v0+s24+$0x0], $0xffff  }
0x2aa: {  	v60 =	vbroadcast v43, $0x2;
	v39 =	vor.u32 v0, v58;
	v61 =	vld.idx.msk [tilespmem:v21+s24+$0x0], $0xffff  }
0x2ab: {  	v46 =	vbroadcast v43, $0x3;
	v41 =	vor.u32 v0, v59;
	v47 =	vld.idx.msk [tilespmem:v22+s24+$0x0], $0xffff  }
0x2ac: {  	v44 =	vor.u32 v0, v60;
	v62 =	vbroadcast v43, $0x4;
	v49 =	vld.idx.msk [tilespmem:v23+s24+$0x0], $0xffff  }
0x2ad: {  	v50 =	vbroadcast v43, $0x5;
	v46 =	vor.u32 v0, v46;
	v51 =	vld.idx.msk [tilespmem:v24+s24+$0x0], $0xffff  }
0x2ae: {  	v48 =	vor.u32 v0, v62;
	v52 =	vbroadcast v43, $0x6;
	v53 =	vld.idx.msk [tilespmem:v25+s24+$0x0], $0xffff  }
0x2af: {  	v63 =	vor.u32 v0, v50;
	v54 =	vbroadcast v43, $0x7;
	[tilespmem:v39+s25+$0x0] =	vst.idx.add.f32.msk $0xffff, v42  }
0x2b0: {  	v50 =	vor.u32 v0, v52;
	[tilespmem:v41+s25+$0x0] =	vst.idx.add.f32.msk $0xffff, v40  }
0x2b1: {  	v52 =	vor.u32 v0, v54;
	[tilespmem:v44+s25+$0x0] =	vst.idx.add.f32.msk $0xffff, v38  }
0x2b2: {  	[tilespmem:v46+s25+$0x0] =	vst.idx.add.f32.msk $0xffff, v61  }
0x2b3: {  	[tilespmem:v48+s25+$0x0] =	vst.idx.add.f32.msk $0xffff, v47  }
0x2b4: {  	[tilespmem:v63+s25+$0x0] =	vst.idx.add.f32.msk $0xffff, v49  }
0x2b5: {  	[tilespmem:v50+s25+$0x0] =	vst.idx.add.f32.msk $0xffff, v51  }
0x2b6: {  	[tilespmem:v52+s25+$0x0] =	vst.idx.add.f32.msk $0xffff, v53  }
0x2b7: {  	v48 =	vld.idx.msk [tilespmem:v28+s24+$0x0], $0xffff  }
0x2b8: {  	v54 =	vbroadcast v43, $0x8;
	v46 =	vld.idx.msk [tilespmem:v27+s24+$0x0], $0xffff  }
0x2b9: {  	v44 =	vld.idx.msk [tilespmem:v26+s24+$0x0], $0xffff  }
0x2ba: {  	v55 =	vbroadcast v43, $0x9;
	v45 =	vor.u32 v0, v54;
	v38 =	vld.idx.msk [tilespmem:v29+s24+$0x0], $0xffff  }
0x2bb: {  	v56 =	vbroadcast v43, $0xA;
	v39 =	vld.idx.msk [tilespmem:v30+s24+$0x0], $0xffff  }
0x2bc: {  	v59 =	vbroadcast v43, $0xB;
	v57 =	vor.u32 v0, v55;
	v41 =	vld.idx.msk [tilespmem:v31+s24+$0x0], $0xffff  }
0x2bd: {  	v60 =	vbroadcast v43, $0xC;
	v62 =	vbroadcast v43, $0xE;
	v58 =	vor.u32 v0, v56;
	v40 =	vld.idx.msk [tilespmem:v33+s24+$0x0], $0xffff  }
0x2be: {  	v61 =	vbroadcast v43, $0xD;
	v63 =	vbroadcast v43, $0xF;
	v43 =	vor.u32 v0, v59;
	v42 =	vld.idx.msk [tilespmem:v32+s24+$0x0], $0xffff  }
0x2bf: {  	[tilespmem:v45+s25+$0x0] =	vst.idx.add.f32.msk $0xffff, v44;
	v44 =	vor.u32 v0, v60  }
0x2c0: {  	v45 =	vor.u32 v0, v61  }
0x2c1: {  	[tilespmem:v57+s25+$0x0] =	vst.idx.add.f32.msk $0xffff, v46;
	v46 =	vor.u32 v0, v62  }
0x2c2: {  	s4 =	simm.s32 $0x40;
	v47 =	vor.u32 v0, v63;
	[tilespmem:v58+s25+$0x0] =	vst.idx.add.f32.msk $0xffff, v48  }
.LBB2_20:
0x2c3: {  	p1 =	sne.s32 s4, $0xC40;
	[tilespmem:v43+s25+$0x0] =	vst.idx.add.f32.msk $0xffff, v38;
	s5 =	smov.u32 s4;
	s4 =	sadd.s32 $0x40, s4  }
0x2c4: {  	[tilespmem:v44+s25+$0x0] =	vst.idx.add.f32.msk $0xffff, v39  }
0x2c5: {  	[tilespmem:v45+s25+$0x0] =	vst.idx.add.f32.msk $0xffff, v41  }
0x2c6: {  	[tilespmem:v46+s25+$0x0] =	vst.idx.add.f32.msk $0xffff, v42  }
0x2c7: {  	s5 =	sshra.s32 s5, $0x2;
	[tilespmem:v47+s25+$0x0] =	vst.idx.add.f32.msk $0xffff, v40  }
0x2c8: {  	v38 =	vld [tilespmem:s5+$0x2A00];
	_ =	sdelay $0x4  }
0x2c9: {  	v39 =	vadd.s32 $0x2710, v38;
	v40 =	vadd.s32 $0x4E20, v38;
	v41 =	vadd.s32 $0x7530, v38;
	_ =	sdelay $0x2  }
0x2ca: {  	v42 =	vld.idx.msk [tilespmem:v38+s13+$0x0], $0xffff  }
0x2cb: {  	v38 =	vld.idx.msk [tilespmem:v38+s11+$0x0], $0xffff  }
0x2cc: {  	v43 =	vld.idx.msk [tilespmem:v39+s11+$0x0], $0xffff  }
0x2cd: {  	v44 =	vld.idx.msk [tilespmem:v40+s11+$0x0], $0xffff  }
0x2ce: {  	v45 =	vld.idx.msk [tilespmem:v41+s11+$0x0], $0xffff  }
0x2cf: {  	v39 =	vld.idx.msk [tilespmem:v39+s13+$0x0], $0xffff  }
0x2d0: {  	v46 =	vld [tilespmem:s5+$0x3100]  }
0x2d1: {  	v47 =	vmul.f32 v42, v38;
	v41 =	vld.idx.msk [tilespmem:v41+s13+$0x0], $0xffff  }
0x2d2: {  	v48 =	vmul.f32 v42, v43;
	v40 =	vld.idx.msk [tilespmem:v40+s13+$0x0], $0xffff  }
0x2d3: {  	[tilespmem:v1+s24+$0x0] =	vst.idx.msk $0xffff, v47;
	v47 =	vmul.f32 v42, v44  }
0x2d4: {  	v42 =	vmul.f32 v42, v45;
	[tilespmem:v4+s24+$0x0] =	vst.idx.msk $0xffff, v48  }
0x2d5: {  	v48 =	vmul.f32 v39, v43;
	v46 =	vshll.u32 v46, $0x4;
	[tilespmem:v5+s24+$0x0] =	vst.idx.msk $0xffff, v47;
	v47 =	vmul.f32 v39, v38  }
0x2d6: {  	[tilespmem:v6+s24+$0x0] =	vst.idx.msk $0xffff, v42;
	v42 =	vmul.f32 v39, v44;
	v39 =	vmul.f32 v39, v45  }
0x2d7: {  	v49 =	vmul.f32 v41, v43;
	[tilespmem:v7+s24+$0x0] =	vst.idx.msk $0xffff, v47;
	v47 =	vmul.f32 v41, v38  }
0x2d8: {  	v38 =	vmul.f32 v40, v38;
	v43 =	vmul.f32 v40, v43;
	[tilespmem:v8+s24+$0x0] =	vst.idx.msk $0xffff, v48  }
0x2d9: {  	[tilespmem:v9+s24+$0x0] =	vst.idx.msk $0xffff, v42;
	v42 =	vmul.f32 v40, v44;
	v40 =	vmul.f32 v40, v45  }
0x2da: {  	[tilespmem:v10+s24+$0x0] =	vst.idx.msk $0xffff, v39;
	v39 =	vmul.f32 v41, v44;
	v41 =	vmul.f32 v41, v45  }
0x2db: {  	v44 =	vbroadcast v46, $0x1;
	[tilespmem:v11+s24+$0x0] =	vst.idx.msk $0xffff, v38;
	v38 =	vbroadcast v46, $0x0  }
0x2dc: {  	v45 =	vbroadcast v46, $0x3;
	[tilespmem:v12+s24+$0x0] =	vst.idx.msk $0xffff, v43;
	v43 =	vbroadcast v46, $0x2  }
0x2dd: {  	v48 =	vbroadcast v46, $0x5;
	[tilespmem:v13+s24+$0x0] =	vst.idx.msk $0xffff, v42;
	v42 =	vbroadcast v46, $0x4  }
0x2de: {  	v50 =	vbroadcast v46, $0x7;
	[tilespmem:v14+s24+$0x0] =	vst.idx.msk $0xffff, v40;
	v40 =	vbroadcast v46, $0x6  }
0x2df: {  	v51 =	vbroadcast v46, $0x9;
	[tilespmem:v15+s24+$0x0] =	vst.idx.msk $0xffff, v47;
	v47 =	vbroadcast v46, $0x8  }
0x2e0: {  	v52 =	vbroadcast v46, $0xB;
	[tilespmem:v16+s24+$0x0] =	vst.idx.msk $0xffff, v49;
	v49 =	vbroadcast v46, $0xA  }
0x2e1: {  	v53 =	vbroadcast v46, $0xC;
	v54 =	vbroadcast v46, $0xD;
	[tilespmem:v17+s24+$0x0] =	vst.idx.msk $0xffff, v39  }
0x2e2: {  	v55 =	vbroadcast v46, $0xE;
	v56 =	vbroadcast v46, $0xF;
	[tilespmem:v18+s24+$0x0] =	vst.idx.msk $0xffff, v41  }
0x2e3: {  	v39 =	vld.idx.msk [tilespmem:v20+s24+$0x0], $0xffff  }
0x2e4: {  	v41 =	vld.idx.msk [tilespmem:v19+s24+$0x0], $0xffff  }
0x2e5: {  	v46 =	vld.idx.msk [tilespmem:v0+s24+$0x0], $0xffff  }
0x2e6: {  	v38 =	vor.u32 v0, v38;
	v57 =	vld.idx.msk [tilespmem:v21+s24+$0x0], $0xffff  }
0x2e7: {  	v44 =	vor.u32 v0, v44;
	v58 =	vld.idx.msk [tilespmem:v22+s24+$0x0], $0xffff  }
0x2e8: {  	v43 =	vor.u32 v0, v43;
	v59 =	vld.idx.msk [tilespmem:v23+s24+$0x0], $0xffff  }
0x2e9: {  	v45 =	vor.u32 v0, v45;
	v60 =	vld.idx.msk [tilespmem:v24+s24+$0x0], $0xffff  }
0x2ea: {  	v42 =	vor.u32 v0, v42;
	v61 =	vld.idx.msk [tilespmem:v25+s24+$0x0], $0xffff  }
0x2eb: {  	[tilespmem:v38+s25+$0x0] =	vst.idx.add.f32.msk $0xffff, v46;
	v38 =	vor.u32 v0, v48  }
0x2ec: {  	v40 =	vor.u32 v0, v40;
	[tilespmem:v44+s25+$0x0] =	vst.idx.add.f32.msk $0xffff, v41  }
0x2ed: {  	[tilespmem:v43+s25+$0x0] =	vst.idx.add.f32.msk $0xffff, v39;
	v39 =	vor.u32 v0, v50  }
0x2ee: {  	[tilespmem:v45+s25+$0x0] =	vst.idx.add.f32.msk $0xffff, v57  }
0x2ef: {  	[tilespmem:v42+s25+$0x0] =	vst.idx.add.f32.msk $0xffff, v58  }
0x2f0: {  	[tilespmem:v38+s25+$0x0] =	vst.idx.add.f32.msk $0xffff, v59  }
0x2f1: {  	[tilespmem:v40+s25+$0x0] =	vst.idx.add.f32.msk $0xffff, v60  }
0x2f2: {  	[tilespmem:v39+s25+$0x0] =	vst.idx.add.f32.msk $0xffff, v61  }
0x2f3: {  	v48 =	vld.idx.msk [tilespmem:v28+s24+$0x0], $0xffff  }
0x2f4: {  	v50 =	vld.idx.msk [tilespmem:v27+s24+$0x0], $0xffff  }
0x2f5: {  	v47 =	vor.u32 v0, v47;
	v46 =	vld.idx.msk [tilespmem:v26+s24+$0x0], $0xffff  }
0x2f6: {  	v51 =	vor.u32 v0, v51;
	v38 =	vld.idx.msk [tilespmem:v29+s24+$0x0], $0xffff  }
0x2f7: {  	v49 =	vor.u32 v0, v49;
	v39 =	vld.idx.msk [tilespmem:v30+s24+$0x0], $0xffff  }
0x2f8: {  	v43 =	vor.u32 v0, v52;
	v41 =	vld.idx.msk [tilespmem:v31+s24+$0x0], $0xffff  }
.Ltmp11:
0x2f9: {  	v44 =	vor.u32 v0, v53;
	v40 =	vld.idx.msk [tilespmem:v33+s24+$0x0], $0xffff;
	(pc) =	sbr.rel @p1 .LBB2_20-.Ltmp11, $4  }
0x2fa: {  	v45 =	vor.u32 v0, v54;
	v42 =	vld.idx.msk [tilespmem:v32+s24+$0x0], $0xffff  }
0x2fb: {  	[tilespmem:v47+s25+$0x0] =	vst.idx.add.f32.msk $0xffff, v46;
	v46 =	vor.u32 v0, v55  }
0x2fc: {  	v47 =	vor.u32 v0, v56;
	[tilespmem:v51+s25+$0x0] =	vst.idx.add.f32.msk $0xffff, v50  }
0x2fd: {  	[tilespmem:v49+s25+$0x0] =	vst.idx.add.f32.msk $0xffff, v48  }
0x2fe: {  	_ =	sdelay $0x3  }
0x2ff: {  	[tilespmem:v43+s25+$0x0] =	vst.idx.add.f32.msk $0xffff, v38  }
0x300: {  	[tilespmem:v44+s25+$0x0] =	vst.idx.add.f32.msk $0xffff, v39  }
0x301: {  	[tilespmem:v45+s25+$0x0] =	vst.idx.add.f32.msk $0xffff, v41  }
0x302: {  	[tilespmem:v46+s25+$0x0] =	vst.idx.add.f32.msk $0xffff, v42  }
0x303: {  	[tilespmem:v47+s25+$0x0] =	vst.idx.add.f32.msk $0xffff, v40  }
.LBB2_22:
.Ltmp12:
0x304: {  	(pc) =	sbr.rel @!p0 .LBB2_26-.Ltmp12, $1  }
0x305: {  	_ =	sdelay $0x3  }
0x306: {  	_ =	swait.ge [sflag:s26], $0x320  }
0x307: {  	[sflag:s26] =	ssyncset.done $0x0  }
0x308: {  	[sflag:s26] =	ssyncadd.s32 $0xFFFFFCE0  }
0x309: {  	_ =	swait.ge [sflag:s28], $0x320  }
0x30a: {  	[sflag:s28] =	ssyncset.done $0x0  }
0x30b: {  	s4 =	simm.s32 $0x0;
	[sflag:s28] =	ssyncadd.s32 $0xFFFFFCE0  }
0x30c: {  	v38 =	vld [tilespmem:s4+$0x2D80];
	_ =	sdelay $0x4  }
0x30d: {  	v39 =	vadd.s32 $0x2710, v38  }
0x30e: {  	v40 =	vadd.s32 $0x4E20, v38  }
0x30f: {  	v41 =	vadd.s32 $0x7530, v38  }
0x310: {  	v42 =	vld.idx.msk [tilespmem:v38+s13+$0x0], $0xffff  }
0x311: {  	v38 =	vld.idx.msk [tilespmem:v38+s11+$0x0], $0xffff  }
0x312: {  	v43 =	vld.idx.msk [tilespmem:v39+s11+$0x0], $0xffff  }
0x313: {  	v44 =	vld.idx.msk [tilespmem:v40+s11+$0x0], $0xffff  }
0x314: {  	v45 =	vld.idx.msk [tilespmem:v41+s11+$0x0], $0xffff  }
0x315: {  	v39 =	vld.idx.msk [tilespmem:v39+s13+$0x0], $0xffff  }
0x316: {  	v46 =	vld [tilespmem:s4+$0x3480];
	v47 =	vmul.f32 v42, v38  }
0x317: {  	v41 =	vld.idx.msk [tilespmem:v41+s13+$0x0], $0xffff;
	v48 =	vmul.f32 v42, v43  }
0x318: {  	v40 =	vld.idx.msk [tilespmem:v40+s13+$0x0], $0xffff;
	[tilespmem:v1+s24+$0x0] =	vst.idx.msk $0xffff, v47;
	v61 =	vmul.f32 v42, v44  }
0x319: {  	v42 =	vmul.f32 v42, v45;
	[tilespmem:v4+s24+$0x0] =	vst.idx.msk $0xffff, v48  }
0x31a: {  	v62 =	vmul.f32 v39, v38;
	[tilespmem:v5+s24+$0x0] =	vst.idx.msk $0xffff, v61  }
0x31b: {  	v63 =	vmul.f32 v39, v43;
	[tilespmem:v6+s24+$0x0] =	vst.idx.msk $0xffff, v42  }
0x31c: {  	v51 =	vmul.f32 v39, v44;
	[tilespmem:v7+s24+$0x0] =	vst.idx.msk $0xffff, v62  }
0x31d: {  	v39 =	vmul.f32 v39, v45;
	[tilespmem:v8+s24+$0x0] =	vst.idx.msk $0xffff, v63  }
0x31e: {  	v52 =	vmul.f32 v40, v38;
	[tilespmem:v9+s24+$0x0] =	vst.idx.msk $0xffff, v51  }
0x31f: {  	v53 =	vmul.f32 v40, v43;
	[tilespmem:v10+s24+$0x0] =	vst.idx.msk $0xffff, v39  }
0x320: {  	v54 =	vmul.f32 v40, v44;
	[tilespmem:v11+s24+$0x0] =	vst.idx.msk $0xffff, v52  }
0x321: {  	v40 =	vmul.f32 v40, v45;
	[tilespmem:v12+s24+$0x0] =	vst.idx.msk $0xffff, v53  }
0x322: {  	v38 =	vmul.f32 v41, v38;
	[tilespmem:v13+s24+$0x0] =	vst.idx.msk $0xffff, v54  }
0x323: {  	v55 =	vmul.f32 v41, v43;
	[tilespmem:v14+s24+$0x0] =	vst.idx.msk $0xffff, v40  }
0x324: {  	v56 =	vmul.f32 v41, v44;
	[tilespmem:v15+s24+$0x0] =	vst.idx.msk $0xffff, v38  }
0x325: {  	v57 =	vmul.f32 v41, v45;
	[tilespmem:v16+s24+$0x0] =	vst.idx.msk $0xffff, v55  }
0x326: {  	[tilespmem:v17+s24+$0x0] =	vst.idx.msk $0xffff, v56  }
0x327: {  	[tilespmem:v18+s24+$0x0] =	vst.idx.msk $0xffff, v57  }
0x328: {  	v43 =	vshll.u32 v46, $0x4;
	v38 =	vld.idx.msk [tilespmem:v20+s24+$0x0], $0xffff  }
0x329: {  	v58 =	vbroadcast v43, $0x0;
	v40 =	vld.idx.msk [tilespmem:v19+s24+$0x0], $0xffff  }
0x32a: {  	v59 =	vbroadcast v43, $0x1;
	v42 =	vld.idx.msk [tilespmem:v0+s24+$0x0], $0xffff  }
0x32b: {  	v60 =	vbroadcast v43, $0x2;
	v39 =	vor.u32 v0, v58;
	v61 =	vld.idx.msk [tilespmem:v21+s24+$0x0], $0xffff  }
0x32c: {  	v46 =	vbroadcast v43, $0x3;
	v41 =	vor.u32 v0, v59;
	v47 =	vld.idx.msk [tilespmem:v22+s24+$0x0], $0xffff  }
0x32d: {  	v44 =	vor.u32 v0, v60;
	v62 =	vbroadcast v43, $0x4;
	v49 =	vld.idx.msk [tilespmem:v23+s24+$0x0], $0xffff  }
0x32e: {  	v50 =	vbroadcast v43, $0x5;
	v46 =	vor.u32 v0, v46;
	v51 =	vld.idx.msk [tilespmem:v24+s24+$0x0], $0xffff  }
0x32f: {  	v48 =	vor.u32 v0, v62;
	v52 =	vbroadcast v43, $0x6;
	v53 =	vld.idx.msk [tilespmem:v25+s24+$0x0], $0xffff  }
0x330: {  	v63 =	vor.u32 v0, v50;
	v54 =	vbroadcast v43, $0x7;
	[tilespmem:v39+s25+$0x0] =	vst.idx.add.f32.msk $0xffff, v42  }
0x331: {  	v50 =	vor.u32 v0, v52;
	[tilespmem:v41+s25+$0x0] =	vst.idx.add.f32.msk $0xffff, v40  }
0x332: {  	v52 =	vor.u32 v0, v54;
	[tilespmem:v44+s25+$0x0] =	vst.idx.add.f32.msk $0xffff, v38  }
0x333: {  	[tilespmem:v46+s25+$0x0] =	vst.idx.add.f32.msk $0xffff, v61  }
0x334: {  	[tilespmem:v48+s25+$0x0] =	vst.idx.add.f32.msk $0xffff, v47  }
0x335: {  	[tilespmem:v63+s25+$0x0] =	vst.idx.add.f32.msk $0xffff, v49  }
0x336: {  	[tilespmem:v50+s25+$0x0] =	vst.idx.add.f32.msk $0xffff, v51  }
0x337: {  	[tilespmem:v52+s25+$0x0] =	vst.idx.add.f32.msk $0xffff, v53  }
0x338: {  	v48 =	vld.idx.msk [tilespmem:v28+s24+$0x0], $0xffff  }
0x339: {  	v54 =	vbroadcast v43, $0x8;
	v46 =	vld.idx.msk [tilespmem:v27+s24+$0x0], $0xffff  }
0x33a: {  	v44 =	vld.idx.msk [tilespmem:v26+s24+$0x0], $0xffff  }
0x33b: {  	v55 =	vbroadcast v43, $0x9;
	v45 =	vor.u32 v0, v54;
	v38 =	vld.idx.msk [tilespmem:v29+s24+$0x0], $0xffff  }
0x33c: {  	v56 =	vbroadcast v43, $0xA;
	v39 =	vld.idx.msk [tilespmem:v30+s24+$0x0], $0xffff  }
0x33d: {  	v59 =	vbroadcast v43, $0xB;
	v57 =	vor.u32 v0, v55;
	v41 =	vld.idx.msk [tilespmem:v31+s24+$0x0], $0xffff  }
0x33e: {  	v60 =	vbroadcast v43, $0xC;
	v62 =	vbroadcast v43, $0xE;
	v58 =	vor.u32 v0, v56;
	v40 =	vld.idx.msk [tilespmem:v33+s24+$0x0], $0xffff  }
0x33f: {  	v61 =	vbroadcast v43, $0xD;
	v63 =	vbroadcast v43, $0xF;
	v43 =	vor.u32 v0, v59;
	v42 =	vld.idx.msk [tilespmem:v32+s24+$0x0], $0xffff  }
0x340: {  	[tilespmem:v45+s25+$0x0] =	vst.idx.add.f32.msk $0xffff, v44;
	v44 =	vor.u32 v0, v60  }
0x341: {  	v45 =	vor.u32 v0, v61  }
0x342: {  	[tilespmem:v57+s25+$0x0] =	vst.idx.add.f32.msk $0xffff, v46;
	v46 =	vor.u32 v0, v62  }
0x343: {  	s4 =	simm.s32 $0x40;
	v47 =	vor.u32 v0, v63;
	[tilespmem:v58+s25+$0x0] =	vst.idx.add.f32.msk $0xffff, v48  }
.LBB2_24:
0x344: {  	p0 =	sne.s32 s4, $0xC40;
	[tilespmem:v43+s25+$0x0] =	vst.idx.add.f32.msk $0xffff, v38;
	s5 =	smov.u32 s4;
	s4 =	sadd.s32 $0x40, s4  }
0x345: {  	[tilespmem:v44+s25+$0x0] =	vst.idx.add.f32.msk $0xffff, v39  }
0x346: {  	[tilespmem:v45+s25+$0x0] =	vst.idx.add.f32.msk $0xffff, v41  }
0x347: {  	[tilespmem:v46+s25+$0x0] =	vst.idx.add.f32.msk $0xffff, v42  }
0x348: {  	s5 =	sshra.s32 s5, $0x2;
	[tilespmem:v47+s25+$0x0] =	vst.idx.add.f32.msk $0xffff, v40  }
0x349: {  	v38 =	vld [tilespmem:s5+$0x2D80];
	_ =	sdelay $0x4  }
0x34a: {  	v39 =	vadd.s32 $0x2710, v38;
	v40 =	vadd.s32 $0x4E20, v38;
	v41 =	vadd.s32 $0x7530, v38;
	_ =	sdelay $0x2  }
0x34b: {  	v42 =	vld.idx.msk [tilespmem:v38+s13+$0x0], $0xffff  }
0x34c: {  	v38 =	vld.idx.msk [tilespmem:v38+s11+$0x0], $0xffff  }
0x34d: {  	v43 =	vld.idx.msk [tilespmem:v39+s11+$0x0], $0xffff  }
0x34e: {  	v44 =	vld.idx.msk [tilespmem:v40+s11+$0x0], $0xffff  }
0x34f: {  	v45 =	vld.idx.msk [tilespmem:v41+s11+$0x0], $0xffff  }
0x350: {  	v39 =	vld.idx.msk [tilespmem:v39+s13+$0x0], $0xffff  }
0x351: {  	v46 =	vld [tilespmem:s5+$0x3480]  }
0x352: {  	v47 =	vmul.f32 v42, v38;
	v41 =	vld.idx.msk [tilespmem:v41+s13+$0x0], $0xffff  }
0x353: {  	v48 =	vmul.f32 v42, v43;
	v40 =	vld.idx.msk [tilespmem:v40+s13+$0x0], $0xffff  }
0x354: {  	[tilespmem:v1+s24+$0x0] =	vst.idx.msk $0xffff, v47;
	v47 =	vmul.f32 v42, v44  }
0x355: {  	v42 =	vmul.f32 v42, v45;
	[tilespmem:v4+s24+$0x0] =	vst.idx.msk $0xffff, v48  }
0x356: {  	v48 =	vmul.f32 v39, v43;
	v46 =	vshll.u32 v46, $0x4;
	[tilespmem:v5+s24+$0x0] =	vst.idx.msk $0xffff, v47;
	v47 =	vmul.f32 v39, v38  }
0x357: {  	[tilespmem:v6+s24+$0x0] =	vst.idx.msk $0xffff, v42;
	v42 =	vmul.f32 v39, v44;
	v39 =	vmul.f32 v39, v45  }
0x358: {  	v49 =	vmul.f32 v41, v43;
	[tilespmem:v7+s24+$0x0] =	vst.idx.msk $0xffff, v47;
	v47 =	vmul.f32 v41, v38  }
0x359: {  	v38 =	vmul.f32 v40, v38;
	v43 =	vmul.f32 v40, v43;
	[tilespmem:v8+s24+$0x0] =	vst.idx.msk $0xffff, v48  }
0x35a: {  	[tilespmem:v9+s24+$0x0] =	vst.idx.msk $0xffff, v42;
	v42 =	vmul.f32 v40, v44;
	v40 =	vmul.f32 v40, v45  }
0x35b: {  	[tilespmem:v10+s24+$0x0] =	vst.idx.msk $0xffff, v39;
	v39 =	vmul.f32 v41, v44;
	v41 =	vmul.f32 v41, v45  }
0x35c: {  	v44 =	vbroadcast v46, $0x1;
	[tilespmem:v11+s24+$0x0] =	vst.idx.msk $0xffff, v38;
	v38 =	vbroadcast v46, $0x0  }
0x35d: {  	v45 =	vbroadcast v46, $0x3;
	[tilespmem:v12+s24+$0x0] =	vst.idx.msk $0xffff, v43;
	v43 =	vbroadcast v46, $0x2  }
0x35e: {  	v48 =	vbroadcast v46, $0x5;
	[tilespmem:v13+s24+$0x0] =	vst.idx.msk $0xffff, v42;
	v42 =	vbroadcast v46, $0x4  }
0x35f: {  	v50 =	vbroadcast v46, $0x7;
	[tilespmem:v14+s24+$0x0] =	vst.idx.msk $0xffff, v40;
	v40 =	vbroadcast v46, $0x6  }
0x360: {  	v51 =	vbroadcast v46, $0x9;
	[tilespmem:v15+s24+$0x0] =	vst.idx.msk $0xffff, v47;
	v47 =	vbroadcast v46, $0x8  }
0x361: {  	v52 =	vbroadcast v46, $0xB;
	[tilespmem:v16+s24+$0x0] =	vst.idx.msk $0xffff, v49;
	v49 =	vbroadcast v46, $0xA  }
0x362: {  	v53 =	vbroadcast v46, $0xC;
	v54 =	vbroadcast v46, $0xD;
	[tilespmem:v17+s24+$0x0] =	vst.idx.msk $0xffff, v39  }
0x363: {  	v55 =	vbroadcast v46, $0xE;
	v56 =	vbroadcast v46, $0xF;
	[tilespmem:v18+s24+$0x0] =	vst.idx.msk $0xffff, v41  }
0x364: {  	v39 =	vld.idx.msk [tilespmem:v20+s24+$0x0], $0xffff  }
0x365: {  	v41 =	vld.idx.msk [tilespmem:v19+s24+$0x0], $0xffff  }
0x366: {  	v46 =	vld.idx.msk [tilespmem:v0+s24+$0x0], $0xffff  }
0x367: {  	v38 =	vor.u32 v0, v38;
	v57 =	vld.idx.msk [tilespmem:v21+s24+$0x0], $0xffff  }
0x368: {  	v44 =	vor.u32 v0, v44;
	v58 =	vld.idx.msk [tilespmem:v22+s24+$0x0], $0xffff  }
0x369: {  	v43 =	vor.u32 v0, v43;
	v59 =	vld.idx.msk [tilespmem:v23+s24+$0x0], $0xffff  }
0x36a: {  	v45 =	vor.u32 v0, v45;
	v60 =	vld.idx.msk [tilespmem:v24+s24+$0x0], $0xffff  }
0x36b: {  	v42 =	vor.u32 v0, v42;
	v61 =	vld.idx.msk [tilespmem:v25+s24+$0x0], $0xffff  }
0x36c: {  	[tilespmem:v38+s25+$0x0] =	vst.idx.add.f32.msk $0xffff, v46;
	v38 =	vor.u32 v0, v48  }
0x36d: {  	v40 =	vor.u32 v0, v40;
	[tilespmem:v44+s25+$0x0] =	vst.idx.add.f32.msk $0xffff, v41  }
0x36e: {  	[tilespmem:v43+s25+$0x0] =	vst.idx.add.f32.msk $0xffff, v39;
	v39 =	vor.u32 v0, v50  }
0x36f: {  	[tilespmem:v45+s25+$0x0] =	vst.idx.add.f32.msk $0xffff, v57  }
0x370: {  	[tilespmem:v42+s25+$0x0] =	vst.idx.add.f32.msk $0xffff, v58  }
0x371: {  	[tilespmem:v38+s25+$0x0] =	vst.idx.add.f32.msk $0xffff, v59  }
0x372: {  	[tilespmem:v40+s25+$0x0] =	vst.idx.add.f32.msk $0xffff, v60  }
0x373: {  	[tilespmem:v39+s25+$0x0] =	vst.idx.add.f32.msk $0xffff, v61  }
0x374: {  	v48 =	vld.idx.msk [tilespmem:v28+s24+$0x0], $0xffff  }
0x375: {  	v50 =	vld.idx.msk [tilespmem:v27+s24+$0x0], $0xffff  }
0x376: {  	v47 =	vor.u32 v0, v47;
	v46 =	vld.idx.msk [tilespmem:v26+s24+$0x0], $0xffff  }
0x377: {  	v51 =	vor.u32 v0, v51;
	v38 =	vld.idx.msk [tilespmem:v29+s24+$0x0], $0xffff  }
0x378: {  	v49 =	vor.u32 v0, v49;
	v39 =	vld.idx.msk [tilespmem:v30+s24+$0x0], $0xffff  }
0x379: {  	v43 =	vor.u32 v0, v52;
	v41 =	vld.idx.msk [tilespmem:v31+s24+$0x0], $0xffff  }
.Ltmp13:
0x37a: {  	v44 =	vor.u32 v0, v53;
	v40 =	vld.idx.msk [tilespmem:v33+s24+$0x0], $0xffff;
	(pc) =	sbr.rel @p0 .LBB2_24-.Ltmp13, $4  }
0x37b: {  	v45 =	vor.u32 v0, v54;
	v42 =	vld.idx.msk [tilespmem:v32+s24+$0x0], $0xffff  }
0x37c: {  	[tilespmem:v47+s25+$0x0] =	vst.idx.add.f32.msk $0xffff, v46;
	v46 =	vor.u32 v0, v55  }
0x37d: {  	v47 =	vor.u32 v0, v56;
	[tilespmem:v51+s25+$0x0] =	vst.idx.add.f32.msk $0xffff, v50  }
0x37e: {  	[tilespmem:v49+s25+$0x0] =	vst.idx.add.f32.msk $0xffff, v48  }
0x37f: {  	_ =	sdelay $0x3  }
.Ltmp14:
0x380: {  	[tilespmem:v43+s25+$0x0] =	vst.idx.add.f32.msk $0xffff, v38;
	(pc) =	sbr.rel .LBB2_26-.Ltmp14, $4  }
0x381: {  	[tilespmem:v44+s25+$0x0] =	vst.idx.add.f32.msk $0xffff, v39  }
0x382: {  	[tilespmem:v45+s25+$0x0] =	vst.idx.add.f32.msk $0xffff, v41  }
0x383: {  	[tilespmem:v46+s25+$0x0] =	vst.idx.add.f32.msk $0xffff, v42  }
0x384: {  	[tilespmem:v47+s25+$0x0] =	vst.idx.add.f32.msk $0xffff, v40  }
.LBB2_27:
0x385: {  	s5 =	simm.s32 $0x0;
	s4 =	rddreg [dreg:$0x7]  }
0x386: {  	[tilespmem:s11], [sflag:$0x5] =	stream.linear.gather [hbm4b:s4+s5], $0x1F40, $0x38;
	[tilespmem:$0x1F900] =	vst v63  }
0x387: {  	_ =	swait.ge [sflag:s19], $0x1F40  }
0x388: {  	[sflag:s19] =	ssyncset.done $0x0  }
0x389: {  	[sflag:s19] =	ssyncadd.s32 $0xFFFFE0C0  }
0x38a: {  	s6 =	simm.s32 $0xDF80;
	s21 =	rddreg [dreg:$0x8]  }
0x38b: {  	[tilespmem:s6], [sflag:$0x5] =	stream.linear.gather [hbm4b:s21+s5], $0x1F40, $0x38;
	[tilespmem:$0x1F900] =	vst v63  }
0x38c: {  	_ =	swait.ge [sflag:s19], $0x1F40  }
0x38d: {  	[sflag:s19] =	ssyncset.done $0x0  }
0x38e: {  	s4 =	simm.s32 $0x0;
	s6 =	simm.s32 $0x40;
	[sflag:s19] =	ssyncadd.s32 $0xFFFFE0C0  }
.LBB2_28:
0x38f: {  	p0 =	sne.s32 s6, $0x1F00;
	v38 =	vld [tilespmem:s4+$0x0];
	_ =	sdelay $0x4  }
0x390: {  	v38 =	vmax.f32 v38, $1.000000000e+00  }
0x391: {  	(erf) = vrcp.f32 v38;
	_ =	sdelay $0x5  }
.Ltmp15:
0x392: {  	(pc) =	sbr.rel @p0 .LBB2_28-.Ltmp15, $3  }
0x393: {  	_ =	sdelay $0x1  }
0x394: {  	v38 =	vpop (erf)  }
0x395: {  	[tilespmem:s4+$0x0] =	vst v38;
	s4 =	sshra.s32 s6, $0x2;
	s6 =	sadd.s32 $0x40, s6  }
0x396: {  	v38 =	vld [tilespmem:s4+$0x0];
	_ =	sdelay $0x4  }
0x397: {  	v38 =	vmax.f32 v38, $1.000000000e+00  }
0x398: {  	(erf) = vrcp.f32 v38;
	_ =	sdelay $0x8  }
0x399: {  	v38 =	vpop (erf)  }
0x39a: {  	[tilespmem:s4+$0x0] =	vst v38;
	s4 =	simm.s32 $0xDF80  }
0x39b: {  	s10 =	simm.s32 $0xC000;
	v38 =	vld [tilespmem:s4+$0x0]  }
0x39c: {  	v40 =	vld [tilespmem:s10+$0x0];
	_ =	sdelay $0x4  }
0x39d: {  	v38 =	vsub.f32 v38, v40  }
0x39e: {  	v39 =	vmov s5;
	v41 =	vor.u32 s5, v0  }
0x39f: {  	v41 =	vshrl.u32 v41, $0x2;
	v39 =	vshrl.u32 v39, $0x2;
	v38 =	vadd.f32 $9.999999930e-09, v38  }
0x3a0: {  	v41 =	vand.u32 $0x7F, v41;
	v39 =	vand.u32 $0x780, v39  }
0x3a1: {  	v39 =	vor.u32 v39, v41;
	(erf) = vrcp.f32 v38;
	_ =	sdelay $0x3  }
0x3a2: {  	s5 =	simm.s32 $0x0  }
0x3a3: {  	v62 =	vld.idx.msk [tilespmem:v39+s5+$0x0], $0xffff;
	_ =	sdelay $0x3  }
0x3a4: {  	v63 =	vpop (erf)  }
0x3a5: {  	s6 =	simm.s32 $0x10;
	s7 =	simm.s32 $0xC000;
	v39 =	vmul.f32 v63, v62;
	v38 =	vmul.f32 v63, v40  }
.LBB2_30:
0x3a6: {  	_ = 	snop  }
0x3a7: {  	p0 =	sne.s32 s6, $0x1F30;
	s10 =	sadd.s32 $0x10, s10;
	[tilespmem:s4+$0x0] =	vst v39;
	s4 =	sadd.s32 $0x10, s4  }
0x3a8: {  	s9 =	smov.u32 s6;
	s6 =	sadd.s32 $0x10, s6;
	v39 =	vld [tilespmem:s4+$0x0];
	[tilespmem:s7+$0x0] =	vst v38;
	s7 =	smov.u32 s10  }
0x3a9: {  	v38 =	vld [tilespmem:s10+$0x0];
	_ =	sdelay $0x4  }
0x3aa: {  	v40 =	vmov s9;
	v41 =	vor.u32 s9, v0;
	v39 =	vsub.f32 v39, v38  }
0x3ab: {  	v41 =	vshrl.u32 v41, $0x2;
	v40 =	vshrl.u32 v40, $0x2  }
0x3ac: {  	v41 =	vand.u32 $0x7F, v41;
	v40 =	vand.u32 $0x780, v40;
	v39 =	vadd.f32 $9.999999930e-09, v39  }
0x3ad: {  	v40 =	vor.u32 v40, v41  }
0x3ae: {  	(erf) = vrcp.f32 v39;
	_ =	sdelay $0x3  }
0x3af: {  	v39 =	vld.idx.msk [tilespmem:v40+s5+$0x0], $0xffff;
	_ =	sdelay $0x1  }
.Ltmp16:
0x3b0: {  	(pc) =	sbr.rel @p0 .LBB2_30-.Ltmp16, $3  }
0x3b1: {  	_ =	sdelay $0x1  }
0x3b2: {  	v40 =	vpop (erf)  }
0x3b3: {  	v39 =	vmul.f32 v40, v39;
	v38 =	vmul.f32 v40, v38  }
0x3b4: {  	_ =	sdelay $0x1  }
0x3b5: {  	[tilespmem:s4+$0x0] =	vst v39;
	s4 =	simm.s32 $0x4310  }
0x3b6: {  	s5 =	simm.s32 $0x0;
	[tilespmem:s7+$0x0] =	vst v38;
	v63 =	vld [tilespmem:s4+$0xFFFFFFF0]  }
0x3b7: {  	v39 =	vld.idx.msk [tilespmem:v34+s5+$0xDF80], $0xffff  }
0x3b8: {  	v40 =	vld.idx.msk [tilespmem:v35+s5+$0xDF80], $0xffff  }
0x3b9: {  	v41 =	vld [tilespmem:s4+$0x0]  }
0x3ba: {  	v42 =	vld.idx.msk [tilespmem:v34+s5+$0xC000], $0xffff  }
0x3bb: {  	v43 =	vld.idx.msk [tilespmem:v35+s5+$0xC000], $0xffff;
	_ =	sdelay $0x2  }
0x3bc: {  	v38 =	vmul.f32 v39, v63;
	v40 =	vmul.f32 v40, v41;
	_ =	sdelay $0x1  }
0x3bd: {  	s6 =	simm.s32 $0x20;
	s5 =	simm.s32 $0x4310;
	v39 =	vsub.f32 v38, v42;
	v38 =	vsub.f32 v40, v43  }
.LBB2_32:
0x3be: {  	p0 =	sne.s32 s6, $0x7CE0  }
0x3bf: {  	v39 =	vmax.f32 v39, $0.0e+00;
	s4 =	sadd.s32 $0x20, s4;
	s7 =	smov.u32 s6;
	s6 =	sadd.s32 $0x20, s6  }
0x3c0: {  	[tilespmem:s5+$0xFFFFFFF0] =	vst v39;
	v38 =	vmax.f32 v38, $0.0e+00  }
0x3c1: {  	s7 =	sshra.s32 s7, $0x2;
	v39 =	vld [tilespmem:s4+$0xFFFFFFF0];
	[tilespmem:s5+$0x0] =	vst v38;
	s5 =	smov.u32 s4  }
0x3c2: {  	v38 =	vld.idx.msk [tilespmem:v34+s7+$0xC000], $0xffff  }
0x3c3: {  	v40 =	vld.idx.msk [tilespmem:v34+s7+$0xDF80], $0xffff  }
0x3c4: {  	v41 =	vld.idx.msk [tilespmem:v35+s7+$0xDF80], $0xffff  }
0x3c5: {  	v42 =	vld [tilespmem:s4+$0x0]  }
0x3c6: {  	v43 =	vld.idx.msk [tilespmem:v35+s7+$0xC000], $0xffff;
	_ =	sdelay $0x1  }
.Ltmp17:
0x3c7: {  	(pc) =	sbr.rel @p0 .LBB2_32-.Ltmp17, $4  }
0x3c8: {  	v39 =	vmul.f32 v40, v39  }
0x3c9: {  	v40 =	vmul.f32 v41, v42  }
0x3ca: {  	v39 =	vsub.f32 v39, v38  }
0x3cb: {  	v38 =	vsub.f32 v40, v43  }
0x3cc: {  	v39 =	vmax.f32 v39, $0.0e+00  }
0x3cd: {  	[tilespmem:s5+$0xFFFFFFF0] =	vst v39;
	v38 =	vmax.f32 v38, $0.0e+00  }
0x3ce: {  	s4 =	simm.s32 $0x0;
	s21 =	rddreg [dreg:$0x6];
	[tilespmem:s5+$0x0] =	vst v38  }
0x3cf: {  	v62 =	vor.u32 s4, v0;
	[tilespmem:s29], [sflag:$0x1] =	stream.linear.gather [hbm4b:s21+s4], $0x7D00, $0x38;
	[tilespmem:$0x1F900] =	vst v63  }
0x3d0: {  	v63 =	vshrl.u32 v62, $0x2;
	s4 =	simm.s32 $0x4300  }
0x3d1: {  	s5 =	simm.s32 $0x10;
	v39 =	vadd.s32 v36, v63;
	v38 =	vld [tilespmem:s4+$0x0]  }
.LBB2_34:
0x3d2: {  	p0 =	sne.s32 s5, $0x7CF0  }
.Ltmp18:
0x3d3: {  	_ = 	snop;
	(pc) =	sbr.rel @p0 .LBB2_34-.Ltmp18, $4  }
0x3d4: {  	_ = 	snop  }
0x3d5: {  	v40 =	vor.u32 s5, v0;
	s5 =	sadd.s32 $0x10, s5  }
0x3d6: {  	s4 =	sadd.s32 $0x10, s4;
	v40 =	vshrl.u32 v40, $0x2;
	[tilespmem:v39+s11+$0x0] =	vst.idx.msk $0xffff, v38  }
0x3d7: {  	v39 =	vadd.s32 v36, v40;
	v38 =	vld [tilespmem:s4+$0x0]  }
0x3d8: {  	_ =	sdelay $0x3  }
0x3d9: {  	s4 =	simm.s32 $0x0;
	s5 =	rddreg [dreg:$0x15];
	[tilespmem:v39+s11+$0x0] =	vst.idx.msk $0xffff, v38  }
0x3da: {  	[tilespmem:s16], [sflag:$0x5] =	stream.linear.gather [hbm4b:s5+s4], $0x3E8, $0x38;
	[tilespmem:$0x1F900] =	vst v63  }
0x3db: {  	_ =	swait.ge [sflag:s19], $0x3E8  }
0x3dc: {  	[sflag:s19] =	ssyncset.done $0x0  }
0x3dd: {  	s5 =	simm.s32 $0x0;
	s4 =	simm.s32 $0x40;
	[sflag:s19] =	ssyncadd.s32 $0xFFFFFC18  }
.LBB2_36:
0x3de: {  	p0 =	sne.s32 s4, $0xF40;
	v38 =	vld [tilespmem:s5+$0x3100];
	_ =	sdelay $0x3  }
.Ltmp19:
0x3df: {  	(pc) =	sbr.rel @p0 .LBB2_36-.Ltmp19, $2  }
0x3e0: {  	_ =	sdelay $0x2  }
0x3e1: {  	s5 =	sshra.s32 s4, $0x2;
	s4 =	sadd.s32 $0x40, s4;
	[tilespmem:v38+s30+$0x0] =	vst.idx.add.f32.msk $0xffff, v3  }
0x3e2: {  	v38 =	vld [tilespmem:s5+$0x3100];
	_ =	sdelay $0x7  }
0x3e3: {  	s4 =	simm.s32 $0x0;
	s21 =	rddreg [dreg:$0x16];
	[tilespmem:v38+s30+$0x0] =	vst.idx.add.f32.msk $0xffff, v3  }
0x3e4: {  	[tilespmem:s16], [sflag:$0x5] =	stream.linear.gather [hbm4b:s21+s4], $0x3E8, $0x38;
	[tilespmem:$0x1F900] =	vst v63  }
0x3e5: {  	_ =	swait.ge [sflag:s19], $0x3E8  }
0x3e6: {  	[sflag:s19] =	ssyncset.done $0x0  }
0x3e7: {  	s5 =	simm.s32 $0x0;
	s4 =	simm.s32 $0x40;
	[sflag:s19] =	ssyncadd.s32 $0xFFFFFC18  }
.LBB2_38:
0x3e8: {  	p0 =	sne.s32 s4, $0xF40;
	v38 =	vld [tilespmem:s5+$0x3100];
	_ =	sdelay $0x3  }
.Ltmp20:
0x3e9: {  	(pc) =	sbr.rel @p0 .LBB2_38-.Ltmp20, $2  }
0x3ea: {  	_ =	sdelay $0x2  }
0x3eb: {  	s5 =	sshra.s32 s4, $0x2;
	s4 =	sadd.s32 $0x40, s4;
	[tilespmem:v38+s30+$0x0] =	vst.idx.add.f32.msk $0xffff, v3  }
0x3ec: {  	v38 =	vld [tilespmem:s5+$0x3100];
	_ =	sdelay $0x7  }
0x3ed: {  	[tilespmem:v38+s30+$0x0] =	vst.idx.add.f32.msk $0xffff, v3  }
0x3ee: {  	[spmem:s15] =	stream.linear.scatter [tilespmem:s30], [sflag:$0x5], $0x200, $0x38;
	[tilespmem:$0x1F900] =	vst v63  }
0x3ef: {  	_ =	swait.ge [sflag:s19], $0x200  }
0x3f0: {  	[sflag:s19] =	ssyncset.done $0x0  }
0x3f1: {  	[sflag:s19] =	ssyncadd.s32 $0xFFFFFE00  }
0x3f2: {  	[bflag:$0x0] =	sbarrier.arrive $0xFFFF  }
0x3f3: {  	[tilespmem:$0x3800] =	vst v2  }
0x3f4: {  	[tilespmem:$0x3810] =	vst v2  }
0x3f5: {  	[tilespmem:s20], [sflag:$0x5] =	stream.linear.gather [spmem:s18], $0x20, $0x38;
	[tilespmem:$0x1F900] =	vst v63  }
0x3f6: {  	_ =	swait.ge [sflag:s19], $0x20  }
0x3f7: {  	[sflag:s19] =	ssyncset.done $0x0  }
0x3f8: {  	[sflag:s19] =	ssyncadd.s32 $0xFFFFFFE0  }
0x3f9: {  	v48 =	vld [tilespmem:$0x3800]  }
0x3fa: {  	v39 =	vld [tilespmem:$0x3880]  }
0x3fb: {  	v40 =	vld [tilespmem:$0x3810]  }
0x3fc: {  	v41 =	vld [tilespmem:$0x3890];
	_ =	sdelay $0x3  }
0x3fd: {  	v38 =	vadd.f32 v39, v48  }
0x3fe: {  	s4 =	sld [smem:$0x7EC];
	v49 =	vadd.f32 v41, v40  }
0x3ff: {  	[tilespmem:$0x3800] =	vst v38  }
0x400: {  	[tilespmem:$0x3810] =	vst v49  }
0x401: {  	[tilespmem:s20], [sflag:$0x5] =	stream.linear.gather [spmem:s4], $0x20, $0x38;
	[tilespmem:$0x1F900] =	vst v63  }
0x402: {  	_ =	swait.ge [sflag:s19], $0x20  }
0x403: {  	[sflag:s19] =	ssyncset.done $0x0  }
0x404: {  	[sflag:s19] =	ssyncadd.s32 $0xFFFFFFE0  }
0x405: {  	v50 =	vld [tilespmem:$0x3800]  }
0x406: {  	v51 =	vld [tilespmem:$0x3880]  }
0x407: {  	v52 =	vld [tilespmem:$0x3810]  }
0x408: {  	v53 =	vld [tilespmem:$0x3890];
	_ =	sdelay $0x3  }
0x409: {  	v38 =	vadd.f32 v51, v50  }
0x40a: {  	s6 =	sld [smem:$0x7ED];
	v54 =	vadd.f32 v53, v52  }
0x40b: {  	[tilespmem:$0x3800] =	vst v38  }
0x40c: {  	[tilespmem:$0x3810] =	vst v54  }
0x40d: {  	[tilespmem:s20], [sflag:$0x5] =	stream.linear.gather [spmem:s6], $0x20, $0x38;
	[tilespmem:$0x1F900] =	vst v63  }
0x40e: {  	_ =	swait.ge [sflag:s19], $0x20  }
0x40f: {  	[sflag:s19] =	ssyncset.done $0x0  }
0x410: {  	[sflag:s19] =	ssyncadd.s32 $0xFFFFFFE0  }
0x411: {  	v55 =	vld [tilespmem:$0x3800]  }
0x412: {  	v56 =	vld [tilespmem:$0x3880]  }
0x413: {  	v57 =	vld [tilespmem:$0x3810]  }
0x414: {  	v58 =	vld [tilespmem:$0x3890];
	_ =	sdelay $0x3  }
0x415: {  	v38 =	vadd.f32 v56, v55  }
0x416: {  	s7 =	sld [smem:$0x7EE];
	v59 =	vadd.f32 v58, v57  }
0x417: {  	[tilespmem:$0x3800] =	vst v38  }
0x418: {  	[tilespmem:$0x3810] =	vst v59  }
0x419: {  	[tilespmem:s20], [sflag:$0x5] =	stream.linear.gather [spmem:s7], $0x20, $0x38;
	[tilespmem:$0x1F900] =	vst v63  }
0x41a: {  	_ =	swait.ge [sflag:s19], $0x20  }
0x41b: {  	[sflag:s19] =	ssyncset.done $0x0  }
0x41c: {  	[sflag:s19] =	ssyncadd.s32 $0xFFFFFFE0  }
0x41d: {  	v60 =	vld [tilespmem:$0x3800]  }
0x41e: {  	v61 =	vld [tilespmem:$0x3880]  }
0x41f: {  	v62 =	vld [tilespmem:$0x3810]  }
0x420: {  	v63 =	vld [tilespmem:$0x3890];
	_ =	sdelay $0x3  }
0x421: {  	v38 =	vadd.f32 v61, v60  }
0x422: {  	s9 =	sld [smem:$0x7EF];
	v44 =	vadd.f32 v63, v62  }
0x423: {  	[tilespmem:$0x3800] =	vst v38  }
0x424: {  	[tilespmem:$0x3810] =	vst v44  }
0x425: {  	[tilespmem:s20], [sflag:$0x5] =	stream.linear.gather [spmem:s9], $0x20, $0x38;
	[tilespmem:$0x1F900] =	vst v63  }
0x426: {  	_ =	swait.ge [sflag:s19], $0x20  }
0x427: {  	[sflag:s19] =	ssyncset.done $0x0  }
0x428: {  	[sflag:s19] =	ssyncadd.s32 $0xFFFFFFE0  }
0x429: {  	v45 =	vld [tilespmem:$0x3800]  }
0x42a: {  	v46 =	vld [tilespmem:$0x3880]  }
0x42b: {  	v47 =	vld [tilespmem:$0x3810]  }
0x42c: {  	v48 =	vld [tilespmem:$0x3890];
	_ =	sdelay $0x3  }
0x42d: {  	v38 =	vadd.f32 v46, v45  }
0x42e: {  	s10 =	sld [smem:$0x7F0];
	v49 =	vadd.f32 v48, v47  }
0x42f: {  	[tilespmem:$0x3800] =	vst v38  }
0x430: {  	[tilespmem:$0x3810] =	vst v49  }
0x431: {  	[tilespmem:s20], [sflag:$0x5] =	stream.linear.gather [spmem:s10], $0x20, $0x38;
	[tilespmem:$0x1F900] =	vst v63  }
0x432: {  	_ =	swait.ge [sflag:s19], $0x20  }
0x433: {  	[sflag:s19] =	ssyncset.done $0x0  }
0x434: {  	[sflag:s19] =	ssyncadd.s32 $0xFFFFFFE0  }
0x435: {  	v50 =	vld [tilespmem:$0x3800]  }
0x436: {  	v51 =	vld [tilespmem:$0x3880]  }
0x437: {  	v52 =	vld [tilespmem:$0x3810]  }
0x438: {  	v53 =	vld [tilespmem:$0x3890];
	_ =	sdelay $0x3  }
0x439: {  	v38 =	vadd.f32 v51, v50  }
0x43a: {  	s21 =	sld [smem:$0x7F1];
	v54 =	vadd.f32 v53, v52  }
0x43b: {  	[tilespmem:$0x3800] =	vst v38  }
0x43c: {  	[tilespmem:$0x3810] =	vst v54  }
0x43d: {  	[tilespmem:s20], [sflag:$0x5] =	stream.linear.gather [spmem:s21], $0x20, $0x38;
	[tilespmem:$0x1F900] =	vst v63  }
0x43e: {  	_ =	swait.ge [sflag:s19], $0x20  }
0x43f: {  	[sflag:s19] =	ssyncset.done $0x0  }
0x440: {  	[sflag:s19] =	ssyncadd.s32 $0xFFFFFFE0  }
0x441: {  	v55 =	vld [tilespmem:$0x3800]  }
0x442: {  	v56 =	vld [tilespmem:$0x3880]  }
0x443: {  	v57 =	vld [tilespmem:$0x3810]  }
0x444: {  	v58 =	vld [tilespmem:$0x3890];
	_ =	sdelay $0x3  }
0x445: {  	v38 =	vadd.f32 v56, v55  }
0x446: {  	s5 =	sld [smem:$0x7F2];
	v59 =	vadd.f32 v58, v57  }
0x447: {  	[tilespmem:$0x3800] =	vst v38  }
0x448: {  	[tilespmem:$0x3810] =	vst v59  }
0x449: {  	[tilespmem:s20], [sflag:$0x5] =	stream.linear.gather [spmem:s5], $0x20, $0x38;
	[tilespmem:$0x1F900] =	vst v63  }
0x44a: {  	_ =	swait.ge [sflag:s19], $0x20  }
0x44b: {  	[sflag:s19] =	ssyncset.done $0x0  }
0x44c: {  	[sflag:s19] =	ssyncadd.s32 $0xFFFFFFE0  }
0x44d: {  	v60 =	vld [tilespmem:$0x3800]  }
0x44e: {  	v61 =	vld [tilespmem:$0x3880]  }
0x44f: {  	v62 =	vld [tilespmem:$0x3810]  }
0x450: {  	v63 =	vld [tilespmem:$0x3890];
	_ =	sdelay $0x3  }
0x451: {  	v38 =	vadd.f32 v61, v60  }
0x452: {  	s6 =	sld [smem:$0x7F3];
	v44 =	vadd.f32 v63, v62  }
0x453: {  	[tilespmem:$0x3800] =	vst v38  }
0x454: {  	[tilespmem:$0x3810] =	vst v44  }
0x455: {  	[tilespmem:s20], [sflag:$0x5] =	stream.linear.gather [spmem:s6], $0x20, $0x38;
	[tilespmem:$0x1F900] =	vst v63  }
0x456: {  	_ =	swait.ge [sflag:s19], $0x20  }
0x457: {  	[sflag:s19] =	ssyncset.done $0x0  }
0x458: {  	[sflag:s19] =	ssyncadd.s32 $0xFFFFFFE0  }
0x459: {  	v45 =	vld [tilespmem:$0x3800]  }
0x45a: {  	v46 =	vld [tilespmem:$0x3880]  }
0x45b: {  	v47 =	vld [tilespmem:$0x3810]  }
0x45c: {  	v48 =	vld [tilespmem:$0x3890];
	_ =	sdelay $0x3  }
0x45d: {  	v38 =	vadd.f32 v46, v45  }
0x45e: {  	s7 =	sld [smem:$0x7F4];
	v49 =	vadd.f32 v48, v47  }
0x45f: {  	[tilespmem:$0x3800] =	vst v38  }
0x460: {  	[tilespmem:$0x3810] =	vst v49  }
0x461: {  	[tilespmem:s20], [sflag:$0x5] =	stream.linear.gather [spmem:s7], $0x20, $0x38;
	[tilespmem:$0x1F900] =	vst v63  }
0x462: {  	_ =	swait.ge [sflag:s19], $0x20  }
0x463: {  	[sflag:s19] =	ssyncset.done $0x0  }
0x464: {  	[sflag:s19] =	ssyncadd.s32 $0xFFFFFFE0  }
0x465: {  	v50 =	vld [tilespmem:$0x3800]  }
0x466: {  	v51 =	vld [tilespmem:$0x3880]  }
0x467: {  	v52 =	vld [tilespmem:$0x3810]  }
0x468: {  	v53 =	vld [tilespmem:$0x3890];
	_ =	sdelay $0x3  }
0x469: {  	v38 =	vadd.f32 v51, v50  }
0x46a: {  	s9 =	sld [smem:$0x7F5];
	v54 =	vadd.f32 v53, v52  }
0x46b: {  	[tilespmem:$0x3800] =	vst v38  }
0x46c: {  	[tilespmem:$0x3810] =	vst v54  }
0x46d: {  	[tilespmem:s20], [sflag:$0x5] =	stream.linear.gather [spmem:s9], $0x20, $0x38;
	[tilespmem:$0x1F900] =	vst v63  }
0x46e: {  	_ =	swait.ge [sflag:s19], $0x20  }
0x46f: {  	[sflag:s19] =	ssyncset.done $0x0  }
0x470: {  	[sflag:s19] =	ssyncadd.s32 $0xFFFFFFE0  }
0x471: {  	v55 =	vld [tilespmem:$0x3800]  }
0x472: {  	v56 =	vld [tilespmem:$0x3880]  }
0x473: {  	v57 =	vld [tilespmem:$0x3810]  }
0x474: {  	v58 =	vld [tilespmem:$0x3890];
	_ =	sdelay $0x3  }
0x475: {  	v38 =	vadd.f32 v56, v55  }
0x476: {  	s10 =	sld [smem:$0x7F6];
	v59 =	vadd.f32 v58, v57  }
0x477: {  	[tilespmem:$0x3800] =	vst v38  }
0x478: {  	[tilespmem:$0x3810] =	vst v59  }
0x479: {  	[tilespmem:s20], [sflag:$0x5] =	stream.linear.gather [spmem:s10], $0x20, $0x38;
	[tilespmem:$0x1F900] =	vst v63  }
0x47a: {  	_ =	swait.ge [sflag:s19], $0x20  }
0x47b: {  	[sflag:s19] =	ssyncset.done $0x0  }
0x47c: {  	[sflag:s19] =	ssyncadd.s32 $0xFFFFFFE0  }
0x47d: {  	v60 =	vld [tilespmem:$0x3800]  }
0x47e: {  	v61 =	vld [tilespmem:$0x3880]  }
0x47f: {  	v62 =	vld [tilespmem:$0x3810]  }
0x480: {  	v63 =	vld [tilespmem:$0x3890];
	_ =	sdelay $0x3  }
0x481: {  	v38 =	vadd.f32 v61, v60  }
0x482: {  	s21 =	sld [smem:$0x7F7];
	v43 =	vadd.f32 v63, v62  }
0x483: {  	[tilespmem:$0x3800] =	vst v38  }
0x484: {  	[tilespmem:$0x3810] =	vst v43  }
0x485: {  	[tilespmem:s20], [sflag:$0x5] =	stream.linear.gather [spmem:s21], $0x20, $0x38;
	[tilespmem:$0x1F900] =	vst v63  }
0x486: {  	_ =	swait.ge [sflag:s19], $0x20  }
0x487: {  	[sflag:s19] =	ssyncset.done $0x0  }
0x488: {  	[sflag:s19] =	ssyncadd.s32 $0xFFFFFFE0  }
0x489: {  	v44 =	vld [tilespmem:$0x3800]  }
0x48a: {  	v45 =	vld [tilespmem:$0x3880]  }
0x48b: {  	v46 =	vld [tilespmem:$0x3810]  }
0x48c: {  	v47 =	vld [tilespmem:$0x3890];
	_ =	sdelay $0x3  }
0x48d: {  	v38 =	vadd.f32 v45, v44  }
0x48e: {  	s5 =	sld [smem:$0x7F8];
	v48 =	vadd.f32 v47, v46  }
0x48f: {  	[tilespmem:$0x3800] =	vst v38  }
0x490: {  	[tilespmem:$0x3810] =	vst v48  }
0x491: {  	[tilespmem:s20], [sflag:$0x5] =	stream.linear.gather [spmem:s5], $0x20, $0x38;
	[tilespmem:$0x1F900] =	vst v63  }
0x492: {  	_ =	swait.ge [sflag:s19], $0x20  }
0x493: {  	[sflag:s19] =	ssyncset.done $0x0  }
0x494: {  	[sflag:s19] =	ssyncadd.s32 $0xFFFFFFE0  }
0x495: {  	v49 =	vld [tilespmem:$0x3800]  }
0x496: {  	v50 =	vld [tilespmem:$0x3880]  }
0x497: {  	v51 =	vld [tilespmem:$0x3810]  }
0x498: {  	v52 =	vld [tilespmem:$0x3890];
	_ =	sdelay $0x3  }
0x499: {  	v38 =	vadd.f32 v50, v49  }
0x49a: {  	s6 =	sld [smem:$0x7F9];
	v53 =	vadd.f32 v52, v51  }
0x49b: {  	[tilespmem:$0x3800] =	vst v38  }
0x49c: {  	[tilespmem:$0x3810] =	vst v53  }
0x49d: {  	[tilespmem:s20], [sflag:$0x5] =	stream.linear.gather [spmem:s6], $0x20, $0x38;
	[tilespmem:$0x1F900] =	vst v63  }
0x49e: {  	_ =	swait.ge [sflag:s19], $0x20  }
0x49f: {  	[sflag:s19] =	ssyncset.done $0x0  }
0x4a0: {  	[sflag:s19] =	ssyncadd.s32 $0xFFFFFFE0  }
0x4a1: {  	v54 =	vld [tilespmem:$0x3800]  }
0x4a2: {  	v55 =	vld [tilespmem:$0x3880]  }
0x4a3: {  	v56 =	vld [tilespmem:$0x3810]  }
0x4a4: {  	v57 =	vld [tilespmem:$0x3890];
	_ =	sdelay $0x3  }
0x4a5: {  	v38 =	vadd.f32 v55, v54  }
0x4a6: {  	s7 =	sld [smem:$0x7FA];
	v58 =	vadd.f32 v57, v56  }
0x4a7: {  	[tilespmem:$0x3800] =	vst v38  }
0x4a8: {  	[tilespmem:$0x3810] =	vst v58  }
0x4a9: {  	[tilespmem:s20], [sflag:$0x5] =	stream.linear.gather [spmem:s7], $0x20, $0x38;
	[tilespmem:$0x1F900] =	vst v63  }
0x4aa: {  	_ =	swait.ge [sflag:s19], $0x20  }
0x4ab: {  	[sflag:s19] =	ssyncset.done $0x0  }
0x4ac: {  	[sflag:s19] =	ssyncadd.s32 $0xFFFFFFE0  }
0x4ad: {  	v59 =	vld [tilespmem:$0x3800]  }
0x4ae: {  	v60 =	vld [tilespmem:$0x3880]  }
0x4af: {  	v61 =	vld [tilespmem:$0x3810]  }
0x4b0: {  	v62 =	vld [tilespmem:$0x3890];
	_ =	sdelay $0x3  }
0x4b1: {  	v38 =	vadd.f32 v60, v59  }
0x4b2: {  	s9 =	sld [smem:$0x7FB];
	v63 =	vadd.f32 v62, v61  }
0x4b3: {  	[tilespmem:$0x3800] =	vst v38  }
0x4b4: {  	s10 =	simm.s32 $0x3800;
	[tilespmem:$0x3810] =	vst v63  }
0x4b5: {  	[spmem:s9] =	stream.linear.scatter [tilespmem:s10], [sflag:$0x5], $0x20, $0x38;
	[tilespmem:$0x1F900] =	vst v63  }
0x4b6: {  	_ =	swait.ge [sflag:s19], $0x20  }
0x4b7: {  	[sflag:s19] =	ssyncset.done $0x0  }
0x4b8: {  	[sflag:s19] =	ssyncadd.s32 $0xFFFFFFE0  }
0x4b9: {  	[bflag:$0x0] =	sbarrier.arrive $0xFFFF  }
0x4ba: {  	[tilespmem:s30], [sflag:$0x5] =	stream.linear.gather [spmem:s17], $0x200, $0x38;
	[tilespmem:$0x1F900] =	vst v63  }
0x4bb: {  	_ =	swait.ge [sflag:s19], $0x200  }
0x4bc: {  	[sflag:s19] =	ssyncset.done $0x0  }
0x4bd: {  	[sflag:s19] =	ssyncadd.s32 $0xFFFFFE00  }
0x4be: {  	[bflag:$0x0] =	sbarrier.arrive $0xFFFF  }
0x4bf: {  	_ =	swait.ge [sflag:s22], $0x7D00  }
.Ltmp21:
0x4c0: {  	[sflag:s22] =	ssyncset.done $0x0;
	(pc) =	sbr.rel .LBB2_40-.Ltmp21, $4  }
0x4c1: {  	s21 =	simm.s32 $0x2A00;
	s10 =	simm.s32 $0x0;
	[sflag:s22] =	ssyncadd.s32 $0xFFFF8300  }
0x4c2: {  	[tilespmem:s21], [sflag:$0x1] =	stream.linear.gather [hbm4b:s2+s10], $0x320, $0x38;
	[tilespmem:$0x1F900] =	vst v63  }
0x4c3: {  	_ = 	snop  }
0x4c4: {  	[tilespmem:s16], [sflag:$0x2] =	stream.linear.gather [hbm4b:s3+s10], $0x320, $0x38;
	[tilespmem:$0x1F900] =	vst v63  }
.LBB2_48:
0x4c5: {  	p0 =	sne.s32 s10, $0x28  }
.Ltmp22:
0x4c6: {  	_ = 	snop;
	(pc) =	sbr.rel @!p0 .LBB2_49-.Ltmp22, $1  }
0x4c7: {  	_ =	sdelay $0x3  }
.LBB2_40:
0x4c8: {  	s5 =	sand.u32 $0x1, s10  }
0x4c9: {  	s4 =	smov.u32 s10;
	s10 =	sadd.s32 $0x1, s10;
	p0 =	seq.s32 s5, $0x1  }
0x4ca: {  	s6 =	smul.u32 @!p0 $0x64, s10  }
0x4cb: {  	p1 =	seq.s32 s4, $0x27;
	s9 =	simm.s32 @!p0 $0x0  }
0x4cc: {  	s21 =	simm.s32 @!p0 $0x2D80;
	p1 =	por !p0, p1;
	s7 =	sadd.s32 @!p0 s2, s6  }
0x4cd: {  	[tilespmem:s21], [sflag:$0x3] =	stream.linear.gather @!p0 [hbm4b:s7+s9], $0x320, $0x38;
	[tilespmem:$0x1F900] =	vst v63  }
0x4ce: {  	s4 =	sadd.s32 @!p0 s3, s6;
	s6 =	simm.s32 @!p0 $0x3480;
	s7 =	smul.u32 @!p1 $0x64, s10  }
0x4cf: {  	[tilespmem:s6], [sflag:$0x4] =	stream.linear.gather @!p0 [hbm4b:s4+s9], $0x320, $0x38;
	[tilespmem:$0x1F900] =	vst v63  }
0x4d0: {  	s4 =	sadd.s32 @!p1 s2, s7;
	s6 =	simm.s32 @!p1 $0x0;
	s9 =	simm.s32 @!p1 $0x2A00  }
0x4d1: {  	[tilespmem:s9], [sflag:$0x1] =	stream.linear.gather @!p1 [hbm4b:s4+s6], $0x320, $0x38;
	[tilespmem:$0x1F900] =	vst v63  }
0x4d2: {  	s4 =	sadd.s32 @!p1 s3, s7;
	s7 =	simm.s32 @!p1 $0x3100  }
0x4d3: {  	[tilespmem:s7], [sflag:$0x2] =	stream.linear.gather @!p1 [hbm4b:s4+s6], $0x320, $0x38;
	[tilespmem:$0x1F900] =	vst v63  }
0x4d4: {  	p1 =	sne.s32 s5, $0x0  }
.Ltmp23:
0x4d5: {  	_ = 	snop;
	(pc) =	sbr.rel @p1 .LBB2_44-.Ltmp23, $1  }
0x4d6: {  	_ =	sdelay $0x3  }
0x4d7: {  	_ =	swait.ge [sflag:s22], $0x320  }
0x4d8: {  	[sflag:s22] =	ssyncset.done $0x0  }
0x4d9: {  	[sflag:s22] =	ssyncadd.s32 $0xFFFFFCE0  }
0x4da: {  	_ =	swait.ge [sflag:s23], $0x320  }
0x4db: {  	[sflag:s23] =	ssyncset.done $0x0  }
0x4dc: {  	s4 =	simm.s32 $0x0;
	[sflag:s23] =	ssyncadd.s32 $0xFFFFFCE0  }
0x4dd: {  	v38 =	vld [tilespmem:s4+$0x2A00];
	_ =	sdelay $0x4  }
0x4de: {  	v39 =	vadd.s32 $0x1F40, v38  }
0x4df: {  	v40 =	vadd.s32 $0x3E80, v38  }
0x4e0: {  	v41 =	vadd.s32 $0x5DC0, v38  }
0x4e1: {  	v42 =	vld.idx.msk [tilespmem:v38+s29+$0x0], $0xffff  }
0x4e2: {  	v38 =	vld.idx.msk [tilespmem:v38+s11+$0x0], $0xffff  }
0x4e3: {  	v43 =	vld.idx.msk [tilespmem:v39+s11+$0x0], $0xffff  }
0x4e4: {  	v44 =	vld.idx.msk [tilespmem:v40+s11+$0x0], $0xffff  }
0x4e5: {  	v45 =	vld.idx.msk [tilespmem:v41+s11+$0x0], $0xffff  }
0x4e6: {  	v39 =	vld.idx.msk [tilespmem:v39+s29+$0x0], $0xffff  }
0x4e7: {  	v46 =	vld [tilespmem:s4+$0x3100];
	v47 =	vmul.f32 v42, v38  }
0x4e8: {  	v41 =	vld.idx.msk [tilespmem:v41+s29+$0x0], $0xffff;
	v48 =	vmul.f32 v42, v43  }
0x4e9: {  	v40 =	vld.idx.msk [tilespmem:v40+s29+$0x0], $0xffff;
	[tilespmem:v1+s24+$0x0] =	vst.idx.msk $0xffff, v47;
	v61 =	vmul.f32 v42, v44  }
0x4ea: {  	v42 =	vmul.f32 v42, v45;
	[tilespmem:v4+s24+$0x0] =	vst.idx.msk $0xffff, v48  }
0x4eb: {  	v62 =	vmul.f32 v39, v38;
	[tilespmem:v5+s24+$0x0] =	vst.idx.msk $0xffff, v61  }
0x4ec: {  	v63 =	vmul.f32 v39, v43;
	[tilespmem:v6+s24+$0x0] =	vst.idx.msk $0xffff, v42  }
0x4ed: {  	v51 =	vmul.f32 v39, v44;
	[tilespmem:v7+s24+$0x0] =	vst.idx.msk $0xffff, v62  }
0x4ee: {  	v39 =	vmul.f32 v39, v45;
	[tilespmem:v8+s24+$0x0] =	vst.idx.msk $0xffff, v63  }
0x4ef: {  	v52 =	vmul.f32 v40, v38;
	[tilespmem:v9+s24+$0x0] =	vst.idx.msk $0xffff, v51  }
0x4f0: {  	v53 =	vmul.f32 v40, v43;
	[tilespmem:v10+s24+$0x0] =	vst.idx.msk $0xffff, v39  }
0x4f1: {  	v54 =	vmul.f32 v40, v44;
	[tilespmem:v11+s24+$0x0] =	vst.idx.msk $0xffff, v52  }
0x4f2: {  	v40 =	vmul.f32 v40, v45;
	[tilespmem:v12+s24+$0x0] =	vst.idx.msk $0xffff, v53  }
0x4f3: {  	v38 =	vmul.f32 v41, v38;
	[tilespmem:v13+s24+$0x0] =	vst.idx.msk $0xffff, v54  }
0x4f4: {  	v55 =	vmul.f32 v41, v43;
	[tilespmem:v14+s24+$0x0] =	vst.idx.msk $0xffff, v40  }
0x4f5: {  	v56 =	vmul.f32 v41, v44;
	[tilespmem:v15+s24+$0x0] =	vst.idx.msk $0xffff, v38  }
0x4f6: {  	v57 =	vmul.f32 v41, v45;
	[tilespmem:v16+s24+$0x0] =	vst.idx.msk $0xffff, v55  }
0x4f7: {  	[tilespmem:v17+s24+$0x0] =	vst.idx.msk $0xffff, v56  }
0x4f8: {  	[tilespmem:v18+s24+$0x0] =	vst.idx.msk $0xffff, v57  }
0x4f9: {  	v43 =	vshll.u32 v46, $0x4;
	v38 =	vld.idx.msk [tilespmem:v20+s24+$0x0], $0xffff  }
0x4fa: {  	v58 =	vbroadcast v43, $0x0;
	v40 =	vld.idx.msk [tilespmem:v19+s24+$0x0], $0xffff  }
0x4fb: {  	v59 =	vbroadcast v43, $0x1;
	v42 =	vld.idx.msk [tilespmem:v0+s24+$0x0], $0xffff  }
0x4fc: {  	v60 =	vbroadcast v43, $0x2;
	v39 =	vor.u32 v0, v58;
	v61 =	vld.idx.msk [tilespmem:v21+s24+$0x0], $0xffff  }
0x4fd: {  	v46 =	vbroadcast v43, $0x3;
	v41 =	vor.u32 v0, v59;
	v47 =	vld.idx.msk [tilespmem:v22+s24+$0x0], $0xffff  }
0x4fe: {  	v44 =	vor.u32 v0, v60;
	v62 =	vbroadcast v43, $0x4;
	v49 =	vld.idx.msk [tilespmem:v23+s24+$0x0], $0xffff  }
0x4ff: {  	v50 =	vbroadcast v43, $0x5;
	v46 =	vor.u32 v0, v46;
	v51 =	vld.idx.msk [tilespmem:v24+s24+$0x0], $0xffff  }
0x500: {  	v48 =	vor.u32 v0, v62;
	v52 =	vbroadcast v43, $0x6;
	v53 =	vld.idx.msk [tilespmem:v25+s24+$0x0], $0xffff  }
0x501: {  	v63 =	vor.u32 v0, v50;
	v54 =	vbroadcast v43, $0x7;
	[tilespmem:v39+s31+$0x0] =	vst.idx.add.f32.msk $0xffff, v42  }
0x502: {  	v50 =	vor.u32 v0, v52;
	[tilespmem:v41+s31+$0x0] =	vst.idx.add.f32.msk $0xffff, v40  }
0x503: {  	v52 =	vor.u32 v0, v54;
	[tilespmem:v44+s31+$0x0] =	vst.idx.add.f32.msk $0xffff, v38  }
0x504: {  	[tilespmem:v46+s31+$0x0] =	vst.idx.add.f32.msk $0xffff, v61  }
0x505: {  	[tilespmem:v48+s31+$0x0] =	vst.idx.add.f32.msk $0xffff, v47  }
0x506: {  	[tilespmem:v63+s31+$0x0] =	vst.idx.add.f32.msk $0xffff, v49  }
0x507: {  	[tilespmem:v50+s31+$0x0] =	vst.idx.add.f32.msk $0xffff, v51  }
0x508: {  	[tilespmem:v52+s31+$0x0] =	vst.idx.add.f32.msk $0xffff, v53  }
0x509: {  	v48 =	vld.idx.msk [tilespmem:v28+s24+$0x0], $0xffff  }
0x50a: {  	v54 =	vbroadcast v43, $0x8;
	v46 =	vld.idx.msk [tilespmem:v27+s24+$0x0], $0xffff  }
0x50b: {  	v44 =	vld.idx.msk [tilespmem:v26+s24+$0x0], $0xffff  }
0x50c: {  	v55 =	vbroadcast v43, $0x9;
	v45 =	vor.u32 v0, v54;
	v38 =	vld.idx.msk [tilespmem:v29+s24+$0x0], $0xffff  }
0x50d: {  	v56 =	vbroadcast v43, $0xA;
	v39 =	vld.idx.msk [tilespmem:v30+s24+$0x0], $0xffff  }
0x50e: {  	v59 =	vbroadcast v43, $0xB;
	v57 =	vor.u32 v0, v55;
	v41 =	vld.idx.msk [tilespmem:v31+s24+$0x0], $0xffff  }
0x50f: {  	v60 =	vbroadcast v43, $0xC;
	v62 =	vbroadcast v43, $0xE;
	v58 =	vor.u32 v0, v56;
	v40 =	vld.idx.msk [tilespmem:v33+s24+$0x0], $0xffff  }
0x510: {  	v61 =	vbroadcast v43, $0xD;
	v63 =	vbroadcast v43, $0xF;
	v43 =	vor.u32 v0, v59;
	v42 =	vld.idx.msk [tilespmem:v32+s24+$0x0], $0xffff  }
0x511: {  	[tilespmem:v45+s31+$0x0] =	vst.idx.add.f32.msk $0xffff, v44;
	v44 =	vor.u32 v0, v60  }
0x512: {  	v45 =	vor.u32 v0, v61  }
0x513: {  	[tilespmem:v57+s31+$0x0] =	vst.idx.add.f32.msk $0xffff, v46;
	v46 =	vor.u32 v0, v62  }
0x514: {  	s4 =	simm.s32 $0x40;
	v47 =	vor.u32 v0, v63;
	[tilespmem:v58+s31+$0x0] =	vst.idx.add.f32.msk $0xffff, v48  }
.LBB2_42:
0x515: {  	p1 =	sne.s32 s4, $0xC40;
	[tilespmem:v43+s31+$0x0] =	vst.idx.add.f32.msk $0xffff, v38;
	s5 =	smov.u32 s4;
	s4 =	sadd.s32 $0x40, s4  }
0x516: {  	[tilespmem:v44+s31+$0x0] =	vst.idx.add.f32.msk $0xffff, v39  }
0x517: {  	[tilespmem:v45+s31+$0x0] =	vst.idx.add.f32.msk $0xffff, v41  }
0x518: {  	[tilespmem:v46+s31+$0x0] =	vst.idx.add.f32.msk $0xffff, v42  }
0x519: {  	s5 =	sshra.s32 s5, $0x2;
	[tilespmem:v47+s31+$0x0] =	vst.idx.add.f32.msk $0xffff, v40  }
0x51a: {  	v38 =	vld [tilespmem:s5+$0x2A00];
	_ =	sdelay $0x4  }
0x51b: {  	v39 =	vadd.s32 $0x1F40, v38;
	v40 =	vadd.s32 $0x3E80, v38;
	v41 =	vadd.s32 $0x5DC0, v38;
	_ =	sdelay $0x2  }
0x51c: {  	v42 =	vld.idx.msk [tilespmem:v38+s29+$0x0], $0xffff  }
0x51d: {  	v38 =	vld.idx.msk [tilespmem:v38+s11+$0x0], $0xffff  }
0x51e: {  	v43 =	vld.idx.msk [tilespmem:v39+s11+$0x0], $0xffff  }
0x51f: {  	v44 =	vld.idx.msk [tilespmem:v40+s11+$0x0], $0xffff  }
0x520: {  	v45 =	vld.idx.msk [tilespmem:v41+s11+$0x0], $0xffff  }
0x521: {  	v39 =	vld.idx.msk [tilespmem:v39+s29+$0x0], $0xffff  }
0x522: {  	v46 =	vld [tilespmem:s5+$0x3100]  }
0x523: {  	v47 =	vmul.f32 v42, v38;
	v41 =	vld.idx.msk [tilespmem:v41+s29+$0x0], $0xffff  }
0x524: {  	v48 =	vmul.f32 v42, v43;
	v40 =	vld.idx.msk [tilespmem:v40+s29+$0x0], $0xffff  }
0x525: {  	[tilespmem:v1+s24+$0x0] =	vst.idx.msk $0xffff, v47;
	v47 =	vmul.f32 v42, v44  }
0x526: {  	v42 =	vmul.f32 v42, v45;
	[tilespmem:v4+s24+$0x0] =	vst.idx.msk $0xffff, v48  }
0x527: {  	v48 =	vmul.f32 v39, v43;
	v46 =	vshll.u32 v46, $0x4;
	[tilespmem:v5+s24+$0x0] =	vst.idx.msk $0xffff, v47;
	v47 =	vmul.f32 v39, v38  }
0x528: {  	[tilespmem:v6+s24+$0x0] =	vst.idx.msk $0xffff, v42;
	v42 =	vmul.f32 v39, v44;
	v39 =	vmul.f32 v39, v45  }
0x529: {  	v49 =	vmul.f32 v41, v43;
	[tilespmem:v7+s24+$0x0] =	vst.idx.msk $0xffff, v47;
	v47 =	vmul.f32 v41, v38  }
0x52a: {  	v38 =	vmul.f32 v40, v38;
	v43 =	vmul.f32 v40, v43;
	[tilespmem:v8+s24+$0x0] =	vst.idx.msk $0xffff, v48  }
0x52b: {  	[tilespmem:v9+s24+$0x0] =	vst.idx.msk $0xffff, v42;
	v42 =	vmul.f32 v40, v44;
	v40 =	vmul.f32 v40, v45  }
0x52c: {  	[tilespmem:v10+s24+$0x0] =	vst.idx.msk $0xffff, v39;
	v39 =	vmul.f32 v41, v44;
	v41 =	vmul.f32 v41, v45  }
0x52d: {  	v44 =	vbroadcast v46, $0x1;
	[tilespmem:v11+s24+$0x0] =	vst.idx.msk $0xffff, v38;
	v38 =	vbroadcast v46, $0x0  }
0x52e: {  	v45 =	vbroadcast v46, $0x3;
	[tilespmem:v12+s24+$0x0] =	vst.idx.msk $0xffff, v43;
	v43 =	vbroadcast v46, $0x2  }
0x52f: {  	v48 =	vbroadcast v46, $0x5;
	[tilespmem:v13+s24+$0x0] =	vst.idx.msk $0xffff, v42;
	v42 =	vbroadcast v46, $0x4  }
0x530: {  	v50 =	vbroadcast v46, $0x7;
	[tilespmem:v14+s24+$0x0] =	vst.idx.msk $0xffff, v40;
	v40 =	vbroadcast v46, $0x6  }
0x531: {  	v51 =	vbroadcast v46, $0x9;
	[tilespmem:v15+s24+$0x0] =	vst.idx.msk $0xffff, v47;
	v47 =	vbroadcast v46, $0x8  }
0x532: {  	v52 =	vbroadcast v46, $0xB;
	[tilespmem:v16+s24+$0x0] =	vst.idx.msk $0xffff, v49;
	v49 =	vbroadcast v46, $0xA  }
0x533: {  	v53 =	vbroadcast v46, $0xC;
	v54 =	vbroadcast v46, $0xD;
	[tilespmem:v17+s24+$0x0] =	vst.idx.msk $0xffff, v39  }
0x534: {  	v55 =	vbroadcast v46, $0xE;
	v56 =	vbroadcast v46, $0xF;
	[tilespmem:v18+s24+$0x0] =	vst.idx.msk $0xffff, v41  }
0x535: {  	v39 =	vld.idx.msk [tilespmem:v20+s24+$0x0], $0xffff  }
0x536: {  	v41 =	vld.idx.msk [tilespmem:v19+s24+$0x0], $0xffff  }
0x537: {  	v46 =	vld.idx.msk [tilespmem:v0+s24+$0x0], $0xffff  }
0x538: {  	v38 =	vor.u32 v0, v38;
	v57 =	vld.idx.msk [tilespmem:v21+s24+$0x0], $0xffff  }
0x539: {  	v44 =	vor.u32 v0, v44;
	v58 =	vld.idx.msk [tilespmem:v22+s24+$0x0], $0xffff  }
0x53a: {  	v43 =	vor.u32 v0, v43;
	v59 =	vld.idx.msk [tilespmem:v23+s24+$0x0], $0xffff  }
0x53b: {  	v45 =	vor.u32 v0, v45;
	v60 =	vld.idx.msk [tilespmem:v24+s24+$0x0], $0xffff  }
0x53c: {  	v42 =	vor.u32 v0, v42;
	v61 =	vld.idx.msk [tilespmem:v25+s24+$0x0], $0xffff  }
0x53d: {  	[tilespmem:v38+s31+$0x0] =	vst.idx.add.f32.msk $0xffff, v46;
	v38 =	vor.u32 v0, v48  }
0x53e: {  	v40 =	vor.u32 v0, v40;
	[tilespmem:v44+s31+$0x0] =	vst.idx.add.f32.msk $0xffff, v41  }
0x53f: {  	[tilespmem:v43+s31+$0x0] =	vst.idx.add.f32.msk $0xffff, v39;
	v39 =	vor.u32 v0, v50  }
0x540: {  	[tilespmem:v45+s31+$0x0] =	vst.idx.add.f32.msk $0xffff, v57  }
0x541: {  	[tilespmem:v42+s31+$0x0] =	vst.idx.add.f32.msk $0xffff, v58  }
0x542: {  	[tilespmem:v38+s31+$0x0] =	vst.idx.add.f32.msk $0xffff, v59  }
0x543: {  	[tilespmem:v40+s31+$0x0] =	vst.idx.add.f32.msk $0xffff, v60  }
0x544: {  	[tilespmem:v39+s31+$0x0] =	vst.idx.add.f32.msk $0xffff, v61  }
0x545: {  	v48 =	vld.idx.msk [tilespmem:v28+s24+$0x0], $0xffff  }
0x546: {  	v50 =	vld.idx.msk [tilespmem:v27+s24+$0x0], $0xffff  }
0x547: {  	v47 =	vor.u32 v0, v47;
	v46 =	vld.idx.msk [tilespmem:v26+s24+$0x0], $0xffff  }
0x548: {  	v51 =	vor.u32 v0, v51;
	v38 =	vld.idx.msk [tilespmem:v29+s24+$0x0], $0xffff  }
0x549: {  	v49 =	vor.u32 v0, v49;
	v39 =	vld.idx.msk [tilespmem:v30+s24+$0x0], $0xffff  }
0x54a: {  	v43 =	vor.u32 v0, v52;
	v41 =	vld.idx.msk [tilespmem:v31+s24+$0x0], $0xffff  }
.Ltmp24:
0x54b: {  	v44 =	vor.u32 v0, v53;
	v40 =	vld.idx.msk [tilespmem:v33+s24+$0x0], $0xffff;
	(pc) =	sbr.rel @p1 .LBB2_42-.Ltmp24, $4  }
0x54c: {  	v45 =	vor.u32 v0, v54;
	v42 =	vld.idx.msk [tilespmem:v32+s24+$0x0], $0xffff  }
0x54d: {  	[tilespmem:v47+s31+$0x0] =	vst.idx.add.f32.msk $0xffff, v46;
	v46 =	vor.u32 v0, v55  }
0x54e: {  	v47 =	vor.u32 v0, v56;
	[tilespmem:v51+s31+$0x0] =	vst.idx.add.f32.msk $0xffff, v50  }
0x54f: {  	[tilespmem:v49+s31+$0x0] =	vst.idx.add.f32.msk $0xffff, v48  }
0x550: {  	_ =	sdelay $0x3  }
0x551: {  	[tilespmem:v43+s31+$0x0] =	vst.idx.add.f32.msk $0xffff, v38  }
0x552: {  	[tilespmem:v44+s31+$0x0] =	vst.idx.add.f32.msk $0xffff, v39  }
0x553: {  	[tilespmem:v45+s31+$0x0] =	vst.idx.add.f32.msk $0xffff, v41  }
0x554: {  	[tilespmem:v46+s31+$0x0] =	vst.idx.add.f32.msk $0xffff, v42  }
0x555: {  	[tilespmem:v47+s31+$0x0] =	vst.idx.add.f32.msk $0xffff, v40  }
.LBB2_44:
.Ltmp25:
0x556: {  	(pc) =	sbr.rel @!p0 .LBB2_48-.Ltmp25, $1  }
0x557: {  	_ =	sdelay $0x3  }
0x558: {  	_ =	swait.ge [sflag:s26], $0x320  }
0x559: {  	[sflag:s26] =	ssyncset.done $0x0  }
0x55a: {  	[sflag:s26] =	ssyncadd.s32 $0xFFFFFCE0  }
0x55b: {  	_ =	swait.ge [sflag:s28], $0x320  }
0x55c: {  	[sflag:s28] =	ssyncset.done $0x0  }
0x55d: {  	s4 =	simm.s32 $0x0;
	[sflag:s28] =	ssyncadd.s32 $0xFFFFFCE0  }
0x55e: {  	v38 =	vld [tilespmem:s4+$0x2D80];
	_ =	sdelay $0x4  }
0x55f: {  	v39 =	vadd.s32 $0x1F40, v38  }
0x560: {  	v40 =	vadd.s32 $0x3E80, v38  }
0x561: {  	v41 =	vadd.s32 $0x5DC0, v38  }
0x562: {  	v42 =	vld.idx.msk [tilespmem:v38+s29+$0x0], $0xffff  }
0x563: {  	v38 =	vld.idx.msk [tilespmem:v38+s11+$0x0], $0xffff  }
0x564: {  	v43 =	vld.idx.msk [tilespmem:v39+s11+$0x0], $0xffff  }
0x565: {  	v44 =	vld.idx.msk [tilespmem:v40+s11+$0x0], $0xffff  }
0x566: {  	v45 =	vld.idx.msk [tilespmem:v41+s11+$0x0], $0xffff  }
0x567: {  	v39 =	vld.idx.msk [tilespmem:v39+s29+$0x0], $0xffff  }
0x568: {  	v46 =	vld [tilespmem:s4+$0x3480];
	v47 =	vmul.f32 v42, v38  }
0x569: {  	v41 =	vld.idx.msk [tilespmem:v41+s29+$0x0], $0xffff;
	v48 =	vmul.f32 v42, v43  }
0x56a: {  	v40 =	vld.idx.msk [tilespmem:v40+s29+$0x0], $0xffff;
	[tilespmem:v1+s24+$0x0] =	vst.idx.msk $0xffff, v47;
	v61 =	vmul.f32 v42, v44  }
0x56b: {  	v42 =	vmul.f32 v42, v45;
	[tilespmem:v4+s24+$0x0] =	vst.idx.msk $0xffff, v48  }
0x56c: {  	v62 =	vmul.f32 v39, v38;
	[tilespmem:v5+s24+$0x0] =	vst.idx.msk $0xffff, v61  }
0x56d: {  	v63 =	vmul.f32 v39, v43;
	[tilespmem:v6+s24+$0x0] =	vst.idx.msk $0xffff, v42  }
0x56e: {  	v51 =	vmul.f32 v39, v44;
	[tilespmem:v7+s24+$0x0] =	vst.idx.msk $0xffff, v62  }
0x56f: {  	v39 =	vmul.f32 v39, v45;
	[tilespmem:v8+s24+$0x0] =	vst.idx.msk $0xffff, v63  }
0x570: {  	v52 =	vmul.f32 v40, v38;
	[tilespmem:v9+s24+$0x0] =	vst.idx.msk $0xffff, v51  }
0x571: {  	v53 =	vmul.f32 v40, v43;
	[tilespmem:v10+s24+$0x0] =	vst.idx.msk $0xffff, v39  }
0x572: {  	v54 =	vmul.f32 v40, v44;
	[tilespmem:v11+s24+$0x0] =	vst.idx.msk $0xffff, v52  }
0x573: {  	v40 =	vmul.f32 v40, v45;
	[tilespmem:v12+s24+$0x0] =	vst.idx.msk $0xffff, v53  }
0x574: {  	v38 =	vmul.f32 v41, v38;
	[tilespmem:v13+s24+$0x0] =	vst.idx.msk $0xffff, v54  }
0x575: {  	v55 =	vmul.f32 v41, v43;
	[tilespmem:v14+s24+$0x0] =	vst.idx.msk $0xffff, v40  }
0x576: {  	v56 =	vmul.f32 v41, v44;
	[tilespmem:v15+s24+$0x0] =	vst.idx.msk $0xffff, v38  }
0x577: {  	v57 =	vmul.f32 v41, v45;
	[tilespmem:v16+s24+$0x0] =	vst.idx.msk $0xffff, v55  }
0x578: {  	[tilespmem:v17+s24+$0x0] =	vst.idx.msk $0xffff, v56  }
0x579: {  	[tilespmem:v18+s24+$0x0] =	vst.idx.msk $0xffff, v57  }
0x57a: {  	v43 =	vshll.u32 v46, $0x4;
	v38 =	vld.idx.msk [tilespmem:v20+s24+$0x0], $0xffff  }
0x57b: {  	v58 =	vbroadcast v43, $0x0;
	v40 =	vld.idx.msk [tilespmem:v19+s24+$0x0], $0xffff  }
0x57c: {  	v59 =	vbroadcast v43, $0x1;
	v42 =	vld.idx.msk [tilespmem:v0+s24+$0x0], $0xffff  }
0x57d: {  	v60 =	vbroadcast v43, $0x2;
	v39 =	vor.u32 v0, v58;
	v61 =	vld.idx.msk [tilespmem:v21+s24+$0x0], $0xffff  }
0x57e: {  	v46 =	vbroadcast v43, $0x3;
	v41 =	vor.u32 v0, v59;
	v47 =	vld.idx.msk [tilespmem:v22+s24+$0x0], $0xffff  }
0x57f: {  	v44 =	vor.u32 v0, v60;
	v62 =	vbroadcast v43, $0x4;
	v49 =	vld.idx.msk [tilespmem:v23+s24+$0x0], $0xffff  }
0x580: {  	v50 =	vbroadcast v43, $0x5;
	v46 =	vor.u32 v0, v46;
	v51 =	vld.idx.msk [tilespmem:v24+s24+$0x0], $0xffff  }
0x581: {  	v48 =	vor.u32 v0, v62;
	v52 =	vbroadcast v43, $0x6;
	v53 =	vld.idx.msk [tilespmem:v25+s24+$0x0], $0xffff  }
0x582: {  	v63 =	vor.u32 v0, v50;
	v54 =	vbroadcast v43, $0x7;
	[tilespmem:v39+s31+$0x0] =	vst.idx.add.f32.msk $0xffff, v42  }
0x583: {  	v50 =	vor.u32 v0, v52;
	[tilespmem:v41+s31+$0x0] =	vst.idx.add.f32.msk $0xffff, v40  }
0x584: {  	v52 =	vor.u32 v0, v54;
	[tilespmem:v44+s31+$0x0] =	vst.idx.add.f32.msk $0xffff, v38  }
0x585: {  	[tilespmem:v46+s31+$0x0] =	vst.idx.add.f32.msk $0xffff, v61  }
0x586: {  	[tilespmem:v48+s31+$0x0] =	vst.idx.add.f32.msk $0xffff, v47  }
0x587: {  	[tilespmem:v63+s31+$0x0] =	vst.idx.add.f32.msk $0xffff, v49  }
0x588: {  	[tilespmem:v50+s31+$0x0] =	vst.idx.add.f32.msk $0xffff, v51  }
0x589: {  	[tilespmem:v52+s31+$0x0] =	vst.idx.add.f32.msk $0xffff, v53  }
0x58a: {  	v48 =	vld.idx.msk [tilespmem:v28+s24+$0x0], $0xffff  }
0x58b: {  	v54 =	vbroadcast v43, $0x8;
	v46 =	vld.idx.msk [tilespmem:v27+s24+$0x0], $0xffff  }
0x58c: {  	v44 =	vld.idx.msk [tilespmem:v26+s24+$0x0], $0xffff  }
0x58d: {  	v55 =	vbroadcast v43, $0x9;
	v45 =	vor.u32 v0, v54;
	v38 =	vld.idx.msk [tilespmem:v29+s24+$0x0], $0xffff  }
0x58e: {  	v56 =	vbroadcast v43, $0xA;
	v39 =	vld.idx.msk [tilespmem:v30+s24+$0x0], $0xffff  }
0x58f: {  	v59 =	vbroadcast v43, $0xB;
	v57 =	vor.u32 v0, v55;
	v41 =	vld.idx.msk [tilespmem:v31+s24+$0x0], $0xffff  }
0x590: {  	v60 =	vbroadcast v43, $0xC;
	v62 =	vbroadcast v43, $0xE;
	v58 =	vor.u32 v0, v56;
	v40 =	vld.idx.msk [tilespmem:v33+s24+$0x0], $0xffff  }
0x591: {  	v61 =	vbroadcast v43, $0xD;
	v63 =	vbroadcast v43, $0xF;
	v43 =	vor.u32 v0, v59;
	v42 =	vld.idx.msk [tilespmem:v32+s24+$0x0], $0xffff  }
0x592: {  	[tilespmem:v45+s31+$0x0] =	vst.idx.add.f32.msk $0xffff, v44;
	v44 =	vor.u32 v0, v60  }
0x593: {  	v45 =	vor.u32 v0, v61  }
0x594: {  	[tilespmem:v57+s31+$0x0] =	vst.idx.add.f32.msk $0xffff, v46;
	v46 =	vor.u32 v0, v62  }
0x595: {  	s4 =	simm.s32 $0x40;
	v47 =	vor.u32 v0, v63;
	[tilespmem:v58+s31+$0x0] =	vst.idx.add.f32.msk $0xffff, v48  }
.LBB2_46:
0x596: {  	p0 =	sne.s32 s4, $0xC40;
	[tilespmem:v43+s31+$0x0] =	vst.idx.add.f32.msk $0xffff, v38;
	s5 =	smov.u32 s4;
	s4 =	sadd.s32 $0x40, s4  }
0x597: {  	[tilespmem:v44+s31+$0x0] =	vst.idx.add.f32.msk $0xffff, v39  }
0x598: {  	[tilespmem:v45+s31+$0x0] =	vst.idx.add.f32.msk $0xffff, v41  }
0x599: {  	[tilespmem:v46+s31+$0x0] =	vst.idx.add.f32.msk $0xffff, v42  }
0x59a: {  	s5 =	sshra.s32 s5, $0x2;
	[tilespmem:v47+s31+$0x0] =	vst.idx.add.f32.msk $0xffff, v40  }
0x59b: {  	v38 =	vld [tilespmem:s5+$0x2D80];
	_ =	sdelay $0x4  }
0x59c: {  	v39 =	vadd.s32 $0x1F40, v38;
	v40 =	vadd.s32 $0x3E80, v38;
	v41 =	vadd.s32 $0x5DC0, v38;
	_ =	sdelay $0x2  }
0x59d: {  	v42 =	vld.idx.msk [tilespmem:v38+s29+$0x0], $0xffff  }
0x59e: {  	v38 =	vld.idx.msk [tilespmem:v38+s11+$0x0], $0xffff  }
0x59f: {  	v43 =	vld.idx.msk [tilespmem:v39+s11+$0x0], $0xffff  }
0x5a0: {  	v44 =	vld.idx.msk [tilespmem:v40+s11+$0x0], $0xffff  }
0x5a1: {  	v45 =	vld.idx.msk [tilespmem:v41+s11+$0x0], $0xffff  }
0x5a2: {  	v39 =	vld.idx.msk [tilespmem:v39+s29+$0x0], $0xffff  }
0x5a3: {  	v46 =	vld [tilespmem:s5+$0x3480]  }
0x5a4: {  	v47 =	vmul.f32 v42, v38;
	v41 =	vld.idx.msk [tilespmem:v41+s29+$0x0], $0xffff  }
0x5a5: {  	v48 =	vmul.f32 v42, v43;
	v40 =	vld.idx.msk [tilespmem:v40+s29+$0x0], $0xffff  }
0x5a6: {  	[tilespmem:v1+s24+$0x0] =	vst.idx.msk $0xffff, v47;
	v47 =	vmul.f32 v42, v44  }
0x5a7: {  	v42 =	vmul.f32 v42, v45;
	[tilespmem:v4+s24+$0x0] =	vst.idx.msk $0xffff, v48  }
0x5a8: {  	v48 =	vmul.f32 v39, v43;
	v46 =	vshll.u32 v46, $0x4;
	[tilespmem:v5+s24+$0x0] =	vst.idx.msk $0xffff, v47;
	v47 =	vmul.f32 v39, v38  }
0x5a9: {  	[tilespmem:v6+s24+$0x0] =	vst.idx.msk $0xffff, v42;
	v42 =	vmul.f32 v39, v44;
	v39 =	vmul.f32 v39, v45  }
0x5aa: {  	v49 =	vmul.f32 v41, v43;
	[tilespmem:v7+s24+$0x0] =	vst.idx.msk $0xffff, v47;
	v47 =	vmul.f32 v41, v38  }
0x5ab: {  	v38 =	vmul.f32 v40, v38;
	v43 =	vmul.f32 v40, v43;
	[tilespmem:v8+s24+$0x0] =	vst.idx.msk $0xffff, v48  }
0x5ac: {  	[tilespmem:v9+s24+$0x0] =	vst.idx.msk $0xffff, v42;
	v42 =	vmul.f32 v40, v44;
	v40 =	vmul.f32 v40, v45  }
0x5ad: {  	[tilespmem:v10+s24+$0x0] =	vst.idx.msk $0xffff, v39;
	v39 =	vmul.f32 v41, v44;
	v41 =	vmul.f32 v41, v45  }
0x5ae: {  	v44 =	vbroadcast v46, $0x1;
	[tilespmem:v11+s24+$0x0] =	vst.idx.msk $0xffff, v38;
	v38 =	vbroadcast v46, $0x0  }
0x5af: {  	v45 =	vbroadcast v46, $0x3;
	[tilespmem:v12+s24+$0x0] =	vst.idx.msk $0xffff, v43;
	v43 =	vbroadcast v46, $0x2  }
0x5b0: {  	v48 =	vbroadcast v46, $0x5;
	[tilespmem:v13+s24+$0x0] =	vst.idx.msk $0xffff, v42;
	v42 =	vbroadcast v46, $0x4  }
0x5b1: {  	v50 =	vbroadcast v46, $0x7;
	[tilespmem:v14+s24+$0x0] =	vst.idx.msk $0xffff, v40;
	v40 =	vbroadcast v46, $0x6  }
0x5b2: {  	v51 =	vbroadcast v46, $0x9;
	[tilespmem:v15+s24+$0x0] =	vst.idx.msk $0xffff, v47;
	v47 =	vbroadcast v46, $0x8  }
0x5b3: {  	v52 =	vbroadcast v46, $0xB;
	[tilespmem:v16+s24+$0x0] =	vst.idx.msk $0xffff, v49;
	v49 =	vbroadcast v46, $0xA  }
0x5b4: {  	v53 =	vbroadcast v46, $0xC;
	v54 =	vbroadcast v46, $0xD;
	[tilespmem:v17+s24+$0x0] =	vst.idx.msk $0xffff, v39  }
0x5b5: {  	v55 =	vbroadcast v46, $0xE;
	v56 =	vbroadcast v46, $0xF;
	[tilespmem:v18+s24+$0x0] =	vst.idx.msk $0xffff, v41  }
0x5b6: {  	v39 =	vld.idx.msk [tilespmem:v20+s24+$0x0], $0xffff  }
0x5b7: {  	v41 =	vld.idx.msk [tilespmem:v19+s24+$0x0], $0xffff  }
0x5b8: {  	v46 =	vld.idx.msk [tilespmem:v0+s24+$0x0], $0xffff  }
0x5b9: {  	v38 =	vor.u32 v0, v38;
	v57 =	vld.idx.msk [tilespmem:v21+s24+$0x0], $0xffff  }
0x5ba: {  	v44 =	vor.u32 v0, v44;
	v58 =	vld.idx.msk [tilespmem:v22+s24+$0x0], $0xffff  }
0x5bb: {  	v43 =	vor.u32 v0, v43;
	v59 =	vld.idx.msk [tilespmem:v23+s24+$0x0], $0xffff  }
0x5bc: {  	v45 =	vor.u32 v0, v45;
	v60 =	vld.idx.msk [tilespmem:v24+s24+$0x0], $0xffff  }
0x5bd: {  	v42 =	vor.u32 v0, v42;
	v61 =	vld.idx.msk [tilespmem:v25+s24+$0x0], $0xffff  }
0x5be: {  	[tilespmem:v38+s31+$0x0] =	vst.idx.add.f32.msk $0xffff, v46;
	v38 =	vor.u32 v0, v48  }
0x5bf: {  	v40 =	vor.u32 v0, v40;
	[tilespmem:v44+s31+$0x0] =	vst.idx.add.f32.msk $0xffff, v41  }
0x5c0: {  	[tilespmem:v43+s31+$0x0] =	vst.idx.add.f32.msk $0xffff, v39;
	v39 =	vor.u32 v0, v50  }
0x5c1: {  	[tilespmem:v45+s31+$0x0] =	vst.idx.add.f32.msk $0xffff, v57  }
0x5c2: {  	[tilespmem:v42+s31+$0x0] =	vst.idx.add.f32.msk $0xffff, v58  }
0x5c3: {  	[tilespmem:v38+s31+$0x0] =	vst.idx.add.f32.msk $0xffff, v59  }
0x5c4: {  	[tilespmem:v40+s31+$0x0] =	vst.idx.add.f32.msk $0xffff, v60  }
0x5c5: {  	[tilespmem:v39+s31+$0x0] =	vst.idx.add.f32.msk $0xffff, v61  }
0x5c6: {  	v48 =	vld.idx.msk [tilespmem:v28+s24+$0x0], $0xffff  }
0x5c7: {  	v50 =	vld.idx.msk [tilespmem:v27+s24+$0x0], $0xffff  }
0x5c8: {  	v47 =	vor.u32 v0, v47;
	v46 =	vld.idx.msk [tilespmem:v26+s24+$0x0], $0xffff  }
0x5c9: {  	v51 =	vor.u32 v0, v51;
	v38 =	vld.idx.msk [tilespmem:v29+s24+$0x0], $0xffff  }
0x5ca: {  	v49 =	vor.u32 v0, v49;
	v39 =	vld.idx.msk [tilespmem:v30+s24+$0x0], $0xffff  }
0x5cb: {  	v43 =	vor.u32 v0, v52;
	v41 =	vld.idx.msk [tilespmem:v31+s24+$0x0], $0xffff  }
.Ltmp26:
0x5cc: {  	v44 =	vor.u32 v0, v53;
	v40 =	vld.idx.msk [tilespmem:v33+s24+$0x0], $0xffff;
	(pc) =	sbr.rel @p0 .LBB2_46-.Ltmp26, $4  }
0x5cd: {  	v45 =	vor.u32 v0, v54;
	v42 =	vld.idx.msk [tilespmem:v32+s24+$0x0], $0xffff  }
0x5ce: {  	[tilespmem:v47+s31+$0x0] =	vst.idx.add.f32.msk $0xffff, v46;
	v46 =	vor.u32 v0, v55  }
0x5cf: {  	v47 =	vor.u32 v0, v56;
	[tilespmem:v51+s31+$0x0] =	vst.idx.add.f32.msk $0xffff, v50  }
0x5d0: {  	[tilespmem:v49+s31+$0x0] =	vst.idx.add.f32.msk $0xffff, v48  }
0x5d1: {  	_ =	sdelay $0x3  }
.Ltmp27:
0x5d2: {  	[tilespmem:v43+s31+$0x0] =	vst.idx.add.f32.msk $0xffff, v38;
	(pc) =	sbr.rel .LBB2_48-.Ltmp27, $4  }
0x5d3: {  	[tilespmem:v44+s31+$0x0] =	vst.idx.add.f32.msk $0xffff, v39  }
0x5d4: {  	[tilespmem:v45+s31+$0x0] =	vst.idx.add.f32.msk $0xffff, v41  }
0x5d5: {  	[tilespmem:v46+s31+$0x0] =	vst.idx.add.f32.msk $0xffff, v42  }
0x5d6: {  	[tilespmem:v47+s31+$0x0] =	vst.idx.add.f32.msk $0xffff, v40  }
.LBB2_49:
0x5d7: {  	s5 =	simm.s32 $0x0;
	s4 =	rddreg [dreg:$0x9]  }
0x5d8: {  	[tilespmem:s25], [sflag:$0x5] =	stream.linear.gather [hbm4b:s4+s5], $0x800, $0x38;
	[tilespmem:$0x1F900] =	vst v63  }
0x5d9: {  	_ =	swait.ge [sflag:s19], $0x800  }
0x5da: {  	[sflag:s19] =	ssyncset.done $0x0  }
0x5db: {  	[sflag:s19] =	ssyncadd.s32 $0xFFFFF800  }
0x5dc: {  	s6 =	simm.s32 $0x4B80;
	s21 =	rddreg [dreg:$0xa]  }
0x5dd: {  	[tilespmem:s6], [sflag:$0x5] =	stream.linear.gather [hbm4b:s21+s5], $0x800, $0x38;
	[tilespmem:$0x1F900] =	vst v63  }
0x5de: {  	_ =	swait.ge [sflag:s19], $0x800  }
0x5df: {  	[sflag:s19] =	ssyncset.done $0x0  }
0x5e0: {  	s4 =	simm.s32 $0x0;
	s6 =	simm.s32 $0x40;
	[sflag:s19] =	ssyncadd.s32 $0xFFFFF800  }
.LBB2_50:
0x5e1: {  	p0 =	sne.s32 s6, $0x7C0;
	v38 =	vld [tilespmem:s4+$0x2800];
	_ =	sdelay $0x4  }
0x5e2: {  	v38 =	vmax.f32 v38, $1.000000000e+00  }
0x5e3: {  	(erf) = vrcp.f32 v38;
	_ =	sdelay $0x5  }
.Ltmp28:
0x5e4: {  	(pc) =	sbr.rel @p0 .LBB2_50-.Ltmp28, $3  }
0x5e5: {  	_ =	sdelay $0x1  }
0x5e6: {  	v38 =	vpop (erf)  }
0x5e7: {  	[tilespmem:s4+$0x2800] =	vst v38;
	s4 =	sshra.s32 s6, $0x2;
	s6 =	sadd.s32 $0x40, s6  }
0x5e8: {  	v38 =	vld [tilespmem:s4+$0x2800];
	_ =	sdelay $0x4  }
0x5e9: {  	v38 =	vmax.f32 v38, $1.000000000e+00  }
0x5ea: {  	(erf) = vrcp.f32 v38;
	_ =	sdelay $0x8  }
0x5eb: {  	v38 =	vpop (erf)  }
0x5ec: {  	[tilespmem:s4+$0x2800] =	vst v38;
	s4 =	simm.s32 $0x4B80  }
0x5ed: {  	s10 =	simm.s32 $0x4300;
	v38 =	vld [tilespmem:s4+$0x0]  }
0x5ee: {  	v40 =	vld [tilespmem:s10+$0x0];
	_ =	sdelay $0x4  }
0x5ef: {  	v38 =	vsub.f32 v38, v40  }
0x5f0: {  	v39 =	vmov s5;
	v41 =	vor.u32 s5, v0  }
0x5f1: {  	v41 =	vshrl.u32 v41, $0x2;
	v39 =	vshrl.u32 v39, $0x2;
	v38 =	vadd.f32 $9.999999930e-09, v38  }
0x5f2: {  	v41 =	vand.u32 $0x7F, v41;
	v39 =	vand.u32 $0x180, v39  }
0x5f3: {  	v39 =	vor.u32 v39, v41;
	(erf) = vrcp.f32 v38;
	_ =	sdelay $0x4  }
0x5f4: {  	v62 =	vld.idx.msk [tilespmem:v39+s30+$0x0], $0xffff;
	_ =	sdelay $0x3  }
0x5f5: {  	v63 =	vpop (erf)  }
0x5f6: {  	s5 =	simm.s32 $0x10;
	s6 =	simm.s32 $0x4300;
	v39 =	vmul.f32 v63, v62;
	v38 =	vmul.f32 v63, v40  }
.LBB2_52:
0x5f7: {  	_ = 	snop  }
0x5f8: {  	p0 =	sne.s32 s5, $0x7F0;
	s10 =	sadd.s32 $0x10, s10;
	[tilespmem:s4+$0x0] =	vst v39;
	s4 =	sadd.s32 $0x10, s4  }
0x5f9: {  	s7 =	smov.u32 s5;
	s5 =	sadd.s32 $0x10, s5;
	v39 =	vld [tilespmem:s4+$0x0];
	[tilespmem:s6+$0x0] =	vst v38;
	s6 =	smov.u32 s10  }
0x5fa: {  	v38 =	vld [tilespmem:s10+$0x0];
	_ =	sdelay $0x4  }
0x5fb: {  	v40 =	vmov s7;
	v41 =	vor.u32 s7, v0;
	v39 =	vsub.f32 v39, v38  }
0x5fc: {  	v41 =	vshrl.u32 v41, $0x2;
	v40 =	vshrl.u32 v40, $0x2  }
0x5fd: {  	v41 =	vand.u32 $0x7F, v41;
	v40 =	vand.u32 $0x180, v40;
	v39 =	vadd.f32 $9.999999930e-09, v39  }
0x5fe: {  	v40 =	vor.u32 v40, v41  }
0x5ff: {  	(erf) = vrcp.f32 v39;
	_ =	sdelay $0x3  }
0x600: {  	v39 =	vld.idx.msk [tilespmem:v40+s30+$0x0], $0xffff;
	_ =	sdelay $0x1  }
.Ltmp29:
0x601: {  	(pc) =	sbr.rel @p0 .LBB2_52-.Ltmp29, $3  }
0x602: {  	_ =	sdelay $0x1  }
0x603: {  	v40 =	vpop (erf)  }
0x604: {  	v39 =	vmul.f32 v40, v39;
	v38 =	vmul.f32 v40, v38  }
0x605: {  	_ = 	snop  }
0x606: {  	[tilespmem:s4+$0x0] =	vst v39  }
0x607: {  	s5 =	simm.s32 $0x810;
	[tilespmem:s6+$0x0] =	vst v38  }
0x608: {  	s21 =	simm.s32 $0x0;
	v38 =	vld [tilespmem:s5+$0xFFFFFFF0]  }
0x609: {  	v39 =	vld.idx.msk [tilespmem:v34+s21+$0x4B80], $0xffff  }
0x60a: {  	v40 =	vld.idx.msk [tilespmem:v35+s21+$0x4B80], $0xffff  }
0x60b: {  	v41 =	vld [tilespmem:s5+$0x0]  }
0x60c: {  	v42 =	vld.idx.msk [tilespmem:v34+s21+$0x4300], $0xffff  }
0x60d: {  	v43 =	vld.idx.msk [tilespmem:v35+s21+$0x4300], $0xffff;
	_ =	sdelay $0x2  }
0x60e: {  	v38 =	vmul.f32 v39, v38;
	v40 =	vmul.f32 v40, v41;
	_ =	sdelay $0x1  }
0x60f: {  	s6 =	simm.s32 $0x20;
	s4 =	simm.s32 $0x810;
	v39 =	vsub.f32 v38, v42;
	v38 =	vsub.f32 v40, v43  }
.LBB2_54:
0x610: {  	p0 =	sne.s32 s6, $0x1FE0  }
0x611: {  	v39 =	vmax.f32 v39, $0.0e+00;
	s5 =	sadd.s32 $0x20, s5;
	s7 =	smov.u32 s6;
	s6 =	sadd.s32 $0x20, s6  }
0x612: {  	[tilespmem:s4+$0xFFFFFFF0] =	vst v39;
	v38 =	vmax.f32 v38, $0.0e+00  }
0x613: {  	s7 =	sshra.s32 s7, $0x2;
	v39 =	vld [tilespmem:s5+$0xFFFFFFF0];
	[tilespmem:s4+$0x0] =	vst v38;
	s4 =	smov.u32 s5  }
0x614: {  	v38 =	vld.idx.msk [tilespmem:v34+s7+$0x4300], $0xffff  }
0x615: {  	v40 =	vld.idx.msk [tilespmem:v34+s7+$0x4B80], $0xffff  }
0x616: {  	v41 =	vld.idx.msk [tilespmem:v35+s7+$0x4B80], $0xffff  }
0x617: {  	v42 =	vld [tilespmem:s5+$0x0]  }
0x618: {  	v43 =	vld.idx.msk [tilespmem:v35+s7+$0x4300], $0xffff;
	_ =	sdelay $0x1  }
.Ltmp30:
0x619: {  	(pc) =	sbr.rel @p0 .LBB2_54-.Ltmp30, $4  }
0x61a: {  	v39 =	vmul.f32 v40, v39  }
0x61b: {  	v40 =	vmul.f32 v41, v42  }
0x61c: {  	v39 =	vsub.f32 v39, v38  }
0x61d: {  	v38 =	vsub.f32 v40, v43  }
0x61e: {  	s5 =	simm.s32 $0x0  }
0x61f: {  	s5 =	sand.u32 $0x7F0, s5  }
0x620: {  	v40 =	vmov s5  }
0x621: {  	v40 =	vshll.u32 v40, $0x2  }
0x622: {  	s10 =	simm.s32 $0x0;
	v40 =	vor.u32 v37, v40  }
0x623: {  	v40 =	vadd.s32 s10, v40  }
0x624: {  	s21 =	simm.s32 $0x10  }
0x625: {  	v39 =	vmax.f32 v39, $0.0e+00;
	s5 =	sand.u32 $0x7F0, s21  }
0x626: {  	[tilespmem:s4+$0xFFFFFFF0] =	vst v39;
	v38 =	vmax.f32 v38, $0.0e+00;
	v41 =	vmov s5  }
0x627: {  	[tilespmem:s4+$0x0] =	vst v38;
	v63 =	vshll.u32 v41, $0x2  }
0x628: {  	s7 =	simm.s32 $0x0;
	v39 =	vor.u32 v37, v63;
	v38 =	vld.idx.msk [tilespmem:v40+s31+$0x0], $0xffff  }
0x629: {  	v39 =	vadd.s32 s7, v39;
	_ =	sdelay $0x1  }
0x62a: {  	s6 =	simm.s32 $0x20;
	s4 =	simm.s32 $0x4300  }
0x62b: {  	s5 =	simm.s32 $0x2;
	s10 =	sand.u32 $0x7F0, s6;
	s7 =	simm.s32 $0x3  }
.LBB2_56:
0x62c: {  	p0 =	sne.s32 s7, $0x1FF;
	v40 =	vmov s10;
	[tilespmem:s4+$0x0] =	vst v38  }
0x62d: {  	v40 =	vshll.u32 v40, $0x2;
	v38 =	vld.idx.msk [tilespmem:v39+s31+$0x0], $0xffff  }
.Ltmp31:
0x62e: {  	s9 =	sshrl.u32 s5, $0x7;
	s5 =	smov.u32 s7;
	v39 =	vor.u32 v37, v40;
	(pc) =	sbr.rel @p0 .LBB2_56-.Ltmp31, $3  }
0x62f: {  	v39 =	vadd.s32 s9, v39;
	_ =	sdelay $0x1  }
0x630: {  	s6 =	sadd.s32 $0x10, s6  }
0x631: {  	s7 =	sadd.s32 $0x1, s7;
	s4 =	sadd.s32 $0x10, s4;
	s10 =	sand.u32 $0x7F0, s6  }
0x632: {  	_ =	sdelay $0x1  }
0x633: {  	v40 =	vmov s10  }
0x634: {  	[tilespmem:s4+$0x0] =	vst v38;
	v63 =	vshll.u32 v40, $0x2  }
0x635: {  	s5 =	sshrl.u32 s5, $0x7;
	v39 =	vld.idx.msk [tilespmem:v39+s31+$0x0], $0xffff;
	v38 =	vor.u32 v37, v63  }
0x636: {  	v38 =	vadd.s32 s5, v38;
	_ =	sdelay $0x2  }
0x637: {  	s9 =	sadd.s32 $0x10, s4  }
0x638: {  	[tilespmem:s9+$0x0] =	vst v39  }
0x639: {  	v38 =	vld.idx.msk [tilespmem:v38+s31+$0x0], $0xffff;
	_ =	sdelay $0x3  }
0x63a: {  	s4 =	sadd.s32 $0x10, s9  }
0x63b: {  	s10 =	rddreg [dreg:$0x10];
	[tilespmem:s4+$0x0] =	vst v38  }
0x63c: {  	[hbm4b:s10+s12] =	stream.linear.scatter [tilespmem:s25], [sflag:$0x5], $0x2000, $0x38;
	[tilespmem:$0x1F900] =	vst v63  }
0x63d: {  	_ =	swait.ge [sflag:s19], $0x2000  }
0x63e: {  	s8 =	sadd.s32 $0x1, s8;
	s21 =	rddreg [dreg:$0x11]  }
0x63f: {  	p0 =	sne.s32 s8, s21  }
.Ltmp32:
0x640: {  	_ = 	snop;
	(pc) =	sbr.rel @p0 .LBB2_1-.Ltmp32, $3  }
0x641: {  	_ =	sdelay $0x1  }
0x642: {  	[sflag:s19] =	ssyncset.done $0x0  }
0x643: {  	[sflag:s19] =	ssyncadd.s32 $0xFFFFE000  }
0x644: {  	_ =	sfence.sel $0x180000  }
0x645: {  	[bflag:$0x0] =	sbarrier.arrive $0xFFFF  }
0x646: {  	_ =	strace $0x90000047  }
0x647: {  	s0 =	stileid.u32;
	[bflag:$0x2] =	sbarrier.arrive $0xFFFF  }
0x648: {  	p0 =	sne.s32 s0, $0x0;
	s0 =	rddreg [dreg:$0xd]  }
0x649: {  	s0 =	sadd.s32 @!p0 $0x100000, s0  }
0x64a: {  	[sflag:s0] =	ssyncadd.tile.s32 @!p0 $0x1;
	_ =	shalt  }
.Lfunc_end2:
_tile_overlayer_lowered:
.L_overlay_start_2:
0x64b: {  	(tag) =	ssettag $0x2  }
0x64c: {  	s0 =	rddreg [dreg:$0x0];
	s2 =	stileid.u32  }
0x64d: {  	s1 =	rddreg [dreg:$0x1];
	p0 =	sne.s32 s2, $0x0  }
0x64e: {  	s3 =	rddreg [dreg:$0x2];
	[bflag:$0x3] =	sbarrier.arrive $0xFFFF;
	s2 =	simm.s32 @!p0 $0x1C05  }
0x64f: {  	[timem:s3], [sflag:s2] =	dma.local @!p0 [hbm:s0], s1  }
0x650: {  	s0 =	simm.s32 @!p0 $0x5  }
0x651: {  	_ =	swait.ge @!p0 [sflag:s0], s1  }
0x652: {  	s1 =	ssub.s32 @!p0 $0x0, s1;
	[sflag:s0] =	ssyncset.done @!p0 $0x0  }
0x653: {  	[sflag:s0] =	ssyncadd.s32 @!p0 s1  }
0x654: {  	[bflag:$0x3] =	sbarrier.arrive $0xFFFF  }
0x655: {  	_ =	shalt  }

</sc_bundles>
